<compile_context>
chip_gen: v7x
topology: tpu7x:2x2x1
jax: 0.10.2.dev20260603
libtpu: 0.0.44.dev20260713+nightly
codegen_flags: <defaults>
</compile_context>

<pallas_src>
import functools

import jax
import jax.numpy as jnp
import numpy as np
from jax import lax
from jax.experimental import pallas as pl
from jax.experimental.pallas import tpu as pltpu
from jax.experimental.pallas import tpu_sc as plsc

_PRIMES = [99991, 100003, 100019, 100043, 100057, 100069, 100103, 100109]
_EMBED_DIM = 16

_NC = 2
_NS = 16
_NW = _NC * _NS
_LANES = 16

_BQ = 1024
_GROW = 128
_NG = _BQ // _GROW
_NBUF = 2


def _offsets_np():
    offs = [0]
    for p in _PRIMES[:-1]:
        offs.append(offs[-1] + p)
    return np.asarray(offs, dtype=np.int32)


_VPAD = 851968
_TCH = 1024


@jax.jit
def _sc_table_rowmajor(tp4):
    mesh = plsc.VectorSubcoreMesh(core_axis_name="c", subcore_axis_name="s")
    cpw = _VPAD // (_NW * _TCH)
    ccols = _TCH // 128

    @functools.partial(
        pl.kernel,
        mesh=mesh,
        out_type=jax.ShapeDtypeStruct((_VPAD, _EMBED_DIM), jnp.float32),
        compiler_params=pltpu.CompilerParams(
            use_tc_tiling_on_sc=False, needs_layout_passes=False),
        scratch_types=[
            pltpu.VMEM((3, 2, _TCH // 128, 8, 128), jnp.float32),
            pltpu.VMEM((_NBUF, _TCH, _EMBED_DIM), jnp.float32),
            pltpu.SemaphoreType.DMA,
            pltpu.SemaphoreType.DMA,
            pltpu.SemaphoreType.DMA,
            pltpu.SemaphoreType.DMA,
            pltpu.SemaphoreType.DMA,
        ],
    )
    def body(tp4_hbm, tlin_hbm, din, dout, si0, si1, si2, so0, so1):
        sem_i = (si0, si1, si2)
        sem_o = (so0, so1)
        wid = lax.axis_index("s") * _NC + lax.axis_index("c")
        base_c = wid * cpw
        iota16 = lax.iota(jnp.int32, _LANES)
        cols = [jnp.full((_LANES,), d, jnp.int32) for d in range(_EMBED_DIM)]

        def fire_in(slot, c):
            pltpu.async_copy(tp4_hbm.at[:, pl.ds(c * ccols, ccols)],
                             din.at[slot], sem_i[slot])

        def wait_in(slot):
            pltpu.make_async_copy(tp4_hbm.at[:, pl.ds(0, ccols)],
                                  din.at[slot], sem_i[slot]).wait()

        def fire_out(slot, c):
            pltpu.async_copy(dout.at[slot],
                             tlin_hbm.at[pl.ds(c * _TCH, _TCH)], sem_o[slot])

        def wait_out(slot):
            pltpu.make_async_copy(dout.at[slot],
                                  tlin_hbm.at[pl.ds(0, _TCH)],
                                  sem_o[slot]).wait()

        def do_transpose(rslot, tslot):
            dref = dout.at[tslot]

            def g_body(g, _):
                c_rel = g >> 3
                l0 = (g & 7) * _LANES
                row_idx = c_rel * 128 + l0 + iota16
                vs = [din[rslot, d // 8, c_rel, d % 8, pl.ds(l0, _LANES)]
                      for d in range(_EMBED_DIM)]
                for d in range(_EMBED_DIM):
                    plsc.store_scatter(dref, [row_idx, cols[d]], vs[d])
                return _

            lax.fori_loop(0, _TCH // _LANES, g_body, 0)

        def step(rs, ts, c):
            wait_in(rs)
            wait_out(ts)
            do_transpose(rs, ts)
            fire_out(ts, c)
            fire_in(rs, jnp.minimum(c + 3, _VPAD // _TCH - 1))

        for k in range(3):
            fire_in(k, base_c + k)
        fire_out(0, base_c + 0)
        fire_out(1, base_c + 1)

        def loop_body(g, _):
            c0 = base_c + 6 * g
            for k in range(6):
                step(k % 3, k % 2, c0 + k)
            return _

        lax.fori_loop(0, (cpw - 2) // 6, loop_body, 0)

        step(0, 0, base_c + cpw - 2)
        step(1, 1, base_c + cpw - 1)
        for k in (2, 0, 1):
            wait_in(k)
        for t in range(2):
            wait_out(t)

    return body(tp4)


@functools.partial(jax.jit, static_argnames=("units_per_w",))
def _sc_gather(table, idx6, units_per_w):
    s_dim, c_dim, h_dim, l_dim = idx6.shape
    n_units = s_dim * h_dim * (c_dim * l_dim // _BQ)
    mesh = plsc.VectorSubcoreMesh(core_axis_name="c", subcore_axis_name="s")

    @functools.partial(
        pl.kernel,
        mesh=mesh,
        out_type=jax.ShapeDtypeStruct(
            (s_dim, h_dim, 2, c_dim, 8, l_dim), jnp.float32),
        compiler_params=pltpu.CompilerParams(
            use_tc_tiling_on_sc=False, needs_layout_passes=False),
        scratch_types=[
            pltpu.VMEM((3, _NG, _GROW), jnp.int32),
            pltpu.VMEM((3, _BQ, _EMBED_DIM), jnp.float32),
            pltpu.VMEM((_NBUF, 2, _NG, 8, _GROW), jnp.float32),
            pltpu.SemaphoreType.DMA,
            pltpu.SemaphoreType.DMA,
            pltpu.SemaphoreType.DMA,
            pltpu.SemaphoreType.DMA,
            pltpu.SemaphoreType.DMA,
            pltpu.SemaphoreType.DMA,
            pltpu.SemaphoreType.DMA,
            pltpu.SemaphoreType.DMA,
        ],
    )
    def body(table_hbm, idx_hbm, out_hbm, idx_v, rows_v, trans_v,
             si0, si1, si2, sg0, sg1, sg2, so0, so1):
        sem_i = (si0, si1, si2)
        sem_g = (sg0, sg1, sg2)
        sem_o = (so0, so1)
        wid = lax.axis_index("s") * _NC + lax.axis_index("c")
        base_u = wid * units_per_w
        iota16 = lax.iota(jnp.int32, _LANES)

        def decode(u):
            pair = u >> 2
            q = u & 3
            return pair >> 3, pair & 7, q * _NG

        def fire_idx(slot, u):
            s, h, c0 = decode(u)
            pltpu.async_copy(idx_hbm.at[s, pl.ds(c0, _NG), h],
                             idx_v.at[slot], sem_i[slot])

        def wait_idx(slot):
            pltpu.make_async_copy(idx_hbm.at[0, pl.ds(0, _NG), 0],
                                  idx_v.at[slot], sem_i[slot]).wait()

        offs_np = _offsets_np()

        def fire_gathers(slot, u):
            _, h, _ = decode(u)
            off_s = jnp.int32(0)
            for k in range(1, 8):
                off_s = jnp.where(h >= k, jnp.int32(int(offs_np[k])), off_s)
            base = table_hbm.at[pl.ds(off_s, _PRIMES[0])]
            for j in range(_NG):
                pltpu.async_copy(
                    base.at[idx_v.at[slot, j]],
                    rows_v.at[slot, pl.ds(j * _GROW, _GROW)],
                    sem_g[slot],
                )

        def wait_gathers(slot):
            pltpu.make_async_copy(table_hbm.at[pl.ds(0, _BQ)],
                                  rows_v.at[slot], sem_g[slot]).wait()

        cols = [jnp.full((_LANES,), d, jnp.int32) for d in range(_EMBED_DIM)]

        def do_transpose(rslot, tslot):
            rows = rows_v.at[rslot]

            def tbody(c_p, _):
                base = c_p * _GROW
                for l0 in range(0, _GROW, _LANES):
                    row_idx = base + (l0 + iota16)
                    vs = [plsc.load_gather(rows, [row_idx, cols[d]])
                          for d in range(_EMBED_DIM)]
                    for d in range(_EMBED_DIM):
                        trans_v[tslot, d // 8, c_p, d % 8,
                                pl.ds(l0, _LANES)] = vs[d]
                return _

            lax.fori_loop(0, _NG, tbody, 0)

        def fire_out(slot, u):
            s, h, c0 = decode(u)
            for r2 in range(2):
                pltpu.async_copy(
                    trans_v.at[slot, r2],
                    out_hbm.at[s, h, r2, pl.ds(c0, _NG)],
                    sem_o[slot],
                )

        def wait_out(slot):
            for r2 in range(2):
                pltpu.make_async_copy(trans_v.at[slot, r2],
                                      out_hbm.at[0, 0, 0, pl.ds(0, _NG)],
                                      sem_o[slot]).wait()

        def p1(rs, u):
            wait_idx(rs)
            fire_gathers(rs, u)

        def p2(rs, ts, u):
            wait_gathers(rs)
            wait_out(ts)
            do_transpose(rs, ts)
            fire_out(ts, u)
            fire_idx(rs, jnp.minimum(u + 3, n_units - 1))

        for k in range(3):
            fire_idx(k, base_u + k)
        fire_out(0, base_u + 0)
        fire_out(1, base_u + 1)
        p1(0, base_u + 0)
        p1(1, base_u + 1)

        def loop_body(g, _):
            u0 = base_u + 2 + 6 * g
            for k in range(6):
                u = u0 + k
                p2(k % 3, k % 2, u - 2)
                p1((2 + k) % 3, u)
            return _

        lax.fori_loop(0, (units_per_w - 2) // 6, loop_body, 0)

        p2(0, 0, base_u + units_per_w - 2)
        p2(1, 1, base_u + units_per_w - 1)
        for k in (2, 0, 1):
            wait_idx(k)
        for t in range(2):
            wait_out(t)

    return body(table, idx6)


def kernel(table, hash_indices):
    bb, s_dim, h_dim = hash_indices.shape
    idx6 = (hash_indices.astype(jnp.int32)
            .transpose(1, 2, 0)
            .reshape(s_dim, h_dim, bb // 128, 128)
            .transpose(0, 2, 1, 3))
    tp4 = (jnp.pad(table.T, ((0, 0), (0, _VPAD - table.shape[0])))
           .reshape(2, 8, _VPAD // 128, 128)
           .transpose(0, 2, 1, 3))
    tlin = _sc_table_rowmajor(tp4)
    n_units = s_dim * h_dim * (bb // _BQ)
    out6 = _sc_gather(tlin, idx6, n_units // _NW)
    return (out6.transpose(3, 5, 0, 1, 2, 4)
            .reshape(bb, s_dim, h_dim, _EMBED_DIM))

# --- scband reference (transcript-rebuilt; emitter-appended) ---
"""Pipeline reference for scband-multi-head-embedding-15109694947886 (READ-ONLY COPY).

The authoritative reference and input builder live on the scoring server;
editing this copy changes nothing except your own understanding.
"""

import jax, jax.numpy as jnp
import numpy as np

PRIMES = [99991, 100003, 100019, 100043, 100057, 100069, 100103, 100109]
EMBED_DIM = 16

def _offsets():
    offs = [0]
    for p in PRIMES[:-1]:
        offs.append(offs[-1] + p)
    return jnp.array(offs, dtype=jnp.int64)

def setup_inputs(seed: int = 0) -> dict:
    key = jax.random.key(seed)
    k_idx, k_w = jax.random.split(key)
    hash_indices = jax.random.randint(k_idx, (4096, 50, 8), 0, 99991, dtype=jnp.int64)
    total_capacity = sum(PRIMES)
    table = jax.random.normal(k_w, (total_capacity, EMBED_DIM), dtype=jnp.float32) * 0.02
    return {"table": table, "hash_indices": hash_indices}

def reference(table, hash_indices):
    # shifted_indices = hash_indices + offsets (broadcast over last dim = heads)
    offsets = _offsets()
    shifted = hash_indices + offsets  # [B, S, H]
    # embedding lookup: [B, S, H, D]
    out = jnp.take(table, shifted, axis=0)
    return out

if __name__ == "__main__":
    import jax
    _d = setup_inputs()
    print(jax.jit(kernel)(*tuple(_d.values())))

</pallas_src>

<mosaic_0001>
#map = affine_map<(d0, d1) -> (0, 0, 0, 0)>
#map1 = affine_map<(d0, d1) -> (0, 0)>
module attributes {stable_mosaic.version = 14 : i64} {
  func.func @body(%arg0: i32, %arg1: i32, %arg2: memref<2x6656x8x128xf32, #tpu.memory_space<hbm>>, %arg3: memref<851968x16xf32, #tpu.memory_space<hbm>>, %arg4: memref<3x2x8x8x128xf32, #tpu.memory_space<vmem>>, %arg5: memref<2x1024x16xf32, #tpu.memory_space<vmem>>, %arg6: memref<!tpu.dma_semaphore, #tpu.memory_space<semaphore_mem>>, %arg7: memref<!tpu.dma_semaphore, #tpu.memory_space<semaphore_mem>>, %arg8: memref<!tpu.dma_semaphore, #tpu.memory_space<semaphore_mem>>, %arg9: memref<!tpu.dma_semaphore, #tpu.memory_space<semaphore_mem>>, %arg10: memref<!tpu.dma_semaphore, #tpu.memory_space<semaphore_mem>>) attributes {dimension_semantics = [#tpu.dimension_semantics<core_parallel>, #tpu.dimension_semantics<subcore_parallel>], iteration_bounds = array<i64: 2, 16>, scalar_prefetch = 0 : i64, scratch_operands = 7 : i64, tpu.core_type = #tpu.core_type<sc_vector_subcore>, window_params = [{transform_indices = #map}, {transform_indices = #map1}]} {
    %mul3A = arith.constant 2 : i32
    %mul3A_0 = arith.muli %arg1, %mul3A : i32
    %add3A = arith.addi %mul3A_0, %arg0 : i32
    %mul3A_1 = arith.constant 26 : i32
    %mul3A_2 = arith.muli %add3A, %mul3A_1 : i32
    %iota3A = tpu.iota {dimensions = array<i32: 0>} : vector<16xi32>
    %broadcast_in_dim3A = arith.constant 0 : i32
    %broadcast_in_dim3A_3 = vector.broadcast %broadcast_in_dim3A : i32 to vector<16xi32>
    %broadcast_in_dim3A_4 = arith.constant 1 : i32
    %broadcast_in_dim3A_5 = vector.broadcast %broadcast_in_dim3A_4 : i32 to vector<16xi32>
    %broadcast_in_dim3A_6 = arith.constant 2 : i32
    %broadcast_in_dim3A_7 = vector.broadcast %broadcast_in_dim3A_6 : i32 to vector<16xi32>
    %broadcast_in_dim3A_8 = arith.constant 3 : i32
    %broadcast_in_dim3A_9 = vector.broadcast %broadcast_in_dim3A_8 : i32 to vector<16xi32>
    %broadcast_in_dim3A_10 = arith.constant 4 : i32
    %broadcast_in_dim3A_11 = vector.broadcast %broadcast_in_dim3A_10 : i32 to vector<16xi32>
    %broadcast_in_dim3A_12 = arith.constant 5 : i32
    %broadcast_in_dim3A_13 = vector.broadcast %broadcast_in_dim3A_12 : i32 to vector<16xi32>
    %broadcast_in_dim3A_14 = arith.constant 6 : i32
    %broadcast_in_dim3A_15 = vector.broadcast %broadcast_in_dim3A_14 : i32 to vector<16xi32>
    %broadcast_in_dim3A_16 = arith.constant 7 : i32
    %broadcast_in_dim3A_17 = vector.broadcast %broadcast_in_dim3A_16 : i32 to vector<16xi32>
    %broadcast_in_dim3A_18 = arith.constant 8 : i32
    %broadcast_in_dim3A_19 = vector.broadcast %broadcast_in_dim3A_18 : i32 to vector<16xi32>
    %broadcast_in_dim3A_20 = arith.constant 9 : i32
    %broadcast_in_dim3A_21 = vector.broadcast %broadcast_in_dim3A_20 : i32 to vector<16xi32>
    %broadcast_in_dim3A_22 = arith.constant 10 : i32
    %broadcast_in_dim3A_23 = vector.broadcast %broadcast_in_dim3A_22 : i32 to vector<16xi32>
    %broadcast_in_dim3A_24 = arith.constant 11 : i32
    %broadcast_in_dim3A_25 = vector.broadcast %broadcast_in_dim3A_24 : i32 to vector<16xi32>
    %broadcast_in_dim3A_26 = arith.constant 12 : i32
    %broadcast_in_dim3A_27 = vector.broadcast %broadcast_in_dim3A_26 : i32 to vector<16xi32>
    %broadcast_in_dim3A_28 = arith.constant 13 : i32
    %broadcast_in_dim3A_29 = vector.broadcast %broadcast_in_dim3A_28 : i32 to vector<16xi32>
    %broadcast_in_dim3A_30 = arith.constant 14 : i32
    %broadcast_in_dim3A_31 = vector.broadcast %broadcast_in_dim3A_30 : i32 to vector<16xi32>
    %broadcast_in_dim3A_32 = arith.constant 15 : i32
    %broadcast_in_dim3A_33 = vector.broadcast %broadcast_in_dim3A_32 : i32 to vector<16xi32>
    %add3A_34 = arith.constant 0 : i32
    %add3A_35 = arith.addi %mul3A_2, %add3A_34 : i32
    %mul3A_36 = arith.constant 8 : i32
    %mul3A_37 = arith.muli %add3A_35, %mul3A_36 : i32
    %dma_start3A = arith.constant 0 : i32
    %dma_start3A_38 = arith.constant 0 : i32
    %dma_start3A_39 = arith.constant 0 : i32
    %dma_start3A_40 = arith.constant 0 : i32
    %dma_start3A_41 = arith.constant 0 : i32
    %dma_start3A_42 = tpu.memref_slice %arg4[%dma_start3A, %dma_start3A_38, %dma_start3A_39, %dma_start3A_40, %dma_start3A_41] : memref<3x2x8x8x128xf32, #tpu.memory_space<vmem>> -> memref<1x2x8x8x128xf32, #tpu.memory_space<vmem>>
    %dma_start3A_43 = tpu.memref_squeeze %dma_start3A_42 : memref<1x2x8x8x128xf32, #tpu.memory_space<vmem>> -> memref<2x8x8x128xf32, #tpu.memory_space<vmem>>
    %dma_start3A_44 = arith.constant 0 : i32
    %dma_start3A_45 = arith.constant 0 : i32
    %dma_start3A_46 = arith.constant 0 : i32
    %dma_start3A_47 = tpu.memref_slice %arg2[%dma_start3A_44, %mul3A_37, %dma_start3A_45, %dma_start3A_46] : memref<2x6656x8x128xf32, #tpu.memory_space<hbm>> -> memref<2x8x8x128xf32, #tpu.memory_space<hbm>>
    %dma_start3A_48 = arith.constant 0 : i32
    %dma_start3A_49 = arith.constant 0 : i32
    %dma_start3A_50 = arith.constant 0 : i32
    %dma_start3A_51 = arith.constant 0 : i32
    %dma_start3A_52 = tpu.memref_slice %arg4[%dma_start3A, %dma_start3A_48, %dma_start3A_49, %dma_start3A_50, %dma_start3A_51] : memref<3x2x8x8x128xf32, #tpu.memory_space<vmem>> -> memref<1x2x8x8x128xf32, #tpu.memory_space<vmem>>
    %dma_start3A_53 = tpu.memref_squeeze %dma_start3A_52 : memref<1x2x8x8x128xf32, #tpu.memory_space<vmem>> -> memref<2x8x8x128xf32, #tpu.memory_space<vmem>>
    %dma_start3A_54 = arith.constant 0 : i32
    %dma_start3A_55 = arith.constant 0 : i32
    %dma_start3A_56 = arith.constant 0 : i32
    %dma_start3A_57 = tpu.memref_slice %arg2[%dma_start3A_54, %mul3A_37, %dma_start3A_55, %dma_start3A_56] : memref<2x6656x8x128xf32, #tpu.memory_space<hbm>> -> memref<2x8x8x128xf32, #tpu.memory_space<hbm>>
    tpu.enqueue_dma source(%dma_start3A_57 : memref<2x8x8x128xf32, #tpu.memory_space<hbm>>) target(%dma_start3A_53 : memref<2x8x8x128xf32, #tpu.memory_space<vmem>>) target_semaphore(%arg6 : memref<!tpu.dma_semaphore, #tpu.memory_space<semaphore_mem>>)
    %add3A_58 = arith.constant 1 : i32
    %add3A_59 = arith.addi %mul3A_2, %add3A_58 : i32
    %mul3A_60 = arith.constant 8 : i32
    %mul3A_61 = arith.muli %add3A_59, %mul3A_60 : i32
    %dma_start3A_62 = arith.constant 1 : i32
    %dma_start3A_63 = arith.constant 0 : i32
    %dma_start3A_64 = arith.constant 0 : i32
    %dma_start3A_65 = arith.constant 0 : i32
    %dma_start3A_66 = arith.constant 0 : i32
    %dma_start3A_67 = tpu.memref_slice %arg4[%dma_start3A_62, %dma_start3A_63, %dma_start3A_64, %dma_start3A_65, %dma_start3A_66] : memref<3x2x8x8x128xf32, #tpu.memory_space<vmem>> -> memref<1x2x8x8x128xf32, #tpu.memory_space<vmem>>
    %dma_start3A_68 = tpu.memref_squeeze %dma_start3A_67 : memref<1x2x8x8x128xf32, #tpu.memory_space<vmem>> -> memref<2x8x8x128xf32, #tpu.memory_space<vmem>>
    %dma_start3A_69 = arith.constant 0 : i32
    %dma_start3A_70 = arith.constant 0 : i32
    %dma_start3A_71 = arith.constant 0 : i32
    %dma_start3A_72 = tpu.memref_slice %arg2[%dma_start3A_69, %mul3A_61, %dma_start3A_70, %dma_start3A_71] : memref<2x6656x8x128xf32, #tpu.memory_space<hbm>> -> memref<2x8x8x128xf32, #tpu.memory_space<hbm>>
    %dma_start3A_73 = arith.constant 0 : i32
    %dma_start3A_74 = arith.constant 0 : i32
    %dma_start3A_75 = arith.constant 0 : i32
    %dma_start3A_76 = arith.constant 0 : i32
    %dma_start3A_77 = tpu.memref_slice %arg4[%dma_start3A_62, %dma_start3A_73, %dma_start3A_74, %dma_start3A_75, %dma_start3A_76] : memref<3x2x8x8x128xf32, #tpu.memory_space<vmem>> -> memref<1x2x8x8x128xf32, #tpu.memory_space<vmem>>
    %dma_start3A_78 = tpu.memref_squeeze %dma_start3A_77 : memref<1x2x8x8x128xf32, #tpu.memory_space<vmem>> -> memref<2x8x8x128xf32, #tpu.memory_space<vmem>>
    %dma_start3A_79 = arith.constant 0 : i32
    %dma_start3A_80 = arith.constant 0 : i32
    %dma_start3A_81 = arith.constant 0 : i32
    %dma_start3A_82 = tpu.memref_slice %arg2[%dma_start3A_79, %mul3A_61, %dma_start3A_80, %dma_start3A_81] : memref<2x6656x8x128xf32, #tpu.memory_space<hbm>> -> memref<2x8x8x128xf32, #tpu.memory_space<hbm>>
    tpu.enqueue_dma source(%dma_start3A_82 : memref<2x8x8x128xf32, #tpu.memory_space<hbm>>) target(%dma_start3A_78 : memref<2x8x8x128xf32, #tpu.memory_space<vmem>>) target_semaphore(%arg7 : memref<!tpu.dma_semaphore, #tpu.memory_space<semaphore_mem>>)
    %add3A_83 = arith.constant 2 : i32
    %add3A_84 = arith.addi %mul3A_2, %add3A_83 : i32
    %mul3A_85 = arith.constant 8 : i32
    %mul3A_86 = arith.muli %add3A_84, %mul3A_85 : i32
    %dma_start3A_87 = arith.constant 2 : i32
    %dma_start3A_88 = arith.constant 0 : i32
    %dma_start3A_89 = arith.constant 0 : i32
    %dma_start3A_90 = arith.constant 0 : i32
    %dma_start3A_91 = arith.constant 0 : i32
    %dma_start3A_92 = tpu.memref_slice %arg4[%dma_start3A_87, %dma_start3A_88, %dma_start3A_89, %dma_start3A_90, %dma_start3A_91] : memref<3x2x8x8x128xf32, #tpu.memory_space<vmem>> -> memref<1x2x8x8x128xf32, #tpu.memory_space<vmem>>
    %dma_start3A_93 = tpu.memref_squeeze %dma_start3A_92 : memref<1x2x8x8x128xf32, #tpu.memory_space<vmem>> -> memref<2x8x8x128xf32, #tpu.memory_space<vmem>>
    %dma_start3A_94 = arith.constant 0 : i32
    %dma_start3A_95 = arith.constant 0 : i32
    %dma_start3A_96 = arith.constant 0 : i32
    %dma_start3A_97 = tpu.memref_slice %arg2[%dma_start3A_94, %mul3A_86, %dma_start3A_95, %dma_start3A_96] : memref<2x6656x8x128xf32, #tpu.memory_space<hbm>> -> memref<2x8x8x128xf32, #tpu.memory_space<hbm>>
    %dma_start3A_98 = arith.constant 0 : i32
    %dma_start3A_99 = arith.constant 0 : i32
    %dma_start3A_100 = arith.constant 0 : i32
    %dma_start3A_101 = arith.constant 0 : i32
    %dma_start3A_102 = tpu.memref_slice %arg4[%dma_start3A_87, %dma_start3A_98, %dma_start3A_99, %dma_start3A_100, %dma_start3A_101] : memref<3x2x8x8x128xf32, #tpu.memory_space<vmem>> -> memref<1x2x8x8x128xf32, #tpu.memory_space<vmem>>
    %dma_start3A_103 = tpu.memref_squeeze %dma_start3A_102 : memref<1x2x8x8x128xf32, #tpu.memory_space<vmem>> -> memref<2x8x8x128xf32, #tpu.memory_space<vmem>>
    %dma_start3A_104 = arith.constant 0 : i32
    %dma_start3A_105 = arith.constant 0 : i32
    %dma_start3A_106 = arith.constant 0 : i32
    %dma_start3A_107 = tpu.memref_slice %arg2[%dma_start3A_104, %mul3A_86, %dma_start3A_105, %dma_start3A_106] : memref<2x6656x8x128xf32, #tpu.memory_space<hbm>> -> memref<2x8x8x128xf32, #tpu.memory_space<hbm>>
    tpu.enqueue_dma source(%dma_start3A_107 : memref<2x8x8x128xf32, #tpu.memory_space<hbm>>) target(%dma_start3A_103 : memref<2x8x8x128xf32, #tpu.memory_space<vmem>>) target_semaphore(%arg8 : memref<!tpu.dma_semaphore, #tpu.memory_space<semaphore_mem>>)
    %add3A_108 = arith.constant 0 : i32
    %add3A_109 = arith.addi %mul3A_2, %add3A_108 : i32
    %mul3A_110 = arith.constant 1024 : i32
    %mul3A_111 = arith.muli %add3A_109, %mul3A_110 : i32
    %dma_start3A_112 = arith.constant 0 : i32
    %dma_start3A_113 = arith.constant 0 : i32
    %dma_start3A_114 = arith.constant 0 : i32
    %dma_start3A_115 = tpu.memref_slice %arg5[%dma_start3A_112, %dma_start3A_113, %dma_start3A_114] : memref<2x1024x16xf32, #tpu.memory_space<vmem>> -> memref<1x1024x16xf32, #tpu.memory_space<vmem>>
    %dma_start3A_116 = tpu.memref_squeeze %dma_start3A_115 : memref<1x1024x16xf32, #tpu.memory_space<vmem>> -> memref<1024x16xf32, #tpu.memory_space<vmem>>
    %dma_start3A_117 = arith.constant 0 : i32
    %dma_start3A_118 = tpu.memref_slice %arg3[%mul3A_111, %dma_start3A_117] : memref<851968x16xf32, #tpu.memory_space<hbm>> -> memref<1024x16xf32, #tpu.memory_space<hbm>>
    %dma_start3A_119 = arith.constant 0 : i32
    %dma_start3A_120 = tpu.memref_slice %arg3[%mul3A_111, %dma_start3A_119] : memref<851968x16xf32, #tpu.memory_space<hbm>> -> memref<1024x16xf32, #tpu.memory_space<hbm>>
    %dma_start3A_121 = arith.constant 0 : i32
    %dma_start3A_122 = arith.constant 0 : i32
    %dma_start3A_123 = tpu.memref_slice %arg5[%dma_start3A_112, %dma_start3A_121, %dma_start3A_122] : memref<2x1024x16xf32, #tpu.memory_space<vmem>> -> memref<1x1024x16xf32, #tpu.memory_space<vmem>>
    %dma_start3A_124 = tpu.memref_squeeze %dma_start3A_123 : memref<1x1024x16xf32, #tpu.memory_space<vmem>> -> memref<1024x16xf32, #tpu.memory_space<vmem>>
    tpu.enqueue_dma source(%dma_start3A_124 : memref<1024x16xf32, #tpu.memory_space<vmem>>) target(%dma_start3A_120 : memref<1024x16xf32, #tpu.memory_space<hbm>>) target_semaphore(%arg9 : memref<!tpu.dma_semaphore, #tpu.memory_space<semaphore_mem>>)
    %add3A_125 = arith.constant 1 : i32
    %add3A_126 = arith.addi %mul3A_2, %add3A_125 : i32
    %mul3A_127 = arith.constant 1024 : i32
    %mul3A_128 = arith.muli %add3A_126, %mul3A_127 : i32
    %dma_start3A_129 = arith.constant 1 : i32
    %dma_start3A_130 = arith.constant 0 : i32
    %dma_start3A_131 = arith.constant 0 : i32
    %dma_start3A_132 = tpu.memref_slice %arg5[%dma_start3A_129, %dma_start3A_130, %dma_start3A_131] : memref<2x1024x16xf32, #tpu.memory_space<vmem>> -> memref<1x1024x16xf32, #tpu.memory_space<vmem>>
    %dma_start3A_133 = tpu.memref_squeeze %dma_start3A_132 : memref<1x1024x16xf32, #tpu.memory_space<vmem>> -> memref<1024x16xf32, #tpu.memory_space<vmem>>
    %dma_start3A_134 = arith.constant 0 : i32
    %dma_start3A_135 = tpu.memref_slice %arg3[%mul3A_128, %dma_start3A_134] : memref<851968x16xf32, #tpu.memory_space<hbm>> -> memref<1024x16xf32, #tpu.memory_space<hbm>>
    %dma_start3A_136 = arith.constant 0 : i32
    %dma_start3A_137 = tpu.memref_slice %arg3[%mul3A_128, %dma_start3A_136] : memref<851968x16xf32, #tpu.memory_space<hbm>> -> memref<1024x16xf32, #tpu.memory_space<hbm>>
    %dma_start3A_138 = arith.constant 0 : i32
    %dma_start3A_139 = arith.constant 0 : i32
    %dma_start3A_140 = tpu.memref_slice %arg5[%dma_start3A_129, %dma_start3A_138, %dma_start3A_139] : memref<2x1024x16xf32, #tpu.memory_space<vmem>> -> memref<1x1024x16xf32, #tpu.memory_space<vmem>>
    %dma_start3A_141 = tpu.memref_squeeze %dma_start3A_140 : memref<1x1024x16xf32, #tpu.memory_space<vmem>> -> memref<1024x16xf32, #tpu.memory_space<vmem>>
    tpu.enqueue_dma source(%dma_start3A_141 : memref<1024x16xf32, #tpu.memory_space<vmem>>) target(%dma_start3A_137 : memref<1024x16xf32, #tpu.memory_space<hbm>>) target_semaphore(%arg10 : memref<!tpu.dma_semaphore, #tpu.memory_space<semaphore_mem>>)
    %scan3A = arith.constant 0 : i32
    %scan3A_142 = arith.constant 0 : i32
    %scan3A_143 = arith.constant 4 : i32
    %scan3A_144 = arith.addi %scan3A_142, %scan3A_143 : i32
    %scan3A_145 = arith.constant 1 : i32
    scf.for %scan3A_425 = %scan3A_142 to %scan3A_144 step %scan3A_145  : i32 {
      %mul3A_426 = arith.constant 6 : i32
      %mul3A_427 = arith.muli %mul3A_426, %scan3A_425 : i32
      %add3A_428 = arith.addi %mul3A_2, %mul3A_427 : i32
      %add3A_429 = arith.constant 0 : i32
      %add3A_430 = arith.addi %add3A_428, %add3A_429 : i32
      %dma_wait3A_431 = arith.constant 0 : i32
      %dma_wait3A_432 = arith.constant 0 : i32
      %dma_wait3A_433 = arith.constant 0 : i32
      %dma_wait3A_434 = arith.constant 0 : i32
      %dma_wait3A_435 = arith.constant 0 : i32
      %dma_wait3A_436 = tpu.memref_slice %arg4[%dma_wait3A_431, %dma_wait3A_432, %dma_wait3A_433, %dma_wait3A_434, %dma_wait3A_435] : memref<3x2x8x8x128xf32, #tpu.memory_space<vmem>> -> memref<1x2x8x8x128xf32, #tpu.memory_space<vmem>>
      %dma_wait3A_437 = tpu.memref_squeeze %dma_wait3A_436 : memref<1x2x8x8x128xf32, #tpu.memory_space<vmem>> -> memref<2x8x8x128xf32, #tpu.memory_space<vmem>>
      %dma_wait3A_438 = arith.constant 0 : i32
      %dma_wait3A_439 = arith.constant 0 : i32
      %dma_wait3A_440 = arith.constant 0 : i32
      %dma_wait3A_441 = arith.constant 0 : i32
      %dma_wait3A_442 = tpu.memref_slice %arg2[%dma_wait3A_438, %dma_wait3A_439, %dma_wait3A_440, %dma_wait3A_441] : memref<2x6656x8x128xf32, #tpu.memory_space<hbm>> -> memref<2x8x8x128xf32, #tpu.memory_space<hbm>>
      %dma_wait3A_443 = arith.constant 0 : i32
      %dma_wait3A_444 = arith.constant 0 : i32
      %dma_wait3A_445 = arith.constant 0 : i32
      %dma_wait3A_446 = arith.constant 0 : i32
      %dma_wait3A_447 = tpu.memref_slice %arg4[%dma_wait3A_431, %dma_wait3A_443, %dma_wait3A_444, %dma_wait3A_445, %dma_wait3A_446] : memref<3x2x8x8x128xf32, #tpu.memory_space<vmem>> -> memref<1x2x8x8x128xf32, #tpu.memory_space<vmem>>
      %dma_wait3A_448 = tpu.memref_squeeze %dma_wait3A_447 : memref<1x2x8x8x128xf32, #tpu.memory_space<vmem>> -> memref<2x8x8x128xf32, #tpu.memory_space<vmem>>
      %dma_wait3A_449 = arith.constant 0 : i32
      %dma_wait3A_450 = arith.constant 0 : i32
      %dma_wait3A_451 = arith.constant 0 : i32
      %dma_wait3A_452 = arith.constant 0 : i32
      %dma_wait3A_453 = tpu.memref_slice %arg2[%dma_wait3A_449, %dma_wait3A_450, %dma_wait3A_451, %dma_wait3A_452] : memref<2x6656x8x128xf32, #tpu.memory_space<hbm>> -> memref<2x8x8x128xf32, #tpu.memory_space<hbm>>
      tpu.wait_dma2 semaphore(%arg6 : memref<!tpu.dma_semaphore, #tpu.memory_space<semaphore_mem>>) src(%dma_wait3A_453 : memref<2x8x8x128xf32, #tpu.memory_space<hbm>>) dst(%dma_wait3A_448 : memref<2x8x8x128xf32, #tpu.memory_space<vmem>>)
      %dma_wait3A_454 = arith.constant 0 : i32
      %dma_wait3A_455 = arith.constant 0 : i32
      %dma_wait3A_456 = arith.constant 0 : i32
      %dma_wait3A_457 = tpu.memref_slice %arg5[%dma_wait3A_454, %dma_wait3A_455, %dma_wait3A_456] : memref<2x1024x16xf32, #tpu.memory_space<vmem>> -> memref<1x1024x16xf32, #tpu.memory_space<vmem>>
      %dma_wait3A_458 = tpu.memref_squeeze %dma_wait3A_457 : memref<1x1024x16xf32, #tpu.memory_space<vmem>> -> memref<1024x16xf32, #tpu.memory_space<vmem>>
      %dma_wait3A_459 = arith.constant 0 : i32
      %dma_wait3A_460 = arith.constant 0 : i32
      %dma_wait3A_461 = tpu.memref_slice %arg3[%dma_wait3A_459, %dma_wait3A_460] : memref<851968x16xf32, #tpu.memory_space<hbm>> -> memref<1024x16xf32, #tpu.memory_space<hbm>>
      %dma_wait3A_462 = arith.constant 0 : i32
      %dma_wait3A_463 = arith.constant 0 : i32
      %dma_wait3A_464 = tpu.memref_slice %arg3[%dma_wait3A_462, %dma_wait3A_463] : memref<851968x16xf32, #tpu.memory_space<hbm>> -> memref<1024x16xf32, #tpu.memory_space<hbm>>
      %dma_wait3A_465 = arith.constant 0 : i32
      %dma_wait3A_466 = arith.constant 0 : i32
      %dma_wait3A_467 = tpu.memref_slice %arg5[%dma_wait3A_454, %dma_wait3A_465, %dma_wait3A_466] : memref<2x1024x16xf32, #tpu.memory_space<vmem>> -> memref<1x1024x16xf32, #tpu.memory_space<vmem>>
      %dma_wait3A_468 = tpu.memref_squeeze %dma_wait3A_467 : memref<1x1024x16xf32, #tpu.memory_space<vmem>> -> memref<1024x16xf32, #tpu.memory_space<vmem>>
      tpu.wait_dma2 semaphore(%arg9 : memref<!tpu.dma_semaphore, #tpu.memory_space<semaphore_mem>>) src(%dma_wait3A_468 : memref<1024x16xf32, #tpu.memory_space<vmem>>) dst(%dma_wait3A_464 : memref<1024x16xf32, #tpu.memory_space<hbm>>)
      %scan3A_469 = arith.constant 0 : i32
      %scan3A_470 = arith.constant 0 : i32
      %scan3A_471 = arith.constant 0 : i32
      %scan3A_472 = arith.constant 64 : i32
      %scan3A_473 = arith.addi %scan3A_471, %scan3A_472 : i32
      %scan3A_474 = arith.constant 1 : i32
      scf.for %scan3A_963 = %scan3A_471 to %scan3A_473 step %scan3A_474  : i32 {
        %shift_right_arithmetic3A = arith.constant 3 : i32
        %shift_right_arithmetic3A_964 = arith.shrsi %scan3A_963, %shift_right_arithmetic3A : i32
        %and3A = arith.constant 7 : i32
        %and3A_965 = arith.andi %scan3A_963, %and3A : i32
        %mul3A_966 = arith.constant 16 : i32
        %mul3A_967 = arith.muli %and3A_965, %mul3A_966 : i32
        %mul3A_968 = arith.constant 128 : i32
        %mul3A_969 = arith.muli %shift_right_arithmetic3A_964, %mul3A_968 : i32
        %add3A_970 = arith.addi %mul3A_969, %mul3A_967 : i32
        %add3A_971 = vector.broadcast %add3A_970 : i32 to vector<16xi32>
        %add3A_972 = arith.addi %add3A_971, %iota3A : vector<16xi32>
        %get3A = arith.constant 0 : i32
        %get3A_973 = arith.constant 0 : i32
        %get3A_974 = arith.constant 0 : i32
        %get3A_975 = arith.index_cast %get3A : i32 to index
        %get3A_976 = arith.index_cast %get3A_973 : i32 to index
        %get3A_977 = arith.index_cast %shift_right_arithmetic3A_964 : i32 to index
        %get3A_978 = arith.index_cast %get3A_974 : i32 to index
        %get3A_979 = arith.index_cast %mul3A_967 : i32 to index
        %get3A_980 = tpu.vector_load %arg4[%get3A_975, %get3A_976, %get3A_977, %get3A_978, %get3A_979] {strides = array<i32>} : memref<3x2x8x8x128xf32, #tpu.memory_space<vmem>>, vector<16xf32>,
        %get3A_981 = arith.constant 0 : i32
        %get3A_982 = arith.constant 0 : i32
        %get3A_983 = arith.constant 1 : i32
        %get3A_984 = arith.index_cast %get3A_981 : i32 to index
        %get3A_985 = arith.index_cast %get3A_982 : i32 to index
        %get3A_986 = arith.index_cast %shift_right_arithmetic3A_964 : i32 to index
        %get3A_987 = arith.index_cast %get3A_983 : i32 to index
        %get3A_988 = arith.index_cast %mul3A_967 : i32 to index
        %get3A_989 = tpu.vector_load %arg4[%get3A_984, %get3A_985, %get3A_986, %get3A_987, %get3A_988] {strides = array<i32>} : memref<3x2x8x8x128xf32, #tpu.memory_space<vmem>>, vector<16xf32>,
        %get3A_990 = arith.constant 0 : i32
        %get3A_991 = arith.constant 0 : i32
        %get3A_992 = arith.constant 2 : i32
        %get3A_993 = arith.index_cast %get3A_990 : i32 to index
        %get3A_994 = arith.index_cast %get3A_991 : i32 to index
        %get3A_995 = arith.index_cast %shift_right_arithmetic3A_964 : i32 to index
        %get3A_996 = arith.index_cast %get3A_992 : i32 to index
        %get3A_997 = arith.index_cast %mul3A_967 : i32 to index
        %get3A_998 = tpu.vector_load %arg4[%get3A_993, %get3A_994, %get3A_995, %get3A_996, %get3A_997] {strides = array<i32>} : memref<3x2x8x8x128xf32, #tpu.memory_space<vmem>>, vector<16xf32>,
        %get3A_999 = arith.constant 0 : i32
        %get3A_1000 = arith.constant 0 : i32
        %get3A_1001 = arith.constant 3 : i32
        %get3A_1002 = arith.index_cast %get3A_999 : i32 to index
        %get3A_1003 = arith.index_cast %get3A_1000 : i32 to index
        %get3A_1004 = arith.index_cast %shift_right_arithmetic3A_964 : i32 to index
        %get3A_1005 = arith.index_cast %get3A_1001 : i32 to index
        %get3A_1006 = arith.index_cast %mul3A_967 : i32 to index
        %get3A_1007 = tpu.vector_load %arg4[%get3A_1002, %get3A_1003, %get3A_1004, %get3A_1005, %get3A_1006] {strides = array<i32>} : memref<3x2x8x8x128xf32, #tpu.memory_space<vmem>>, vector<16xf32>,
        %get3A_1008 = arith.constant 0 : i32
        %get3A_1009 = arith.constant 0 : i32
        %get3A_1010 = arith.constant 4 : i32
        %get3A_1011 = arith.index_cast %get3A_1008 : i32 to index
        %get3A_1012 = arith.index_cast %get3A_1009 : i32 to index
        %get3A_1013 = arith.index_cast %shift_right_arithmetic3A_964 : i32 to index
        %get3A_1014 = arith.index_cast %get3A_1010 : i32 to index
        %get3A_1015 = arith.index_cast %mul3A_967 : i32 to index
        %get3A_1016 = tpu.vector_load %arg4[%get3A_1011, %get3A_1012, %get3A_1013, %get3A_1014, %get3A_1015] {strides = array<i32>} : memref<3x2x8x8x128xf32, #tpu.memory_space<vmem>>, vector<16xf32>,
        %get3A_1017 = arith.constant 0 : i32
        %get3A_1018 = arith.constant 0 : i32
        %get3A_1019 = arith.constant 5 : i32
        %get3A_1020 = arith.index_cast %get3A_1017 : i32 to index
        %get3A_1021 = arith.index_cast %get3A_1018 : i32 to index
        %get3A_1022 = arith.index_cast %shift_right_arithmetic3A_964 : i32 to index
        %get3A_1023 = arith.index_cast %get3A_1019 : i32 to index
        %get3A_1024 = arith.index_cast %mul3A_967 : i32 to index
        %get3A_1025 = tpu.vector_load %arg4[%get3A_1020, %get3A_1021, %get3A_1022, %get3A_1023, %get3A_1024] {strides = array<i32>} : memref<3x2x8x8x128xf32, #tpu.memory_space<vmem>>, vector<16xf32>,
        %get3A_1026 = arith.constant 0 : i32
        %get3A_1027 = arith.constant 0 : i32
        %get3A_1028 = arith.constant 6 : i32
        %get3A_1029 = arith.index_cast %get3A_1026 : i32 to index
        %get3A_1030 = arith.index_cast %get3A_1027 : i32 to index
        %get3A_1031 = arith.index_cast %shift_right_arithmetic3A_964 : i32 to index
        %get3A_1032 = arith.index_cast %get3A_1028 : i32 to index
        %get3A_1033 = arith.index_cast %mul3A_967 : i32 to index
        %get3A_1034 = tpu.vector_load %arg4[%get3A_1029, %get3A_1030, %get3A_1031, %get3A_1032, %get3A_1033] {strides = array<i32>} : memref<3x2x8x8x128xf32, #tpu.memory_space<vmem>>, vector<16xf32>,
        %get3A_1035 = arith.constant 0 : i32
        %get3A_1036 = arith.constant 0 : i32
        %get3A_1037 = arith.constant 7 : i32
        %get3A_1038 = arith.index_cast %get3A_1035 : i32 to index
        %get3A_1039 = arith.index_cast %get3A_1036 : i32 to index
        %get3A_1040 = arith.index_cast %shift_right_arithmetic3A_964 : i32 to index
        %get3A_1041 = arith.index_cast %get3A_1037 : i32 to index
        %get3A_1042 = arith.index_cast %mul3A_967 : i32 to index
        %get3A_1043 = tpu.vector_load %arg4[%get3A_1038, %get3A_1039, %get3A_1040, %get3A_1041, %get3A_1042] {strides = array<i32>} : memref<3x2x8x8x128xf32, #tpu.memory_space<vmem>>, vector<16xf32>,
        %get3A_1044 = arith.constant 0 : i32
        %get3A_1045 = arith.constant 1 : i32
        %get3A_1046 = arith.constant 0 : i32
        %get3A_1047 = arith.index_cast %get3A_1044 : i32 to index
        %get3A_1048 = arith.index_cast %get3A_1045 : i32 to index
        %get3A_1049 = arith.index_cast %shift_right_arithmetic3A_964 : i32 to index
        %get3A_1050 = arith.index_cast %get3A_1046 : i32 to index
        %get3A_1051 = arith.index_cast %mul3A_967 : i32 to index
        %get3A_1052 = tpu.vector_load %arg4[%get3A_1047, %get3A_1048, %get3A_1049, %get3A_1050, %get3A_1051] {strides = array<i32>} : memref<3x2x8x8x128xf32, #tpu.memory_space<vmem>>, vector<16xf32>,
        %get3A_1053 = arith.constant 0 : i32
        %get3A_1054 = arith.constant 1 : i32
        %get3A_1055 = arith.constant 1 : i32
        %get3A_1056 = arith.index_cast %get3A_1053 : i32 to index
        %get3A_1057 = arith.index_cast %get3A_1054 : i32 to index
        %get3A_1058 = arith.index_cast %shift_right_arithmetic3A_964 : i32 to index
        %get3A_1059 = arith.index_cast %get3A_1055 : i32 to index
        %get3A_1060 = arith.index_cast %mul3A_967 : i32 to index
        %get3A_1061 = tpu.vector_load %arg4[%get3A_1056, %get3A_1057, %get3A_1058, %get3A_1059, %get3A_1060] {strides = array<i32>} : memref<3x2x8x8x128xf32, #tpu.memory_space<vmem>>, vector<16xf32>,
        %get3A_1062 = arith.constant 0 : i32
        %get3A_1063 = arith.constant 1 : i32
        %get3A_1064 = arith.constant 2 : i32
        %get3A_1065 = arith.index_cast %get3A_1062 : i32 to index
        %get3A_1066 = arith.index_cast %get3A_1063 : i32 to index
        %get3A_1067 = arith.index_cast %shift_right_arithmetic3A_964 : i32 to index
        %get3A_1068 = arith.index_cast %get3A_1064 : i32 to index
        %get3A_1069 = arith.index_cast %mul3A_967 : i32 to index
        %get3A_1070 = tpu.vector_load %arg4[%get3A_1065, %get3A_1066, %get3A_1067, %get3A_1068, %get3A_1069] {strides = array<i32>} : memref<3x2x8x8x128xf32, #tpu.memory_space<vmem>>, vector<16xf32>,
        %get3A_1071 = arith.constant 0 : i32
        %get3A_1072 = arith.constant 1 : i32
        %get3A_1073 = arith.constant 3 : i32
        %get3A_1074 = arith.index_cast %get3A_1071 : i32 to index
        %get3A_1075 = arith.index_cast %get3A_1072 : i32 to index
        %get3A_1076 = arith.index_cast %shift_right_arithmetic3A_964 : i32 to index
        %get3A_1077 = arith.index_cast %get3A_1073 : i32 to index
        %get3A_1078 = arith.index_cast %mul3A_967 : i32 to index
        %get3A_1079 = tpu.vector_load %arg4[%get3A_1074, %get3A_1075, %get3A_1076, %get3A_1077, %get3A_1078] {strides = array<i32>} : memref<3x2x8x8x128xf32, #tpu.memory_space<vmem>>, vector<16xf32>,
        %get3A_1080 = arith.constant 0 : i32
        %get3A_1081 = arith.constant 1 : i32
        %get3A_1082 = arith.constant 4 : i32
        %get3A_1083 = arith.index_cast %get3A_1080 : i32 to index
        %get3A_1084 = arith.index_cast %get3A_1081 : i32 to index
        %get3A_1085 = arith.index_cast %shift_right_arithmetic3A_964 : i32 to index
        %get3A_1086 = arith.index_cast %get3A_1082 : i32 to index
        %get3A_1087 = arith.index_cast %mul3A_967 : i32 to index
        %get3A_1088 = tpu.vector_load %arg4[%get3A_1083, %get3A_1084, %get3A_1085, %get3A_1086, %get3A_1087] {strides = array<i32>} : memref<3x2x8x8x128xf32, #tpu.memory_space<vmem>>, vector<16xf32>,
        %get3A_1089 = arith.constant 0 : i32
        %get3A_1090 = arith.constant 1 : i32
        %get3A_1091 = arith.constant 5 : i32
        %get3A_1092 = arith.index_cast %get3A_1089 : i32 to index
        %get3A_1093 = arith.index_cast %get3A_1090 : i32 to index
        %get3A_1094 = arith.index_cast %shift_right_arithmetic3A_964 : i32 to index
        %get3A_1095 = arith.index_cast %get3A_1091 : i32 to index
        %get3A_1096 = arith.index_cast %mul3A_967 : i32 to index
        %get3A_1097 = tpu.vector_load %arg4[%get3A_1092, %get3A_1093, %get3A_1094, %get3A_1095, %get3A_1096] {strides = array<i32>} : memref<3x2x8x8x128xf32, #tpu.memory_space<vmem>>, vector<16xf32>,
        %get3A_1098 = arith.constant 0 : i32
        %get3A_1099 = arith.constant 1 : i32
        %get3A_1100 = arith.constant 6 : i32
        %get3A_1101 = arith.index_cast %get3A_1098 : i32 to index
        %get3A_1102 = arith.index_cast %get3A_1099 : i32 to index
        %get3A_1103 = arith.index_cast %shift_right_arithmetic3A_964 : i32 to index
        %get3A_1104 = arith.index_cast %get3A_1100 : i32 to index
        %get3A_1105 = arith.index_cast %mul3A_967 : i32 to index
        %get3A_1106 = tpu.vector_load %arg4[%get3A_1101, %get3A_1102, %get3A_1103, %get3A_1104, %get3A_1105] {strides = array<i32>} : memref<3x2x8x8x128xf32, #tpu.memory_space<vmem>>, vector<16xf32>,
        %get3A_1107 = arith.constant 0 : i32
        %get3A_1108 = arith.constant 1 : i32
        %get3A_1109 = arith.constant 7 : i32
        %get3A_1110 = arith.index_cast %get3A_1107 : i32 to index
        %get3A_1111 = arith.index_cast %get3A_1108 : i32 to index
        %get3A_1112 = arith.index_cast %shift_right_arithmetic3A_964 : i32 to index
        %get3A_1113 = arith.index_cast %get3A_1109 : i32 to index
        %get3A_1114 = arith.index_cast %mul3A_967 : i32 to index
        %get3A_1115 = tpu.vector_load %arg4[%get3A_1110, %get3A_1111, %get3A_1112, %get3A_1113, %get3A_1114] {strides = array<i32>} : memref<3x2x8x8x128xf32, #tpu.memory_space<vmem>>, vector<16xf32>,
        %scatter3A = arith.constant 0 : i32
        %scatter3A_1116 = arith.constant 0 : i32
        %scatter3A_1117 = tpu.memref_slice %arg5[%scan3A_470, %scatter3A, %scatter3A_1116] : memref<2x1024x16xf32, #tpu.memory_space<vmem>> -> memref<1x1024x16xf32, #tpu.memory_space<vmem>>
        %scatter3A_1118 = tpu.memref_squeeze %scatter3A_1117 : memref<1x1024x16xf32, #tpu.memory_space<vmem>> -> memref<1024x16xf32, #tpu.memory_space<vmem>>
        tpu.vector_store_idx %scatter3A_1118[%add3A_972, %broadcast_in_dim3A_3], %get3A_980 : memref<1024x16xf32, #tpu.memory_space<vmem>>[vector<16xi32>, vector<16xi32>], vector<16xf32>,
        %scatter3A_1119 = arith.constant 0 : i32
        %scatter3A_1120 = arith.constant 0 : i32
        %scatter3A_1121 = tpu.memref_slice %arg5[%scan3A_470, %scatter3A_1119, %scatter3A_1120] : memref<2x1024x16xf32, #tpu.memory_space<vmem>> -> memref<1x1024x16xf32, #tpu.memory_space<vmem>>
        %scatter3A_1122 = tpu.memref_squeeze %scatter3A_1121 : memref<1x1024x16xf32, #tpu.memory_space<vmem>> -> memref<1024x16xf32, #tpu.memory_space<vmem>>
        tpu.vector_store_idx %scatter3A_1122[%add3A_972, %broadcast_in_dim3A_5], %get3A_989 : memref<1024x16xf32, #tpu.memory_space<vmem>>[vector<16xi32>, vector<16xi32>], vector<16xf32>,
        %scatter3A_1123 = arith.constant 0 : i32
        %scatter3A_1124 = arith.constant 0 : i32
        %scatter3A_1125 = tpu.memref_slice %arg5[%scan3A_470, %scatter3A_1123, %scatter3A_1124] : memref<2x1024x16xf32, #tpu.memory_space<vmem>> -> memref<1x1024x16xf32, #tpu.memory_space<vmem>>
        %scatter3A_1126 = tpu.memref_squeeze %scatter3A_1125 : memref<1x1024x16xf32, #tpu.memory_space<vmem>> -> memref<1024x16xf32, #tpu.memory_space<vmem>>
        tpu.vector_store_idx %scatter3A_1126[%add3A_972, %broadcast_in_dim3A_7], %get3A_998 : memref<1024x16xf32, #tpu.memory_space<vmem>>[vector<16xi32>, vector<16xi32>], vector<16xf32>,
        %scatter3A_1127 = arith.constant 0 : i32
        %scatter3A_1128 = arith.constant 0 : i32
        %scatter3A_1129 = tpu.memref_slice %arg5[%scan3A_470, %scatter3A_1127, %scatter3A_1128] : memref<2x1024x16xf32, #tpu.memory_space<vmem>> -> memref<1x1024x16xf32, #tpu.memory_space<vmem>>
        %scatter3A_1130 = tpu.memref_squeeze %scatter3A_1129 : memref<1x1024x16xf32, #tpu.memory_space<vmem>> -> memref<1024x16xf32, #tpu.memory_space<vmem>>
        tpu.vector_store_idx %scatter3A_1130[%add3A_972, %broadcast_in_dim3A_9], %get3A_1007 : memref<1024x16xf32, #tpu.memory_space<vmem>>[vector<16xi32>, vector<16xi32>], vector<16xf32>,
        %scatter3A_1131 = arith.constant 0 : i32
        %scatter3A_1132 = arith.constant 0 : i32
        %scatter3A_1133 = tpu.memref_slice %arg5[%scan3A_470, %scatter3A_1131, %scatter3A_1132] : memref<2x1024x16xf32, #tpu.memory_space<vmem>> -> memref<1x1024x16xf32, #tpu.memory_space<vmem>>
        %scatter3A_1134 = tpu.memref_squeeze %scatter3A_1133 : memref<1x1024x16xf32, #tpu.memory_space<vmem>> -> memref<1024x16xf32, #tpu.memory_space<vmem>>
        tpu.vector_store_idx %scatter3A_1134[%add3A_972, %broadcast_in_dim3A_11], %get3A_1016 : memref<1024x16xf32, #tpu.memory_space<vmem>>[vector<16xi32>, vector<16xi32>], vector<16xf32>,
        %scatter3A_1135 = arith.constant 0 : i32
        %scatter3A_1136 = arith.constant 0 : i32
        %scatter3A_1137 = tpu.memref_slice %arg5[%scan3A_470, %scatter3A_1135, %scatter3A_1136] : memref<2x1024x16xf32, #tpu.memory_space<vmem>> -> memref<1x1024x16xf32, #tpu.memory_space<vmem>>
        %scatter3A_1138 = tpu.memref_squeeze %scatter3A_1137 : memref<1x1024x16xf32, #tpu.memory_space<vmem>> -> memref<1024x16xf32, #tpu.memory_space<vmem>>
        tpu.vector_store_idx %scatter3A_1138[%add3A_972, %broadcast_in_dim3A_13], %get3A_1025 : memref<1024x16xf32, #tpu.memory_space<vmem>>[vector<16xi32>, vector<16xi32>], vector<16xf32>,
        %scatter3A_1139 = arith.constant 0 : i32
        %scatter3A_1140 = arith.constant 0 : i32
        %scatter3A_1141 = tpu.memref_slice %arg5[%scan3A_470, %scatter3A_1139, %scatter3A_1140] : memref<2x1024x16xf32, #tpu.memory_space<vmem>> -> memref<1x1024x16xf32, #tpu.memory_space<vmem>>
        %scatter3A_1142 = tpu.memref_squeeze %scatter3A_1141 : memref<1x1024x16xf32, #tpu.memory_space<vmem>> -> memref<1024x16xf32, #tpu.memory_space<vmem>>
        tpu.vector_store_idx %scatter3A_1142[%add3A_972, %broadcast_in_dim3A_15], %get3A_1034 : memref<1024x16xf32, #tpu.memory_space<vmem>>[vector<16xi32>, vector<16xi32>], vector<16xf32>,
        %scatter3A_1143 = arith.constant 0 : i32
        %scatter3A_1144 = arith.constant 0 : i32
        %scatter3A_1145 = tpu.memref_slice %arg5[%scan3A_470, %scatter3A_1143, %scatter3A_1144] : memref<2x1024x16xf32, #tpu.memory_space<vmem>> -> memref<1x1024x16xf32, #tpu.memory_space<vmem>>
        %scatter3A_1146 = tpu.memref_squeeze %scatter3A_1145 : memref<1x1024x16xf32, #tpu.memory_space<vmem>> -> memref<1024x16xf32, #tpu.memory_space<vmem>>
        tpu.vector_store_idx %scatter3A_1146[%add3A_972, %broadcast_in_dim3A_17], %get3A_1043 : memref<1024x16xf32, #tpu.memory_space<vmem>>[vector<16xi32>, vector<16xi32>], vector<16xf32>,
        %scatter3A_1147 = arith.constant 0 : i32
        %scatter3A_1148 = arith.constant 0 : i32
        %scatter3A_1149 = tpu.memref_slice %arg5[%scan3A_470, %scatter3A_1147, %scatter3A_1148] : memref<2x1024x16xf32, #tpu.memory_space<vmem>> -> memref<1x1024x16xf32, #tpu.memory_space<vmem>>
        %scatter3A_1150 = tpu.memref_squeeze %scatter3A_1149 : memref<1x1024x16xf32, #tpu.memory_space<vmem>> -> memref<1024x16xf32, #tpu.memory_space<vmem>>
        tpu.vector_store_idx %scatter3A_1150[%add3A_972, %broadcast_in_dim3A_19], %get3A_1052 : memref<1024x16xf32, #tpu.memory_space<vmem>>[vector<16xi32>, vector<16xi32>], vector<16xf32>,
        %scatter3A_1151 = arith.constant 0 : i32
        %scatter3A_1152 = arith.constant 0 : i32
        %scatter3A_1153 = tpu.memref_slice %arg5[%scan3A_470, %scatter3A_1151, %scatter3A_1152] : memref<2x1024x16xf32, #tpu.memory_space<vmem>> -> memref<1x1024x16xf32, #tpu.memory_space<vmem>>
        %scatter3A_1154 = tpu.memref_squeeze %scatter3A_1153 : memref<1x1024x16xf32, #tpu.memory_space<vmem>> -> memref<1024x16xf32, #tpu.memory_space<vmem>>
        tpu.vector_store_idx %scatter3A_1154[%add3A_972, %broadcast_in_dim3A_21], %get3A_1061 : memref<1024x16xf32, #tpu.memory_space<vmem>>[vector<16xi32>, vector<16xi32>], vector<16xf32>,
        %scatter3A_1155 = arith.constant 0 : i32
        %scatter3A_1156 = arith.constant 0 : i32
        %scatter3A_1157 = tpu.memref_slice %arg5[%scan3A_470, %scatter3A_1155, %scatter3A_1156] : memref<2x1024x16xf32, #tpu.memory_space<vmem>> -> memref<1x1024x16xf32, #tpu.memory_space<vmem>>
        %scatter3A_1158 = tpu.memref_squeeze %scatter3A_1157 : memref<1x1024x16xf32, #tpu.memory_space<vmem>> -> memref<1024x16xf32, #tpu.memory_space<vmem>>
        tpu.vector_store_idx %scatter3A_1158[%add3A_972, %broadcast_in_dim3A_23], %get3A_1070 : memref<1024x16xf32, #tpu.memory_space<vmem>>[vector<16xi32>, vector<16xi32>], vector<16xf32>,
        %scatter3A_1159 = arith.constant 0 : i32
        %scatter3A_1160 = arith.constant 0 : i32
        %scatter3A_1161 = tpu.memref_slice %arg5[%scan3A_470, %scatter3A_1159, %scatter3A_1160] : memref<2x1024x16xf32, #tpu.memory_space<vmem>> -> memref<1x1024x16xf32, #tpu.memory_space<vmem>>
        %scatter3A_1162 = tpu.memref_squeeze %scatter3A_1161 : memref<1x1024x16xf32, #tpu.memory_space<vmem>> -> memref<1024x16xf32, #tpu.memory_space<vmem>>
        tpu.vector_store_idx %scatter3A_1162[%add3A_972, %broadcast_in_dim3A_25], %get3A_1079 : memref<1024x16xf32, #tpu.memory_space<vmem>>[vector<16xi32>, vector<16xi32>], vector<16xf32>,
        %scatter3A_1163 = arith.constant 0 : i32
        %scatter3A_1164 = arith.constant 0 : i32
        %scatter3A_1165 = tpu.memref_slice %arg5[%scan3A_470, %scatter3A_1163, %scatter3A_1164] : memref<2x1024x16xf32, #tpu.memory_space<vmem>> -> memref<1x1024x16xf32, #tpu.memory_space<vmem>>
        %scatter3A_1166 = tpu.memref_squeeze %scatter3A_1165 : memref<1x1024x16xf32, #tpu.memory_space<vmem>> -> memref<1024x16xf32, #tpu.memory_space<vmem>>
        tpu.vector_store_idx %scatter3A_1166[%add3A_972, %broadcast_in_dim3A_27], %get3A_1088 : memref<1024x16xf32, #tpu.memory_space<vmem>>[vector<16xi32>, vector<16xi32>], vector<16xf32>,
        %scatter3A_1167 = arith.constant 0 : i32
        %scatter3A_1168 = arith.constant 0 : i32
        %scatter3A_1169 = tpu.memref_slice %arg5[%scan3A_470, %scatter3A_1167, %scatter3A_1168] : memref<2x1024x16xf32, #tpu.memory_space<vmem>> -> memref<1x1024x16xf32, #tpu.memory_space<vmem>>
        %scatter3A_1170 = tpu.memref_squeeze %scatter3A_1169 : memref<1x1024x16xf32, #tpu.memory_space<vmem>> -> memref<1024x16xf32, #tpu.memory_space<vmem>>
        tpu.vector_store_idx %scatter3A_1170[%add3A_972, %broadcast_in_dim3A_29], %get3A_1097 : memref<1024x16xf32, #tpu.memory_space<vmem>>[vector<16xi32>, vector<16xi32>], vector<16xf32>,
        %scatter3A_1171 = arith.constant 0 : i32
        %scatter3A_1172 = arith.constant 0 : i32
        %scatter3A_1173 = tpu.memref_slice %arg5[%scan3A_470, %scatter3A_1171, %scatter3A_1172] : memref<2x1024x16xf32, #tpu.memory_space<vmem>> -> memref<1x1024x16xf32, #tpu.memory_space<vmem>>
        %scatter3A_1174 = tpu.memref_squeeze %scatter3A_1173 : memref<1x1024x16xf32, #tpu.memory_space<vmem>> -> memref<1024x16xf32, #tpu.memory_space<vmem>>
        tpu.vector_store_idx %scatter3A_1174[%add3A_972, %broadcast_in_dim3A_31], %get3A_1106 : memref<1024x16xf32, #tpu.memory_space<vmem>>[vector<16xi32>, vector<16xi32>], vector<16xf32>,
        %scatter3A_1175 = arith.constant 0 : i32
        %scatter3A_1176 = arith.constant 0 : i32
        %scatter3A_1177 = tpu.memref_slice %arg5[%scan3A_470, %scatter3A_1175, %scatter3A_1176] : memref<2x1024x16xf32, #tpu.memory_space<vmem>> -> memref<1x1024x16xf32, #tpu.memory_space<vmem>>
        %scatter3A_1178 = tpu.memref_squeeze %scatter3A_1177 : memref<1x1024x16xf32, #tpu.memory_space<vmem>> -> memref<1024x16xf32, #tpu.memory_space<vmem>>
        tpu.vector_store_idx %scatter3A_1178[%add3A_972, %broadcast_in_dim3A_33], %get3A_1115 : memref<1024x16xf32, #tpu.memory_space<vmem>>[vector<16xi32>, vector<16xi32>], vector<16xf32>,
      }
      %scan3A_475 = arith.constant 64 : i32
      %mul3A_476 = arith.constant 1024 : i32
      %mul3A_477 = arith.muli %add3A_430, %mul3A_476 : i32
      %dma_start3A_478 = arith.constant 0 : i32
      %dma_start3A_479 = arith.constant 0 : i32
      %dma_start3A_480 = arith.constant 0 : i32
      %dma_start3A_481 = tpu.memref_slice %arg5[%dma_start3A_478, %dma_start3A_479, %dma_start3A_480] : memref<2x1024x16xf32, #tpu.memory_space<vmem>> -> memref<1x1024x16xf32, #tpu.memory_space<vmem>>
      %dma_start3A_482 = tpu.memref_squeeze %dma_start3A_481 : memref<1x1024x16xf32, #tpu.memory_space<vmem>> -> memref<1024x16xf32, #tpu.memory_space<vmem>>
      %dma_start3A_483 = arith.constant 0 : i32
      %dma_start3A_484 = tpu.memref_slice %arg3[%mul3A_477, %dma_start3A_483] : memref<851968x16xf32, #tpu.memory_space<hbm>> -> memref<1024x16xf32, #tpu.memory_space<hbm>>
      %dma_start3A_485 = arith.constant 0 : i32
      %dma_start3A_486 = tpu.memref_slice %arg3[%mul3A_477, %dma_start3A_485] : memref<851968x16xf32, #tpu.memory_space<hbm>> -> memref<1024x16xf32, #tpu.memory_space<hbm>>
      %dma_start3A_487 = arith.constant 0 : i32
      %dma_start3A_488 = arith.constant 0 : i32
      %dma_start3A_489 = tpu.memref_slice %arg5[%dma_start3A_478, %dma_start3A_487, %dma_start3A_488] : memref<2x1024x16xf32, #tpu.memory_space<vmem>> -> memref<1x1024x16xf32, #tpu.memory_space<vmem>>
      %dma_start3A_490 = tpu.memref_squeeze %dma_start3A_489 : memref<1x1024x16xf32, #tpu.memory_space<vmem>> -> memref<1024x16xf32, #tpu.memory_space<vmem>>
      tpu.enqueue_dma source(%dma_start3A_490 : memref<1024x16xf32, #tpu.memory_space<vmem>>) target(%dma_start3A_486 : memref<1024x16xf32, #tpu.memory_space<hbm>>) target_semaphore(%arg9 : memref<!tpu.dma_semaphore, #tpu.memory_space<semaphore_mem>>)
      %add3A_491 = arith.constant 3 : i32
      %add3A_492 = arith.addi %add3A_430, %add3A_491 : i32
      %min3A_493 = arith.constant 831 : i32
      %min3A_494 = arith.minsi %add3A_492, %min3A_493 : i32
      %mul3A_495 = arith.constant 8 : i32
      %mul3A_496 = arith.muli %min3A_494, %mul3A_495 : i32
      %dma_start3A_497 = arith.constant 0 : i32
      %dma_start3A_498 = arith.constant 0 : i32
      %dma_start3A_499 = arith.constant 0 : i32
      %dma_start3A_500 = arith.constant 0 : i32
      %dma_start3A_501 = arith.constant 0 : i32
      %dma_start3A_502 = tpu.memref_slice %arg4[%dma_start3A_497, %dma_start3A_498, %dma_start3A_499, %dma_start3A_500, %dma_start3A_501] : memref<3x2x8x8x128xf32, #tpu.memory_space<vmem>> -> memref<1x2x8x8x128xf32, #tpu.memory_space<vmem>>
      %dma_start3A_503 = tpu.memref_squeeze %dma_start3A_502 : memref<1x2x8x8x128xf32, #tpu.memory_space<vmem>> -> memref<2x8x8x128xf32, #tpu.memory_space<vmem>>
      %dma_start3A_504 = arith.constant 0 : i32
      %dma_start3A_505 = arith.constant 0 : i32
      %dma_start3A_506 = arith.constant 0 : i32
      %dma_start3A_507 = tpu.memref_slice %arg2[%dma_start3A_504, %mul3A_496, %dma_start3A_505, %dma_start3A_506] : memref<2x6656x8x128xf32, #tpu.memory_space<hbm>> -> memref<2x8x8x128xf32, #tpu.memory_space<hbm>>
      %dma_start3A_508 = arith.constant 0 : i32
      %dma_start3A_509 = arith.constant 0 : i32
      %dma_start3A_510 = arith.constant 0 : i32
      %dma_start3A_511 = arith.constant 0 : i32
      %dma_start3A_512 = tpu.memref_slice %arg4[%dma_start3A_497, %dma_start3A_508, %dma_start3A_509, %dma_start3A_510, %dma_start3A_511] : memref<3x2x8x8x128xf32, #tpu.memory_space<vmem>> -> memref<1x2x8x8x128xf32, #tpu.memory_space<vmem>>
      %dma_start3A_513 = tpu.memref_squeeze %dma_start3A_512 : memref<1x2x8x8x128xf32, #tpu.memory_space<vmem>> -> memref<2x8x8x128xf32, #tpu.memory_space<vmem>>
      %dma_start3A_514 = arith.constant 0 : i32
      %dma_start3A_515 = arith.constant 0 : i32
      %dma_start3A_516 = arith.constant 0 : i32
      %dma_start3A_517 = tpu.memref_slice %arg2[%dma_start3A_514, %mul3A_496, %dma_start3A_515, %dma_start3A_516] : memref<2x6656x8x128xf32, #tpu.memory_space<hbm>> -> memref<2x8x8x128xf32, #tpu.memory_space<hbm>>
      tpu.enqueue_dma source(%dma_start3A_517 : memref<2x8x8x128xf32, #tpu.memory_space<hbm>>) target(%dma_start3A_513 : memref<2x8x8x128xf32, #tpu.memory_space<vmem>>) target_semaphore(%arg6 : memref<!tpu.dma_semaphore, #tpu.memory_space<semaphore_mem>>)
      %add3A_518 = arith.constant 1 : i32
      %add3A_519 = arith.addi %add3A_428, %add3A_518 : i32
      %dma_wait3A_520 = arith.constant 1 : i32
      %dma_wait3A_521 = arith.constant 0 : i32
      %dma_wait3A_522 = arith.constant 0 : i32
      %dma_wait3A_523 = arith.constant 0 : i32
      %dma_wait3A_524 = arith.constant 0 : i32
      %dma_wait3A_525 = tpu.memref_slice %arg4[%dma_wait3A_520, %dma_wait3A_521, %dma_wait3A_522, %dma_wait3A_523, %dma_wait3A_524] : memref<3x2x8x8x128xf32, #tpu.memory_space<vmem>> -> memref<1x2x8x8x128xf32, #tpu.memory_space<vmem>>
      %dma_wait3A_526 = tpu.memref_squeeze %dma_wait3A_525 : memref<1x2x8x8x128xf32, #tpu.memory_space<vmem>> -> memref<2x8x8x128xf32, #tpu.memory_space<vmem>>
      %dma_wait3A_527 = arith.constant 0 : i32
      %dma_wait3A_528 = arith.constant 0 : i32
      %dma_wait3A_529 = arith.constant 0 : i32
      %dma_wait3A_530 = arith.constant 0 : i32
      %dma_wait3A_531 = tpu.memref_slice %arg2[%dma_wait3A_527, %dma_wait3A_528, %dma_wait3A_529, %dma_wait3A_530] : memref<2x6656x8x128xf32, #tpu.memory_space<hbm>> -> memref<2x8x8x128xf32, #tpu.memory_space<hbm>>
      %dma_wait3A_532 = arith.constant 0 : i32
      %dma_wait3A_533 = arith.constant 0 : i32
      %dma_wait3A_534 = arith.constant 0 : i32
      %dma_wait3A_535 = arith.constant 0 : i32
      %dma_wait3A_536 = tpu.memref_slice %arg4[%dma_wait3A_520, %dma_wait3A_532, %dma_wait3A_533, %dma_wait3A_534, %dma_wait3A_535] : memref<3x2x8x8x128xf32, #tpu.memory_space<vmem>> -> memref<1x2x8x8x128xf32, #tpu.memory_space<vmem>>
      %dma_wait3A_537 = tpu.memref_squeeze %dma_wait3A_536 : memref<1x2x8x8x128xf32, #tpu.memory_space<vmem>> -> memref<2x8x8x128xf32, #tpu.memory_space<vmem>>
      %dma_wait3A_538 = arith.constant 0 : i32
      %dma_wait3A_539 = arith.constant 0 : i32
      %dma_wait3A_540 = arith.constant 0 : i32
      %dma_wait3A_541 = arith.constant 0 : i32
      %dma_wait3A_542 = tpu.memref_slice %arg2[%dma_wait3A_538, %dma_wait3A_539, %dma_wait3A_540, %dma_wait3A_541] : memref<2x6656x8x128xf32, #tpu.memory_space<hbm>> -> memref<2x8x8x128xf32, #tpu.memory_space<hbm>>
      tpu.wait_dma2 semaphore(%arg7 : memref<!tpu.dma_semaphore, #tpu.memory_space<semaphore_mem>>) src(%dma_wait3A_542 : memref<2x8x8x128xf32, #tpu.memory_space<hbm>>) dst(%dma_wait3A_537 : memref<2x8x8x128xf32, #tpu.memory_space<vmem>>)
      %dma_wait3A_543 = arith.constant 1 : i32
      %dma_wait3A_544 = arith.constant 0 : i32
      %dma_wait3A_545 = arith.constant 0 : i32
      %dma_wait3A_546 = tpu.memref_slice %arg5[%dma_wait3A_543, %dma_wait3A_544, %dma_wait3A_545] : memref<2x1024x16xf32, #tpu.memory_space<vmem>> -> memref<1x1024x16xf32, #tpu.memory_space<vmem>>
      %dma_wait3A_547 = tpu.memref_squeeze %dma_wait3A_546 : memref<1x1024x16xf32, #tpu.memory_space<vmem>> -> memref<1024x16xf32, #tpu.memory_space<vmem>>
      %dma_wait3A_548 = arith.constant 0 : i32
      %dma_wait3A_549 = arith.constant 0 : i32
      %dma_wait3A_550 = tpu.memref_slice %arg3[%dma_wait3A_548, %dma_wait3A_549] : memref<851968x16xf32, #tpu.memory_space<hbm>> -> memref<1024x16xf32, #tpu.memory_space<hbm>>
      %dma_wait3A_551 = arith.constant 0 : i32
      %dma_wait3A_552 = arith.constant 0 : i32
      %dma_wait3A_553 = tpu.memref_slice %arg3[%dma_wait3A_551, %dma_wait3A_552] : memref<851968x16xf32, #tpu.memory_space<hbm>> -> memref<1024x16xf32, #tpu.memory_space<hbm>>
      %dma_wait3A_554 = arith.constant 0 : i32
      %dma_wait3A_555 = arith.constant 0 : i32
      %dma_wait3A_556 = tpu.memref_slice %arg5[%dma_wait3A_543, %dma_wait3A_554, %dma_wait3A_555] : memref<2x1024x16xf32, #tpu.memory_space<vmem>> -> memref<1x1024x16xf32, #tpu.memory_space<vmem>>
      %dma_wait3A_557 = tpu.memref_squeeze %dma_wait3A_556 : memref<1x1024x16xf32, #tpu.memory_space<vmem>> -> memref<1024x16xf32, #tpu.memory_space<vmem>>
      tpu.wait_dma2 semaphore(%arg10 : memref<!tpu.dma_semaphore, #tpu.memory_space<semaphore_mem>>) src(%dma_wait3A_557 : memref<1024x16xf32, #tpu.memory_space<vmem>>) dst(%dma_wait3A_553 : memref<1024x16xf32, #tpu.memory_space<hbm>>)
      %scan3A_558 = arith.constant 0 : i32
      %scan3A_559 = arith.constant 1 : i32
      %scan3A_560 = arith.constant 0 : i32
      %scan3A_561 = arith.constant 64 : i32
      %scan3A_562 = arith.addi %scan3A_560, %scan3A_561 : i32
      %scan3A_563 = arith.constant 1 : i32
      scf.for %scan3A_963 = %scan3A_560 to %scan3A_562 step %scan3A_563  : i32 {
        %shift_right_arithmetic3A = arith.constant 3 : i32
        %shift_right_arithmetic3A_964 = arith.shrsi %scan3A_963, %shift_right_arithmetic3A : i32
        %and3A = arith.constant 7 : i32
        %and3A_965 = arith.andi %scan3A_963, %and3A : i32
        %mul3A_966 = arith.constant 16 : i32
        %mul3A_967 = arith.muli %and3A_965, %mul3A_966 : i32
        %mul3A_968 = arith.constant 128 : i32
        %mul3A_969 = arith.muli %shift_right_arithmetic3A_964, %mul3A_968 : i32
        %add3A_970 = arith.addi %mul3A_969, %mul3A_967 : i32
        %add3A_971 = vector.broadcast %add3A_970 : i32 to vector<16xi32>
        %add3A_972 = arith.addi %add3A_971, %iota3A : vector<16xi32>
        %get3A = arith.constant 1 : i32
        %get3A_973 = arith.constant 0 : i32
        %get3A_974 = arith.constant 0 : i32
        %get3A_975 = arith.index_cast %get3A : i32 to index
        %get3A_976 = arith.index_cast %get3A_973 : i32 to index
        %get3A_977 = arith.index_cast %shift_right_arithmetic3A_964 : i32 to index
        %get3A_978 = arith.index_cast %get3A_974 : i32 to index
        %get3A_979 = arith.index_cast %mul3A_967 : i32 to index
        %get3A_980 = tpu.vector_load %arg4[%get3A_975, %get3A_976, %get3A_977, %get3A_978, %get3A_979] {strides = array<i32>} : memref<3x2x8x8x128xf32, #tpu.memory_space<vmem>>, vector<16xf32>,
        %get3A_981 = arith.constant 1 : i32
        %get3A_982 = arith.constant 0 : i32
        %get3A_983 = arith.constant 1 : i32
        %get3A_984 = arith.index_cast %get3A_981 : i32 to index
        %get3A_985 = arith.index_cast %get3A_982 : i32 to index
        %get3A_986 = arith.index_cast %shift_right_arithmetic3A_964 : i32 to index
        %get3A_987 = arith.index_cast %get3A_983 : i32 to index
        %get3A_988 = arith.index_cast %mul3A_967 : i32 to index
        %get3A_989 = tpu.vector_load %arg4[%get3A_984, %get3A_985, %get3A_986, %get3A_987, %get3A_988] {strides = array<i32>} : memref<3x2x8x8x128xf32, #tpu.memory_space<vmem>>, vector<16xf32>,
        %get3A_990 = arith.constant 1 : i32
        %get3A_991 = arith.constant 0 : i32
        %get3A_992 = arith.constant 2 : i32
        %get3A_993 = arith.index_cast %get3A_990 : i32 to index
        %get3A_994 = arith.index_cast %get3A_991 : i32 to index
        %get3A_995 = arith.index_cast %shift_right_arithmetic3A_964 : i32 to index
        %get3A_996 = arith.index_cast %get3A_992 : i32 to index
        %get3A_997 = arith.index_cast %mul3A_967 : i32 to index
        %get3A_998 = tpu.vector_load %arg4[%get3A_993, %get3A_994, %get3A_995, %get3A_996, %get3A_997] {strides = array<i32>} : memref<3x2x8x8x128xf32, #tpu.memory_space<vmem>>, vector<16xf32>,
        %get3A_999 = arith.constant 1 : i32
        %get3A_1000 = arith.constant 0 : i32
        %get3A_1001 = arith.constant 3 : i32
        %get3A_1002 = arith.index_cast %get3A_999 : i32 to index
        %get3A_1003 = arith.index_cast %get3A_1000 : i32 to index
        %get3A_1004 = arith.index_cast %shift_right_arithmetic3A_964 : i32 to index
        %get3A_1005 = arith.index_cast %get3A_1001 : i32 to index
        %get3A_1006 = arith.index_cast %mul3A_967 : i32 to index
        %get3A_1007 = tpu.vector_load %arg4[%get3A_1002, %get3A_1003, %get3A_1004, %get3A_1005, %get3A_1006] {strides = array<i32>} : memref<3x2x8x8x128xf32, #tpu.memory_space<vmem>>, vector<16xf32>,
        %get3A_1008 = arith.constant 1 : i32
        %get3A_1009 = arith.constant 0 : i32
        %get3A_1010 = arith.constant 4 : i32
        %get3A_1011 = arith.index_cast %get3A_1008 : i32 to index
        %get3A_1012 = arith.index_cast %get3A_1009 : i32 to index
        %get3A_1013 = arith.index_cast %shift_right_arithmetic3A_964 : i32 to index
        %get3A_1014 = arith.index_cast %get3A_1010 : i32 to index
        %get3A_1015 = arith.index_cast %mul3A_967 : i32 to index
        %get3A_1016 = tpu.vector_load %arg4[%get3A_1011, %get3A_1012, %get3A_1013, %get3A_1014, %get3A_1015] {strides = array<i32>} : memref<3x2x8x8x128xf32, #tpu.memory_space<vmem>>, vector<16xf32>,
        %get3A_1017 = arith.constant 1 : i32
        %get3A_1018 = arith.constant 0 : i32
        %get3A_1019 = arith.constant 5 : i32
        %get3A_1020 = arith.index_cast %get3A_1017 : i32 to index
        %get3A_1021 = arith.index_cast %get3A_1018 : i32 to index
        %get3A_1022 = arith.index_cast %shift_right_arithmetic3A_964 : i32 to index
        %get3A_1023 = arith.index_cast %get3A_1019 : i32 to index
        %get3A_1024 = arith.index_cast %mul3A_967 : i32 to index
        %get3A_1025 = tpu.vector_load %arg4[%get3A_1020, %get3A_1021, %get3A_1022, %get3A_1023, %get3A_1024] {strides = array<i32>} : memref<3x2x8x8x128xf32, #tpu.memory_space<vmem>>, vector<16xf32>,
        %get3A_1026 = arith.constant 1 : i32
        %get3A_1027 = arith.constant 0 : i32
        %get3A_1028 = arith.constant 6 : i32
        %get3A_1029 = arith.index_cast %get3A_1026 : i32 to index
        %get3A_1030 = arith.index_cast %get3A_1027 : i32 to index
        %get3A_1031 = arith.index_cast %shift_right_arithmetic3A_964 : i32 to index
        %get3A_1032 = arith.index_cast %get3A_1028 : i32 to index
        %get3A_1033 = arith.index_cast %mul3A_967 : i32 to index
        %get3A_1034 = tpu.vector_load %arg4[%get3A_1029, %get3A_1030, %get3A_1031, %get3A_1032, %get3A_1033] {strides = array<i32>} : memref<3x2x8x8x128xf32, #tpu.memory_space<vmem>>, vector<16xf32>,
        %get3A_1035 = arith.constant 1 : i32
        %get3A_1036 = arith.constant 0 : i32
        %get3A_1037 = arith.constant 7 : i32
        %get3A_1038 = arith.index_cast %get3A_1035 : i32 to index
        %get3A_1039 = arith.index_cast %get3A_1036 : i32 to index
        %get3A_1040 = arith.index_cast %shift_right_arithmetic3A_964 : i32 to index
        %get3A_1041 = arith.index_cast %get3A_1037 : i32 to index
        %get3A_1042 = arith.index_cast %mul3A_967 : i32 to index
        %get3A_1043 = tpu.vector_load %arg4[%get3A_1038, %get3A_1039, %get3A_1040, %get3A_1041, %get3A_1042] {strides = array<i32>} : memref<3x2x8x8x128xf32, #tpu.memory_space<vmem>>, vector<16xf32>,
        %get3A_1044 = arith.constant 1 : i32
        %get3A_1045 = arith.constant 1 : i32
        %get3A_1046 = arith.constant 0 : i32
        %get3A_1047 = arith.index_cast %get3A_1044 : i32 to index
        %get3A_1048 = arith.index_cast %get3A_1045 : i32 to index
        %get3A_1049 = arith.index_cast %shift_right_arithmetic3A_964 : i32 to index
        %get3A_1050 = arith.index_cast %get3A_1046 : i32 to index
        %get3A_1051 = arith.index_cast %mul3A_967 : i32 to index
        %get3A_1052 = tpu.vector_load %arg4[%get3A_1047, %get3A_1048, %get3A_1049, %get3A_1050, %get3A_1051] {strides = array<i32>} : memref<3x2x8x8x128xf32, #tpu.memory_space<vmem>>, vector<16xf32>,
        %get3A_1053 = arith.constant 1 : i32
        %get3A_1054 = arith.constant 1 : i32
        %get3A_1055 = arith.constant 1 : i32
        %get3A_1056 = arith.index_cast %get3A_1053 : i32 to index
        %get3A_1057 = arith.index_cast %get3A_1054 : i32 to index
        %get3A_1058 = arith.index_cast %shift_right_arithmetic3A_964 : i32 to index
        %get3A_1059 = arith.index_cast %get3A_1055 : i32 to index
        %get3A_1060 = arith.index_cast %mul3A_967 : i32 to index
        %get3A_1061 = tpu.vector_load %arg4[%get3A_1056, %get3A_1057, %get3A_1058, %get3A_1059, %get3A_1060] {strides = array<i32>} : memref<3x2x8x8x128xf32, #tpu.memory_space<vmem>>, vector<16xf32>,
        %get3A_1062 = arith.constant 1 : i32
        %get3A_1063 = arith.constant 1 : i32
        %get3A_1064 = arith.constant 2 : i32
        %get3A_1065 = arith.index_cast %get3A_1062 : i32 to index
        %get3A_1066 = arith.index_cast %get3A_1063 : i32 to index
        %get3A_1067 = arith.index_cast %shift_right_arithmetic3A_964 : i32 to index
        %get3A_1068 = arith.index_cast %get3A_1064 : i32 to index
        %get3A_1069 = arith.index_cast %mul3A_967 : i32 to index
        %get3A_1070 = tpu.vector_load %arg4[%get3A_1065, %get3A_1066, %get3A_1067, %get3A_1068, %get3A_1069] {strides = array<i32>} : memref<3x2x8x8x128xf32, #tpu.memory_space<vmem>>, vector<16xf32>,
        %get3A_1071 = arith.constant 1 : i32
        %get3A_1072 = arith.constant 1 : i32
        %get3A_1073 = arith.constant 3 : i32
        %get3A_1074 = arith.index_cast %get3A_1071 : i32 to index
        %get3A_1075 = arith.index_cast %get3A_1072 : i32 to index
        %get3A_1076 = arith.index_cast %shift_right_arithmetic3A_964 : i32 to index
        %get3A_1077 = arith.index_cast %get3A_1073 : i32 to index
        %get3A_1078 = arith.index_cast %mul3A_967 : i32 to index
        %get3A_1079 = tpu.vector_load %arg4[%get3A_1074, %get3A_1075, %get3A_1076, %get3A_1077, %get3A_1078] {strides = array<i32>} : memref<3x2x8x8x128xf32, #tpu.memory_space<vmem>>, vector<16xf32>,
        %get3A_1080 = arith.constant 1 : i32
        %get3A_1081 = arith.constant 1 : i32
        %get3A_1082 = arith.constant 4 : i32
        %get3A_1083 = arith.index_cast %get3A_1080 : i32 to index
        %get3A_1084 = arith.index_cast %get3A_1081 : i32 to index
        %get3A_1085 = arith.index_cast %shift_right_arithmetic3A_964 : i32 to index
        %get3A_1086 = arith.index_cast %get3A_1082 : i32 to index
        %get3A_1087 = arith.index_cast %mul3A_967 : i32 to index
        %get3A_1088 = tpu.vector_load %arg4[%get3A_1083, %get3A_1084, %get3A_1085, %get3A_1086, %get3A_1087] {strides = array<i32>} : memref<3x2x8x8x128xf32, #tpu.memory_space<vmem>>, vector<16xf32>,
        %get3A_1089 = arith.constant 1 : i32
        %get3A_1090 = arith.constant 1 : i32
        %get3A_1091 = arith.constant 5 : i32
        %get3A_1092 = arith.index_cast %get3A_1089 : i32 to index
        %get3A_1093 = arith.index_cast %get3A_1090 : i32 to index
        %get3A_1094 = arith.index_cast %shift_right_arithmetic3A_964 : i32 to index
        %get3A_1095 = arith.index_cast %get3A_1091 : i32 to index
        %get3A_1096 = arith.index_cast %mul3A_967 : i32 to index
        %get3A_1097 = tpu.vector_load %arg4[%get3A_1092, %get3A_1093, %get3A_1094, %get3A_1095, %get3A_1096] {strides = array<i32>} : memref<3x2x8x8x128xf32, #tpu.memory_space<vmem>>, vector<16xf32>,
        %get3A_1098 = arith.constant 1 : i32
        %get3A_1099 = arith.constant 1 : i32
        %get3A_1100 = arith.constant 6 : i32
        %get3A_1101 = arith.index_cast %get3A_1098 : i32 to index
        %get3A_1102 = arith.index_cast %get3A_1099 : i32 to index
        %get3A_1103 = arith.index_cast %shift_right_arithmetic3A_964 : i32 to index
        %get3A_1104 = arith.index_cast %get3A_1100 : i32 to index
        %get3A_1105 = arith.index_cast %mul3A_967 : i32 to index
        %get3A_1106 = tpu.vector_load %arg4[%get3A_1101, %get3A_1102, %get3A_1103, %get3A_1104, %get3A_1105] {strides = array<i32>} : memref<3x2x8x8x128xf32, #tpu.memory_space<vmem>>, vector<16xf32>,
        %get3A_1107 = arith.constant 1 : i32
        %get3A_1108 = arith.constant 1 : i32
        %get3A_1109 = arith.constant 7 : i32
        %get3A_1110 = arith.index_cast %get3A_1107 : i32 to index
        %get3A_1111 = arith.index_cast %get3A_1108 : i32 to index
        %get3A_1112 = arith.index_cast %shift_right_arithmetic3A_964 : i32 to index
        %get3A_1113 = arith.index_cast %get3A_1109 : i32 to index
        %get3A_1114 = arith.index_cast %mul3A_967 : i32 to index
        %get3A_1115 = tpu.vector_load %arg4[%get3A_1110, %get3A_1111, %get3A_1112, %get3A_1113, %get3A_1114] {strides = array<i32>} : memref<3x2x8x8x128xf32, #tpu.memory_space<vmem>>, vector<16xf32>,
        %scatter3A = arith.constant 0 : i32
        %scatter3A_1116 = arith.constant 0 : i32
        %scatter3A_1117 = tpu.memref_slice %arg5[%scan3A_559, %scatter3A, %scatter3A_1116] : memref<2x1024x16xf32, #tpu.memory_space<vmem>> -> memref<1x1024x16xf32, #tpu.memory_space<vmem>>
        %scatter3A_1118 = tpu.memref_squeeze %scatter3A_1117 : memref<1x1024x16xf32, #tpu.memory_space<vmem>> -> memref<1024x16xf32, #tpu.memory_space<vmem>>
        tpu.vector_store_idx %scatter3A_1118[%add3A_972, %broadcast_in_dim3A_3], %get3A_980 : memref<1024x16xf32, #tpu.memory_space<vmem>>[vector<16xi32>, vector<16xi32>], vector<16xf32>,
        %scatter3A_1119 = arith.constant 0 : i32
        %scatter3A_1120 = arith.constant 0 : i32
        %scatter3A_1121 = tpu.memref_slice %arg5[%scan3A_559, %scatter3A_1119, %scatter3A_1120] : memref<2x1024x16xf32, #tpu.memory_space<vmem>> -> memref<1x1024x16xf32, #tpu.memory_space<vmem>>
        %scatter3A_1122 = tpu.memref_squeeze %scatter3A_1121 : memref<1x1024x16xf32, #tpu.memory_space<vmem>> -> memref<1024x16xf32, #tpu.memory_space<vmem>>
        tpu.vector_store_idx %scatter3A_1122[%add3A_972, %broadcast_in_dim3A_5], %get3A_989 : memref<1024x16xf32, #tpu.memory_space<vmem>>[vector<16xi32>, vector<16xi32>], vector<16xf32>,
        %scatter3A_1123 = arith.constant 0 : i32
        %scatter3A_1124 = arith.constant 0 : i32
        %scatter3A_1125 = tpu.memref_slice %arg5[%scan3A_559, %scatter3A_1123, %scatter3A_1124] : memref<2x1024x16xf32, #tpu.memory_space<vmem>> -> memref<1x1024x16xf32, #tpu.memory_space<vmem>>
        %scatter3A_1126 = tpu.memref_squeeze %scatter3A_1125 : memref<1x1024x16xf32, #tpu.memory_space<vmem>> -> memref<1024x16xf32, #tpu.memory_space<vmem>>
        tpu.vector_store_idx %scatter3A_1126[%add3A_972, %broadcast_in_dim3A_7], %get3A_998 : memref<1024x16xf32, #tpu.memory_space<vmem>>[vector<16xi32>, vector<16xi32>], vector<16xf32>,
        %scatter3A_1127 = arith.constant 0 : i32
        %scatter3A_1128 = arith.constant 0 : i32
        %scatter3A_1129 = tpu.memref_slice %arg5[%scan3A_559, %scatter3A_1127, %scatter3A_1128] : memref<2x1024x16xf32, #tpu.memory_space<vmem>> -> memref<1x1024x16xf32, #tpu.memory_space<vmem>>
        %scatter3A_1130 = tpu.memref_squeeze %scatter3A_1129 : memref<1x1024x16xf32, #tpu.memory_space<vmem>> -> memref<1024x16xf32, #tpu.memory_space<vmem>>
        tpu.vector_store_idx %scatter3A_1130[%add3A_972, %broadcast_in_dim3A_9], %get3A_1007 : memref<1024x16xf32, #tpu.memory_space<vmem>>[vector<16xi32>, vector<16xi32>], vector<16xf32>,
        %scatter3A_1131 = arith.constant 0 : i32
        %scatter3A_1132 = arith.constant 0 : i32
        %scatter3A_1133 = tpu.memref_slice %arg5[%scan3A_559, %scatter3A_1131, %scatter3A_1132] : memref<2x1024x16xf32, #tpu.memory_space<vmem>> -> memref<1x1024x16xf32, #tpu.memory_space<vmem>>
        %scatter3A_1134 = tpu.memref_squeeze %scatter3A_1133 : memref<1x1024x16xf32, #tpu.memory_space<vmem>> -> memref<1024x16xf32, #tpu.memory_space<vmem>>
        tpu.vector_store_idx %scatter3A_1134[%add3A_972, %broadcast_in_dim3A_11], %get3A_1016 : memref<1024x16xf32, #tpu.memory_space<vmem>>[vector<16xi32>, vector<16xi32>], vector<16xf32>,
        %scatter3A_1135 = arith.constant 0 : i32
        %scatter3A_1136 = arith.constant 0 : i32
        %scatter3A_1137 = tpu.memref_slice %arg5[%scan3A_559, %scatter3A_1135, %scatter3A_1136] : memref<2x1024x16xf32, #tpu.memory_space<vmem>> -> memref<1x1024x16xf32, #tpu.memory_space<vmem>>
        %scatter3A_1138 = tpu.memref_squeeze %scatter3A_1137 : memref<1x1024x16xf32, #tpu.memory_space<vmem>> -> memref<1024x16xf32, #tpu.memory_space<vmem>>
        tpu.vector_store_idx %scatter3A_1138[%add3A_972, %broadcast_in_dim3A_13], %get3A_1025 : memref<1024x16xf32, #tpu.memory_space<vmem>>[vector<16xi32>, vector<16xi32>], vector<16xf32>,
        %scatter3A_1139 = arith.constant 0 : i32
        %scatter3A_1140 = arith.constant 0 : i32
        %scatter3A_1141 = tpu.memref_slice %arg5[%scan3A_559, %scatter3A_1139, %scatter3A_1140] : memref<2x1024x16xf32, #tpu.memory_space<vmem>> -> memref<1x1024x16xf32, #tpu.memory_space<vmem>>
        %scatter3A_1142 = tpu.memref_squeeze %scatter3A_1141 : memref<1x1024x16xf32, #tpu.memory_space<vmem>> -> memref<1024x16xf32, #tpu.memory_space<vmem>>
        tpu.vector_store_idx %scatter3A_1142[%add3A_972, %broadcast_in_dim3A_15], %get3A_1034 : memref<1024x16xf32, #tpu.memory_space<vmem>>[vector<16xi32>, vector<16xi32>], vector<16xf32>,
        %scatter3A_1143 = arith.constant 0 : i32
        %scatter3A_1144 = arith.constant 0 : i32
        %scatter3A_1145 = tpu.memref_slice %arg5[%scan3A_559, %scatter3A_1143, %scatter3A_1144] : memref<2x1024x16xf32, #tpu.memory_space<vmem>> -> memref<1x1024x16xf32, #tpu.memory_space<vmem>>
        %scatter3A_1146 = tpu.memref_squeeze %scatter3A_1145 : memref<1x1024x16xf32, #tpu.memory_space<vmem>> -> memref<1024x16xf32, #tpu.memory_space<vmem>>
        tpu.vector_store_idx %scatter3A_1146[%add3A_972, %broadcast_in_dim3A_17], %get3A_1043 : memref<1024x16xf32, #tpu.memory_space<vmem>>[vector<16xi32>, vector<16xi32>], vector<16xf32>,
        %scatter3A_1147 = arith.constant 0 : i32
        %scatter3A_1148 = arith.constant 0 : i32
        %scatter3A_1149 = tpu.memref_slice %arg5[%scan3A_559, %scatter3A_1147, %scatter3A_1148] : memref<2x1024x16xf32, #tpu.memory_space<vmem>> -> memref<1x1024x16xf32, #tpu.memory_space<vmem>>
        %scatter3A_1150 = tpu.memref_squeeze %scatter3A_1149 : memref<1x1024x16xf32, #tpu.memory_space<vmem>> -> memref<1024x16xf32, #tpu.memory_space<vmem>>
        tpu.vector_store_idx %scatter3A_1150[%add3A_972, %broadcast_in_dim3A_19], %get3A_1052 : memref<1024x16xf32, #tpu.memory_space<vmem>>[vector<16xi32>, vector<16xi32>], vector<16xf32>,
        %scatter3A_1151 = arith.constant 0 : i32
        %scatter3A_1152 = arith.constant 0 : i32
        %scatter3A_1153 = tpu.memref_slice %arg5[%scan3A_559, %scatter3A_1151, %scatter3A_1152] : memref<2x1024x16xf32, #tpu.memory_space<vmem>> -> memref<1x1024x16xf32, #tpu.memory_space<vmem>>
        %scatter3A_1154 = tpu.memref_squeeze %scatter3A_1153 : memref<1x1024x16xf32, #tpu.memory_space<vmem>> -> memref<1024x16xf32, #tpu.memory_space<vmem>>
        tpu.vector_store_idx %scatter3A_1154[%add3A_972, %broadcast_in_dim3A_21], %get3A_1061 : memref<1024x16xf32, #tpu.memory_space<vmem>>[vector<16xi32>, vector<16xi32>], vector<16xf32>,
        %scatter3A_1155 = arith.constant 0 : i32
        %scatter3A_1156 = arith.constant 0 : i32
        %scatter3A_1157 = tpu.memref_slice %arg5[%scan3A_559, %scatter3A_1155, %scatter3A_1156] : memref<2x1024x16xf32, #tpu.memory_space<vmem>> -> memref<1x1024x16xf32, #tpu.memory_space<vmem>>
        %scatter3A_1158 = tpu.memref_squeeze %scatter3A_1157 : memref<1x1024x16xf32, #tpu.memory_space<vmem>> -> memref<1024x16xf32, #tpu.memory_space<vmem>>
        tpu.vector_store_idx %scatter3A_1158[%add3A_972, %broadcast_in_dim3A_23], %get3A_1070 : memref<1024x16xf32, #tpu.memory_space<vmem>>[vector<16xi32>, vector<16xi32>], vector<16xf32>,
        %scatter3A_1159 = arith.constant 0 : i32
        %scatter3A_1160 = arith.constant 0 : i32
        %scatter3A_1161 = tpu.memref_slice %arg5[%scan3A_559, %scatter3A_1159, %scatter3A_1160] : memref<2x1024x16xf32, #tpu.memory_space<vmem>> -> memref<1x1024x16xf32, #tpu.memory_space<vmem>>
        %scatter3A_1162 = tpu.memref_squeeze %scatter3A_1161 : memref<1x1024x16xf32, #tpu.memory_space<vmem>> -> memref<1024x16xf32, #tpu.memory_space<vmem>>
        tpu.vector_store_idx %scatter3A_1162[%add3A_972, %broadcast_in_dim3A_25], %get3A_1079 : memref<1024x16xf32, #tpu.memory_space<vmem>>[vector<16xi32>, vector<16xi32>], vector<16xf32>,
        %scatter3A_1163 = arith.constant 0 : i32
        %scatter3A_1164 = arith.constant 0 : i32
        %scatter3A_1165 = tpu.memref_slice %arg5[%scan3A_559, %scatter3A_1163, %scatter3A_1164] : memref<2x1024x16xf32, #tpu.memory_space<vmem>> -> memref<1x1024x16xf32, #tpu.memory_space<vmem>>
        %scatter3A_1166 = tpu.memref_squeeze %scatter3A_1165 : memref<1x1024x16xf32, #tpu.memory_space<vmem>> -> memref<1024x16xf32, #tpu.memory_space<vmem>>
        tpu.vector_store_idx %scatter3A_1166[%add3A_972, %broadcast_in_dim3A_27], %get3A_1088 : memref<1024x16xf32, #tpu.memory_space<vmem>>[vector<16xi32>, vector<16xi32>], vector<16xf32>,
        %scatter3A_1167 = arith.constant 0 : i32
        %scatter3A_1168 = arith.constant 0 : i32
        %scatter3A_1169 = tpu.memref_slice %arg5[%scan3A_559, %scatter3A_1167, %scatter3A_1168] : memref<2x1024x16xf32, #tpu.memory_space<vmem>> -> memref<1x1024x16xf32, #tpu.memory_space<vmem>>
        %scatter3A_1170 = tpu.memref_squeeze %scatter3A_1169 : memref<1x1024x16xf32, #tpu.memory_space<vmem>> -> memref<1024x16xf32, #tpu.memory_space<vmem>>
        tpu.vector_store_idx %scatter3A_1170[%add3A_972, %broadcast_in_dim3A_29], %get3A_1097 : memref<1024x16xf32, #tpu.memory_space<vmem>>[vector<16xi32>, vector<16xi32>], vector<16xf32>,
        %scatter3A_1171 = arith.constant 0 : i32
        %scatter3A_1172 = arith.constant 0 : i32
        %scatter3A_1173 = tpu.memref_slice %arg5[%scan3A_559, %scatter3A_1171, %scatter3A_1172] : memref<2x1024x16xf32, #tpu.memory_space<vmem>> -> memref<1x1024x16xf32, #tpu.memory_space<vmem>>
        %scatter3A_1174 = tpu.memref_squeeze %scatter3A_1173 : memref<1x1024x16xf32, #tpu.memory_space<vmem>> -> memref<1024x16xf32, #tpu.memory_space<vmem>>
        tpu.vector_store_idx %scatter3A_1174[%add3A_972, %broadcast_in_dim3A_31], %get3A_1106 : memref<1024x16xf32, #tpu.memory_space<vmem>>[vector<16xi32>, vector<16xi32>], vector<16xf32>,
        %scatter3A_1175 = arith.constant 0 : i32
        %scatter3A_1176 = arith.constant 0 : i32
        %scatter3A_1177 = tpu.memref_slice %arg5[%scan3A_559, %scatter3A_1175, %scatter3A_1176] : memref<2x1024x16xf32, #tpu.memory_space<vmem>> -> memref<1x1024x16xf32, #tpu.memory_space<vmem>>
        %scatter3A_1178 = tpu.memref_squeeze %scatter3A_1177 : memref<1x1024x16xf32, #tpu.memory_space<vmem>> -> memref<1024x16xf32, #tpu.memory_space<vmem>>
        tpu.vector_store_idx %scatter3A_1178[%add3A_972, %broadcast_in_dim3A_33], %get3A_1115 : memref<1024x16xf32, #tpu.memory_space<vmem>>[vector<16xi32>, vector<16xi32>], vector<16xf32>,
      }
      %scan3A_564 = arith.constant 64 : i32
      %mul3A_565 = arith.constant 1024 : i32
      %mul3A_566 = arith.muli %add3A_519, %mul3A_565 : i32
      %dma_start3A_567 = arith.constant 1 : i32
      %dma_start3A_568 = arith.constant 0 : i32
      %dma_start3A_569 = arith.constant 0 : i32
      %dma_start3A_570 = tpu.memref_slice %arg5[%dma_start3A_567, %dma_start3A_568, %dma_start3A_569] : memref<2x1024x16xf32, #tpu.memory_space<vmem>> -> memref<1x1024x16xf32, #tpu.memory_space<vmem>>
      %dma_start3A_571 = tpu.memref_squeeze %dma_start3A_570 : memref<1x1024x16xf32, #tpu.memory_space<vmem>> -> memref<1024x16xf32, #tpu.memory_space<vmem>>
      %dma_start3A_572 = arith.constant 0 : i32
      %dma_start3A_573 = tpu.memref_slice %arg3[%mul3A_566, %dma_start3A_572] : memref<851968x16xf32, #tpu.memory_space<hbm>> -> memref<1024x16xf32, #tpu.memory_space<hbm>>
      %dma_start3A_574 = arith.constant 0 : i32
      %dma_start3A_575 = tpu.memref_slice %arg3[%mul3A_566, %dma_start3A_574] : memref<851968x16xf32, #tpu.memory_space<hbm>> -> memref<1024x16xf32, #tpu.memory_space<hbm>>
      %dma_start3A_576 = arith.constant 0 : i32
      %dma_start3A_577 = arith.constant 0 : i32
      %dma_start3A_578 = tpu.memref_slice %arg5[%dma_start3A_567, %dma_start3A_576, %dma_start3A_577] : memref<2x1024x16xf32, #tpu.memory_space<vmem>> -> memref<1x1024x16xf32, #tpu.memory_space<vmem>>
      %dma_start3A_579 = tpu.memref_squeeze %dma_start3A_578 : memref<1x1024x16xf32, #tpu.memory_space<vmem>> -> memref<1024x16xf32, #tpu.memory_space<vmem>>
      tpu.enqueue_dma source(%dma_start3A_579 : memref<1024x16xf32, #tpu.memory_space<vmem>>) target(%dma_start3A_575 : memref<1024x16xf32, #tpu.memory_space<hbm>>) target_semaphore(%arg10 : memref<!tpu.dma_semaphore, #tpu.memory_space<semaphore_mem>>)
      %add3A_580 = arith.constant 3 : i32
      %add3A_581 = arith.addi %add3A_519, %add3A_580 : i32
      %min3A_582 = arith.constant 831 : i32
      %min3A_583 = arith.minsi %add3A_581, %min3A_582 : i32
      %mul3A_584 = arith.constant 8 : i32
      %mul3A_585 = arith.muli %min3A_583, %mul3A_584 : i32
      %dma_start3A_586 = arith.constant 1 : i32
      %dma_start3A_587 = arith.constant 0 : i32
      %dma_start3A_588 = arith.constant 0 : i32
      %dma_start3A_589 = arith.constant 0 : i32
      %dma_start3A_590 = arith.constant 0 : i32
      %dma_start3A_591 = tpu.memref_slice %arg4[%dma_start3A_586, %dma_start3A_587, %dma_start3A_588, %dma_start3A_589, %dma_start3A_590] : memref<3x2x8x8x128xf32, #tpu.memory_space<vmem>> -> memref<1x2x8x8x128xf32, #tpu.memory_space<vmem>>
      %dma_start3A_592 = tpu.memref_squeeze %dma_start3A_591 : memref<1x2x8x8x128xf32, #tpu.memory_space<vmem>> -> memref<2x8x8x128xf32, #tpu.memory_space<vmem>>
      %dma_start3A_593 = arith.constant 0 : i32
      %dma_start3A_594 = arith.constant 0 : i32
      %dma_start3A_595 = arith.constant 0 : i32
      %dma_start3A_596 = tpu.memref_slice %arg2[%dma_start3A_593, %mul3A_585, %dma_start3A_594, %dma_start3A_595] : memref<2x6656x8x128xf32, #tpu.memory_space<hbm>> -> memref<2x8x8x128xf32, #tpu.memory_space<hbm>>
      %dma_start3A_597 = arith.constant 0 : i32
      %dma_start3A_598 = arith.constant 0 : i32
      %dma_start3A_599 = arith.constant 0 : i32
      %dma_start3A_600 = arith.constant 0 : i32
      %dma_start3A_601 = tpu.memref_slice %arg4[%dma_start3A_586, %dma_start3A_597, %dma_start3A_598, %dma_start3A_599, %dma_start3A_600] : memref<3x2x8x8x128xf32, #tpu.memory_space<vmem>> -> memref<1x2x8x8x128xf32, #tpu.memory_space<vmem>>
      %dma_start3A_602 = tpu.memref_squeeze %dma_start3A_601 : memref<1x2x8x8x128xf32, #tpu.memory_space<vmem>> -> memref<2x8x8x128xf32, #tpu.memory_space<vmem>>
      %dma_start3A_603 = arith.constant 0 : i32
      %dma_start3A_604 = arith.constant 0 : i32
      %dma_start3A_605 = arith.constant 0 : i32
      %dma_start3A_606 = tpu.memref_slice %arg2[%dma_start3A_603, %mul3A_585, %dma_start3A_604, %dma_start3A_605] : memref<2x6656x8x128xf32, #tpu.memory_space<hbm>> -> memref<2x8x8x128xf32, #tpu.memory_space<hbm>>
      tpu.enqueue_dma source(%dma_start3A_606 : memref<2x8x8x128xf32, #tpu.memory_space<hbm>>) target(%dma_start3A_602 : memref<2x8x8x128xf32, #tpu.memory_space<vmem>>) target_semaphore(%arg7 : memref<!tpu.dma_semaphore, #tpu.memory_space<semaphore_mem>>)
      %add3A_607 = arith.constant 2 : i32
      %add3A_608 = arith.addi %add3A_428, %add3A_607 : i32
      %dma_wait3A_609 = arith.constant 2 : i32
      %dma_wait3A_610 = arith.constant 0 : i32
      %dma_wait3A_611 = arith.constant 0 : i32
      %dma_wait3A_612 = arith.constant 0 : i32
      %dma_wait3A_613 = arith.constant 0 : i32
      %dma_wait3A_614 = tpu.memref_slice %arg4[%dma_wait3A_609, %dma_wait3A_610, %dma_wait3A_611, %dma_wait3A_612, %dma_wait3A_613] : memref<3x2x8x8x128xf32, #tpu.memory_space<vmem>> -> memref<1x2x8x8x128xf32, #tpu.memory_space<vmem>>
      %dma_wait3A_615 = tpu.memref_squeeze %dma_wait3A_614 : memref<1x2x8x8x128xf32, #tpu.memory_space<vmem>> -> memref<2x8x8x128xf32, #tpu.memory_space<vmem>>
      %dma_wait3A_616 = arith.constant 0 : i32
      %dma_wait3A_617 = arith.constant 0 : i32
      %dma_wait3A_618 = arith.constant 0 : i32
      %dma_wait3A_619 = arith.constant 0 : i32
      %dma_wait3A_620 = tpu.memref_slice %arg2[%dma_wait3A_616, %dma_wait3A_617, %dma_wait3A_618, %dma_wait3A_619] : memref<2x6656x8x128xf32, #tpu.memory_space<hbm>> -> memref<2x8x8x128xf32, #tpu.memory_space<hbm>>
      %dma_wait3A_621 = arith.constant 0 : i32
      %dma_wait3A_622 = arith.constant 0 : i32
      %dma_wait3A_623 = arith.constant 0 : i32
      %dma_wait3A_624 = arith.constant 0 : i32
      %dma_wait3A_625 = tpu.memref_slice %arg4[%dma_wait3A_609, %dma_wait3A_621, %dma_wait3A_622, %dma_wait3A_623, %dma_wait3A_624] : memref<3x2x8x8x128xf32, #tpu.memory_space<vmem>> -> memref<1x2x8x8x128xf32, #tpu.memory_space<vmem>>
      %dma_wait3A_626 = tpu.memref_squeeze %dma_wait3A_625 : memref<1x2x8x8x128xf32, #tpu.memory_space<vmem>> -> memref<2x8x8x128xf32, #tpu.memory_space<vmem>>
      %dma_wait3A_627 = arith.constant 0 : i32
      %dma_wait3A_628 = arith.constant 0 : i32
      %dma_wait3A_629 = arith.constant 0 : i32
      %dma_wait3A_630 = arith.constant 0 : i32
      %dma_wait3A_631 = tpu.memref_slice %arg2[%dma_wait3A_627, %dma_wait3A_628, %dma_wait3A_629, %dma_wait3A_630] : memref<2x6656x8x128xf32, #tpu.memory_space<hbm>> -> memref<2x8x8x128xf32, #tpu.memory_space<hbm>>
      tpu.wait_dma2 semaphore(%arg8 : memref<!tpu.dma_semaphore, #tpu.memory_space<semaphore_mem>>) src(%dma_wait3A_631 : memref<2x8x8x128xf32, #tpu.memory_space<hbm>>) dst(%dma_wait3A_626 : memref<2x8x8x128xf32, #tpu.memory_space<vmem>>)
      %dma_wait3A_632 = arith.constant 0 : i32
      %dma_wait3A_633 = arith.constant 0 : i32
      %dma_wait3A_634 = arith.constant 0 : i32
      %dma_wait3A_635 = tpu.memref_slice %arg5[%dma_wait3A_632, %dma_wait3A_633, %dma_wait3A_634] : memref<2x1024x16xf32, #tpu.memory_space<vmem>> -> memref<1x1024x16xf32, #tpu.memory_space<vmem>>
      %dma_wait3A_636 = tpu.memref_squeeze %dma_wait3A_635 : memref<1x1024x16xf32, #tpu.memory_space<vmem>> -> memref<1024x16xf32, #tpu.memory_space<vmem>>
      %dma_wait3A_637 = arith.constant 0 : i32
      %dma_wait3A_638 = arith.constant 0 : i32
      %dma_wait3A_639 = tpu.memref_slice %arg3[%dma_wait3A_637, %dma_wait3A_638] : memref<851968x16xf32, #tpu.memory_space<hbm>> -> memref<1024x16xf32, #tpu.memory_space<hbm>>
      %dma_wait3A_640 = arith.constant 0 : i32
      %dma_wait3A_641 = arith.constant 0 : i32
      %dma_wait3A_642 = tpu.memref_slice %arg3[%dma_wait3A_640, %dma_wait3A_641] : memref<851968x16xf32, #tpu.memory_space<hbm>> -> memref<1024x16xf32, #tpu.memory_space<hbm>>
      %dma_wait3A_643 = arith.constant 0 : i32
      %dma_wait3A_644 = arith.constant 0 : i32
      %dma_wait3A_645 = tpu.memref_slice %arg5[%dma_wait3A_632, %dma_wait3A_643, %dma_wait3A_644] : memref<2x1024x16xf32, #tpu.memory_space<vmem>> -> memref<1x1024x16xf32, #tpu.memory_space<vmem>>
      %dma_wait3A_646 = tpu.memref_squeeze %dma_wait3A_645 : memref<1x1024x16xf32, #tpu.memory_space<vmem>> -> memref<1024x16xf32, #tpu.memory_space<vmem>>
      tpu.wait_dma2 semaphore(%arg9 : memref<!tpu.dma_semaphore, #tpu.memory_space<semaphore_mem>>) src(%dma_wait3A_646 : memref<1024x16xf32, #tpu.memory_space<vmem>>) dst(%dma_wait3A_642 : memref<1024x16xf32, #tpu.memory_space<hbm>>)
      %scan3A_647 = arith.constant 0 : i32
      %scan3A_648 = arith.constant 0 : i32
      %scan3A_649 = arith.constant 0 : i32
      %scan3A_650 = arith.constant 64 : i32
      %scan3A_651 = arith.addi %scan3A_649, %scan3A_650 : i32
      %scan3A_652 = arith.constant 1 : i32
      scf.for %scan3A_963 = %scan3A_649 to %scan3A_651 step %scan3A_652  : i32 {
        %shift_right_arithmetic3A = arith.constant 3 : i32
        %shift_right_arithmetic3A_964 = arith.shrsi %scan3A_963, %shift_right_arithmetic3A : i32
        %and3A = arith.constant 7 : i32
        %and3A_965 = arith.andi %scan3A_963, %and3A : i32
        %mul3A_966 = arith.constant 16 : i32
        %mul3A_967 = arith.muli %and3A_965, %mul3A_966 : i32
        %mul3A_968 = arith.constant 128 : i32
        %mul3A_969 = arith.muli %shift_right_arithmetic3A_964, %mul3A_968 : i32
        %add3A_970 = arith.addi %mul3A_969, %mul3A_967 : i32
        %add3A_971 = vector.broadcast %add3A_970 : i32 to vector<16xi32>
        %add3A_972 = arith.addi %add3A_971, %iota3A : vector<16xi32>
        %get3A = arith.constant 2 : i32
        %get3A_973 = arith.constant 0 : i32
        %get3A_974 = arith.constant 0 : i32
        %get3A_975 = arith.index_cast %get3A : i32 to index
        %get3A_976 = arith.index_cast %get3A_973 : i32 to index
        %get3A_977 = arith.index_cast %shift_right_arithmetic3A_964 : i32 to index
        %get3A_978 = arith.index_cast %get3A_974 : i32 to index
        %get3A_979 = arith.index_cast %mul3A_967 : i32 to index
        %get3A_980 = tpu.vector_load %arg4[%get3A_975, %get3A_976, %get3A_977, %get3A_978, %get3A_979] {strides = array<i32>} : memref<3x2x8x8x128xf32, #tpu.memory_space<vmem>>, vector<16xf32>,
        %get3A_981 = arith.constant 2 : i32
        %get3A_982 = arith.constant 0 : i32
        %get3A_983 = arith.constant 1 : i32
        %get3A_984 = arith.index_cast %get3A_981 : i32 to index
        %get3A_985 = arith.index_cast %get3A_982 : i32 to index
        %get3A_986 = arith.index_cast %shift_right_arithmetic3A_964 : i32 to index
        %get3A_987 = arith.index_cast %get3A_983 : i32 to index
        %get3A_988 = arith.index_cast %mul3A_967 : i32 to index
        %get3A_989 = tpu.vector_load %arg4[%get3A_984, %get3A_985, %get3A_986, %get3A_987, %get3A_988] {strides = array<i32>} : memref<3x2x8x8x128xf32, #tpu.memory_space<vmem>>, vector<16xf32>,
        %get3A_990 = arith.constant 2 : i32
        %get3A_991 = arith.constant 0 : i32
        %get3A_992 = arith.constant 2 : i32
        %get3A_993 = arith.index_cast %get3A_990 : i32 to index
        %get3A_994 = arith.index_cast %get3A_991 : i32 to index
        %get3A_995 = arith.index_cast %shift_right_arithmetic3A_964 : i32 to index
        %get3A_996 = arith.index_cast %get3A_992 : i32 to index
        %get3A_997 = arith.index_cast %mul3A_967 : i32 to index
        %get3A_998 = tpu.vector_load %arg4[%get3A_993, %get3A_994, %get3A_995, %get3A_996, %get3A_997] {strides = array<i32>} : memref<3x2x8x8x128xf32, #tpu.memory_space<vmem>>, vector<16xf32>,
        %get3A_999 = arith.constant 2 : i32
        %get3A_1000 = arith.constant 0 : i32
        %get3A_1001 = arith.constant 3 : i32
        %get3A_1002 = arith.index_cast %get3A_999 : i32 to index
        %get3A_1003 = arith.index_cast %get3A_1000 : i32 to index
        %get3A_1004 = arith.index_cast %shift_right_arithmetic3A_964 : i32 to index
        %get3A_1005 = arith.index_cast %get3A_1001 : i32 to index
        %get3A_1006 = arith.index_cast %mul3A_967 : i32 to index
        %get3A_1007 = tpu.vector_load %arg4[%get3A_1002, %get3A_1003, %get3A_1004, %get3A_1005, %get3A_1006] {strides = array<i32>} : memref<3x2x8x8x128xf32, #tpu.memory_space<vmem>>, vector<16xf32>,
        %get3A_1008 = arith.constant 2 : i32
        %get3A_1009 = arith.constant 0 : i32
        %get3A_1010 = arith.constant 4 : i32
        %get3A_1011 = arith.index_cast %get3A_1008 : i32 to index
        %get3A_1012 = arith.index_cast %get3A_1009 : i32 to index
        %get3A_1013 = arith.index_cast %shift_right_arithmetic3A_964 : i32 to index
        %get3A_1014 = arith.index_cast %get3A_1010 : i32 to index
        %get3A_1015 = arith.index_cast %mul3A_967 : i32 to index
        %get3A_1016 = tpu.vector_load %arg4[%get3A_1011, %get3A_1012, %get3A_1013, %get3A_1014, %get3A_1015] {strides = array<i32>} : memref<3x2x8x8x128xf32, #tpu.memory_space<vmem>>, vector<16xf32>,
        %get3A_1017 = arith.constant 2 : i32
        %get3A_1018 = arith.constant 0 : i32
        %get3A_1019 = arith.constant 5 : i32
        %get3A_1020 = arith.index_cast %get3A_1017 : i32 to index
        %get3A_1021 = arith.index_cast %get3A_1018 : i32 to index
        %get3A_1022 = arith.index_cast %shift_right_arithmetic3A_964 : i32 to index
        %get3A_1023 = arith.index_cast %get3A_1019 : i32 to index
        %get3A_1024 = arith.index_cast %mul3A_967 : i32 to index
        %get3A_1025 = tpu.vector_load %arg4[%get3A_1020, %get3A_1021, %get3A_1022, %get3A_1023, %get3A_1024] {strides = array<i32>} : memref<3x2x8x8x128xf32, #tpu.memory_space<vmem>>, vector<16xf32>,
        %get3A_1026 = arith.constant 2 : i32
        %get3A_1027 = arith.constant 0 : i32
        %get3A_1028 = arith.constant 6 : i32
        %get3A_1029 = arith.index_cast %get3A_1026 : i32 to index
        %get3A_1030 = arith.index_cast %get3A_1027 : i32 to index
        %get3A_1031 = arith.index_cast %shift_right_arithmetic3A_964 : i32 to index
        %get3A_1032 = arith.index_cast %get3A_1028 : i32 to index
        %get3A_1033 = arith.index_cast %mul3A_967 : i32 to index
        %get3A_1034 = tpu.vector_load %arg4[%get3A_1029, %get3A_1030, %get3A_1031, %get3A_1032, %get3A_1033] {strides = array<i32>} : memref<3x2x8x8x128xf32, #tpu.memory_space<vmem>>, vector<16xf32>,
        %get3A_1035 = arith.constant 2 : i32
        %get3A_1036 = arith.constant 0 : i32
        %get3A_1037 = arith.constant 7 : i32
        %get3A_1038 = arith.index_cast %get3A_1035 : i32 to index
        %get3A_1039 = arith.index_cast %get3A_1036 : i32 to index
        %get3A_1040 = arith.index_cast %shift_right_arithmetic3A_964 : i32 to index
        %get3A_1041 = arith.index_cast %get3A_1037 : i32 to index
        %get3A_1042 = arith.index_cast %mul3A_967 : i32 to index
        %get3A_1043 = tpu.vector_load %arg4[%get3A_1038, %get3A_1039, %get3A_1040, %get3A_1041, %get3A_1042] {strides = array<i32>} : memref<3x2x8x8x128xf32, #tpu.memory_space<vmem>>, vector<16xf32>,
        %get3A_1044 = arith.constant 2 : i32
        %get3A_1045 = arith.constant 1 : i32
        %get3A_1046 = arith.constant 0 : i32
        %get3A_1047 = arith.index_cast %get3A_1044 : i32 to index
        %get3A_1048 = arith.index_cast %get3A_1045 : i32 to index
        %get3A_1049 = arith.index_cast %shift_right_arithmetic3A_964 : i32 to index
        %get3A_1050 = arith.index_cast %get3A_1046 : i32 to index
        %get3A_1051 = arith.index_cast %mul3A_967 : i32 to index
        %get3A_1052 = tpu.vector_load %arg4[%get3A_1047, %get3A_1048, %get3A_1049, %get3A_1050, %get3A_1051] {strides = array<i32>} : memref<3x2x8x8x128xf32, #tpu.memory_space<vmem>>, vector<16xf32>,
        %get3A_1053 = arith.constant 2 : i32
        %get3A_1054 = arith.constant 1 : i32
        %get3A_1055 = arith.constant 1 : i32
        %get3A_1056 = arith.index_cast %get3A_1053 : i32 to index
        %get3A_1057 = arith.index_cast %get3A_1054 : i32 to index
        %get3A_1058 = arith.index_cast %shift_right_arithmetic3A_964 : i32 to index
        %get3A_1059 = arith.index_cast %get3A_1055 : i32 to index
        %get3A_1060 = arith.index_cast %mul3A_967 : i32 to index
        %get3A_1061 = tpu.vector_load %arg4[%get3A_1056, %get3A_1057, %get3A_1058, %get3A_1059, %get3A_1060] {strides = array<i32>} : memref<3x2x8x8x128xf32, #tpu.memory_space<vmem>>, vector<16xf32>,
        %get3A_1062 = arith.constant 2 : i32
        %get3A_1063 = arith.constant 1 : i32
        %get3A_1064 = arith.constant 2 : i32
        %get3A_1065 = arith.index_cast %get3A_1062 : i32 to index
        %get3A_1066 = arith.index_cast %get3A_1063 : i32 to index
        %get3A_1067 = arith.index_cast %shift_right_arithmetic3A_964 : i32 to index
        %get3A_1068 = arith.index_cast %get3A_1064 : i32 to index
        %get3A_1069 = arith.index_cast %mul3A_967 : i32 to index
        %get3A_1070 = tpu.vector_load %arg4[%get3A_1065, %get3A_1066, %get3A_1067, %get3A_1068, %get3A_1069] {strides = array<i32>} : memref<3x2x8x8x128xf32, #tpu.memory_space<vmem>>, vector<16xf32>,
        %get3A_1071 = arith.constant 2 : i32
        %get3A_1072 = arith.constant 1 : i32
        %get3A_1073 = arith.constant 3 : i32
        %get3A_1074 = arith.index_cast %get3A_1071 : i32 to index
        %get3A_1075 = arith.index_cast %get3A_1072 : i32 to index
        %get3A_1076 = arith.index_cast %shift_right_arithmetic3A_964 : i32 to index
        %get3A_1077 = arith.index_cast %get3A_1073 : i32 to index
        %get3A_1078 = arith.index_cast %mul3A_967 : i32 to index
        %get3A_1079 = tpu.vector_load %arg4[%get3A_1074, %get3A_1075, %get3A_1076, %get3A_1077, %get3A_1078] {strides = array<i32>} : memref<3x2x8x8x128xf32, #tpu.memory_space<vmem>>, vector<16xf32>,
        %get3A_1080 = arith.constant 2 : i32
        %get3A_1081 = arith.constant 1 : i32
        %get3A_1082 = arith.constant 4 : i32
        %get3A_1083 = arith.index_cast %get3A_1080 : i32 to index
        %get3A_1084 = arith.index_cast %get3A_1081 : i32 to index
        %get3A_1085 = arith.index_cast %shift_right_arithmetic3A_964 : i32 to index
        %get3A_1086 = arith.index_cast %get3A_1082 : i32 to index
        %get3A_1087 = arith.index_cast %mul3A_967 : i32 to index
        %get3A_1088 = tpu.vector_load %arg4[%get3A_1083, %get3A_1084, %get3A_1085, %get3A_1086, %get3A_1087] {strides = array<i32>} : memref<3x2x8x8x128xf32, #tpu.memory_space<vmem>>, vector<16xf32>,
        %get3A_1089 = arith.constant 2 : i32
        %get3A_1090 = arith.constant 1 : i32
        %get3A_1091 = arith.constant 5 : i32
        %get3A_1092 = arith.index_cast %get3A_1089 : i32 to index
        %get3A_1093 = arith.index_cast %get3A_1090 : i32 to index
        %get3A_1094 = arith.index_cast %shift_right_arithmetic3A_964 : i32 to index
        %get3A_1095 = arith.index_cast %get3A_1091 : i32 to index
        %get3A_1096 = arith.index_cast %mul3A_967 : i32 to index
        %get3A_1097 = tpu.vector_load %arg4[%get3A_1092, %get3A_1093, %get3A_1094, %get3A_1095, %get3A_1096] {strides = array<i32>} : memref<3x2x8x8x128xf32, #tpu.memory_space<vmem>>, vector<16xf32>,
        %get3A_1098 = arith.constant 2 : i32
        %get3A_1099 = arith.constant 1 : i32
        %get3A_1100 = arith.constant 6 : i32
        %get3A_1101 = arith.index_cast %get3A_1098 : i32 to index
        %get3A_1102 = arith.index_cast %get3A_1099 : i32 to index
        %get3A_1103 = arith.index_cast %shift_right_arithmetic3A_964 : i32 to index
        %get3A_1104 = arith.index_cast %get3A_1100 : i32 to index
        %get3A_1105 = arith.index_cast %mul3A_967 : i32 to index
        %get3A_1106 = tpu.vector_load %arg4[%get3A_1101, %get3A_1102, %get3A_1103, %get3A_1104, %get3A_1105] {strides = array<i32>} : memref<3x2x8x8x128xf32, #tpu.memory_space<vmem>>, vector<16xf32>,
        %get3A_1107 = arith.constant 2 : i32
        %get3A_1108 = arith.constant 1 : i32
        %get3A_1109 = arith.constant 7 : i32
        %get3A_1110 = arith.index_cast %get3A_1107 : i32 to index
        %get3A_1111 = arith.index_cast %get3A_1108 : i32 to index
        %get3A_1112 = arith.index_cast %shift_right_arithmetic3A_964 : i32 to index
        %get3A_1113 = arith.index_cast %get3A_1109 : i32 to index
        %get3A_1114 = arith.index_cast %mul3A_967 : i32 to index
        %get3A_1115 = tpu.vector_load %arg4[%get3A_1110, %get3A_1111, %get3A_1112, %get3A_1113, %get3A_1114] {strides = array<i32>} : memref<3x2x8x8x128xf32, #tpu.memory_space<vmem>>, vector<16xf32>,
        %scatter3A = arith.constant 0 : i32
        %scatter3A_1116 = arith.constant 0 : i32
        %scatter3A_1117 = tpu.memref_slice %arg5[%scan3A_648, %scatter3A, %scatter3A_1116] : memref<2x1024x16xf32, #tpu.memory_space<vmem>> -> memref<1x1024x16xf32, #tpu.memory_space<vmem>>
        %scatter3A_1118 = tpu.memref_squeeze %scatter3A_1117 : memref<1x1024x16xf32, #tpu.memory_space<vmem>> -> memref<1024x16xf32, #tpu.memory_space<vmem>>
        tpu.vector_store_idx %scatter3A_1118[%add3A_972, %broadcast_in_dim3A_3], %get3A_980 : memref<1024x16xf32, #tpu.memory_space<vmem>>[vector<16xi32>, vector<16xi32>], vector<16xf32>,
        %scatter3A_1119 = arith.constant 0 : i32
        %scatter3A_1120 = arith.constant 0 : i32
        %scatter3A_1121 = tpu.memref_slice %arg5[%scan3A_648, %scatter3A_1119, %scatter3A_1120] : memref<2x1024x16xf32, #tpu.memory_space<vmem>> -> memref<1x1024x16xf32, #tpu.memory_space<vmem>>
        %scatter3A_1122 = tpu.memref_squeeze %scatter3A_1121 : memref<1x1024x16xf32, #tpu.memory_space<vmem>> -> memref<1024x16xf32, #tpu.memory_space<vmem>>
        tpu.vector_store_idx %scatter3A_1122[%add3A_972, %broadcast_in_dim3A_5], %get3A_989 : memref<1024x16xf32, #tpu.memory_space<vmem>>[vector<16xi32>, vector<16xi32>], vector<16xf32>,
        %scatter3A_1123 = arith.constant 0 : i32
        %scatter3A_1124 = arith.constant 0 : i32
        %scatter3A_1125 = tpu.memref_slice %arg5[%scan3A_648, %scatter3A_1123, %scatter3A_1124] : memref<2x1024x16xf32, #tpu.memory_space<vmem>> -> memref<1x1024x16xf32, #tpu.memory_space<vmem>>
        %scatter3A_1126 = tpu.memref_squeeze %scatter3A_1125 : memref<1x1024x16xf32, #tpu.memory_space<vmem>> -> memref<1024x16xf32, #tpu.memory_space<vmem>>
        tpu.vector_store_idx %scatter3A_1126[%add3A_972, %broadcast_in_dim3A_7], %get3A_998 : memref<1024x16xf32, #tpu.memory_space<vmem>>[vector<16xi32>, vector<16xi32>], vector<16xf32>,
        %scatter3A_1127 = arith.constant 0 : i32
        %scatter3A_1128 = arith.constant 0 : i32
        %scatter3A_1129 = tpu.memref_slice %arg5[%scan3A_648, %scatter3A_1127, %scatter3A_1128] : memref<2x1024x16xf32, #tpu.memory_space<vmem>> -> memref<1x1024x16xf32, #tpu.memory_space<vmem>>
        %scatter3A_1130 = tpu.memref_squeeze %scatter3A_1129 : memref<1x1024x16xf32, #tpu.memory_space<vmem>> -> memref<1024x16xf32, #tpu.memory_space<vmem>>
        tpu.vector_store_idx %scatter3A_1130[%add3A_972, %broadcast_in_dim3A_9], %get3A_1007 : memref<1024x16xf32, #tpu.memory_space<vmem>>[vector<16xi32>, vector<16xi32>], vector<16xf32>,
        %scatter3A_1131 = arith.constant 0 : i32
        %scatter3A_1132 = arith.constant 0 : i32
        %scatter3A_1133 = tpu.memref_slice %arg5[%scan3A_648, %scatter3A_1131, %scatter3A_1132] : memref<2x1024x16xf32, #tpu.memory_space<vmem>> -> memref<1x1024x16xf32, #tpu.memory_space<vmem>>
        %scatter3A_1134 = tpu.memref_squeeze %scatter3A_1133 : memref<1x1024x16xf32, #tpu.memory_space<vmem>> -> memref<1024x16xf32, #tpu.memory_space<vmem>>
        tpu.vector_store_idx %scatter3A_1134[%add3A_972, %broadcast_in_dim3A_11], %get3A_1016 : memref<1024x16xf32, #tpu.memory_space<vmem>>[vector<16xi32>, vector<16xi32>], vector<16xf32>,
        %scatter3A_1135 = arith.constant 0 : i32
        %scatter3A_1136 = arith.constant 0 : i32
        %scatter3A_1137 = tpu.memref_slice %arg5[%scan3A_648, %scatter3A_1135, %scatter3A_1136] : memref<2x1024x16xf32, #tpu.memory_space<vmem>> -> memref<1x1024x16xf32, #tpu.memory_space<vmem>>
        %scatter3A_1138 = tpu.memref_squeeze %scatter3A_1137 : memref<1x1024x16xf32, #tpu.memory_space<vmem>> -> memref<1024x16xf32, #tpu.memory_space<vmem>>
        tpu.vector_store_idx %scatter3A_1138[%add3A_972, %broadcast_in_dim3A_13], %get3A_1025 : memref<1024x16xf32, #tpu.memory_space<vmem>>[vector<16xi32>, vector<16xi32>], vector<16xf32>,
        %scatter3A_1139 = arith.constant 0 : i32
        %scatter3A_1140 = arith.constant 0 : i32
        %scatter3A_1141 = tpu.memref_slice %arg5[%scan3A_648, %scatter3A_1139, %scatter3A_1140] : memref<2x1024x16xf32, #tpu.memory_space<vmem>> -> memref<1x1024x16xf32, #tpu.memory_space<vmem>>
        %scatter3A_1142 = tpu.memref_squeeze %scatter3A_1141 : memref<1x1024x16xf32, #tpu.memory_space<vmem>> -> memref<1024x16xf32, #tpu.memory_space<vmem>>
        tpu.vector_store_idx %scatter3A_1142[%add3A_972, %broadcast_in_dim3A_15], %get3A_1034 : memref<1024x16xf32, #tpu.memory_space<vmem>>[vector<16xi32>, vector<16xi32>], vector<16xf32>,
        %scatter3A_1143 = arith.constant 0 : i32
        %scatter3A_1144 = arith.constant 0 : i32
        %scatter3A_1145 = tpu.memref_slice %arg5[%scan3A_648, %scatter3A_1143, %scatter3A_1144] : memref<2x1024x16xf32, #tpu.memory_space<vmem>> -> memref<1x1024x16xf32, #tpu.memory_space<vmem>>
        %scatter3A_1146 = tpu.memref_squeeze %scatter3A_1145 : memref<1x1024x16xf32, #tpu.memory_space<vmem>> -> memref<1024x16xf32, #tpu.memory_space<vmem>>
        tpu.vector_store_idx %scatter3A_1146[%add3A_972, %broadcast_in_dim3A_17], %get3A_1043 : memref<1024x16xf32, #tpu.memory_space<vmem>>[vector<16xi32>, vector<16xi32>], vector<16xf32>,
        %scatter3A_1147 = arith.constant 0 : i32
        %scatter3A_1148 = arith.constant 0 : i32
        %scatter3A_1149 = tpu.memref_slice %arg5[%scan3A_648, %scatter3A_1147, %scatter3A_1148] : memref<2x1024x16xf32, #tpu.memory_space<vmem>> -> memref<1x1024x16xf32, #tpu.memory_space<vmem>>
        %scatter3A_1150 = tpu.memref_squeeze %scatter3A_1149 : memref<1x1024x16xf32, #tpu.memory_space<vmem>> -> memref<1024x16xf32, #tpu.memory_space<vmem>>
        tpu.vector_store_idx %scatter3A_1150[%add3A_972, %broadcast_in_dim3A_19], %get3A_1052 : memref<1024x16xf32, #tpu.memory_space<vmem>>[vector<16xi32>, vector<16xi32>], vector<16xf32>,
        %scatter3A_1151 = arith.constant 0 : i32
        %scatter3A_1152 = arith.constant 0 : i32
        %scatter3A_1153 = tpu.memref_slice %arg5[%scan3A_648, %scatter3A_1151, %scatter3A_1152] : memref<2x1024x16xf32, #tpu.memory_space<vmem>> -> memref<1x1024x16xf32, #tpu.memory_space<vmem>>
        %scatter3A_1154 = tpu.memref_squeeze %scatter3A_1153 : memref<1x1024x16xf32, #tpu.memory_space<vmem>> -> memref<1024x16xf32, #tpu.memory_space<vmem>>
        tpu.vector_store_idx %scatter3A_1154[%add3A_972, %broadcast_in_dim3A_21], %get3A_1061 : memref<1024x16xf32, #tpu.memory_space<vmem>>[vector<16xi32>, vector<16xi32>], vector<16xf32>,
        %scatter3A_1155 = arith.constant 0 : i32
        %scatter3A_1156 = arith.constant 0 : i32
        %scatter3A_1157 = tpu.memref_slice %arg5[%scan3A_648, %scatter3A_1155, %scatter3A_1156] : memref<2x1024x16xf32, #tpu.memory_space<vmem>> -> memref<1x1024x16xf32, #tpu.memory_space<vmem>>
        %scatter3A_1158 = tpu.memref_squeeze %scatter3A_1157 : memref<1x1024x16xf32, #tpu.memory_space<vmem>> -> memref<1024x16xf32, #tpu.memory_space<vmem>>
        tpu.vector_store_idx %scatter3A_1158[%add3A_972, %broadcast_in_dim3A_23], %get3A_1070 : memref<1024x16xf32, #tpu.memory_space<vmem>>[vector<16xi32>, vector<16xi32>], vector<16xf32>,
        %scatter3A_1159 = arith.constant 0 : i32
        %scatter3A_1160 = arith.constant 0 : i32
        %scatter3A_1161 = tpu.memref_slice %arg5[%scan3A_648, %scatter3A_1159, %scatter3A_1160] : memref<2x1024x16xf32, #tpu.memory_space<vmem>> -> memref<1x1024x16xf32, #tpu.memory_space<vmem>>
        %scatter3A_1162 = tpu.memref_squeeze %scatter3A_1161 : memref<1x1024x16xf32, #tpu.memory_space<vmem>> -> memref<1024x16xf32, #tpu.memory_space<vmem>>
        tpu.vector_store_idx %scatter3A_1162[%add3A_972, %broadcast_in_dim3A_25], %get3A_1079 : memref<1024x16xf32, #tpu.memory_space<vmem>>[vector<16xi32>, vector<16xi32>], vector<16xf32>,
        %scatter3A_1163 = arith.constant 0 : i32
        %scatter3A_1164 = arith.constant 0 : i32
        %scatter3A_1165 = tpu.memref_slice %arg5[%scan3A_648, %scatter3A_1163, %scatter3A_1164] : memref<2x1024x16xf32, #tpu.memory_space<vmem>> -> memref<1x1024x16xf32, #tpu.memory_space<vmem>>
        %scatter3A_1166 = tpu.memref_squeeze %scatter3A_1165 : memref<1x1024x16xf32, #tpu.memory_space<vmem>> -> memref<1024x16xf32, #tpu.memory_space<vmem>>
        tpu.vector_store_idx %scatter3A_1166[%add3A_972, %broadcast_in_dim3A_27], %get3A_1088 : memref<1024x16xf32, #tpu.memory_space<vmem>>[vector<16xi32>, vector<16xi32>], vector<16xf32>,
        %scatter3A_1167 = arith.constant 0 : i32
        %scatter3A_1168 = arith.constant 0 : i32
        %scatter3A_1169 = tpu.memref_slice %arg5[%scan3A_648, %scatter3A_1167, %scatter3A_1168] : memref<2x1024x16xf32, #tpu.memory_space<vmem>> -> memref<1x1024x16xf32, #tpu.memory_space<vmem>>
        %scatter3A_1170 = tpu.memref_squeeze %scatter3A_1169 : memref<1x1024x16xf32, #tpu.memory_space<vmem>> -> memref<1024x16xf32, #tpu.memory_space<vmem>>
        tpu.vector_store_idx %scatter3A_1170[%add3A_972, %broadcast_in_dim3A_29], %get3A_1097 : memref<1024x16xf32, #tpu.memory_space<vmem>>[vector<16xi32>, vector<16xi32>], vector<16xf32>,
        %scatter3A_1171 = arith.constant 0 : i32
        %scatter3A_1172 = arith.constant 0 : i32
        %scatter3A_1173 = tpu.memref_slice %arg5[%scan3A_648, %scatter3A_1171, %scatter3A_1172] : memref<2x1024x16xf32, #tpu.memory_space<vmem>> -> memref<1x1024x16xf32, #tpu.memory_space<vmem>>
        %scatter3A_1174 = tpu.memref_squeeze %scatter3A_1173 : memref<1x1024x16xf32, #tpu.memory_space<vmem>> -> memref<1024x16xf32, #tpu.memory_space<vmem>>
        tpu.vector_store_idx %scatter3A_1174[%add3A_972, %broadcast_in_dim3A_31], %get3A_1106 : memref<1024x16xf32, #tpu.memory_space<vmem>>[vector<16xi32>, vector<16xi32>], vector<16xf32>,
        %scatter3A_1175 = arith.constant 0 : i32
        %scatter3A_1176 = arith.constant 0 : i32
        %scatter3A_1177 = tpu.memref_slice %arg5[%scan3A_648, %scatter3A_1175, %scatter3A_1176] : memref<2x1024x16xf32, #tpu.memory_space<vmem>> -> memref<1x1024x16xf32, #tpu.memory_space<vmem>>
        %scatter3A_1178 = tpu.memref_squeeze %scatter3A_1177 : memref<1x1024x16xf32, #tpu.memory_space<vmem>> -> memref<1024x16xf32, #tpu.memory_space<vmem>>
        tpu.vector_store_idx %scatter3A_1178[%add3A_972, %broadcast_in_dim3A_33], %get3A_1115 : memref<1024x16xf32, #tpu.memory_space<vmem>>[vector<16xi32>, vector<16xi32>], vector<16xf32>,
      }
      %scan3A_653 = arith.constant 64 : i32
      %mul3A_654 = arith.constant 1024 : i32
      %mul3A_655 = arith.muli %add3A_608, %mul3A_654 : i32
      %dma_start3A_656 = arith.constant 0 : i32
      %dma_start3A_657 = arith.constant 0 : i32
      %dma_start3A_658 = arith.constant 0 : i32
      %dma_start3A_659 = tpu.memref_slice %arg5[%dma_start3A_656, %dma_start3A_657, %dma_start3A_658] : memref<2x1024x16xf32, #tpu.memory_space<vmem>> -> memref<1x1024x16xf32, #tpu.memory_space<vmem>>
      %dma_start3A_660 = tpu.memref_squeeze %dma_start3A_659 : memref<1x1024x16xf32, #tpu.memory_space<vmem>> -> memref<1024x16xf32, #tpu.memory_space<vmem>>
      %dma_start3A_661 = arith.constant 0 : i32
      %dma_start3A_662 = tpu.memref_slice %arg3[%mul3A_655, %dma_start3A_661] : memref<851968x16xf32, #tpu.memory_space<hbm>> -> memref<1024x16xf32, #tpu.memory_space<hbm>>
      %dma_start3A_663 = arith.constant 0 : i32
      %dma_start3A_664 = tpu.memref_slice %arg3[%mul3A_655, %dma_start3A_663] : memref<851968x16xf32, #tpu.memory_space<hbm>> -> memref<1024x16xf32, #tpu.memory_space<hbm>>
      %dma_start3A_665 = arith.constant 0 : i32
      %dma_start3A_666 = arith.constant 0 : i32
      %dma_start3A_667 = tpu.memref_slice %arg5[%dma_start3A_656, %dma_start3A_665, %dma_start3A_666] : memref<2x1024x16xf32, #tpu.memory_space<vmem>> -> memref<1x1024x16xf32, #tpu.memory_space<vmem>>
      %dma_start3A_668 = tpu.memref_squeeze %dma_start3A_667 : memref<1x1024x16xf32, #tpu.memory_space<vmem>> -> memref<1024x16xf32, #tpu.memory_space<vmem>>
      tpu.enqueue_dma source(%dma_start3A_668 : memref<1024x16xf32, #tpu.memory_space<vmem>>) target(%dma_start3A_664 : memref<1024x16xf32, #tpu.memory_space<hbm>>) target_semaphore(%arg9 : memref<!tpu.dma_semaphore, #tpu.memory_space<semaphore_mem>>)
      %add3A_669 = arith.constant 3 : i32
      %add3A_670 = arith.addi %add3A_608, %add3A_669 : i32
      %min3A_671 = arith.constant 831 : i32
      %min3A_672 = arith.minsi %add3A_670, %min3A_671 : i32
      %mul3A_673 = arith.constant 8 : i32
      %mul3A_674 = arith.muli %min3A_672, %mul3A_673 : i32
      %dma_start3A_675 = arith.constant 2 : i32
      %dma_start3A_676 = arith.constant 0 : i32
      %dma_start3A_677 = arith.constant 0 : i32
      %dma_start3A_678 = arith.constant 0 : i32
      %dma_start3A_679 = arith.constant 0 : i32
      %dma_start3A_680 = tpu.memref_slice %arg4[%dma_start3A_675, %dma_start3A_676, %dma_start3A_677, %dma_start3A_678, %dma_start3A_679] : memref<3x2x8x8x128xf32, #tpu.memory_space<vmem>> -> memref<1x2x8x8x128xf32, #tpu.memory_space<vmem>>
      %dma_start3A_681 = tpu.memref_squeeze %dma_start3A_680 : memref<1x2x8x8x128xf32, #tpu.memory_space<vmem>> -> memref<2x8x8x128xf32, #tpu.memory_space<vmem>>
      %dma_start3A_682 = arith.constant 0 : i32
      %dma_start3A_683 = arith.constant 0 : i32
      %dma_start3A_684 = arith.constant 0 : i32
      %dma_start3A_685 = tpu.memref_slice %arg2[%dma_start3A_682, %mul3A_674, %dma_start3A_683, %dma_start3A_684] : memref<2x6656x8x128xf32, #tpu.memory_space<hbm>> -> memref<2x8x8x128xf32, #tpu.memory_space<hbm>>
      %dma_start3A_686 = arith.constant 0 : i32
      %dma_start3A_687 = arith.constant 0 : i32
      %dma_start3A_688 = arith.constant 0 : i32
      %dma_start3A_689 = arith.constant 0 : i32
      %dma_start3A_690 = tpu.memref_slice %arg4[%dma_start3A_675, %dma_start3A_686, %dma_start3A_687, %dma_start3A_688, %dma_start3A_689] : memref<3x2x8x8x128xf32, #tpu.memory_space<vmem>> -> memref<1x2x8x8x128xf32, #tpu.memory_space<vmem>>
      %dma_start3A_691 = tpu.memref_squeeze %dma_start3A_690 : memref<1x2x8x8x128xf32, #tpu.memory_space<vmem>> -> memref<2x8x8x128xf32, #tpu.memory_space<vmem>>
      %dma_start3A_692 = arith.constant 0 : i32
      %dma_start3A_693 = arith.constant 0 : i32
      %dma_start3A_694 = arith.constant 0 : i32
      %dma_start3A_695 = tpu.memref_slice %arg2[%dma_start3A_692, %mul3A_674, %dma_start3A_693, %dma_start3A_694] : memref<2x6656x8x128xf32, #tpu.memory_space<hbm>> -> memref<2x8x8x128xf32, #tpu.memory_space<hbm>>
      tpu.enqueue_dma source(%dma_start3A_695 : memref<2x8x8x128xf32, #tpu.memory_space<hbm>>) target(%dma_start3A_691 : memref<2x8x8x128xf32, #tpu.memory_space<vmem>>) target_semaphore(%arg8 : memref<!tpu.dma_semaphore, #tpu.memory_space<semaphore_mem>>)
      %add3A_696 = arith.constant 3 : i32
      %add3A_697 = arith.addi %add3A_428, %add3A_696 : i32
      %dma_wait3A_698 = arith.constant 0 : i32
      %dma_wait3A_699 = arith.constant 0 : i32
      %dma_wait3A_700 = arith.constant 0 : i32
      %dma_wait3A_701 = arith.constant 0 : i32
      %dma_wait3A_702 = arith.constant 0 : i32
      %dma_wait3A_703 = tpu.memref_slice %arg4[%dma_wait3A_698, %dma_wait3A_699, %dma_wait3A_700, %dma_wait3A_701, %dma_wait3A_702] : memref<3x2x8x8x128xf32, #tpu.memory_space<vmem>> -> memref<1x2x8x8x128xf32, #tpu.memory_space<vmem>>
      %dma_wait3A_704 = tpu.memref_squeeze %dma_wait3A_703 : memref<1x2x8x8x128xf32, #tpu.memory_space<vmem>> -> memref<2x8x8x128xf32, #tpu.memory_space<vmem>>
      %dma_wait3A_705 = arith.constant 0 : i32
      %dma_wait3A_706 = arith.constant 0 : i32
      %dma_wait3A_707 = arith.constant 0 : i32
      %dma_wait3A_708 = arith.constant 0 : i32
      %dma_wait3A_709 = tpu.memref_slice %arg2[%dma_wait3A_705, %dma_wait3A_706, %dma_wait3A_707, %dma_wait3A_708] : memref<2x6656x8x128xf32, #tpu.memory_space<hbm>> -> memref<2x8x8x128xf32, #tpu.memory_space<hbm>>
      %dma_wait3A_710 = arith.constant 0 : i32
      %dma_wait3A_711 = arith.constant 0 : i32
      %dma_wait3A_712 = arith.constant 0 : i32
      %dma_wait3A_713 = arith.constant 0 : i32
      %dma_wait3A_714 = tpu.memref_slice %arg4[%dma_wait3A_698, %dma_wait3A_710, %dma_wait3A_711, %dma_wait3A_712, %dma_wait3A_713] : memref<3x2x8x8x128xf32, #tpu.memory_space<vmem>> -> memref<1x2x8x8x128xf32, #tpu.memory_space<vmem>>
      %dma_wait3A_715 = tpu.memref_squeeze %dma_wait3A_714 : memref<1x2x8x8x128xf32, #tpu.memory_space<vmem>> -> memref<2x8x8x128xf32, #tpu.memory_space<vmem>>
      %dma_wait3A_716 = arith.constant 0 : i32
      %dma_wait3A_717 = arith.constant 0 : i32
      %dma_wait3A_718 = arith.constant 0 : i32
      %dma_wait3A_719 = arith.constant 0 : i32
      %dma_wait3A_720 = tpu.memref_slice %arg2[%dma_wait3A_716, %dma_wait3A_717, %dma_wait3A_718, %dma_wait3A_719] : memref<2x6656x8x128xf32, #tpu.memory_space<hbm>> -> memref<2x8x8x128xf32, #tpu.memory_space<hbm>>
      tpu.wait_dma2 semaphore(%arg6 : memref<!tpu.dma_semaphore, #tpu.memory_space<semaphore_mem>>) src(%dma_wait3A_720 : memref<2x8x8x128xf32, #tpu.memory_space<hbm>>) dst(%dma_wait3A_715 : memref<2x8x8x128xf32, #tpu.memory_space<vmem>>)
      %dma_wait3A_721 = arith.constant 1 : i32
      %dma_wait3A_722 = arith.constant 0 : i32
      %dma_wait3A_723 = arith.constant 0 : i32
      %dma_wait3A_724 = tpu.memref_slice %arg5[%dma_wait3A_721, %dma_wait3A_722, %dma_wait3A_723] : memref<2x1024x16xf32, #tpu.memory_space<vmem>> -> memref<1x1024x16xf32, #tpu.memory_space<vmem>>
      %dma_wait3A_725 = tpu.memref_squeeze %dma_wait3A_724 : memref<1x1024x16xf32, #tpu.memory_space<vmem>> -> memref<1024x16xf32, #tpu.memory_space<vmem>>
      %dma_wait3A_726 = arith.constant 0 : i32
      %dma_wait3A_727 = arith.constant 0 : i32
      %dma_wait3A_728 = tpu.memref_slice %arg3[%dma_wait3A_726, %dma_wait3A_727] : memref<851968x16xf32, #tpu.memory_space<hbm>> -> memref<1024x16xf32, #tpu.memory_space<hbm>>
      %dma_wait3A_729 = arith.constant 0 : i32
      %dma_wait3A_730 = arith.constant 0 : i32
      %dma_wait3A_731 = tpu.memref_slice %arg3[%dma_wait3A_729, %dma_wait3A_730] : memref<851968x16xf32, #tpu.memory_space<hbm>> -> memref<1024x16xf32, #tpu.memory_space<hbm>>
      %dma_wait3A_732 = arith.constant 0 : i32
      %dma_wait3A_733 = arith.constant 0 : i32
      %dma_wait3A_734 = tpu.memref_slice %arg5[%dma_wait3A_721, %dma_wait3A_732, %dma_wait3A_733] : memref<2x1024x16xf32, #tpu.memory_space<vmem>> -> memref<1x1024x16xf32, #tpu.memory_space<vmem>>
      %dma_wait3A_735 = tpu.memref_squeeze %dma_wait3A_734 : memref<1x1024x16xf32, #tpu.memory_space<vmem>> -> memref<1024x16xf32, #tpu.memory_space<vmem>>
      tpu.wait_dma2 semaphore(%arg10 : memref<!tpu.dma_semaphore, #tpu.memory_space<semaphore_mem>>) src(%dma_wait3A_735 : memref<1024x16xf32, #tpu.memory_space<vmem>>) dst(%dma_wait3A_731 : memref<1024x16xf32, #tpu.memory_space<hbm>>)
      %scan3A_736 = arith.constant 0 : i32
      %scan3A_737 = arith.constant 1 : i32
      %scan3A_738 = arith.constant 0 : i32
      %scan3A_739 = arith.constant 64 : i32
      %scan3A_740 = arith.addi %scan3A_738, %scan3A_739 : i32
      %scan3A_741 = arith.constant 1 : i32
      scf.for %scan3A_963 = %scan3A_738 to %scan3A_740 step %scan3A_741  : i32 {
        %shift_right_arithmetic3A = arith.constant 3 : i32
        %shift_right_arithmetic3A_964 = arith.shrsi %scan3A_963, %shift_right_arithmetic3A : i32
        %and3A = arith.constant 7 : i32
        %and3A_965 = arith.andi %scan3A_963, %and3A : i32
        %mul3A_966 = arith.constant 16 : i32
        %mul3A_967 = arith.muli %and3A_965, %mul3A_966 : i32
        %mul3A_968 = arith.constant 128 : i32
        %mul3A_969 = arith.muli %shift_right_arithmetic3A_964, %mul3A_968 : i32
        %add3A_970 = arith.addi %mul3A_969, %mul3A_967 : i32
        %add3A_971 = vector.broadcast %add3A_970 : i32 to vector<16xi32>
        %add3A_972 = arith.addi %add3A_971, %iota3A : vector<16xi32>
        %get3A = arith.constant 0 : i32
        %get3A_973 = arith.constant 0 : i32
        %get3A_974 = arith.constant 0 : i32
        %get3A_975 = arith.index_cast %get3A : i32 to index
        %get3A_976 = arith.index_cast %get3A_973 : i32 to index
        %get3A_977 = arith.index_cast %shift_right_arithmetic3A_964 : i32 to index
        %get3A_978 = arith.index_cast %get3A_974 : i32 to index
        %get3A_979 = arith.index_cast %mul3A_967 : i32 to index
        %get3A_980 = tpu.vector_load %arg4[%get3A_975, %get3A_976, %get3A_977, %get3A_978, %get3A_979] {strides = array<i32>} : memref<3x2x8x8x128xf32, #tpu.memory_space<vmem>>, vector<16xf32>,
        %get3A_981 = arith.constant 0 : i32
        %get3A_982 = arith.constant 0 : i32
        %get3A_983 = arith.constant 1 : i32
        %get3A_984 = arith.index_cast %get3A_981 : i32 to index
        %get3A_985 = arith.index_cast %get3A_982 : i32 to index
        %get3A_986 = arith.index_cast %shift_right_arithmetic3A_964 : i32 to index
        %get3A_987 = arith.index_cast %get3A_983 : i32 to index
        %get3A_988 = arith.index_cast %mul3A_967 : i32 to index
        %get3A_989 = tpu.vector_load %arg4[%get3A_984, %get3A_985, %get3A_986, %get3A_987, %get3A_988] {strides = array<i32>} : memref<3x2x8x8x128xf32, #tpu.memory_space<vmem>>, vector<16xf32>,
        %get3A_990 = arith.constant 0 : i32
        %get3A_991 = arith.constant 0 : i32
        %get3A_992 = arith.constant 2 : i32
        %get3A_993 = arith.index_cast %get3A_990 : i32 to index
        %get3A_994 = arith.index_cast %get3A_991 : i32 to index
        %get3A_995 = arith.index_cast %shift_right_arithmetic3A_964 : i32 to index
        %get3A_996 = arith.index_cast %get3A_992 : i32 to index
        %get3A_997 = arith.index_cast %mul3A_967 : i32 to index
        %get3A_998 = tpu.vector_load %arg4[%get3A_993, %get3A_994, %get3A_995, %get3A_996, %get3A_997] {strides = array<i32>} : memref<3x2x8x8x128xf32, #tpu.memory_space<vmem>>, vector<16xf32>,
        %get3A_999 = arith.constant 0 : i32
        %get3A_1000 = arith.constant 0 : i32
        %get3A_1001 = arith.constant 3 : i32
        %get3A_1002 = arith.index_cast %get3A_999 : i32 to index
        %get3A_1003 = arith.index_cast %get3A_1000 : i32 to index
        %get3A_1004 = arith.index_cast %shift_right_arithmetic3A_964 : i32 to index
        %get3A_1005 = arith.index_cast %get3A_1001 : i32 to index
        %get3A_1006 = arith.index_cast %mul3A_967 : i32 to index
        %get3A_1007 = tpu.vector_load %arg4[%get3A_1002, %get3A_1003, %get3A_1004, %get3A_1005, %get3A_1006] {strides = array<i32>} : memref<3x2x8x8x128xf32, #tpu.memory_space<vmem>>, vector<16xf32>,
        %get3A_1008 = arith.constant 0 : i32
        %get3A_1009 = arith.constant 0 : i32
        %get3A_1010 = arith.constant 4 : i32
        %get3A_1011 = arith.index_cast %get3A_1008 : i32 to index
        %get3A_1012 = arith.index_cast %get3A_1009 : i32 to index
        %get3A_1013 = arith.index_cast %shift_right_arithmetic3A_964 : i32 to index
        %get3A_1014 = arith.index_cast %get3A_1010 : i32 to index
        %get3A_1015 = arith.index_cast %mul3A_967 : i32 to index
        %get3A_1016 = tpu.vector_load %arg4[%get3A_1011, %get3A_1012, %get3A_1013, %get3A_1014, %get3A_1015] {strides = array<i32>} : memref<3x2x8x8x128xf32, #tpu.memory_space<vmem>>, vector<16xf32>,
        %get3A_1017 = arith.constant 0 : i32
        %get3A_1018 = arith.constant 0 : i32
        %get3A_1019 = arith.constant 5 : i32
        %get3A_1020 = arith.index_cast %get3A_1017 : i32 to index
        %get3A_1021 = arith.index_cast %get3A_1018 : i32 to index
        %get3A_1022 = arith.index_cast %shift_right_arithmetic3A_964 : i32 to index
        %get3A_1023 = arith.index_cast %get3A_1019 : i32 to index
        %get3A_1024 = arith.index_cast %mul3A_967 : i32 to index
        %get3A_1025 = tpu.vector_load %arg4[%get3A_1020, %get3A_1021, %get3A_1022, %get3A_1023, %get3A_1024] {strides = array<i32>} : memref<3x2x8x8x128xf32, #tpu.memory_space<vmem>>, vector<16xf32>,
        %get3A_1026 = arith.constant 0 : i32
        %get3A_1027 = arith.constant 0 : i32
        %get3A_1028 = arith.constant 6 : i32
        %get3A_1029 = arith.index_cast %get3A_1026 : i32 to index
        %get3A_1030 = arith.index_cast %get3A_1027 : i32 to index
        %get3A_1031 = arith.index_cast %shift_right_arithmetic3A_964 : i32 to index
        %get3A_1032 = arith.index_cast %get3A_1028 : i32 to index
        %get3A_1033 = arith.index_cast %mul3A_967 : i32 to index
        %get3A_1034 = tpu.vector_load %arg4[%get3A_1029, %get3A_1030, %get3A_1031, %get3A_1032, %get3A_1033] {strides = array<i32>} : memref<3x2x8x8x128xf32, #tpu.memory_space<vmem>>, vector<16xf32>,
        %get3A_1035 = arith.constant 0 : i32
        %get3A_1036 = arith.constant 0 : i32
        %get3A_1037 = arith.constant 7 : i32
        %get3A_1038 = arith.index_cast %get3A_1035 : i32 to index
        %get3A_1039 = arith.index_cast %get3A_1036 : i32 to index
        %get3A_1040 = arith.index_cast %shift_right_arithmetic3A_964 : i32 to index
        %get3A_1041 = arith.index_cast %get3A_1037 : i32 to index
        %get3A_1042 = arith.index_cast %mul3A_967 : i32 to index
        %get3A_1043 = tpu.vector_load %arg4[%get3A_1038, %get3A_1039, %get3A_1040, %get3A_1041, %get3A_1042] {strides = array<i32>} : memref<3x2x8x8x128xf32, #tpu.memory_space<vmem>>, vector<16xf32>,
        %get3A_1044 = arith.constant 0 : i32
        %get3A_1045 = arith.constant 1 : i32
        %get3A_1046 = arith.constant 0 : i32
        %get3A_1047 = arith.index_cast %get3A_1044 : i32 to index
        %get3A_1048 = arith.index_cast %get3A_1045 : i32 to index
        %get3A_1049 = arith.index_cast %shift_right_arithmetic3A_964 : i32 to index
        %get3A_1050 = arith.index_cast %get3A_1046 : i32 to index
        %get3A_1051 = arith.index_cast %mul3A_967 : i32 to index
        %get3A_1052 = tpu.vector_load %arg4[%get3A_1047, %get3A_1048, %get3A_1049, %get3A_1050, %get3A_1051] {strides = array<i32>} : memref<3x2x8x8x128xf32, #tpu.memory_space<vmem>>, vector<16xf32>,
        %get3A_1053 = arith.constant 0 : i32
        %get3A_1054 = arith.constant 1 : i32
        %get3A_1055 = arith.constant 1 : i32
        %get3A_1056 = arith.index_cast %get3A_1053 : i32 to index
        %get3A_1057 = arith.index_cast %get3A_1054 : i32 to index
        %get3A_1058 = arith.index_cast %shift_right_arithmetic3A_964 : i32 to index
        %get3A_1059 = arith.index_cast %get3A_1055 : i32 to index
        %get3A_1060 = arith.index_cast %mul3A_967 : i32 to index
        %get3A_1061 = tpu.vector_load %arg4[%get3A_1056, %get3A_1057, %get3A_1058, %get3A_1059, %get3A_1060] {strides = array<i32>} : memref<3x2x8x8x128xf32, #tpu.memory_space<vmem>>, vector<16xf32>,
        %get3A_1062 = arith.constant 0 : i32
        %get3A_1063 = arith.constant 1 : i32
        %get3A_1064 = arith.constant 2 : i32
        %get3A_1065 = arith.index_cast %get3A_1062 : i32 to index
        %get3A_1066 = arith.index_cast %get3A_1063 : i32 to index
        %get3A_1067 = arith.index_cast %shift_right_arithmetic3A_964 : i32 to index
        %get3A_1068 = arith.index_cast %get3A_1064 : i32 to index
        %get3A_1069 = arith.index_cast %mul3A_967 : i32 to index
        %get3A_1070 = tpu.vector_load %arg4[%get3A_1065, %get3A_1066, %get3A_1067, %get3A_1068, %get3A_1069] {strides = array<i32>} : memref<3x2x8x8x128xf32, #tpu.memory_space<vmem>>, vector<16xf32>,
        %get3A_1071 = arith.constant 0 : i32
        %get3A_1072 = arith.constant 1 : i32
        %get3A_1073 = arith.constant 3 : i32
        %get3A_1074 = arith.index_cast %get3A_1071 : i32 to index
        %get3A_1075 = arith.index_cast %get3A_1072 : i32 to index
        %get3A_1076 = arith.index_cast %shift_right_arithmetic3A_964 : i32 to index
        %get3A_1077 = arith.index_cast %get3A_1073 : i32 to index
        %get3A_1078 = arith.index_cast %mul3A_967 : i32 to index
        %get3A_1079 = tpu.vector_load %arg4[%get3A_1074, %get3A_1075, %get3A_1076, %get3A_1077, %get3A_1078] {strides = array<i32>} : memref<3x2x8x8x128xf32, #tpu.memory_space<vmem>>, vector<16xf32>,
        %get3A_1080 = arith.constant 0 : i32
        %get3A_1081 = arith.constant 1 : i32
        %get3A_1082 = arith.constant 4 : i32
        %get3A_1083 = arith.index_cast %get3A_1080 : i32 to index
        %get3A_1084 = arith.index_cast %get3A_1081 : i32 to index
        %get3A_1085 = arith.index_cast %shift_right_arithmetic3A_964 : i32 to index
        %get3A_1086 = arith.index_cast %get3A_1082 : i32 to index
        %get3A_1087 = arith.index_cast %mul3A_967 : i32 to index
        %get3A_1088 = tpu.vector_load %arg4[%get3A_1083, %get3A_1084, %get3A_1085, %get3A_1086, %get3A_1087] {strides = array<i32>} : memref<3x2x8x8x128xf32, #tpu.memory_space<vmem>>, vector<16xf32>,
        %get3A_1089 = arith.constant 0 : i32
        %get3A_1090 = arith.constant 1 : i32
        %get3A_1091 = arith.constant 5 : i32
        %get3A_1092 = arith.index_cast %get3A_1089 : i32 to index
        %get3A_1093 = arith.index_cast %get3A_1090 : i32 to index
        %get3A_1094 = arith.index_cast %shift_right_arithmetic3A_964 : i32 to index
        %get3A_1095 = arith.index_cast %get3A_1091 : i32 to index
        %get3A_1096 = arith.index_cast %mul3A_967 : i32 to index
        %get3A_1097 = tpu.vector_load %arg4[%get3A_1092, %get3A_1093, %get3A_1094, %get3A_1095, %get3A_1096] {strides = array<i32>} : memref<3x2x8x8x128xf32, #tpu.memory_space<vmem>>, vector<16xf32>,
        %get3A_1098 = arith.constant 0 : i32
        %get3A_1099 = arith.constant 1 : i32
        %get3A_1100 = arith.constant 6 : i32
        %get3A_1101 = arith.index_cast %get3A_1098 : i32 to index
        %get3A_1102 = arith.index_cast %get3A_1099 : i32 to index
        %get3A_1103 = arith.index_cast %shift_right_arithmetic3A_964 : i32 to index
        %get3A_1104 = arith.index_cast %get3A_1100 : i32 to index
        %get3A_1105 = arith.index_cast %mul3A_967 : i32 to index
        %get3A_1106 = tpu.vector_load %arg4[%get3A_1101, %get3A_1102, %get3A_1103, %get3A_1104, %get3A_1105] {strides = array<i32>} : memref<3x2x8x8x128xf32, #tpu.memory_space<vmem>>, vector<16xf32>,
        %get3A_1107 = arith.constant 0 : i32
        %get3A_1108 = arith.constant 1 : i32
        %get3A_1109 = arith.constant 7 : i32
        %get3A_1110 = arith.index_cast %get3A_1107 : i32 to index
        %get3A_1111 = arith.index_cast %get3A_1108 : i32 to index
        %get3A_1112 = arith.index_cast %shift_right_arithmetic3A_964 : i32 to index
        %get3A_1113 = arith.index_cast %get3A_1109 : i32 to index
        %get3A_1114 = arith.index_cast %mul3A_967 : i32 to index
        %get3A_1115 = tpu.vector_load %arg4[%get3A_1110, %get3A_1111, %get3A_1112, %get3A_1113, %get3A_1114] {strides = array<i32>} : memref<3x2x8x8x128xf32, #tpu.memory_space<vmem>>, vector<16xf32>,
        %scatter3A = arith.constant 0 : i32
        %scatter3A_1116 = arith.constant 0 : i32
        %scatter3A_1117 = tpu.memref_slice %arg5[%scan3A_737, %scatter3A, %scatter3A_1116] : memref<2x1024x16xf32, #tpu.memory_space<vmem>> -> memref<1x1024x16xf32, #tpu.memory_space<vmem>>
        %scatter3A_1118 = tpu.memref_squeeze %scatter3A_1117 : memref<1x1024x16xf32, #tpu.memory_space<vmem>> -> memref<1024x16xf32, #tpu.memory_space<vmem>>
        tpu.vector_store_idx %scatter3A_1118[%add3A_972, %broadcast_in_dim3A_3], %get3A_980 : memref<1024x16xf32, #tpu.memory_space<vmem>>[vector<16xi32>, vector<16xi32>], vector<16xf32>,
        %scatter3A_1119 = arith.constant 0 : i32
        %scatter3A_1120 = arith.constant 0 : i32
        %scatter3A_1121 = tpu.memref_slice %arg5[%scan3A_737, %scatter3A_1119, %scatter3A_1120] : memref<2x1024x16xf32, #tpu.memory_space<vmem>> -> memref<1x1024x16xf32, #tpu.memory_space<vmem>>
        %scatter3A_1122 = tpu.memref_squeeze %scatter3A_1121 : memref<1x1024x16xf32, #tpu.memory_space<vmem>> -> memref<1024x16xf32, #tpu.memory_space<vmem>>
        tpu.vector_store_idx %scatter3A_1122[%add3A_972, %broadcast_in_dim3A_5], %get3A_989 : memref<1024x16xf32, #tpu.memory_space<vmem>>[vector<16xi32>, vector<16xi32>], vector<16xf32>,
        %scatter3A_1123 = arith.constant 0 : i32
        %scatter3A_1124 = arith.constant 0 : i32
        %scatter3A_1125 = tpu.memref_slice %arg5[%scan3A_737, %scatter3A_1123, %scatter3A_1124] : memref<2x1024x16xf32, #tpu.memory_space<vmem>> -> memref<1x1024x16xf32, #tpu.memory_space<vmem>>
        %scatter3A_1126 = tpu.memref_squeeze %scatter3A_1125 : memref<1x1024x16xf32, #tpu.memory_space<vmem>> -> memref<1024x16xf32, #tpu.memory_space<vmem>>
        tpu.vector_store_idx %scatter3A_1126[%add3A_972, %broadcast_in_dim3A_7], %get3A_998 : memref<1024x16xf32, #tpu.memory_space<vmem>>[vector<16xi32>, vector<16xi32>], vector<16xf32>,
        %scatter3A_1127 = arith.constant 0 : i32
        %scatter3A_1128 = arith.constant 0 : i32
        %scatter3A_1129 = tpu.memref_slice %arg5[%scan3A_737, %scatter3A_1127, %scatter3A_1128] : memref<2x1024x16xf32, #tpu.memory_space<vmem>> -> memref<1x1024x16xf32, #tpu.memory_space<vmem>>
        %scatter3A_1130 = tpu.memref_squeeze %scatter3A_1129 : memref<1x1024x16xf32, #tpu.memory_space<vmem>> -> memref<1024x16xf32, #tpu.memory_space<vmem>>
        tpu.vector_store_idx %scatter3A_1130[%add3A_972, %broadcast_in_dim3A_9], %get3A_1007 : memref<1024x16xf32, #tpu.memory_space<vmem>>[vector<16xi32>, vector<16xi32>], vector<16xf32>,
        %scatter3A_1131 = arith.constant 0 : i32
        %scatter3A_1132 = arith.constant 0 : i32
        %scatter3A_1133 = tpu.memref_slice %arg5[%scan3A_737, %scatter3A_1131, %scatter3A_1132] : memref<2x1024x16xf32, #tpu.memory_space<vmem>> -> memref<1x1024x16xf32, #tpu.memory_space<vmem>>
        %scatter3A_1134 = tpu.memref_squeeze %scatter3A_1133 : memref<1x1024x16xf32, #tpu.memory_space<vmem>> -> memref<1024x16xf32, #tpu.memory_space<vmem>>
        tpu.vector_store_idx %scatter3A_1134[%add3A_972, %broadcast_in_dim3A_11], %get3A_1016 : memref<1024x16xf32, #tpu.memory_space<vmem>>[vector<16xi32>, vector<16xi32>], vector<16xf32>,
        %scatter3A_1135 = arith.constant 0 : i32
        %scatter3A_1136 = arith.constant 0 : i32
        %scatter3A_1137 = tpu.memref_slice %arg5[%scan3A_737, %scatter3A_1135, %scatter3A_1136] : memref<2x1024x16xf32, #tpu.memory_space<vmem>> -> memref<1x1024x16xf32, #tpu.memory_space<vmem>>
        %scatter3A_1138 = tpu.memref_squeeze %scatter3A_1137 : memref<1x1024x16xf32, #tpu.memory_space<vmem>> -> memref<1024x16xf32, #tpu.memory_space<vmem>>
        tpu.vector_store_idx %scatter3A_1138[%add3A_972, %broadcast_in_dim3A_13], %get3A_1025 : memref<1024x16xf32, #tpu.memory_space<vmem>>[vector<16xi32>, vector<16xi32>], vector<16xf32>,
        %scatter3A_1139 = arith.constant 0 : i32
        %scatter3A_1140 = arith.constant 0 : i32
        %scatter3A_1141 = tpu.memref_slice %arg5[%scan3A_737, %scatter3A_1139, %scatter3A_1140] : memref<2x1024x16xf32, #tpu.memory_space<vmem>> -> memref<1x1024x16xf32, #tpu.memory_space<vmem>>
        %scatter3A_1142 = tpu.memref_squeeze %scatter3A_1141 : memref<1x1024x16xf32, #tpu.memory_space<vmem>> -> memref<1024x16xf32, #tpu.memory_space<vmem>>
        tpu.vector_store_idx %scatter3A_1142[%add3A_972, %broadcast_in_dim3A_15], %get3A_1034 : memref<1024x16xf32, #tpu.memory_space<vmem>>[vector<16xi32>, vector<16xi32>], vector<16xf32>,
        %scatter3A_1143 = arith.constant 0 : i32
        %scatter3A_1144 = arith.constant 0 : i32
        %scatter3A_1145 = tpu.memref_slice %arg5[%scan3A_737, %scatter3A_1143, %scatter3A_1144] : memref<2x1024x16xf32, #tpu.memory_space<vmem>> -> memref<1x1024x16xf32, #tpu.memory_space<vmem>>
        %scatter3A_1146 = tpu.memref_squeeze %scatter3A_1145 : memref<1x1024x16xf32, #tpu.memory_space<vmem>> -> memref<1024x16xf32, #tpu.memory_space<vmem>>
        tpu.vector_store_idx %scatter3A_1146[%add3A_972, %broadcast_in_dim3A_17], %get3A_1043 : memref<1024x16xf32, #tpu.memory_space<vmem>>[vector<16xi32>, vector<16xi32>], vector<16xf32>,
        %scatter3A_1147 = arith.constant 0 : i32
        %scatter3A_1148 = arith.constant 0 : i32
        %scatter3A_1149 = tpu.memref_slice %arg5[%scan3A_737, %scatter3A_1147, %scatter3A_1148] : memref<2x1024x16xf32, #tpu.memory_space<vmem>> -> memref<1x1024x16xf32, #tpu.memory_space<vmem>>
        %scatter3A_1150 = tpu.memref_squeeze %scatter3A_1149 : memref<1x1024x16xf32, #tpu.memory_space<vmem>> -> memref<1024x16xf32, #tpu.memory_space<vmem>>
        tpu.vector_store_idx %scatter3A_1150[%add3A_972, %broadcast_in_dim3A_19], %get3A_1052 : memref<1024x16xf32, #tpu.memory_space<vmem>>[vector<16xi32>, vector<16xi32>], vector<16xf32>,
        %scatter3A_1151 = arith.constant 0 : i32
        %scatter3A_1152 = arith.constant 0 : i32
        %scatter3A_1153 = tpu.memref_slice %arg5[%scan3A_737, %scatter3A_1151, %scatter3A_1152] : memref<2x1024x16xf32, #tpu.memory_space<vmem>> -> memref<1x1024x16xf32, #tpu.memory_space<vmem>>
        %scatter3A_1154 = tpu.memref_squeeze %scatter3A_1153 : memref<1x1024x16xf32, #tpu.memory_space<vmem>> -> memref<1024x16xf32, #tpu.memory_space<vmem>>
        tpu.vector_store_idx %scatter3A_1154[%add3A_972, %broadcast_in_dim3A_21], %get3A_1061 : memref<1024x16xf32, #tpu.memory_space<vmem>>[vector<16xi32>, vector<16xi32>], vector<16xf32>,
        %scatter3A_1155 = arith.constant 0 : i32
        %scatter3A_1156 = arith.constant 0 : i32
        %scatter3A_1157 = tpu.memref_slice %arg5[%scan3A_737, %scatter3A_1155, %scatter3A_1156] : memref<2x1024x16xf32, #tpu.memory_space<vmem>> -> memref<1x1024x16xf32, #tpu.memory_space<vmem>>
        %scatter3A_1158 = tpu.memref_squeeze %scatter3A_1157 : memref<1x1024x16xf32, #tpu.memory_space<vmem>> -> memref<1024x16xf32, #tpu.memory_space<vmem>>
        tpu.vector_store_idx %scatter3A_1158[%add3A_972, %broadcast_in_dim3A_23], %get3A_1070 : memref<1024x16xf32, #tpu.memory_space<vmem>>[vector<16xi32>, vector<16xi32>], vector<16xf32>,
        %scatter3A_1159 = arith.constant 0 : i32
        %scatter3A_1160 = arith.constant 0 : i32
        %scatter3A_1161 = tpu.memref_slice %arg5[%scan3A_737, %scatter3A_1159, %scatter3A_1160] : memref<2x1024x16xf32, #tpu.memory_space<vmem>> -> memref<1x1024x16xf32, #tpu.memory_space<vmem>>
        %scatter3A_1162 = tpu.memref_squeeze %scatter3A_1161 : memref<1x1024x16xf32, #tpu.memory_space<vmem>> -> memref<1024x16xf32, #tpu.memory_space<vmem>>
        tpu.vector_store_idx %scatter3A_1162[%add3A_972, %broadcast_in_dim3A_25], %get3A_1079 : memref<1024x16xf32, #tpu.memory_space<vmem>>[vector<16xi32>, vector<16xi32>], vector<16xf32>,
        %scatter3A_1163 = arith.constant 0 : i32
        %scatter3A_1164 = arith.constant 0 : i32
        %scatter3A_1165 = tpu.memref_slice %arg5[%scan3A_737, %scatter3A_1163, %scatter3A_1164] : memref<2x1024x16xf32, #tpu.memory_space<vmem>> -> memref<1x1024x16xf32, #tpu.memory_space<vmem>>
        %scatter3A_1166 = tpu.memref_squeeze %scatter3A_1165 : memref<1x1024x16xf32, #tpu.memory_space<vmem>> -> memref<1024x16xf32, #tpu.memory_space<vmem>>
        tpu.vector_store_idx %scatter3A_1166[%add3A_972, %broadcast_in_dim3A_27], %get3A_1088 : memref<1024x16xf32, #tpu.memory_space<vmem>>[vector<16xi32>, vector<16xi32>], vector<16xf32>,
        %scatter3A_1167 = arith.constant 0 : i32
        %scatter3A_1168 = arith.constant 0 : i32
        %scatter3A_1169 = tpu.memref_slice %arg5[%scan3A_737, %scatter3A_1167, %scatter3A_1168] : memref<2x1024x16xf32, #tpu.memory_space<vmem>> -> memref<1x1024x16xf32, #tpu.memory_space<vmem>>
        %scatter3A_1170 = tpu.memref_squeeze %scatter3A_1169 : memref<1x1024x16xf32, #tpu.memory_space<vmem>> -> memref<1024x16xf32, #tpu.memory_space<vmem>>
        tpu.vector_store_idx %scatter3A_1170[%add3A_972, %broadcast_in_dim3A_29], %get3A_1097 : memref<1024x16xf32, #tpu.memory_space<vmem>>[vector<16xi32>, vector<16xi32>], vector<16xf32>,
        %scatter3A_1171 = arith.constant 0 : i32
        %scatter3A_1172 = arith.constant 0 : i32
        %scatter3A_1173 = tpu.memref_slice %arg5[%scan3A_737, %scatter3A_1171, %scatter3A_1172] : memref<2x1024x16xf32, #tpu.memory_space<vmem>> -> memref<1x1024x16xf32, #tpu.memory_space<vmem>>
        %scatter3A_1174 = tpu.memref_squeeze %scatter3A_1173 : memref<1x1024x16xf32, #tpu.memory_space<vmem>> -> memref<1024x16xf32, #tpu.memory_space<vmem>>
        tpu.vector_store_idx %scatter3A_1174[%add3A_972, %broadcast_in_dim3A_31], %get3A_1106 : memref<1024x16xf32, #tpu.memory_space<vmem>>[vector<16xi32>, vector<16xi32>], vector<16xf32>,
        %scatter3A_1175 = arith.constant 0 : i32
        %scatter3A_1176 = arith.constant 0 : i32
        %scatter3A_1177 = tpu.memref_slice %arg5[%scan3A_737, %scatter3A_1175, %scatter3A_1176] : memref<2x1024x16xf32, #tpu.memory_space<vmem>> -> memref<1x1024x16xf32, #tpu.memory_space<vmem>>
        %scatter3A_1178 = tpu.memref_squeeze %scatter3A_1177 : memref<1x1024x16xf32, #tpu.memory_space<vmem>> -> memref<1024x16xf32, #tpu.memory_space<vmem>>
        tpu.vector_store_idx %scatter3A_1178[%add3A_972, %broadcast_in_dim3A_33], %get3A_1115 : memref<1024x16xf32, #tpu.memory_space<vmem>>[vector<16xi32>, vector<16xi32>], vector<16xf32>,
      }
      %scan3A_742 = arith.constant 64 : i32
      %mul3A_743 = arith.constant 1024 : i32
      %mul3A_744 = arith.muli %add3A_697, %mul3A_743 : i32
      %dma_start3A_745 = arith.constant 1 : i32
      %dma_start3A_746 = arith.constant 0 : i32
      %dma_start3A_747 = arith.constant 0 : i32
      %dma_start3A_748 = tpu.memref_slice %arg5[%dma_start3A_745, %dma_start3A_746, %dma_start3A_747] : memref<2x1024x16xf32, #tpu.memory_space<vmem>> -> memref<1x1024x16xf32, #tpu.memory_space<vmem>>
      %dma_start3A_749 = tpu.memref_squeeze %dma_start3A_748 : memref<1x1024x16xf32, #tpu.memory_space<vmem>> -> memref<1024x16xf32, #tpu.memory_space<vmem>>
      %dma_start3A_750 = arith.constant 0 : i32
      %dma_start3A_751 = tpu.memref_slice %arg3[%mul3A_744, %dma_start3A_750] : memref<851968x16xf32, #tpu.memory_space<hbm>> -> memref<1024x16xf32, #tpu.memory_space<hbm>>
      %dma_start3A_752 = arith.constant 0 : i32
      %dma_start3A_753 = tpu.memref_slice %arg3[%mul3A_744, %dma_start3A_752] : memref<851968x16xf32, #tpu.memory_space<hbm>> -> memref<1024x16xf32, #tpu.memory_space<hbm>>
      %dma_start3A_754 = arith.constant 0 : i32
      %dma_start3A_755 = arith.constant 0 : i32
      %dma_start3A_756 = tpu.memref_slice %arg5[%dma_start3A_745, %dma_start3A_754, %dma_start3A_755] : memref<2x1024x16xf32, #tpu.memory_space<vmem>> -> memref<1x1024x16xf32, #tpu.memory_space<vmem>>
      %dma_start3A_757 = tpu.memref_squeeze %dma_start3A_756 : memref<1x1024x16xf32, #tpu.memory_space<vmem>> -> memref<1024x16xf32, #tpu.memory_space<vmem>>
      tpu.enqueue_dma source(%dma_start3A_757 : memref<1024x16xf32, #tpu.memory_space<vmem>>) target(%dma_start3A_753 : memref<1024x16xf32, #tpu.memory_space<hbm>>) target_semaphore(%arg10 : memref<!tpu.dma_semaphore, #tpu.memory_space<semaphore_mem>>)
      %add3A_758 = arith.constant 3 : i32
      %add3A_759 = arith.addi %add3A_697, %add3A_758 : i32
      %min3A_760 = arith.constant 831 : i32
      %min3A_761 = arith.minsi %add3A_759, %min3A_760 : i32
      %mul3A_762 = arith.constant 8 : i32
      %mul3A_763 = arith.muli %min3A_761, %mul3A_762 : i32
      %dma_start3A_764 = arith.constant 0 : i32
      %dma_start3A_765 = arith.constant 0 : i32
      %dma_start3A_766 = arith.constant 0 : i32
      %dma_start3A_767 = arith.constant 0 : i32
      %dma_start3A_768 = arith.constant 0 : i32
      %dma_start3A_769 = tpu.memref_slice %arg4[%dma_start3A_764, %dma_start3A_765, %dma_start3A_766, %dma_start3A_767, %dma_start3A_768] : memref<3x2x8x8x128xf32, #tpu.memory_space<vmem>> -> memref<1x2x8x8x128xf32, #tpu.memory_space<vmem>>
      %dma_start3A_770 = tpu.memref_squeeze %dma_start3A_769 : memref<1x2x8x8x128xf32, #tpu.memory_space<vmem>> -> memref<2x8x8x128xf32, #tpu.memory_space<vmem>>
      %dma_start3A_771 = arith.constant 0 : i32
      %dma_start3A_772 = arith.constant 0 : i32
      %dma_start3A_773 = arith.constant 0 : i32
      %dma_start3A_774 = tpu.memref_slice %arg2[%dma_start3A_771, %mul3A_763, %dma_start3A_772, %dma_start3A_773] : memref<2x6656x8x128xf32, #tpu.memory_space<hbm>> -> memref<2x8x8x128xf32, #tpu.memory_space<hbm>>
      %dma_start3A_775 = arith.constant 0 : i32
      %dma_start3A_776 = arith.constant 0 : i32
      %dma_start3A_777 = arith.constant 0 : i32
      %dma_start3A_778 = arith.constant 0 : i32
      %dma_start3A_779 = tpu.memref_slice %arg4[%dma_start3A_764, %dma_start3A_775, %dma_start3A_776, %dma_start3A_777, %dma_start3A_778] : memref<3x2x8x8x128xf32, #tpu.memory_space<vmem>> -> memref<1x2x8x8x128xf32, #tpu.memory_space<vmem>>
      %dma_start3A_780 = tpu.memref_squeeze %dma_start3A_779 : memref<1x2x8x8x128xf32, #tpu.memory_space<vmem>> -> memref<2x8x8x128xf32, #tpu.memory_space<vmem>>
      %dma_start3A_781 = arith.constant 0 : i32
      %dma_start3A_782 = arith.constant 0 : i32
      %dma_start3A_783 = arith.constant 0 : i32
      %dma_start3A_784 = tpu.memref_slice %arg2[%dma_start3A_781, %mul3A_763, %dma_start3A_782, %dma_start3A_783] : memref<2x6656x8x128xf32, #tpu.memory_space<hbm>> -> memref<2x8x8x128xf32, #tpu.memory_space<hbm>>
      tpu.enqueue_dma source(%dma_start3A_784 : memref<2x8x8x128xf32, #tpu.memory_space<hbm>>) target(%dma_start3A_780 : memref<2x8x8x128xf32, #tpu.memory_space<vmem>>) target_semaphore(%arg6 : memref<!tpu.dma_semaphore, #tpu.memory_space<semaphore_mem>>)
      %add3A_785 = arith.constant 4 : i32
      %add3A_786 = arith.addi %add3A_428, %add3A_785 : i32
      %dma_wait3A_787 = arith.constant 1 : i32
      %dma_wait3A_788 = arith.constant 0 : i32
      %dma_wait3A_789 = arith.constant 0 : i32
      %dma_wait3A_790 = arith.constant 0 : i32
      %dma_wait3A_791 = arith.constant 0 : i32
      %dma_wait3A_792 = tpu.memref_slice %arg4[%dma_wait3A_787, %dma_wait3A_788, %dma_wait3A_789, %dma_wait3A_790, %dma_wait3A_791] : memref<3x2x8x8x128xf32, #tpu.memory_space<vmem>> -> memref<1x2x8x8x128xf32, #tpu.memory_space<vmem>>
      %dma_wait3A_793 = tpu.memref_squeeze %dma_wait3A_792 : memref<1x2x8x8x128xf32, #tpu.memory_space<vmem>> -> memref<2x8x8x128xf32, #tpu.memory_space<vmem>>
      %dma_wait3A_794 = arith.constant 0 : i32
      %dma_wait3A_795 = arith.constant 0 : i32
      %dma_wait3A_796 = arith.constant 0 : i32
      %dma_wait3A_797 = arith.constant 0 : i32
      %dma_wait3A_798 = tpu.memref_slice %arg2[%dma_wait3A_794, %dma_wait3A_795, %dma_wait3A_796, %dma_wait3A_797] : memref<2x6656x8x128xf32, #tpu.memory_space<hbm>> -> memref<2x8x8x128xf32, #tpu.memory_space<hbm>>
      %dma_wait3A_799 = arith.constant 0 : i32
      %dma_wait3A_800 = arith.constant 0 : i32
      %dma_wait3A_801 = arith.constant 0 : i32
      %dma_wait3A_802 = arith.constant 0 : i32
      %dma_wait3A_803 = tpu.memref_slice %arg4[%dma_wait3A_787, %dma_wait3A_799, %dma_wait3A_800, %dma_wait3A_801, %dma_wait3A_802] : memref<3x2x8x8x128xf32, #tpu.memory_space<vmem>> -> memref<1x2x8x8x128xf32, #tpu.memory_space<vmem>>
      %dma_wait3A_804 = tpu.memref_squeeze %dma_wait3A_803 : memref<1x2x8x8x128xf32, #tpu.memory_space<vmem>> -> memref<2x8x8x128xf32, #tpu.memory_space<vmem>>
      %dma_wait3A_805 = arith.constant 0 : i32
      %dma_wait3A_806 = arith.constant 0 : i32
      %dma_wait3A_807 = arith.constant 0 : i32
      %dma_wait3A_808 = arith.constant 0 : i32
      %dma_wait3A_809 = tpu.memref_slice %arg2[%dma_wait3A_805, %dma_wait3A_806, %dma_wait3A_807, %dma_wait3A_808] : memref<2x6656x8x128xf32, #tpu.memory_space<hbm>> -> memref<2x8x8x128xf32, #tpu.memory_space<hbm>>
      tpu.wait_dma2 semaphore(%arg7 : memref<!tpu.dma_semaphore, #tpu.memory_space<semaphore_mem>>) src(%dma_wait3A_809 : memref<2x8x8x128xf32, #tpu.memory_space<hbm>>) dst(%dma_wait3A_804 : memref<2x8x8x128xf32, #tpu.memory_space<vmem>>)
      %dma_wait3A_810 = arith.constant 0 : i32
      %dma_wait3A_811 = arith.constant 0 : i32
      %dma_wait3A_812 = arith.constant 0 : i32
      %dma_wait3A_813 = tpu.memref_slice %arg5[%dma_wait3A_810, %dma_wait3A_811, %dma_wait3A_812] : memref<2x1024x16xf32, #tpu.memory_space<vmem>> -> memref<1x1024x16xf32, #tpu.memory_space<vmem>>
      %dma_wait3A_814 = tpu.memref_squeeze %dma_wait3A_813 : memref<1x1024x16xf32, #tpu.memory_space<vmem>> -> memref<1024x16xf32, #tpu.memory_space<vmem>>
      %dma_wait3A_815 = arith.constant 0 : i32
      %dma_wait3A_816 = arith.constant 0 : i32
      %dma_wait3A_817 = tpu.memref_slice %arg3[%dma_wait3A_815, %dma_wait3A_816] : memref<851968x16xf32, #tpu.memory_space<hbm>> -> memref<1024x16xf32, #tpu.memory_space<hbm>>
      %dma_wait3A_818 = arith.constant 0 : i32
      %dma_wait3A_819 = arith.constant 0 : i32
      %dma_wait3A_820 = tpu.memref_slice %arg3[%dma_wait3A_818, %dma_wait3A_819] : memref<851968x16xf32, #tpu.memory_space<hbm>> -> memref<1024x16xf32, #tpu.memory_space<hbm>>
      %dma_wait3A_821 = arith.constant 0 : i32
      %dma_wait3A_822 = arith.constant 0 : i32
      %dma_wait3A_823 = tpu.memref_slice %arg5[%dma_wait3A_810, %dma_wait3A_821, %dma_wait3A_822] : memref<2x1024x16xf32, #tpu.memory_space<vmem>> -> memref<1x1024x16xf32, #tpu.memory_space<vmem>>
      %dma_wait3A_824 = tpu.memref_squeeze %dma_wait3A_823 : memref<1x1024x16xf32, #tpu.memory_space<vmem>> -> memref<1024x16xf32, #tpu.memory_space<vmem>>
      tpu.wait_dma2 semaphore(%arg9 : memref<!tpu.dma_semaphore, #tpu.memory_space<semaphore_mem>>) src(%dma_wait3A_824 : memref<1024x16xf32, #tpu.memory_space<vmem>>) dst(%dma_wait3A_820 : memref<1024x16xf32, #tpu.memory_space<hbm>>)
      %scan3A_825 = arith.constant 0 : i32
      %scan3A_826 = arith.constant 0 : i32
      %scan3A_827 = arith.constant 0 : i32
      %scan3A_828 = arith.constant 64 : i32
      %scan3A_829 = arith.addi %scan3A_827, %scan3A_828 : i32
      %scan3A_830 = arith.constant 1 : i32
      scf.for %scan3A_963 = %scan3A_827 to %scan3A_829 step %scan3A_830  : i32 {
        %shift_right_arithmetic3A = arith.constant 3 : i32
        %shift_right_arithmetic3A_964 = arith.shrsi %scan3A_963, %shift_right_arithmetic3A : i32
        %and3A = arith.constant 7 : i32
        %and3A_965 = arith.andi %scan3A_963, %and3A : i32
        %mul3A_966 = arith.constant 16 : i32
        %mul3A_967 = arith.muli %and3A_965, %mul3A_966 : i32
        %mul3A_968 = arith.constant 128 : i32
        %mul3A_969 = arith.muli %shift_right_arithmetic3A_964, %mul3A_968 : i32
        %add3A_970 = arith.addi %mul3A_969, %mul3A_967 : i32
        %add3A_971 = vector.broadcast %add3A_970 : i32 to vector<16xi32>
        %add3A_972 = arith.addi %add3A_971, %iota3A : vector<16xi32>
        %get3A = arith.constant 1 : i32
        %get3A_973 = arith.constant 0 : i32
        %get3A_974 = arith.constant 0 : i32
        %get3A_975 = arith.index_cast %get3A : i32 to index
        %get3A_976 = arith.index_cast %get3A_973 : i32 to index
        %get3A_977 = arith.index_cast %shift_right_arithmetic3A_964 : i32 to index
        %get3A_978 = arith.index_cast %get3A_974 : i32 to index
        %get3A_979 = arith.index_cast %mul3A_967 : i32 to index
        %get3A_980 = tpu.vector_load %arg4[%get3A_975, %get3A_976, %get3A_977, %get3A_978, %get3A_979] {strides = array<i32>} : memref<3x2x8x8x128xf32, #tpu.memory_space<vmem>>, vector<16xf32>,
        %get3A_981 = arith.constant 1 : i32
        %get3A_982 = arith.constant 0 : i32
        %get3A_983 = arith.constant 1 : i32
        %get3A_984 = arith.index_cast %get3A_981 : i32 to index
        %get3A_985 = arith.index_cast %get3A_982 : i32 to index
        %get3A_986 = arith.index_cast %shift_right_arithmetic3A_964 : i32 to index
        %get3A_987 = arith.index_cast %get3A_983 : i32 to index
        %get3A_988 = arith.index_cast %mul3A_967 : i32 to index
        %get3A_989 = tpu.vector_load %arg4[%get3A_984, %get3A_985, %get3A_986, %get3A_987, %get3A_988] {strides = array<i32>} : memref<3x2x8x8x128xf32, #tpu.memory_space<vmem>>, vector<16xf32>,
        %get3A_990 = arith.constant 1 : i32
        %get3A_991 = arith.constant 0 : i32
        %get3A_992 = arith.constant 2 : i32
        %get3A_993 = arith.index_cast %get3A_990 : i32 to index
        %get3A_994 = arith.index_cast %get3A_991 : i32 to index
        %get3A_995 = arith.index_cast %shift_right_arithmetic3A_964 : i32 to index
        %get3A_996 = arith.index_cast %get3A_992 : i32 to index
        %get3A_997 = arith.index_cast %mul3A_967 : i32 to index
        %get3A_998 = tpu.vector_load %arg4[%get3A_993, %get3A_994, %get3A_995, %get3A_996, %get3A_997] {strides = array<i32>} : memref<3x2x8x8x128xf32, #tpu.memory_space<vmem>>, vector<16xf32>,
        %get3A_999 = arith.constant 1 : i32
        %get3A_1000 = arith.constant 0 : i32
        %get3A_1001 = arith.constant 3 : i32
        %get3A_1002 = arith.index_cast %get3A_999 : i32 to index
        %get3A_1003 = arith.index_cast %get3A_1000 : i32 to index
        %get3A_1004 = arith.index_cast %shift_right_arithmetic3A_964 : i32 to index
        %get3A_1005 = arith.index_cast %get3A_1001 : i32 to index
        %get3A_1006 = arith.index_cast %mul3A_967 : i32 to index
        %get3A_1007 = tpu.vector_load %arg4[%get3A_1002, %get3A_1003, %get3A_1004, %get3A_1005, %get3A_1006] {strides = array<i32>} : memref<3x2x8x8x128xf32, #tpu.memory_space<vmem>>, vector<16xf32>,
        %get3A_1008 = arith.constant 1 : i32
        %get3A_1009 = arith.constant 0 : i32
        %get3A_1010 = arith.constant 4 : i32
        %get3A_1011 = arith.index_cast %get3A_1008 : i32 to index
        %get3A_1012 = arith.index_cast %get3A_1009 : i32 to index
        %get3A_1013 = arith.index_cast %shift_right_arithmetic3A_964 : i32 to index
        %get3A_1014 = arith.index_cast %get3A_1010 : i32 to index
        %get3A_1015 = arith.index_cast %mul3A_967 : i32 to index
        %get3A_1016 = tpu.vector_load %arg4[%get3A_1011, %get3A_1012, %get3A_1013, %get3A_1014, %get3A_1015] {strides = array<i32>} : memref<3x2x8x8x128xf32, #tpu.memory_space<vmem>>, vector<16xf32>,
        %get3A_1017 = arith.constant 1 : i32
        %get3A_1018 = arith.constant 0 : i32
        %get3A_1019 = arith.constant 5 : i32
        %get3A_1020 = arith.index_cast %get3A_1017 : i32 to index
        %get3A_1021 = arith.index_cast %get3A_1018 : i32 to index
        %get3A_1022 = arith.index_cast %shift_right_arithmetic3A_964 : i32 to index
        %get3A_1023 = arith.index_cast %get3A_1019 : i32 to index
        %get3A_1024 = arith.index_cast %mul3A_967 : i32 to index
        %get3A_1025 = tpu.vector_load %arg4[%get3A_1020, %get3A_1021, %get3A_1022, %get3A_1023, %get3A_1024] {strides = array<i32>} : memref<3x2x8x8x128xf32, #tpu.memory_space<vmem>>, vector<16xf32>,
        %get3A_1026 = arith.constant 1 : i32
        %get3A_1027 = arith.constant 0 : i32
        %get3A_1028 = arith.constant 6 : i32
        %get3A_1029 = arith.index_cast %get3A_1026 : i32 to index
        %get3A_1030 = arith.index_cast %get3A_1027 : i32 to index
        %get3A_1031 = arith.index_cast %shift_right_arithmetic3A_964 : i32 to index
        %get3A_1032 = arith.index_cast %get3A_1028 : i32 to index
        %get3A_1033 = arith.index_cast %mul3A_967 : i32 to index
        %get3A_1034 = tpu.vector_load %arg4[%get3A_1029, %get3A_1030, %get3A_1031, %get3A_1032, %get3A_1033] {strides = array<i32>} : memref<3x2x8x8x128xf32, #tpu.memory_space<vmem>>, vector<16xf32>,
        %get3A_1035 = arith.constant 1 : i32
        %get3A_1036 = arith.constant 0 : i32
        %get3A_1037 = arith.constant 7 : i32
        %get3A_1038 = arith.index_cast %get3A_1035 : i32 to index
        %get3A_1039 = arith.index_cast %get3A_1036 : i32 to index
        %get3A_1040 = arith.index_cast %shift_right_arithmetic3A_964 : i32 to index
        %get3A_1041 = arith.index_cast %get3A_1037 : i32 to index
        %get3A_1042 = arith.index_cast %mul3A_967 : i32 to index
        %get3A_1043 = tpu.vector_load %arg4[%get3A_1038, %get3A_1039, %get3A_1040, %get3A_1041, %get3A_1042] {strides = array<i32>} : memref<3x2x8x8x128xf32, #tpu.memory_space<vmem>>, vector<16xf32>,
        %get3A_1044 = arith.constant 1 : i32
        %get3A_1045 = arith.constant 1 : i32
        %get3A_1046 = arith.constant 0 : i32
        %get3A_1047 = arith.index_cast %get3A_1044 : i32 to index
        %get3A_1048 = arith.index_cast %get3A_1045 : i32 to index
        %get3A_1049 = arith.index_cast %shift_right_arithmetic3A_964 : i32 to index
        %get3A_1050 = arith.index_cast %get3A_1046 : i32 to index
        %get3A_1051 = arith.index_cast %mul3A_967 : i32 to index
        %get3A_1052 = tpu.vector_load %arg4[%get3A_1047, %get3A_1048, %get3A_1049, %get3A_1050, %get3A_1051] {strides = array<i32>} : memref<3x2x8x8x128xf32, #tpu.memory_space<vmem>>, vector<16xf32>,
        %get3A_1053 = arith.constant 1 : i32
        %get3A_1054 = arith.constant 1 : i32
        %get3A_1055 = arith.constant 1 : i32
        %get3A_1056 = arith.index_cast %get3A_1053 : i32 to index
        %get3A_1057 = arith.index_cast %get3A_1054 : i32 to index
        %get3A_1058 = arith.index_cast %shift_right_arithmetic3A_964 : i32 to index
        %get3A_1059 = arith.index_cast %get3A_1055 : i32 to index
        %get3A_1060 = arith.index_cast %mul3A_967 : i32 to index
        %get3A_1061 = tpu.vector_load %arg4[%get3A_1056, %get3A_1057, %get3A_1058, %get3A_1059, %get3A_1060] {strides = array<i32>} : memref<3x2x8x8x128xf32, #tpu.memory_space<vmem>>, vector<16xf32>,
        %get3A_1062 = arith.constant 1 : i32
        %get3A_1063 = arith.constant 1 : i32
        %get3A_1064 = arith.constant 2 : i32
        %get3A_1065 = arith.index_cast %get3A_1062 : i32 to index
        %get3A_1066 = arith.index_cast %get3A_1063 : i32 to index
        %get3A_1067 = arith.index_cast %shift_right_arithmetic3A_964 : i32 to index
        %get3A_1068 = arith.index_cast %get3A_1064 : i32 to index
        %get3A_1069 = arith.index_cast %mul3A_967 : i32 to index
        %get3A_1070 = tpu.vector_load %arg4[%get3A_1065, %get3A_1066, %get3A_1067, %get3A_1068, %get3A_1069] {strides = array<i32>} : memref<3x2x8x8x128xf32, #tpu.memory_space<vmem>>, vector<16xf32>,
        %get3A_1071 = arith.constant 1 : i32
        %get3A_1072 = arith.constant 1 : i32
        %get3A_1073 = arith.constant 3 : i32
        %get3A_1074 = arith.index_cast %get3A_1071 : i32 to index
        %get3A_1075 = arith.index_cast %get3A_1072 : i32 to index
        %get3A_1076 = arith.index_cast %shift_right_arithmetic3A_964 : i32 to index
        %get3A_1077 = arith.index_cast %get3A_1073 : i32 to index
        %get3A_1078 = arith.index_cast %mul3A_967 : i32 to index
        %get3A_1079 = tpu.vector_load %arg4[%get3A_1074, %get3A_1075, %get3A_1076, %get3A_1077, %get3A_1078] {strides = array<i32>} : memref<3x2x8x8x128xf32, #tpu.memory_space<vmem>>, vector<16xf32>,
        %get3A_1080 = arith.constant 1 : i32
        %get3A_1081 = arith.constant 1 : i32
        %get3A_1082 = arith.constant 4 : i32
        %get3A_1083 = arith.index_cast %get3A_1080 : i32 to index
        %get3A_1084 = arith.index_cast %get3A_1081 : i32 to index
        %get3A_1085 = arith.index_cast %shift_right_arithmetic3A_964 : i32 to index
        %get3A_1086 = arith.index_cast %get3A_1082 : i32 to index
        %get3A_1087 = arith.index_cast %mul3A_967 : i32 to index
        %get3A_1088 = tpu.vector_load %arg4[%get3A_1083, %get3A_1084, %get3A_1085, %get3A_1086, %get3A_1087] {strides = array<i32>} : memref<3x2x8x8x128xf32, #tpu.memory_space<vmem>>, vector<16xf32>,
        %get3A_1089 = arith.constant 1 : i32
        %get3A_1090 = arith.constant 1 : i32
        %get3A_1091 = arith.constant 5 : i32
        %get3A_1092 = arith.index_cast %get3A_1089 : i32 to index
        %get3A_1093 = arith.index_cast %get3A_1090 : i32 to index
        %get3A_1094 = arith.index_cast %shift_right_arithmetic3A_964 : i32 to index
        %get3A_1095 = arith.index_cast %get3A_1091 : i32 to index
        %get3A_1096 = arith.index_cast %mul3A_967 : i32 to index
        %get3A_1097 = tpu.vector_load %arg4[%get3A_1092, %get3A_1093, %get3A_1094, %get3A_1095, %get3A_1096] {strides = array<i32>} : memref<3x2x8x8x128xf32, #tpu.memory_space<vmem>>, vector<16xf32>,
        %get3A_1098 = arith.constant 1 : i32
        %get3A_1099 = arith.constant 1 : i32
        %get3A_1100 = arith.constant 6 : i32
        %get3A_1101 = arith.index_cast %get3A_1098 : i32 to index
        %get3A_1102 = arith.index_cast %get3A_1099 : i32 to index
        %get3A_1103 = arith.index_cast %shift_right_arithmetic3A_964 : i32 to index
        %get3A_1104 = arith.index_cast %get3A_1100 : i32 to index
        %get3A_1105 = arith.index_cast %mul3A_967 : i32 to index
        %get3A_1106 = tpu.vector_load %arg4[%get3A_1101, %get3A_1102, %get3A_1103, %get3A_1104, %get3A_1105] {strides = array<i32>} : memref<3x2x8x8x128xf32, #tpu.memory_space<vmem>>, vector<16xf32>,
        %get3A_1107 = arith.constant 1 : i32
        %get3A_1108 = arith.constant 1 : i32
        %get3A_1109 = arith.constant 7 : i32
        %get3A_1110 = arith.index_cast %get3A_1107 : i32 to index
        %get3A_1111 = arith.index_cast %get3A_1108 : i32 to index
        %get3A_1112 = arith.index_cast %shift_right_arithmetic3A_964 : i32 to index
        %get3A_1113 = arith.index_cast %get3A_1109 : i32 to index
        %get3A_1114 = arith.index_cast %mul3A_967 : i32 to index
        %get3A_1115 = tpu.vector_load %arg4[%get3A_1110, %get3A_1111, %get3A_1112, %get3A_1113, %get3A_1114] {strides = array<i32>} : memref<3x2x8x8x128xf32, #tpu.memory_space<vmem>>, vector<16xf32>,
        %scatter3A = arith.constant 0 : i32
        %scatter3A_1116 = arith.constant 0 : i32
        %scatter3A_1117 = tpu.memref_slice %arg5[%scan3A_826, %scatter3A, %scatter3A_1116] : memref<2x1024x16xf32, #tpu.memory_space<vmem>> -> memref<1x1024x16xf32, #tpu.memory_space<vmem>>
        %scatter3A_1118 = tpu.memref_squeeze %scatter3A_1117 : memref<1x1024x16xf32, #tpu.memory_space<vmem>> -> memref<1024x16xf32, #tpu.memory_space<vmem>>
        tpu.vector_store_idx %scatter3A_1118[%add3A_972, %broadcast_in_dim3A_3], %get3A_980 : memref<1024x16xf32, #tpu.memory_space<vmem>>[vector<16xi32>, vector<16xi32>], vector<16xf32>,
        %scatter3A_1119 = arith.constant 0 : i32
        %scatter3A_1120 = arith.constant 0 : i32
        %scatter3A_1121 = tpu.memref_slice %arg5[%scan3A_826, %scatter3A_1119, %scatter3A_1120] : memref<2x1024x16xf32, #tpu.memory_space<vmem>> -> memref<1x1024x16xf32, #tpu.memory_space<vmem>>
        %scatter3A_1122 = tpu.memref_squeeze %scatter3A_1121 : memref<1x1024x16xf32, #tpu.memory_space<vmem>> -> memref<1024x16xf32, #tpu.memory_space<vmem>>
        tpu.vector_store_idx %scatter3A_1122[%add3A_972, %broadcast_in_dim3A_5], %get3A_989 : memref<1024x16xf32, #tpu.memory_space<vmem>>[vector<16xi32>, vector<16xi32>], vector<16xf32>,
        %scatter3A_1123 = arith.constant 0 : i32
        %scatter3A_1124 = arith.constant 0 : i32
        %scatter3A_1125 = tpu.memref_slice %arg5[%scan3A_826, %scatter3A_1123, %scatter3A_1124] : memref<2x1024x16xf32, #tpu.memory_space<vmem>> -> memref<1x1024x16xf32, #tpu.memory_space<vmem>>
        %scatter3A_1126 = tpu.memref_squeeze %scatter3A_1125 : memref<1x1024x16xf32, #tpu.memory_space<vmem>> -> memref<1024x16xf32, #tpu.memory_space<vmem>>
        tpu.vector_store_idx %scatter3A_1126[%add3A_972, %broadcast_in_dim3A_7], %get3A_998 : memref<1024x16xf32, #tpu.memory_space<vmem>>[vector<16xi32>, vector<16xi32>], vector<16xf32>,
        %scatter3A_1127 = arith.constant 0 : i32
        %scatter3A_1128 = arith.constant 0 : i32
        %scatter3A_1129 = tpu.memref_slice %arg5[%scan3A_826, %scatter3A_1127, %scatter3A_1128] : memref<2x1024x16xf32, #tpu.memory_space<vmem>> -> memref<1x1024x16xf32, #tpu.memory_space<vmem>>
        %scatter3A_1130 = tpu.memref_squeeze %scatter3A_1129 : memref<1x1024x16xf32, #tpu.memory_space<vmem>> -> memref<1024x16xf32, #tpu.memory_space<vmem>>
        tpu.vector_store_idx %scatter3A_1130[%add3A_972, %broadcast_in_dim3A_9], %get3A_1007 : memref<1024x16xf32, #tpu.memory_space<vmem>>[vector<16xi32>, vector<16xi32>], vector<16xf32>,
        %scatter3A_1131 = arith.constant 0 : i32
        %scatter3A_1132 = arith.constant 0 : i32
        %scatter3A_1133 = tpu.memref_slice %arg5[%scan3A_826, %scatter3A_1131, %scatter3A_1132] : memref<2x1024x16xf32, #tpu.memory_space<vmem>> -> memref<1x1024x16xf32, #tpu.memory_space<vmem>>
        %scatter3A_1134 = tpu.memref_squeeze %scatter3A_1133 : memref<1x1024x16xf32, #tpu.memory_space<vmem>> -> memref<1024x16xf32, #tpu.memory_space<vmem>>
        tpu.vector_store_idx %scatter3A_1134[%add3A_972, %broadcast_in_dim3A_11], %get3A_1016 : memref<1024x16xf32, #tpu.memory_space<vmem>>[vector<16xi32>, vector<16xi32>], vector<16xf32>,
        %scatter3A_1135 = arith.constant 0 : i32
        %scatter3A_1136 = arith.constant 0 : i32
        %scatter3A_1137 = tpu.memref_slice %arg5[%scan3A_826, %scatter3A_1135, %scatter3A_1136] : memref<2x1024x16xf32, #tpu.memory_space<vmem>> -> memref<1x1024x16xf32, #tpu.memory_space<vmem>>
        %scatter3A_1138 = tpu.memref_squeeze %scatter3A_1137 : memref<1x1024x16xf32, #tpu.memory_space<vmem>> -> memref<1024x16xf32, #tpu.memory_space<vmem>>
        tpu.vector_store_idx %scatter3A_1138[%add3A_972, %broadcast_in_dim3A_13], %get3A_1025 : memref<1024x16xf32, #tpu.memory_space<vmem>>[vector<16xi32>, vector<16xi32>], vector<16xf32>,
        %scatter3A_1139 = arith.constant 0 : i32
        %scatter3A_1140 = arith.constant 0 : i32
        %scatter3A_1141 = tpu.memref_slice %arg5[%scan3A_826, %scatter3A_1139, %scatter3A_1140] : memref<2x1024x16xf32, #tpu.memory_space<vmem>> -> memref<1x1024x16xf32, #tpu.memory_space<vmem>>
        %scatter3A_1142 = tpu.memref_squeeze %scatter3A_1141 : memref<1x1024x16xf32, #tpu.memory_space<vmem>> -> memref<1024x16xf32, #tpu.memory_space<vmem>>
        tpu.vector_store_idx %scatter3A_1142[%add3A_972, %broadcast_in_dim3A_15], %get3A_1034 : memref<1024x16xf32, #tpu.memory_space<vmem>>[vector<16xi32>, vector<16xi32>], vector<16xf32>,
        %scatter3A_1143 = arith.constant 0 : i32
        %scatter3A_1144 = arith.constant 0 : i32
        %scatter3A_1145 = tpu.memref_slice %arg5[%scan3A_826, %scatter3A_1143, %scatter3A_1144] : memref<2x1024x16xf32, #tpu.memory_space<vmem>> -> memref<1x1024x16xf32, #tpu.memory_space<vmem>>
        %scatter3A_1146 = tpu.memref_squeeze %scatter3A_1145 : memref<1x1024x16xf32, #tpu.memory_space<vmem>> -> memref<1024x16xf32, #tpu.memory_space<vmem>>
        tpu.vector_store_idx %scatter3A_1146[%add3A_972, %broadcast_in_dim3A_17], %get3A_1043 : memref<1024x16xf32, #tpu.memory_space<vmem>>[vector<16xi32>, vector<16xi32>], vector<16xf32>,
        %scatter3A_1147 = arith.constant 0 : i32
        %scatter3A_1148 = arith.constant 0 : i32
        %scatter3A_1149 = tpu.memref_slice %arg5[%scan3A_826, %scatter3A_1147, %scatter3A_1148] : memref<2x1024x16xf32, #tpu.memory_space<vmem>> -> memref<1x1024x16xf32, #tpu.memory_space<vmem>>
        %scatter3A_1150 = tpu.memref_squeeze %scatter3A_1149 : memref<1x1024x16xf32, #tpu.memory_space<vmem>> -> memref<1024x16xf32, #tpu.memory_space<vmem>>
        tpu.vector_store_idx %scatter3A_1150[%add3A_972, %broadcast_in_dim3A_19], %get3A_1052 : memref<1024x16xf32, #tpu.memory_space<vmem>>[vector<16xi32>, vector<16xi32>], vector<16xf32>,
        %scatter3A_1151 = arith.constant 0 : i32
        %scatter3A_1152 = arith.constant 0 : i32
        %scatter3A_1153 = tpu.memref_slice %arg5[%scan3A_826, %scatter3A_1151, %scatter3A_1152] : memref<2x1024x16xf32, #tpu.memory_space<vmem>> -> memref<1x1024x16xf32, #tpu.memory_space<vmem>>
        %scatter3A_1154 = tpu.memref_squeeze %scatter3A_1153 : memref<1x1024x16xf32, #tpu.memory_space<vmem>> -> memref<1024x16xf32, #tpu.memory_space<vmem>>
        tpu.vector_store_idx %scatter3A_1154[%add3A_972, %broadcast_in_dim3A_21], %get3A_1061 : memref<1024x16xf32, #tpu.memory_space<vmem>>[vector<16xi32>, vector<16xi32>], vector<16xf32>,
        %scatter3A_1155 = arith.constant 0 : i32
        %scatter3A_1156 = arith.constant 0 : i32
        %scatter3A_1157 = tpu.memref_slice %arg5[%scan3A_826, %scatter3A_1155, %scatter3A_1156] : memref<2x1024x16xf32, #tpu.memory_space<vmem>> -> memref<1x1024x16xf32, #tpu.memory_space<vmem>>
        %scatter3A_1158 = tpu.memref_squeeze %scatter3A_1157 : memref<1x1024x16xf32, #tpu.memory_space<vmem>> -> memref<1024x16xf32, #tpu.memory_space<vmem>>
        tpu.vector_store_idx %scatter3A_1158[%add3A_972, %broadcast_in_dim3A_23], %get3A_1070 : memref<1024x16xf32, #tpu.memory_space<vmem>>[vector<16xi32>, vector<16xi32>], vector<16xf32>,
        %scatter3A_1159 = arith.constant 0 : i32
        %scatter3A_1160 = arith.constant 0 : i32
        %scatter3A_1161 = tpu.memref_slice %arg5[%scan3A_826, %scatter3A_1159, %scatter3A_1160] : memref<2x1024x16xf32, #tpu.memory_space<vmem>> -> memref<1x1024x16xf32, #tpu.memory_space<vmem>>
        %scatter3A_1162 = tpu.memref_squeeze %scatter3A_1161 : memref<1x1024x16xf32, #tpu.memory_space<vmem>> -> memref<1024x16xf32, #tpu.memory_space<vmem>>
        tpu.vector_store_idx %scatter3A_1162[%add3A_972, %broadcast_in_dim3A_25], %get3A_1079 : memref<1024x16xf32, #tpu.memory_space<vmem>>[vector<16xi32>, vector<16xi32>], vector<16xf32>,
        %scatter3A_1163 = arith.constant 0 : i32
        %scatter3A_1164 = arith.constant 0 : i32
        %scatter3A_1165 = tpu.memref_slice %arg5[%scan3A_826, %scatter3A_1163, %scatter3A_1164] : memref<2x1024x16xf32, #tpu.memory_space<vmem>> -> memref<1x1024x16xf32, #tpu.memory_space<vmem>>
        %scatter3A_1166 = tpu.memref_squeeze %scatter3A_1165 : memref<1x1024x16xf32, #tpu.memory_space<vmem>> -> memref<1024x16xf32, #tpu.memory_space<vmem>>
        tpu.vector_store_idx %scatter3A_1166[%add3A_972, %broadcast_in_dim3A_27], %get3A_1088 : memref<1024x16xf32, #tpu.memory_space<vmem>>[vector<16xi32>, vector<16xi32>], vector<16xf32>,
        %scatter3A_1167 = arith.constant 0 : i32
        %scatter3A_1168 = arith.constant 0 : i32
        %scatter3A_1169 = tpu.memref_slice %arg5[%scan3A_826, %scatter3A_1167, %scatter3A_1168] : memref<2x1024x16xf32, #tpu.memory_space<vmem>> -> memref<1x1024x16xf32, #tpu.memory_space<vmem>>
        %scatter3A_1170 = tpu.memref_squeeze %scatter3A_1169 : memref<1x1024x16xf32, #tpu.memory_space<vmem>> -> memref<1024x16xf32, #tpu.memory_space<vmem>>
        tpu.vector_store_idx %scatter3A_1170[%add3A_972, %broadcast_in_dim3A_29], %get3A_1097 : memref<1024x16xf32, #tpu.memory_space<vmem>>[vector<16xi32>, vector<16xi32>], vector<16xf32>,
        %scatter3A_1171 = arith.constant 0 : i32
        %scatter3A_1172 = arith.constant 0 : i32
        %scatter3A_1173 = tpu.memref_slice %arg5[%scan3A_826, %scatter3A_1171, %scatter3A_1172] : memref<2x1024x16xf32, #tpu.memory_space<vmem>> -> memref<1x1024x16xf32, #tpu.memory_space<vmem>>
        %scatter3A_1174 = tpu.memref_squeeze %scatter3A_1173 : memref<1x1024x16xf32, #tpu.memory_space<vmem>> -> memref<1024x16xf32, #tpu.memory_space<vmem>>
        tpu.vector_store_idx %scatter3A_1174[%add3A_972, %broadcast_in_dim3A_31], %get3A_1106 : memref<1024x16xf32, #tpu.memory_space<vmem>>[vector<16xi32>, vector<16xi32>], vector<16xf32>,
        %scatter3A_1175 = arith.constant 0 : i32
        %scatter3A_1176 = arith.constant 0 : i32
        %scatter3A_1177 = tpu.memref_slice %arg5[%scan3A_826, %scatter3A_1175, %scatter3A_1176] : memref<2x1024x16xf32, #tpu.memory_space<vmem>> -> memref<1x1024x16xf32, #tpu.memory_space<vmem>>
        %scatter3A_1178 = tpu.memref_squeeze %scatter3A_1177 : memref<1x1024x16xf32, #tpu.memory_space<vmem>> -> memref<1024x16xf32, #tpu.memory_space<vmem>>
        tpu.vector_store_idx %scatter3A_1178[%add3A_972, %broadcast_in_dim3A_33], %get3A_1115 : memref<1024x16xf32, #tpu.memory_space<vmem>>[vector<16xi32>, vector<16xi32>], vector<16xf32>,
      }
      %scan3A_831 = arith.constant 64 : i32
      %mul3A_832 = arith.constant 1024 : i32
      %mul3A_833 = arith.muli %add3A_786, %mul3A_832 : i32
      %dma_start3A_834 = arith.constant 0 : i32
      %dma_start3A_835 = arith.constant 0 : i32
      %dma_start3A_836 = arith.constant 0 : i32
      %dma_start3A_837 = tpu.memref_slice %arg5[%dma_start3A_834, %dma_start3A_835, %dma_start3A_836] : memref<2x1024x16xf32, #tpu.memory_space<vmem>> -> memref<1x1024x16xf32, #tpu.memory_space<vmem>>
      %dma_start3A_838 = tpu.memref_squeeze %dma_start3A_837 : memref<1x1024x16xf32, #tpu.memory_space<vmem>> -> memref<1024x16xf32, #tpu.memory_space<vmem>>
      %dma_start3A_839 = arith.constant 0 : i32
      %dma_start3A_840 = tpu.memref_slice %arg3[%mul3A_833, %dma_start3A_839] : memref<851968x16xf32, #tpu.memory_space<hbm>> -> memref<1024x16xf32, #tpu.memory_space<hbm>>
      %dma_start3A_841 = arith.constant 0 : i32
      %dma_start3A_842 = tpu.memref_slice %arg3[%mul3A_833, %dma_start3A_841] : memref<851968x16xf32, #tpu.memory_space<hbm>> -> memref<1024x16xf32, #tpu.memory_space<hbm>>
      %dma_start3A_843 = arith.constant 0 : i32
      %dma_start3A_844 = arith.constant 0 : i32
      %dma_start3A_845 = tpu.memref_slice %arg5[%dma_start3A_834, %dma_start3A_843, %dma_start3A_844] : memref<2x1024x16xf32, #tpu.memory_space<vmem>> -> memref<1x1024x16xf32, #tpu.memory_space<vmem>>
      %dma_start3A_846 = tpu.memref_squeeze %dma_start3A_845 : memref<1x1024x16xf32, #tpu.memory_space<vmem>> -> memref<1024x16xf32, #tpu.memory_space<vmem>>
      tpu.enqueue_dma source(%dma_start3A_846 : memref<1024x16xf32, #tpu.memory_space<vmem>>) target(%dma_start3A_842 : memref<1024x16xf32, #tpu.memory_space<hbm>>) target_semaphore(%arg9 : memref<!tpu.dma_semaphore, #tpu.memory_space<semaphore_mem>>)
      %add3A_847 = arith.constant 3 : i32
      %add3A_848 = arith.addi %add3A_786, %add3A_847 : i32
      %min3A_849 = arith.constant 831 : i32
      %min3A_850 = arith.minsi %add3A_848, %min3A_849 : i32
      %mul3A_851 = arith.constant 8 : i32
      %mul3A_852 = arith.muli %min3A_850, %mul3A_851 : i32
      %dma_start3A_853 = arith.constant 1 : i32
      %dma_start3A_854 = arith.constant 0 : i32
      %dma_start3A_855 = arith.constant 0 : i32
      %dma_start3A_856 = arith.constant 0 : i32
      %dma_start3A_857 = arith.constant 0 : i32
      %dma_start3A_858 = tpu.memref_slice %arg4[%dma_start3A_853, %dma_start3A_854, %dma_start3A_855, %dma_start3A_856, %dma_start3A_857] : memref<3x2x8x8x128xf32, #tpu.memory_space<vmem>> -> memref<1x2x8x8x128xf32, #tpu.memory_space<vmem>>
      %dma_start3A_859 = tpu.memref_squeeze %dma_start3A_858 : memref<1x2x8x8x128xf32, #tpu.memory_space<vmem>> -> memref<2x8x8x128xf32, #tpu.memory_space<vmem>>
      %dma_start3A_860 = arith.constant 0 : i32
      %dma_start3A_861 = arith.constant 0 : i32
      %dma_start3A_862 = arith.constant 0 : i32
      %dma_start3A_863 = tpu.memref_slice %arg2[%dma_start3A_860, %mul3A_852, %dma_start3A_861, %dma_start3A_862] : memref<2x6656x8x128xf32, #tpu.memory_space<hbm>> -> memref<2x8x8x128xf32, #tpu.memory_space<hbm>>
      %dma_start3A_864 = arith.constant 0 : i32
      %dma_start3A_865 = arith.constant 0 : i32
      %dma_start3A_866 = arith.constant 0 : i32
      %dma_start3A_867 = arith.constant 0 : i32
      %dma_start3A_868 = tpu.memref_slice %arg4[%dma_start3A_853, %dma_start3A_864, %dma_start3A_865, %dma_start3A_866, %dma_start3A_867] : memref<3x2x8x8x128xf32, #tpu.memory_space<vmem>> -> memref<1x2x8x8x128xf32, #tpu.memory_space<vmem>>
      %dma_start3A_869 = tpu.memref_squeeze %dma_start3A_868 : memref<1x2x8x8x128xf32, #tpu.memory_space<vmem>> -> memref<2x8x8x128xf32, #tpu.memory_space<vmem>>
      %dma_start3A_870 = arith.constant 0 : i32
      %dma_start3A_871 = arith.constant 0 : i32
      %dma_start3A_872 = arith.constant 0 : i32
      %dma_start3A_873 = tpu.memref_slice %arg2[%dma_start3A_870, %mul3A_852, %dma_start3A_871, %dma_start3A_872] : memref<2x6656x8x128xf32, #tpu.memory_space<hbm>> -> memref<2x8x8x128xf32, #tpu.memory_space<hbm>>
      tpu.enqueue_dma source(%dma_start3A_873 : memref<2x8x8x128xf32, #tpu.memory_space<hbm>>) target(%dma_start3A_869 : memref<2x8x8x128xf32, #tpu.memory_space<vmem>>) target_semaphore(%arg7 : memref<!tpu.dma_semaphore, #tpu.memory_space<semaphore_mem>>)
      %add3A_874 = arith.constant 5 : i32
      %add3A_875 = arith.addi %add3A_428, %add3A_874 : i32
      %dma_wait3A_876 = arith.constant 2 : i32
      %dma_wait3A_877 = arith.constant 0 : i32
      %dma_wait3A_878 = arith.constant 0 : i32
      %dma_wait3A_879 = arith.constant 0 : i32
      %dma_wait3A_880 = arith.constant 0 : i32
      %dma_wait3A_881 = tpu.memref_slice %arg4[%dma_wait3A_876, %dma_wait3A_877, %dma_wait3A_878, %dma_wait3A_879, %dma_wait3A_880] : memref<3x2x8x8x128xf32, #tpu.memory_space<vmem>> -> memref<1x2x8x8x128xf32, #tpu.memory_space<vmem>>
      %dma_wait3A_882 = tpu.memref_squeeze %dma_wait3A_881 : memref<1x2x8x8x128xf32, #tpu.memory_space<vmem>> -> memref<2x8x8x128xf32, #tpu.memory_space<vmem>>
      %dma_wait3A_883 = arith.constant 0 : i32
      %dma_wait3A_884 = arith.constant 0 : i32
      %dma_wait3A_885 = arith.constant 0 : i32
      %dma_wait3A_886 = arith.constant 0 : i32
      %dma_wait3A_887 = tpu.memref_slice %arg2[%dma_wait3A_883, %dma_wait3A_884, %dma_wait3A_885, %dma_wait3A_886] : memref<2x6656x8x128xf32, #tpu.memory_space<hbm>> -> memref<2x8x8x128xf32, #tpu.memory_space<hbm>>
      %dma_wait3A_888 = arith.constant 0 : i32
      %dma_wait3A_889 = arith.constant 0 : i32
      %dma_wait3A_890 = arith.constant 0 : i32
      %dma_wait3A_891 = arith.constant 0 : i32
      %dma_wait3A_892 = tpu.memref_slice %arg4[%dma_wait3A_876, %dma_wait3A_888, %dma_wait3A_889, %dma_wait3A_890, %dma_wait3A_891] : memref<3x2x8x8x128xf32, #tpu.memory_space<vmem>> -> memref<1x2x8x8x128xf32, #tpu.memory_space<vmem>>
      %dma_wait3A_893 = tpu.memref_squeeze %dma_wait3A_892 : memref<1x2x8x8x128xf32, #tpu.memory_space<vmem>> -> memref<2x8x8x128xf32, #tpu.memory_space<vmem>>
      %dma_wait3A_894 = arith.constant 0 : i32
      %dma_wait3A_895 = arith.constant 0 : i32
      %dma_wait3A_896 = arith.constant 0 : i32
      %dma_wait3A_897 = arith.constant 0 : i32
      %dma_wait3A_898 = tpu.memref_slice %arg2[%dma_wait3A_894, %dma_wait3A_895, %dma_wait3A_896, %dma_wait3A_897] : memref<2x6656x8x128xf32, #tpu.memory_space<hbm>> -> memref<2x8x8x128xf32, #tpu.memory_space<hbm>>
      tpu.wait_dma2 semaphore(%arg8 : memref<!tpu.dma_semaphore, #tpu.memory_space<semaphore_mem>>) src(%dma_wait3A_898 : memref<2x8x8x128xf32, #tpu.memory_space<hbm>>) dst(%dma_wait3A_893 : memref<2x8x8x128xf32, #tpu.memory_space<vmem>>)
      %dma_wait3A_899 = arith.constant 1 : i32
      %dma_wait3A_900 = arith.constant 0 : i32
      %dma_wait3A_901 = arith.constant 0 : i32
      %dma_wait3A_902 = tpu.memref_slice %arg5[%dma_wait3A_899, %dma_wait3A_900, %dma_wait3A_901] : memref<2x1024x16xf32, #tpu.memory_space<vmem>> -> memref<1x1024x16xf32, #tpu.memory_space<vmem>>
      %dma_wait3A_903 = tpu.memref_squeeze %dma_wait3A_902 : memref<1x1024x16xf32, #tpu.memory_space<vmem>> -> memref<1024x16xf32, #tpu.memory_space<vmem>>
      %dma_wait3A_904 = arith.constant 0 : i32
      %dma_wait3A_905 = arith.constant 0 : i32
      %dma_wait3A_906 = tpu.memref_slice %arg3[%dma_wait3A_904, %dma_wait3A_905] : memref<851968x16xf32, #tpu.memory_space<hbm>> -> memref<1024x16xf32, #tpu.memory_space<hbm>>
      %dma_wait3A_907 = arith.constant 0 : i32
      %dma_wait3A_908 = arith.constant 0 : i32
      %dma_wait3A_909 = tpu.memref_slice %arg3[%dma_wait3A_907, %dma_wait3A_908] : memref<851968x16xf32, #tpu.memory_space<hbm>> -> memref<1024x16xf32, #tpu.memory_space<hbm>>
      %dma_wait3A_910 = arith.constant 0 : i32
      %dma_wait3A_911 = arith.constant 0 : i32
      %dma_wait3A_912 = tpu.memref_slice %arg5[%dma_wait3A_899, %dma_wait3A_910, %dma_wait3A_911] : memref<2x1024x16xf32, #tpu.memory_space<vmem>> -> memref<1x1024x16xf32, #tpu.memory_space<vmem>>
      %dma_wait3A_913 = tpu.memref_squeeze %dma_wait3A_912 : memref<1x1024x16xf32, #tpu.memory_space<vmem>> -> memref<1024x16xf32, #tpu.memory_space<vmem>>
      tpu.wait_dma2 semaphore(%arg10 : memref<!tpu.dma_semaphore, #tpu.memory_space<semaphore_mem>>) src(%dma_wait3A_913 : memref<1024x16xf32, #tpu.memory_space<vmem>>) dst(%dma_wait3A_909 : memref<1024x16xf32, #tpu.memory_space<hbm>>)
      %scan3A_914 = arith.constant 0 : i32
      %scan3A_915 = arith.constant 1 : i32
      %scan3A_916 = arith.constant 0 : i32
      %scan3A_917 = arith.constant 64 : i32
      %scan3A_918 = arith.addi %scan3A_916, %scan3A_917 : i32
      %scan3A_919 = arith.constant 1 : i32
      scf.for %scan3A_963 = %scan3A_916 to %scan3A_918 step %scan3A_919  : i32 {
        %shift_right_arithmetic3A = arith.constant 3 : i32
        %shift_right_arithmetic3A_964 = arith.shrsi %scan3A_963, %shift_right_arithmetic3A : i32
        %and3A = arith.constant 7 : i32
        %and3A_965 = arith.andi %scan3A_963, %and3A : i32
        %mul3A_966 = arith.constant 16 : i32
        %mul3A_967 = arith.muli %and3A_965, %mul3A_966 : i32
        %mul3A_968 = arith.constant 128 : i32
        %mul3A_969 = arith.muli %shift_right_arithmetic3A_964, %mul3A_968 : i32
        %add3A_970 = arith.addi %mul3A_969, %mul3A_967 : i32
        %add3A_971 = vector.broadcast %add3A_970 : i32 to vector<16xi32>
        %add3A_972 = arith.addi %add3A_971, %iota3A : vector<16xi32>
        %get3A = arith.constant 2 : i32
        %get3A_973 = arith.constant 0 : i32
        %get3A_974 = arith.constant 0 : i32
        %get3A_975 = arith.index_cast %get3A : i32 to index
        %get3A_976 = arith.index_cast %get3A_973 : i32 to index
        %get3A_977 = arith.index_cast %shift_right_arithmetic3A_964 : i32 to index
        %get3A_978 = arith.index_cast %get3A_974 : i32 to index
        %get3A_979 = arith.index_cast %mul3A_967 : i32 to index
        %get3A_980 = tpu.vector_load %arg4[%get3A_975, %get3A_976, %get3A_977, %get3A_978, %get3A_979] {strides = array<i32>} : memref<3x2x8x8x128xf32, #tpu.memory_space<vmem>>, vector<16xf32>,
        %get3A_981 = arith.constant 2 : i32
        %get3A_982 = arith.constant 0 : i32
        %get3A_983 = arith.constant 1 : i32
        %get3A_984 = arith.index_cast %get3A_981 : i32 to index
        %get3A_985 = arith.index_cast %get3A_982 : i32 to index
        %get3A_986 = arith.index_cast %shift_right_arithmetic3A_964 : i32 to index
        %get3A_987 = arith.index_cast %get3A_983 : i32 to index
        %get3A_988 = arith.index_cast %mul3A_967 : i32 to index
        %get3A_989 = tpu.vector_load %arg4[%get3A_984, %get3A_985, %get3A_986, %get3A_987, %get3A_988] {strides = array<i32>} : memref<3x2x8x8x128xf32, #tpu.memory_space<vmem>>, vector<16xf32>,
        %get3A_990 = arith.constant 2 : i32
        %get3A_991 = arith.constant 0 : i32
        %get3A_992 = arith.constant 2 : i32
        %get3A_993 = arith.index_cast %get3A_990 : i32 to index
        %get3A_994 = arith.index_cast %get3A_991 : i32 to index
        %get3A_995 = arith.index_cast %shift_right_arithmetic3A_964 : i32 to index
        %get3A_996 = arith.index_cast %get3A_992 : i32 to index
        %get3A_997 = arith.index_cast %mul3A_967 : i32 to index
        %get3A_998 = tpu.vector_load %arg4[%get3A_993, %get3A_994, %get3A_995, %get3A_996, %get3A_997] {strides = array<i32>} : memref<3x2x8x8x128xf32, #tpu.memory_space<vmem>>, vector<16xf32>,
        %get3A_999 = arith.constant 2 : i32
        %get3A_1000 = arith.constant 0 : i32
        %get3A_1001 = arith.constant 3 : i32
        %get3A_1002 = arith.index_cast %get3A_999 : i32 to index
        %get3A_1003 = arith.index_cast %get3A_1000 : i32 to index
        %get3A_1004 = arith.index_cast %shift_right_arithmetic3A_964 : i32 to index
        %get3A_1005 = arith.index_cast %get3A_1001 : i32 to index
        %get3A_1006 = arith.index_cast %mul3A_967 : i32 to index
        %get3A_1007 = tpu.vector_load %arg4[%get3A_1002, %get3A_1003, %get3A_1004, %get3A_1005, %get3A_1006] {strides = array<i32>} : memref<3x2x8x8x128xf32, #tpu.memory_space<vmem>>, vector<16xf32>,
        %get3A_1008 = arith.constant 2 : i32
        %get3A_1009 = arith.constant 0 : i32
        %get3A_1010 = arith.constant 4 : i32
        %get3A_1011 = arith.index_cast %get3A_1008 : i32 to index
        %get3A_1012 = arith.index_cast %get3A_1009 : i32 to index
        %get3A_1013 = arith.index_cast %shift_right_arithmetic3A_964 : i32 to index
        %get3A_1014 = arith.index_cast %get3A_1010 : i32 to index
        %get3A_1015 = arith.index_cast %mul3A_967 : i32 to index
        %get3A_1016 = tpu.vector_load %arg4[%get3A_1011, %get3A_1012, %get3A_1013, %get3A_1014, %get3A_1015] {strides = array<i32>} : memref<3x2x8x8x128xf32, #tpu.memory_space<vmem>>, vector<16xf32>,
        %get3A_1017 = arith.constant 2 : i32
        %get3A_1018 = arith.constant 0 : i32
        %get3A_1019 = arith.constant 5 : i32
        %get3A_1020 = arith.index_cast %get3A_1017 : i32 to index
        %get3A_1021 = arith.index_cast %get3A_1018 : i32 to index
        %get3A_1022 = arith.index_cast %shift_right_arithmetic3A_964 : i32 to index
        %get3A_1023 = arith.index_cast %get3A_1019 : i32 to index
        %get3A_1024 = arith.index_cast %mul3A_967 : i32 to index
        %get3A_1025 = tpu.vector_load %arg4[%get3A_1020, %get3A_1021, %get3A_1022, %get3A_1023, %get3A_1024] {strides = array<i32>} : memref<3x2x8x8x128xf32, #tpu.memory_space<vmem>>, vector<16xf32>,
        %get3A_1026 = arith.constant 2 : i32
        %get3A_1027 = arith.constant 0 : i32
        %get3A_1028 = arith.constant 6 : i32
        %get3A_1029 = arith.index_cast %get3A_1026 : i32 to index
        %get3A_1030 = arith.index_cast %get3A_1027 : i32 to index
        %get3A_1031 = arith.index_cast %shift_right_arithmetic3A_964 : i32 to index
        %get3A_1032 = arith.index_cast %get3A_1028 : i32 to index
        %get3A_1033 = arith.index_cast %mul3A_967 : i32 to index
        %get3A_1034 = tpu.vector_load %arg4[%get3A_1029, %get3A_1030, %get3A_1031, %get3A_1032, %get3A_1033] {strides = array<i32>} : memref<3x2x8x8x128xf32, #tpu.memory_space<vmem>>, vector<16xf32>,
        %get3A_1035 = arith.constant 2 : i32
        %get3A_1036 = arith.constant 0 : i32
        %get3A_1037 = arith.constant 7 : i32
        %get3A_1038 = arith.index_cast %get3A_1035 : i32 to index
        %get3A_1039 = arith.index_cast %get3A_1036 : i32 to index
        %get3A_1040 = arith.index_cast %shift_right_arithmetic3A_964 : i32 to index
        %get3A_1041 = arith.index_cast %get3A_1037 : i32 to index
        %get3A_1042 = arith.index_cast %mul3A_967 : i32 to index
        %get3A_1043 = tpu.vector_load %arg4[%get3A_1038, %get3A_1039, %get3A_1040, %get3A_1041, %get3A_1042] {strides = array<i32>} : memref<3x2x8x8x128xf32, #tpu.memory_space<vmem>>, vector<16xf32>,
        %get3A_1044 = arith.constant 2 : i32
        %get3A_1045 = arith.constant 1 : i32
        %get3A_1046 = arith.constant 0 : i32
        %get3A_1047 = arith.index_cast %get3A_1044 : i32 to index
        %get3A_1048 = arith.index_cast %get3A_1045 : i32 to index
        %get3A_1049 = arith.index_cast %shift_right_arithmetic3A_964 : i32 to index
        %get3A_1050 = arith.index_cast %get3A_1046 : i32 to index
        %get3A_1051 = arith.index_cast %mul3A_967 : i32 to index
        %get3A_1052 = tpu.vector_load %arg4[%get3A_1047, %get3A_1048, %get3A_1049, %get3A_1050, %get3A_1051] {strides = array<i32>} : memref<3x2x8x8x128xf32, #tpu.memory_space<vmem>>, vector<16xf32>,
        %get3A_1053 = arith.constant 2 : i32
        %get3A_1054 = arith.constant 1 : i32
        %get3A_1055 = arith.constant 1 : i32
        %get3A_1056 = arith.index_cast %get3A_1053 : i32 to index
        %get3A_1057 = arith.index_cast %get3A_1054 : i32 to index
        %get3A_1058 = arith.index_cast %shift_right_arithmetic3A_964 : i32 to index
        %get3A_1059 = arith.index_cast %get3A_1055 : i32 to index
        %get3A_1060 = arith.index_cast %mul3A_967 : i32 to index
        %get3A_1061 = tpu.vector_load %arg4[%get3A_1056, %get3A_1057, %get3A_1058, %get3A_1059, %get3A_1060] {strides = array<i32>} : memref<3x2x8x8x128xf32, #tpu.memory_space<vmem>>, vector<16xf32>,
        %get3A_1062 = arith.constant 2 : i32
        %get3A_1063 = arith.constant 1 : i32
        %get3A_1064 = arith.constant 2 : i32
        %get3A_1065 = arith.index_cast %get3A_1062 : i32 to index
        %get3A_1066 = arith.index_cast %get3A_1063 : i32 to index
        %get3A_1067 = arith.index_cast %shift_right_arithmetic3A_964 : i32 to index
        %get3A_1068 = arith.index_cast %get3A_1064 : i32 to index
        %get3A_1069 = arith.index_cast %mul3A_967 : i32 to index
        %get3A_1070 = tpu.vector_load %arg4[%get3A_1065, %get3A_1066, %get3A_1067, %get3A_1068, %get3A_1069] {strides = array<i32>} : memref<3x2x8x8x128xf32, #tpu.memory_space<vmem>>, vector<16xf32>,
        %get3A_1071 = arith.constant 2 : i32
        %get3A_1072 = arith.constant 1 : i32
        %get3A_1073 = arith.constant 3 : i32
        %get3A_1074 = arith.index_cast %get3A_1071 : i32 to index
        %get3A_1075 = arith.index_cast %get3A_1072 : i32 to index
        %get3A_1076 = arith.index_cast %shift_right_arithmetic3A_964 : i32 to index
        %get3A_1077 = arith.index_cast %get3A_1073 : i32 to index
        %get3A_1078 = arith.index_cast %mul3A_967 : i32 to index
        %get3A_1079 = tpu.vector_load %arg4[%get3A_1074, %get3A_1075, %get3A_1076, %get3A_1077, %get3A_1078] {strides = array<i32>} : memref<3x2x8x8x128xf32, #tpu.memory_space<vmem>>, vector<16xf32>,
        %get3A_1080 = arith.constant 2 : i32
        %get3A_1081 = arith.constant 1 : i32
        %get3A_1082 = arith.constant 4 : i32
        %get3A_1083 = arith.index_cast %get3A_1080 : i32 to index
        %get3A_1084 = arith.index_cast %get3A_1081 : i32 to index
        %get3A_1085 = arith.index_cast %shift_right_arithmetic3A_964 : i32 to index
        %get3A_1086 = arith.index_cast %get3A_1082 : i32 to index
        %get3A_1087 = arith.index_cast %mul3A_967 : i32 to index
        %get3A_1088 = tpu.vector_load %arg4[%get3A_1083, %get3A_1084, %get3A_1085, %get3A_1086, %get3A_1087] {strides = array<i32>} : memref<3x2x8x8x128xf32, #tpu.memory_space<vmem>>, vector<16xf32>,
        %get3A_1089 = arith.constant 2 : i32
        %get3A_1090 = arith.constant 1 : i32
        %get3A_1091 = arith.constant 5 : i32
        %get3A_1092 = arith.index_cast %get3A_1089 : i32 to index
        %get3A_1093 = arith.index_cast %get3A_1090 : i32 to index
        %get3A_1094 = arith.index_cast %shift_right_arithmetic3A_964 : i32 to index
        %get3A_1095 = arith.index_cast %get3A_1091 : i32 to index
        %get3A_1096 = arith.index_cast %mul3A_967 : i32 to index
        %get3A_1097 = tpu.vector_load %arg4[%get3A_1092, %get3A_1093, %get3A_1094, %get3A_1095, %get3A_1096] {strides = array<i32>} : memref<3x2x8x8x128xf32, #tpu.memory_space<vmem>>, vector<16xf32>,
        %get3A_1098 = arith.constant 2 : i32
        %get3A_1099 = arith.constant 1 : i32
        %get3A_1100 = arith.constant 6 : i32
        %get3A_1101 = arith.index_cast %get3A_1098 : i32 to index
        %get3A_1102 = arith.index_cast %get3A_1099 : i32 to index
        %get3A_1103 = arith.index_cast %shift_right_arithmetic3A_964 : i32 to index
        %get3A_1104 = arith.index_cast %get3A_1100 : i32 to index
        %get3A_1105 = arith.index_cast %mul3A_967 : i32 to index
        %get3A_1106 = tpu.vector_load %arg4[%get3A_1101, %get3A_1102, %get3A_1103, %get3A_1104, %get3A_1105] {strides = array<i32>} : memref<3x2x8x8x128xf32, #tpu.memory_space<vmem>>, vector<16xf32>,
        %get3A_1107 = arith.constant 2 : i32
        %get3A_1108 = arith.constant 1 : i32
        %get3A_1109 = arith.constant 7 : i32
        %get3A_1110 = arith.index_cast %get3A_1107 : i32 to index
        %get3A_1111 = arith.index_cast %get3A_1108 : i32 to index
        %get3A_1112 = arith.index_cast %shift_right_arithmetic3A_964 : i32 to index
        %get3A_1113 = arith.index_cast %get3A_1109 : i32 to index
        %get3A_1114 = arith.index_cast %mul3A_967 : i32 to index
        %get3A_1115 = tpu.vector_load %arg4[%get3A_1110, %get3A_1111, %get3A_1112, %get3A_1113, %get3A_1114] {strides = array<i32>} : memref<3x2x8x8x128xf32, #tpu.memory_space<vmem>>, vector<16xf32>,
        %scatter3A = arith.constant 0 : i32
        %scatter3A_1116 = arith.constant 0 : i32
        %scatter3A_1117 = tpu.memref_slice %arg5[%scan3A_915, %scatter3A, %scatter3A_1116] : memref<2x1024x16xf32, #tpu.memory_space<vmem>> -> memref<1x1024x16xf32, #tpu.memory_space<vmem>>
        %scatter3A_1118 = tpu.memref_squeeze %scatter3A_1117 : memref<1x1024x16xf32, #tpu.memory_space<vmem>> -> memref<1024x16xf32, #tpu.memory_space<vmem>>
        tpu.vector_store_idx %scatter3A_1118[%add3A_972, %broadcast_in_dim3A_3], %get3A_980 : memref<1024x16xf32, #tpu.memory_space<vmem>>[vector<16xi32>, vector<16xi32>], vector<16xf32>,
        %scatter3A_1119 = arith.constant 0 : i32
        %scatter3A_1120 = arith.constant 0 : i32
        %scatter3A_1121 = tpu.memref_slice %arg5[%scan3A_915, %scatter3A_1119, %scatter3A_1120] : memref<2x1024x16xf32, #tpu.memory_space<vmem>> -> memref<1x1024x16xf32, #tpu.memory_space<vmem>>
        %scatter3A_1122 = tpu.memref_squeeze %scatter3A_1121 : memref<1x1024x16xf32, #tpu.memory_space<vmem>> -> memref<1024x16xf32, #tpu.memory_space<vmem>>
        tpu.vector_store_idx %scatter3A_1122[%add3A_972, %broadcast_in_dim3A_5], %get3A_989 : memref<1024x16xf32, #tpu.memory_space<vmem>>[vector<16xi32>, vector<16xi32>], vector<16xf32>,
        %scatter3A_1123 = arith.constant 0 : i32
        %scatter3A_1124 = arith.constant 0 : i32
        %scatter3A_1125 = tpu.memref_slice %arg5[%scan3A_915, %scatter3A_1123, %scatter3A_1124] : memref<2x1024x16xf32, #tpu.memory_space<vmem>> -> memref<1x1024x16xf32, #tpu.memory_space<vmem>>
        %scatter3A_1126 = tpu.memref_squeeze %scatter3A_1125 : memref<1x1024x16xf32, #tpu.memory_space<vmem>> -> memref<1024x16xf32, #tpu.memory_space<vmem>>
        tpu.vector_store_idx %scatter3A_1126[%add3A_972, %broadcast_in_dim3A_7], %get3A_998 : memref<1024x16xf32, #tpu.memory_space<vmem>>[vector<16xi32>, vector<16xi32>], vector<16xf32>,
        %scatter3A_1127 = arith.constant 0 : i32
        %scatter3A_1128 = arith.constant 0 : i32
        %scatter3A_1129 = tpu.memref_slice %arg5[%scan3A_915, %scatter3A_1127, %scatter3A_1128] : memref<2x1024x16xf32, #tpu.memory_space<vmem>> -> memref<1x1024x16xf32, #tpu.memory_space<vmem>>
        %scatter3A_1130 = tpu.memref_squeeze %scatter3A_1129 : memref<1x1024x16xf32, #tpu.memory_space<vmem>> -> memref<1024x16xf32, #tpu.memory_space<vmem>>
        tpu.vector_store_idx %scatter3A_1130[%add3A_972, %broadcast_in_dim3A_9], %get3A_1007 : memref<1024x16xf32, #tpu.memory_space<vmem>>[vector<16xi32>, vector<16xi32>], vector<16xf32>,
        %scatter3A_1131 = arith.constant 0 : i32
        %scatter3A_1132 = arith.constant 0 : i32
        %scatter3A_1133 = tpu.memref_slice %arg5[%scan3A_915, %scatter3A_1131, %scatter3A_1132] : memref<2x1024x16xf32, #tpu.memory_space<vmem>> -> memref<1x1024x16xf32, #tpu.memory_space<vmem>>
        %scatter3A_1134 = tpu.memref_squeeze %scatter3A_1133 : memref<1x1024x16xf32, #tpu.memory_space<vmem>> -> memref<1024x16xf32, #tpu.memory_space<vmem>>
        tpu.vector_store_idx %scatter3A_1134[%add3A_972, %broadcast_in_dim3A_11], %get3A_1016 : memref<1024x16xf32, #tpu.memory_space<vmem>>[vector<16xi32>, vector<16xi32>], vector<16xf32>,
        %scatter3A_1135 = arith.constant 0 : i32
        %scatter3A_1136 = arith.constant 0 : i32
        %scatter3A_1137 = tpu.memref_slice %arg5[%scan3A_915, %scatter3A_1135, %scatter3A_1136] : memref<2x1024x16xf32, #tpu.memory_space<vmem>> -> memref<1x1024x16xf32, #tpu.memory_space<vmem>>
        %scatter3A_1138 = tpu.memref_squeeze %scatter3A_1137 : memref<1x1024x16xf32, #tpu.memory_space<vmem>> -> memref<1024x16xf32, #tpu.memory_space<vmem>>
        tpu.vector_store_idx %scatter3A_1138[%add3A_972, %broadcast_in_dim3A_13], %get3A_1025 : memref<1024x16xf32, #tpu.memory_space<vmem>>[vector<16xi32>, vector<16xi32>], vector<16xf32>,
        %scatter3A_1139 = arith.constant 0 : i32
        %scatter3A_1140 = arith.constant 0 : i32
        %scatter3A_1141 = tpu.memref_slice %arg5[%scan3A_915, %scatter3A_1139, %scatter3A_1140] : memref<2x1024x16xf32, #tpu.memory_space<vmem>> -> memref<1x1024x16xf32, #tpu.memory_space<vmem>>
        %scatter3A_1142 = tpu.memref_squeeze %scatter3A_1141 : memref<1x1024x16xf32, #tpu.memory_space<vmem>> -> memref<1024x16xf32, #tpu.memory_space<vmem>>
        tpu.vector_store_idx %scatter3A_1142[%add3A_972, %broadcast_in_dim3A_15], %get3A_1034 : memref<1024x16xf32, #tpu.memory_space<vmem>>[vector<16xi32>, vector<16xi32>], vector<16xf32>,
        %scatter3A_1143 = arith.constant 0 : i32
        %scatter3A_1144 = arith.constant 0 : i32
        %scatter3A_1145 = tpu.memref_slice %arg5[%scan3A_915, %scatter3A_1143, %scatter3A_1144] : memref<2x1024x16xf32, #tpu.memory_space<vmem>> -> memref<1x1024x16xf32, #tpu.memory_space<vmem>>
        %scatter3A_1146 = tpu.memref_squeeze %scatter3A_1145 : memref<1x1024x16xf32, #tpu.memory_space<vmem>> -> memref<1024x16xf32, #tpu.memory_space<vmem>>
        tpu.vector_store_idx %scatter3A_1146[%add3A_972, %broadcast_in_dim3A_17], %get3A_1043 : memref<1024x16xf32, #tpu.memory_space<vmem>>[vector<16xi32>, vector<16xi32>], vector<16xf32>,
        %scatter3A_1147 = arith.constant 0 : i32
        %scatter3A_1148 = arith.constant 0 : i32
        %scatter3A_1149 = tpu.memref_slice %arg5[%scan3A_915, %scatter3A_1147, %scatter3A_1148] : memref<2x1024x16xf32, #tpu.memory_space<vmem>> -> memref<1x1024x16xf32, #tpu.memory_space<vmem>>
        %scatter3A_1150 = tpu.memref_squeeze %scatter3A_1149 : memref<1x1024x16xf32, #tpu.memory_space<vmem>> -> memref<1024x16xf32, #tpu.memory_space<vmem>>
        tpu.vector_store_idx %scatter3A_1150[%add3A_972, %broadcast_in_dim3A_19], %get3A_1052 : memref<1024x16xf32, #tpu.memory_space<vmem>>[vector<16xi32>, vector<16xi32>], vector<16xf32>,
        %scatter3A_1151 = arith.constant 0 : i32
        %scatter3A_1152 = arith.constant 0 : i32
        %scatter3A_1153 = tpu.memref_slice %arg5[%scan3A_915, %scatter3A_1151, %scatter3A_1152] : memref<2x1024x16xf32, #tpu.memory_space<vmem>> -> memref<1x1024x16xf32, #tpu.memory_space<vmem>>
        %scatter3A_1154 = tpu.memref_squeeze %scatter3A_1153 : memref<1x1024x16xf32, #tpu.memory_space<vmem>> -> memref<1024x16xf32, #tpu.memory_space<vmem>>
        tpu.vector_store_idx %scatter3A_1154[%add3A_972, %broadcast_in_dim3A_21], %get3A_1061 : memref<1024x16xf32, #tpu.memory_space<vmem>>[vector<16xi32>, vector<16xi32>], vector<16xf32>,
        %scatter3A_1155 = arith.constant 0 : i32
        %scatter3A_1156 = arith.constant 0 : i32
        %scatter3A_1157 = tpu.memref_slice %arg5[%scan3A_915, %scatter3A_1155, %scatter3A_1156] : memref<2x1024x16xf32, #tpu.memory_space<vmem>> -> memref<1x1024x16xf32, #tpu.memory_space<vmem>>
        %scatter3A_1158 = tpu.memref_squeeze %scatter3A_1157 : memref<1x1024x16xf32, #tpu.memory_space<vmem>> -> memref<1024x16xf32, #tpu.memory_space<vmem>>
        tpu.vector_store_idx %scatter3A_1158[%add3A_972, %broadcast_in_dim3A_23], %get3A_1070 : memref<1024x16xf32, #tpu.memory_space<vmem>>[vector<16xi32>, vector<16xi32>], vector<16xf32>,
        %scatter3A_1159 = arith.constant 0 : i32
        %scatter3A_1160 = arith.constant 0 : i32
        %scatter3A_1161 = tpu.memref_slice %arg5[%scan3A_915, %scatter3A_1159, %scatter3A_1160] : memref<2x1024x16xf32, #tpu.memory_space<vmem>> -> memref<1x1024x16xf32, #tpu.memory_space<vmem>>
        %scatter3A_1162 = tpu.memref_squeeze %scatter3A_1161 : memref<1x1024x16xf32, #tpu.memory_space<vmem>> -> memref<1024x16xf32, #tpu.memory_space<vmem>>
        tpu.vector_store_idx %scatter3A_1162[%add3A_972, %broadcast_in_dim3A_25], %get3A_1079 : memref<1024x16xf32, #tpu.memory_space<vmem>>[vector<16xi32>, vector<16xi32>], vector<16xf32>,
        %scatter3A_1163 = arith.constant 0 : i32
        %scatter3A_1164 = arith.constant 0 : i32
        %scatter3A_1165 = tpu.memref_slice %arg5[%scan3A_915, %scatter3A_1163, %scatter3A_1164] : memref<2x1024x16xf32, #tpu.memory_space<vmem>> -> memref<1x1024x16xf32, #tpu.memory_space<vmem>>
        %scatter3A_1166 = tpu.memref_squeeze %scatter3A_1165 : memref<1x1024x16xf32, #tpu.memory_space<vmem>> -> memref<1024x16xf32, #tpu.memory_space<vmem>>
        tpu.vector_store_idx %scatter3A_1166[%add3A_972, %broadcast_in_dim3A_27], %get3A_1088 : memref<1024x16xf32, #tpu.memory_space<vmem>>[vector<16xi32>, vector<16xi32>], vector<16xf32>,
        %scatter3A_1167 = arith.constant 0 : i32
        %scatter3A_1168 = arith.constant 0 : i32
        %scatter3A_1169 = tpu.memref_slice %arg5[%scan3A_915, %scatter3A_1167, %scatter3A_1168] : memref<2x1024x16xf32, #tpu.memory_space<vmem>> -> memref<1x1024x16xf32, #tpu.memory_space<vmem>>
        %scatter3A_1170 = tpu.memref_squeeze %scatter3A_1169 : memref<1x1024x16xf32, #tpu.memory_space<vmem>> -> memref<1024x16xf32, #tpu.memory_space<vmem>>
        tpu.vector_store_idx %scatter3A_1170[%add3A_972, %broadcast_in_dim3A_29], %get3A_1097 : memref<1024x16xf32, #tpu.memory_space<vmem>>[vector<16xi32>, vector<16xi32>], vector<16xf32>,
        %scatter3A_1171 = arith.constant 0 : i32
        %scatter3A_1172 = arith.constant 0 : i32
        %scatter3A_1173 = tpu.memref_slice %arg5[%scan3A_915, %scatter3A_1171, %scatter3A_1172] : memref<2x1024x16xf32, #tpu.memory_space<vmem>> -> memref<1x1024x16xf32, #tpu.memory_space<vmem>>
        %scatter3A_1174 = tpu.memref_squeeze %scatter3A_1173 : memref<1x1024x16xf32, #tpu.memory_space<vmem>> -> memref<1024x16xf32, #tpu.memory_space<vmem>>
        tpu.vector_store_idx %scatter3A_1174[%add3A_972, %broadcast_in_dim3A_31], %get3A_1106 : memref<1024x16xf32, #tpu.memory_space<vmem>>[vector<16xi32>, vector<16xi32>], vector<16xf32>,
        %scatter3A_1175 = arith.constant 0 : i32
        %scatter3A_1176 = arith.constant 0 : i32
        %scatter3A_1177 = tpu.memref_slice %arg5[%scan3A_915, %scatter3A_1175, %scatter3A_1176] : memref<2x1024x16xf32, #tpu.memory_space<vmem>> -> memref<1x1024x16xf32, #tpu.memory_space<vmem>>
        %scatter3A_1178 = tpu.memref_squeeze %scatter3A_1177 : memref<1x1024x16xf32, #tpu.memory_space<vmem>> -> memref<1024x16xf32, #tpu.memory_space<vmem>>
        tpu.vector_store_idx %scatter3A_1178[%add3A_972, %broadcast_in_dim3A_33], %get3A_1115 : memref<1024x16xf32, #tpu.memory_space<vmem>>[vector<16xi32>, vector<16xi32>], vector<16xf32>,
      }
      %scan3A_920 = arith.constant 64 : i32
      %mul3A_921 = arith.constant 1024 : i32
      %mul3A_922 = arith.muli %add3A_875, %mul3A_921 : i32
      %dma_start3A_923 = arith.constant 1 : i32
      %dma_start3A_924 = arith.constant 0 : i32
      %dma_start3A_925 = arith.constant 0 : i32
      %dma_start3A_926 = tpu.memref_slice %arg5[%dma_start3A_923, %dma_start3A_924, %dma_start3A_925] : memref<2x1024x16xf32, #tpu.memory_space<vmem>> -> memref<1x1024x16xf32, #tpu.memory_space<vmem>>
      %dma_start3A_927 = tpu.memref_squeeze %dma_start3A_926 : memref<1x1024x16xf32, #tpu.memory_space<vmem>> -> memref<1024x16xf32, #tpu.memory_space<vmem>>
      %dma_start3A_928 = arith.constant 0 : i32
      %dma_start3A_929 = tpu.memref_slice %arg3[%mul3A_922, %dma_start3A_928] : memref<851968x16xf32, #tpu.memory_space<hbm>> -> memref<1024x16xf32, #tpu.memory_space<hbm>>
      %dma_start3A_930 = arith.constant 0 : i32
      %dma_start3A_931 = tpu.memref_slice %arg3[%mul3A_922, %dma_start3A_930] : memref<851968x16xf32, #tpu.memory_space<hbm>> -> memref<1024x16xf32, #tpu.memory_space<hbm>>
      %dma_start3A_932 = arith.constant 0 : i32
      %dma_start3A_933 = arith.constant 0 : i32
      %dma_start3A_934 = tpu.memref_slice %arg5[%dma_start3A_923, %dma_start3A_932, %dma_start3A_933] : memref<2x1024x16xf32, #tpu.memory_space<vmem>> -> memref<1x1024x16xf32, #tpu.memory_space<vmem>>
      %dma_start3A_935 = tpu.memref_squeeze %dma_start3A_934 : memref<1x1024x16xf32, #tpu.memory_space<vmem>> -> memref<1024x16xf32, #tpu.memory_space<vmem>>
      tpu.enqueue_dma source(%dma_start3A_935 : memref<1024x16xf32, #tpu.memory_space<vmem>>) target(%dma_start3A_931 : memref<1024x16xf32, #tpu.memory_space<hbm>>) target_semaphore(%arg10 : memref<!tpu.dma_semaphore, #tpu.memory_space<semaphore_mem>>)
      %add3A_936 = arith.constant 3 : i32
      %add3A_937 = arith.addi %add3A_875, %add3A_936 : i32
      %min3A_938 = arith.constant 831 : i32
      %min3A_939 = arith.minsi %add3A_937, %min3A_938 : i32
      %mul3A_940 = arith.constant 8 : i32
      %mul3A_941 = arith.muli %min3A_939, %mul3A_940 : i32
      %dma_start3A_942 = arith.constant 2 : i32
      %dma_start3A_943 = arith.constant 0 : i32
      %dma_start3A_944 = arith.constant 0 : i32
      %dma_start3A_945 = arith.constant 0 : i32
      %dma_start3A_946 = arith.constant 0 : i32
      %dma_start3A_947 = tpu.memref_slice %arg4[%dma_start3A_942, %dma_start3A_943, %dma_start3A_944, %dma_start3A_945, %dma_start3A_946] : memref<3x2x8x8x128xf32, #tpu.memory_space<vmem>> -> memref<1x2x8x8x128xf32, #tpu.memory_space<vmem>>
      %dma_start3A_948 = tpu.memref_squeeze %dma_start3A_947 : memref<1x2x8x8x128xf32, #tpu.memory_space<vmem>> -> memref<2x8x8x128xf32, #tpu.memory_space<vmem>>
      %dma_start3A_949 = arith.constant 0 : i32
      %dma_start3A_950 = arith.constant 0 : i32
      %dma_start3A_951 = arith.constant 0 : i32
      %dma_start3A_952 = tpu.memref_slice %arg2[%dma_start3A_949, %mul3A_941, %dma_start3A_950, %dma_start3A_951] : memref<2x6656x8x128xf32, #tpu.memory_space<hbm>> -> memref<2x8x8x128xf32, #tpu.memory_space<hbm>>
      %dma_start3A_953 = arith.constant 0 : i32
      %dma_start3A_954 = arith.constant 0 : i32
      %dma_start3A_955 = arith.constant 0 : i32
      %dma_start3A_956 = arith.constant 0 : i32
      %dma_start3A_957 = tpu.memref_slice %arg4[%dma_start3A_942, %dma_start3A_953, %dma_start3A_954, %dma_start3A_955, %dma_start3A_956] : memref<3x2x8x8x128xf32, #tpu.memory_space<vmem>> -> memref<1x2x8x8x128xf32, #tpu.memory_space<vmem>>
      %dma_start3A_958 = tpu.memref_squeeze %dma_start3A_957 : memref<1x2x8x8x128xf32, #tpu.memory_space<vmem>> -> memref<2x8x8x128xf32, #tpu.memory_space<vmem>>
      %dma_start3A_959 = arith.constant 0 : i32
      %dma_start3A_960 = arith.constant 0 : i32
      %dma_start3A_961 = arith.constant 0 : i32
      %dma_start3A_962 = tpu.memref_slice %arg2[%dma_start3A_959, %mul3A_941, %dma_start3A_960, %dma_start3A_961] : memref<2x6656x8x128xf32, #tpu.memory_space<hbm>> -> memref<2x8x8x128xf32, #tpu.memory_space<hbm>>
      tpu.enqueue_dma source(%dma_start3A_962 : memref<2x8x8x128xf32, #tpu.memory_space<hbm>>) target(%dma_start3A_958 : memref<2x8x8x128xf32, #tpu.memory_space<vmem>>) target_semaphore(%arg8 : memref<!tpu.dma_semaphore, #tpu.memory_space<semaphore_mem>>)
    }
    %scan3A_146 = arith.constant 4 : i32
    %add3A_147 = arith.constant 26 : i32
    %add3A_148 = arith.addi %mul3A_2, %add3A_147 : i32
    %sub3A = arith.constant 2 : i32
    %sub3A_149 = arith.subi %add3A_148, %sub3A : i32
    %dma_wait3A = arith.constant 0 : i32
    %dma_wait3A_150 = arith.constant 0 : i32
    %dma_wait3A_151 = arith.constant 0 : i32
    %dma_wait3A_152 = arith.constant 0 : i32
    %dma_wait3A_153 = arith.constant 0 : i32
    %dma_wait3A_154 = tpu.memref_slice %arg4[%dma_wait3A, %dma_wait3A_150, %dma_wait3A_151, %dma_wait3A_152, %dma_wait3A_153] : memref<3x2x8x8x128xf32, #tpu.memory_space<vmem>> -> memref<1x2x8x8x128xf32, #tpu.memory_space<vmem>>
    %dma_wait3A_155 = tpu.memref_squeeze %dma_wait3A_154 : memref<1x2x8x8x128xf32, #tpu.memory_space<vmem>> -> memref<2x8x8x128xf32, #tpu.memory_space<vmem>>
    %dma_wait3A_156 = arith.constant 0 : i32
    %dma_wait3A_157 = arith.constant 0 : i32
    %dma_wait3A_158 = arith.constant 0 : i32
    %dma_wait3A_159 = arith.constant 0 : i32
    %dma_wait3A_160 = tpu.memref_slice %arg2[%dma_wait3A_156, %dma_wait3A_157, %dma_wait3A_158, %dma_wait3A_159] : memref<2x6656x8x128xf32, #tpu.memory_space<hbm>> -> memref<2x8x8x128xf32, #tpu.memory_space<hbm>>
    %dma_wait3A_161 = arith.constant 0 : i32
    %dma_wait3A_162 = arith.constant 0 : i32
    %dma_wait3A_163 = arith.constant 0 : i32
    %dma_wait3A_164 = arith.constant 0 : i32
    %dma_wait3A_165 = tpu.memref_slice %arg4[%dma_wait3A, %dma_wait3A_161, %dma_wait3A_162, %dma_wait3A_163, %dma_wait3A_164] : memref<3x2x8x8x128xf32, #tpu.memory_space<vmem>> -> memref<1x2x8x8x128xf32, #tpu.memory_space<vmem>>
    %dma_wait3A_166 = tpu.memref_squeeze %dma_wait3A_165 : memref<1x2x8x8x128xf32, #tpu.memory_space<vmem>> -> memref<2x8x8x128xf32, #tpu.memory_space<vmem>>
    %dma_wait3A_167 = arith.constant 0 : i32
    %dma_wait3A_168 = arith.constant 0 : i32
    %dma_wait3A_169 = arith.constant 0 : i32
    %dma_wait3A_170 = arith.constant 0 : i32
    %dma_wait3A_171 = tpu.memref_slice %arg2[%dma_wait3A_167, %dma_wait3A_168, %dma_wait3A_169, %dma_wait3A_170] : memref<2x6656x8x128xf32, #tpu.memory_space<hbm>> -> memref<2x8x8x128xf32, #tpu.memory_space<hbm>>
    tpu.wait_dma2 semaphore(%arg6 : memref<!tpu.dma_semaphore, #tpu.memory_space<semaphore_mem>>) src(%dma_wait3A_171 : memref<2x8x8x128xf32, #tpu.memory_space<hbm>>) dst(%dma_wait3A_166 : memref<2x8x8x128xf32, #tpu.memory_space<vmem>>)
    %dma_wait3A_172 = arith.constant 0 : i32
    %dma_wait3A_173 = arith.constant 0 : i32
    %dma_wait3A_174 = arith.constant 0 : i32
    %dma_wait3A_175 = tpu.memref_slice %arg5[%dma_wait3A_172, %dma_wait3A_173, %dma_wait3A_174] : memref<2x1024x16xf32, #tpu.memory_space<vmem>> -> memref<1x1024x16xf32, #tpu.memory_space<vmem>>
    %dma_wait3A_176 = tpu.memref_squeeze %dma_wait3A_175 : memref<1x1024x16xf32, #tpu.memory_space<vmem>> -> memref<1024x16xf32, #tpu.memory_space<vmem>>
    %dma_wait3A_177 = arith.constant 0 : i32
    %dma_wait3A_178 = arith.constant 0 : i32
    %dma_wait3A_179 = tpu.memref_slice %arg3[%dma_wait3A_177, %dma_wait3A_178] : memref<851968x16xf32, #tpu.memory_space<hbm>> -> memref<1024x16xf32, #tpu.memory_space<hbm>>
    %dma_wait3A_180 = arith.constant 0 : i32
    %dma_wait3A_181 = arith.constant 0 : i32
    %dma_wait3A_182 = tpu.memref_slice %arg3[%dma_wait3A_180, %dma_wait3A_181] : memref<851968x16xf32, #tpu.memory_space<hbm>> -> memref<1024x16xf32, #tpu.memory_space<hbm>>
    %dma_wait3A_183 = arith.constant 0 : i32
    %dma_wait3A_184 = arith.constant 0 : i32
    %dma_wait3A_185 = tpu.memref_slice %arg5[%dma_wait3A_172, %dma_wait3A_183, %dma_wait3A_184] : memref<2x1024x16xf32, #tpu.memory_space<vmem>> -> memref<1x1024x16xf32, #tpu.memory_space<vmem>>
    %dma_wait3A_186 = tpu.memref_squeeze %dma_wait3A_185 : memref<1x1024x16xf32, #tpu.memory_space<vmem>> -> memref<1024x16xf32, #tpu.memory_space<vmem>>
    tpu.wait_dma2 semaphore(%arg9 : memref<!tpu.dma_semaphore, #tpu.memory_space<semaphore_mem>>) src(%dma_wait3A_186 : memref<1024x16xf32, #tpu.memory_space<vmem>>) dst(%dma_wait3A_182 : memref<1024x16xf32, #tpu.memory_space<hbm>>)
    %scan3A_187 = arith.constant 0 : i32
    %scan3A_188 = arith.constant 0 : i32
    %scan3A_189 = arith.constant 0 : i32
    %scan3A_190 = arith.constant 64 : i32
    %scan3A_191 = arith.addi %scan3A_189, %scan3A_190 : i32
    %scan3A_192 = arith.constant 1 : i32
    scf.for %scan3A_425 = %scan3A_189 to %scan3A_191 step %scan3A_192  : i32 {
      %shift_right_arithmetic3A = arith.constant 3 : i32
      %shift_right_arithmetic3A_426 = arith.shrsi %scan3A_425, %shift_right_arithmetic3A : i32
      %and3A = arith.constant 7 : i32
      %and3A_427 = arith.andi %scan3A_425, %and3A : i32
      %mul3A_428 = arith.constant 16 : i32
      %mul3A_429 = arith.muli %and3A_427, %mul3A_428 : i32
      %mul3A_430 = arith.constant 128 : i32
      %mul3A_431 = arith.muli %shift_right_arithmetic3A_426, %mul3A_430 : i32
      %add3A_432 = arith.addi %mul3A_431, %mul3A_429 : i32
      %add3A_433 = vector.broadcast %add3A_432 : i32 to vector<16xi32>
      %add3A_434 = arith.addi %add3A_433, %iota3A : vector<16xi32>
      %get3A = arith.constant 0 : i32
      %get3A_435 = arith.constant 0 : i32
      %get3A_436 = arith.constant 0 : i32
      %get3A_437 = arith.index_cast %get3A : i32 to index
      %get3A_438 = arith.index_cast %get3A_435 : i32 to index
      %get3A_439 = arith.index_cast %shift_right_arithmetic3A_426 : i32 to index
      %get3A_440 = arith.index_cast %get3A_436 : i32 to index
      %get3A_441 = arith.index_cast %mul3A_429 : i32 to index
      %get3A_442 = tpu.vector_load %arg4[%get3A_437, %get3A_438, %get3A_439, %get3A_440, %get3A_441] {strides = array<i32>} : memref<3x2x8x8x128xf32, #tpu.memory_space<vmem>>, vector<16xf32>,
      %get3A_443 = arith.constant 0 : i32
      %get3A_444 = arith.constant 0 : i32
      %get3A_445 = arith.constant 1 : i32
      %get3A_446 = arith.index_cast %get3A_443 : i32 to index
      %get3A_447 = arith.index_cast %get3A_444 : i32 to index
      %get3A_448 = arith.index_cast %shift_right_arithmetic3A_426 : i32 to index
      %get3A_449 = arith.index_cast %get3A_445 : i32 to index
      %get3A_450 = arith.index_cast %mul3A_429 : i32 to index
      %get3A_451 = tpu.vector_load %arg4[%get3A_446, %get3A_447, %get3A_448, %get3A_449, %get3A_450] {strides = array<i32>} : memref<3x2x8x8x128xf32, #tpu.memory_space<vmem>>, vector<16xf32>,
      %get3A_452 = arith.constant 0 : i32
      %get3A_453 = arith.constant 0 : i32
      %get3A_454 = arith.constant 2 : i32
      %get3A_455 = arith.index_cast %get3A_452 : i32 to index
      %get3A_456 = arith.index_cast %get3A_453 : i32 to index
      %get3A_457 = arith.index_cast %shift_right_arithmetic3A_426 : i32 to index
      %get3A_458 = arith.index_cast %get3A_454 : i32 to index
      %get3A_459 = arith.index_cast %mul3A_429 : i32 to index
      %get3A_460 = tpu.vector_load %arg4[%get3A_455, %get3A_456, %get3A_457, %get3A_458, %get3A_459] {strides = array<i32>} : memref<3x2x8x8x128xf32, #tpu.memory_space<vmem>>, vector<16xf32>,
      %get3A_461 = arith.constant 0 : i32
      %get3A_462 = arith.constant 0 : i32
      %get3A_463 = arith.constant 3 : i32
      %get3A_464 = arith.index_cast %get3A_461 : i32 to index
      %get3A_465 = arith.index_cast %get3A_462 : i32 to index
      %get3A_466 = arith.index_cast %shift_right_arithmetic3A_426 : i32 to index
      %get3A_467 = arith.index_cast %get3A_463 : i32 to index
      %get3A_468 = arith.index_cast %mul3A_429 : i32 to index
      %get3A_469 = tpu.vector_load %arg4[%get3A_464, %get3A_465, %get3A_466, %get3A_467, %get3A_468] {strides = array<i32>} : memref<3x2x8x8x128xf32, #tpu.memory_space<vmem>>, vector<16xf32>,
      %get3A_470 = arith.constant 0 : i32
      %get3A_471 = arith.constant 0 : i32
      %get3A_472 = arith.constant 4 : i32
      %get3A_473 = arith.index_cast %get3A_470 : i32 to index
      %get3A_474 = arith.index_cast %get3A_471 : i32 to index
      %get3A_475 = arith.index_cast %shift_right_arithmetic3A_426 : i32 to index
      %get3A_476 = arith.index_cast %get3A_472 : i32 to index
      %get3A_477 = arith.index_cast %mul3A_429 : i32 to index
      %get3A_478 = tpu.vector_load %arg4[%get3A_473, %get3A_474, %get3A_475, %get3A_476, %get3A_477] {strides = array<i32>} : memref<3x2x8x8x128xf32, #tpu.memory_space<vmem>>, vector<16xf32>,
      %get3A_479 = arith.constant 0 : i32
      %get3A_480 = arith.constant 0 : i32
      %get3A_481 = arith.constant 5 : i32
      %get3A_482 = arith.index_cast %get3A_479 : i32 to index
      %get3A_483 = arith.index_cast %get3A_480 : i32 to index
      %get3A_484 = arith.index_cast %shift_right_arithmetic3A_426 : i32 to index
      %get3A_485 = arith.index_cast %get3A_481 : i32 to index
      %get3A_486 = arith.index_cast %mul3A_429 : i32 to index
      %get3A_487 = tpu.vector_load %arg4[%get3A_482, %get3A_483, %get3A_484, %get3A_485, %get3A_486] {strides = array<i32>} : memref<3x2x8x8x128xf32, #tpu.memory_space<vmem>>, vector<16xf32>,
      %get3A_488 = arith.constant 0 : i32
      %get3A_489 = arith.constant 0 : i32
      %get3A_490 = arith.constant 6 : i32
      %get3A_491 = arith.index_cast %get3A_488 : i32 to index
      %get3A_492 = arith.index_cast %get3A_489 : i32 to index
      %get3A_493 = arith.index_cast %shift_right_arithmetic3A_426 : i32 to index
      %get3A_494 = arith.index_cast %get3A_490 : i32 to index
      %get3A_495 = arith.index_cast %mul3A_429 : i32 to index
      %get3A_496 = tpu.vector_load %arg4[%get3A_491, %get3A_492, %get3A_493, %get3A_494, %get3A_495] {strides = array<i32>} : memref<3x2x8x8x128xf32, #tpu.memory_space<vmem>>, vector<16xf32>,
      %get3A_497 = arith.constant 0 : i32
      %get3A_498 = arith.constant 0 : i32
      %get3A_499 = arith.constant 7 : i32
      %get3A_500 = arith.index_cast %get3A_497 : i32 to index
      %get3A_501 = arith.index_cast %get3A_498 : i32 to index
      %get3A_502 = arith.index_cast %shift_right_arithmetic3A_426 : i32 to index
      %get3A_503 = arith.index_cast %get3A_499 : i32 to index
      %get3A_504 = arith.index_cast %mul3A_429 : i32 to index
      %get3A_505 = tpu.vector_load %arg4[%get3A_500, %get3A_501, %get3A_502, %get3A_503, %get3A_504] {strides = array<i32>} : memref<3x2x8x8x128xf32, #tpu.memory_space<vmem>>, vector<16xf32>,
      %get3A_506 = arith.constant 0 : i32
      %get3A_507 = arith.constant 1 : i32
      %get3A_508 = arith.constant 0 : i32
      %get3A_509 = arith.index_cast %get3A_506 : i32 to index
      %get3A_510 = arith.index_cast %get3A_507 : i32 to index
      %get3A_511 = arith.index_cast %shift_right_arithmetic3A_426 : i32 to index
      %get3A_512 = arith.index_cast %get3A_508 : i32 to index
      %get3A_513 = arith.index_cast %mul3A_429 : i32 to index
      %get3A_514 = tpu.vector_load %arg4[%get3A_509, %get3A_510, %get3A_511, %get3A_512, %get3A_513] {strides = array<i32>} : memref<3x2x8x8x128xf32, #tpu.memory_space<vmem>>, vector<16xf32>,
      %get3A_515 = arith.constant 0 : i32
      %get3A_516 = arith.constant 1 : i32
      %get3A_517 = arith.constant 1 : i32
      %get3A_518 = arith.index_cast %get3A_515 : i32 to index
      %get3A_519 = arith.index_cast %get3A_516 : i32 to index
      %get3A_520 = arith.index_cast %shift_right_arithmetic3A_426 : i32 to index
      %get3A_521 = arith.index_cast %get3A_517 : i32 to index
      %get3A_522 = arith.index_cast %mul3A_429 : i32 to index
      %get3A_523 = tpu.vector_load %arg4[%get3A_518, %get3A_519, %get3A_520, %get3A_521, %get3A_522] {strides = array<i32>} : memref<3x2x8x8x128xf32, #tpu.memory_space<vmem>>, vector<16xf32>,
      %get3A_524 = arith.constant 0 : i32
      %get3A_525 = arith.constant 1 : i32
      %get3A_526 = arith.constant 2 : i32
      %get3A_527 = arith.index_cast %get3A_524 : i32 to index
      %get3A_528 = arith.index_cast %get3A_525 : i32 to index
      %get3A_529 = arith.index_cast %shift_right_arithmetic3A_426 : i32 to index
      %get3A_530 = arith.index_cast %get3A_526 : i32 to index
      %get3A_531 = arith.index_cast %mul3A_429 : i32 to index
      %get3A_532 = tpu.vector_load %arg4[%get3A_527, %get3A_528, %get3A_529, %get3A_530, %get3A_531] {strides = array<i32>} : memref<3x2x8x8x128xf32, #tpu.memory_space<vmem>>, vector<16xf32>,
      %get3A_533 = arith.constant 0 : i32
      %get3A_534 = arith.constant 1 : i32
      %get3A_535 = arith.constant 3 : i32
      %get3A_536 = arith.index_cast %get3A_533 : i32 to index
      %get3A_537 = arith.index_cast %get3A_534 : i32 to index
      %get3A_538 = arith.index_cast %shift_right_arithmetic3A_426 : i32 to index
      %get3A_539 = arith.index_cast %get3A_535 : i32 to index
      %get3A_540 = arith.index_cast %mul3A_429 : i32 to index
      %get3A_541 = tpu.vector_load %arg4[%get3A_536, %get3A_537, %get3A_538, %get3A_539, %get3A_540] {strides = array<i32>} : memref<3x2x8x8x128xf32, #tpu.memory_space<vmem>>, vector<16xf32>,
      %get3A_542 = arith.constant 0 : i32
      %get3A_543 = arith.constant 1 : i32
      %get3A_544 = arith.constant 4 : i32
      %get3A_545 = arith.index_cast %get3A_542 : i32 to index
      %get3A_546 = arith.index_cast %get3A_543 : i32 to index
      %get3A_547 = arith.index_cast %shift_right_arithmetic3A_426 : i32 to index
      %get3A_548 = arith.index_cast %get3A_544 : i32 to index
      %get3A_549 = arith.index_cast %mul3A_429 : i32 to index
      %get3A_550 = tpu.vector_load %arg4[%get3A_545, %get3A_546, %get3A_547, %get3A_548, %get3A_549] {strides = array<i32>} : memref<3x2x8x8x128xf32, #tpu.memory_space<vmem>>, vector<16xf32>,
      %get3A_551 = arith.constant 0 : i32
      %get3A_552 = arith.constant 1 : i32
      %get3A_553 = arith.constant 5 : i32
      %get3A_554 = arith.index_cast %get3A_551 : i32 to index
      %get3A_555 = arith.index_cast %get3A_552 : i32 to index
      %get3A_556 = arith.index_cast %shift_right_arithmetic3A_426 : i32 to index
      %get3A_557 = arith.index_cast %get3A_553 : i32 to index
      %get3A_558 = arith.index_cast %mul3A_429 : i32 to index
      %get3A_559 = tpu.vector_load %arg4[%get3A_554, %get3A_555, %get3A_556, %get3A_557, %get3A_558] {strides = array<i32>} : memref<3x2x8x8x128xf32, #tpu.memory_space<vmem>>, vector<16xf32>,
      %get3A_560 = arith.constant 0 : i32
      %get3A_561 = arith.constant 1 : i32
      %get3A_562 = arith.constant 6 : i32
      %get3A_563 = arith.index_cast %get3A_560 : i32 to index
      %get3A_564 = arith.index_cast %get3A_561 : i32 to index
      %get3A_565 = arith.index_cast %shift_right_arithmetic3A_426 : i32 to index
      %get3A_566 = arith.index_cast %get3A_562 : i32 to index
      %get3A_567 = arith.index_cast %mul3A_429 : i32 to index
      %get3A_568 = tpu.vector_load %arg4[%get3A_563, %get3A_564, %get3A_565, %get3A_566, %get3A_567] {strides = array<i32>} : memref<3x2x8x8x128xf32, #tpu.memory_space<vmem>>, vector<16xf32>,
      %get3A_569 = arith.constant 0 : i32
      %get3A_570 = arith.constant 1 : i32
      %get3A_571 = arith.constant 7 : i32
      %get3A_572 = arith.index_cast %get3A_569 : i32 to index
      %get3A_573 = arith.index_cast %get3A_570 : i32 to index
      %get3A_574 = arith.index_cast %shift_right_arithmetic3A_426 : i32 to index
      %get3A_575 = arith.index_cast %get3A_571 : i32 to index
      %get3A_576 = arith.index_cast %mul3A_429 : i32 to index
      %get3A_577 = tpu.vector_load %arg4[%get3A_572, %get3A_573, %get3A_574, %get3A_575, %get3A_576] {strides = array<i32>} : memref<3x2x8x8x128xf32, #tpu.memory_space<vmem>>, vector<16xf32>,
      %scatter3A = arith.constant 0 : i32
      %scatter3A_578 = arith.constant 0 : i32
      %scatter3A_579 = tpu.memref_slice %arg5[%scan3A_188, %scatter3A, %scatter3A_578] : memref<2x1024x16xf32, #tpu.memory_space<vmem>> -> memref<1x1024x16xf32, #tpu.memory_space<vmem>>
      %scatter3A_580 = tpu.memref_squeeze %scatter3A_579 : memref<1x1024x16xf32, #tpu.memory_space<vmem>> -> memref<1024x16xf32, #tpu.memory_space<vmem>>
      tpu.vector_store_idx %scatter3A_580[%add3A_434, %broadcast_in_dim3A_3], %get3A_442 : memref<1024x16xf32, #tpu.memory_space<vmem>>[vector<16xi32>, vector<16xi32>], vector<16xf32>,
      %scatter3A_581 = arith.constant 0 : i32
      %scatter3A_582 = arith.constant 0 : i32
      %scatter3A_583 = tpu.memref_slice %arg5[%scan3A_188, %scatter3A_581, %scatter3A_582] : memref<2x1024x16xf32, #tpu.memory_space<vmem>> -> memref<1x1024x16xf32, #tpu.memory_space<vmem>>
      %scatter3A_584 = tpu.memref_squeeze %scatter3A_583 : memref<1x1024x16xf32, #tpu.memory_space<vmem>> -> memref<1024x16xf32, #tpu.memory_space<vmem>>
      tpu.vector_store_idx %scatter3A_584[%add3A_434, %broadcast_in_dim3A_5], %get3A_451 : memref<1024x16xf32, #tpu.memory_space<vmem>>[vector<16xi32>, vector<16xi32>], vector<16xf32>,
      %scatter3A_585 = arith.constant 0 : i32
      %scatter3A_586 = arith.constant 0 : i32
      %scatter3A_587 = tpu.memref_slice %arg5[%scan3A_188, %scatter3A_585, %scatter3A_586] : memref<2x1024x16xf32, #tpu.memory_space<vmem>> -> memref<1x1024x16xf32, #tpu.memory_space<vmem>>
      %scatter3A_588 = tpu.memref_squeeze %scatter3A_587 : memref<1x1024x16xf32, #tpu.memory_space<vmem>> -> memref<1024x16xf32, #tpu.memory_space<vmem>>
      tpu.vector_store_idx %scatter3A_588[%add3A_434, %broadcast_in_dim3A_7], %get3A_460 : memref<1024x16xf32, #tpu.memory_space<vmem>>[vector<16xi32>, vector<16xi32>], vector<16xf32>,
      %scatter3A_589 = arith.constant 0 : i32
      %scatter3A_590 = arith.constant 0 : i32
      %scatter3A_591 = tpu.memref_slice %arg5[%scan3A_188, %scatter3A_589, %scatter3A_590] : memref<2x1024x16xf32, #tpu.memory_space<vmem>> -> memref<1x1024x16xf32, #tpu.memory_space<vmem>>
      %scatter3A_592 = tpu.memref_squeeze %scatter3A_591 : memref<1x1024x16xf32, #tpu.memory_space<vmem>> -> memref<1024x16xf32, #tpu.memory_space<vmem>>
      tpu.vector_store_idx %scatter3A_592[%add3A_434, %broadcast_in_dim3A_9], %get3A_469 : memref<1024x16xf32, #tpu.memory_space<vmem>>[vector<16xi32>, vector<16xi32>], vector<16xf32>,
      %scatter3A_593 = arith.constant 0 : i32
      %scatter3A_594 = arith.constant 0 : i32
      %scatter3A_595 = tpu.memref_slice %arg5[%scan3A_188, %scatter3A_593, %scatter3A_594] : memref<2x1024x16xf32, #tpu.memory_space<vmem>> -> memref<1x1024x16xf32, #tpu.memory_space<vmem>>
      %scatter3A_596 = tpu.memref_squeeze %scatter3A_595 : memref<1x1024x16xf32, #tpu.memory_space<vmem>> -> memref<1024x16xf32, #tpu.memory_space<vmem>>
      tpu.vector_store_idx %scatter3A_596[%add3A_434, %broadcast_in_dim3A_11], %get3A_478 : memref<1024x16xf32, #tpu.memory_space<vmem>>[vector<16xi32>, vector<16xi32>], vector<16xf32>,
      %scatter3A_597 = arith.constant 0 : i32
      %scatter3A_598 = arith.constant 0 : i32
      %scatter3A_599 = tpu.memref_slice %arg5[%scan3A_188, %scatter3A_597, %scatter3A_598] : memref<2x1024x16xf32, #tpu.memory_space<vmem>> -> memref<1x1024x16xf32, #tpu.memory_space<vmem>>
      %scatter3A_600 = tpu.memref_squeeze %scatter3A_599 : memref<1x1024x16xf32, #tpu.memory_space<vmem>> -> memref<1024x16xf32, #tpu.memory_space<vmem>>
      tpu.vector_store_idx %scatter3A_600[%add3A_434, %broadcast_in_dim3A_13], %get3A_487 : memref<1024x16xf32, #tpu.memory_space<vmem>>[vector<16xi32>, vector<16xi32>], vector<16xf32>,
      %scatter3A_601 = arith.constant 0 : i32
      %scatter3A_602 = arith.constant 0 : i32
      %scatter3A_603 = tpu.memref_slice %arg5[%scan3A_188, %scatter3A_601, %scatter3A_602] : memref<2x1024x16xf32, #tpu.memory_space<vmem>> -> memref<1x1024x16xf32, #tpu.memory_space<vmem>>
      %scatter3A_604 = tpu.memref_squeeze %scatter3A_603 : memref<1x1024x16xf32, #tpu.memory_space<vmem>> -> memref<1024x16xf32, #tpu.memory_space<vmem>>
      tpu.vector_store_idx %scatter3A_604[%add3A_434, %broadcast_in_dim3A_15], %get3A_496 : memref<1024x16xf32, #tpu.memory_space<vmem>>[vector<16xi32>, vector<16xi32>], vector<16xf32>,
      %scatter3A_605 = arith.constant 0 : i32
      %scatter3A_606 = arith.constant 0 : i32
      %scatter3A_607 = tpu.memref_slice %arg5[%scan3A_188, %scatter3A_605, %scatter3A_606] : memref<2x1024x16xf32, #tpu.memory_space<vmem>> -> memref<1x1024x16xf32, #tpu.memory_space<vmem>>
      %scatter3A_608 = tpu.memref_squeeze %scatter3A_607 : memref<1x1024x16xf32, #tpu.memory_space<vmem>> -> memref<1024x16xf32, #tpu.memory_space<vmem>>
      tpu.vector_store_idx %scatter3A_608[%add3A_434, %broadcast_in_dim3A_17], %get3A_505 : memref<1024x16xf32, #tpu.memory_space<vmem>>[vector<16xi32>, vector<16xi32>], vector<16xf32>,
      %scatter3A_609 = arith.constant 0 : i32
      %scatter3A_610 = arith.constant 0 : i32
      %scatter3A_611 = tpu.memref_slice %arg5[%scan3A_188, %scatter3A_609, %scatter3A_610] : memref<2x1024x16xf32, #tpu.memory_space<vmem>> -> memref<1x1024x16xf32, #tpu.memory_space<vmem>>
      %scatter3A_612 = tpu.memref_squeeze %scatter3A_611 : memref<1x1024x16xf32, #tpu.memory_space<vmem>> -> memref<1024x16xf32, #tpu.memory_space<vmem>>
      tpu.vector_store_idx %scatter3A_612[%add3A_434, %broadcast_in_dim3A_19], %get3A_514 : memref<1024x16xf32, #tpu.memory_space<vmem>>[vector<16xi32>, vector<16xi32>], vector<16xf32>,
      %scatter3A_613 = arith.constant 0 : i32
      %scatter3A_614 = arith.constant 0 : i32
      %scatter3A_615 = tpu.memref_slice %arg5[%scan3A_188, %scatter3A_613, %scatter3A_614] : memref<2x1024x16xf32, #tpu.memory_space<vmem>> -> memref<1x1024x16xf32, #tpu.memory_space<vmem>>
      %scatter3A_616 = tpu.memref_squeeze %scatter3A_615 : memref<1x1024x16xf32, #tpu.memory_space<vmem>> -> memref<1024x16xf32, #tpu.memory_space<vmem>>
      tpu.vector_store_idx %scatter3A_616[%add3A_434, %broadcast_in_dim3A_21], %get3A_523 : memref<1024x16xf32, #tpu.memory_space<vmem>>[vector<16xi32>, vector<16xi32>], vector<16xf32>,
      %scatter3A_617 = arith.constant 0 : i32
      %scatter3A_618 = arith.constant 0 : i32
      %scatter3A_619 = tpu.memref_slice %arg5[%scan3A_188, %scatter3A_617, %scatter3A_618] : memref<2x1024x16xf32, #tpu.memory_space<vmem>> -> memref<1x1024x16xf32, #tpu.memory_space<vmem>>
      %scatter3A_620 = tpu.memref_squeeze %scatter3A_619 : memref<1x1024x16xf32, #tpu.memory_space<vmem>> -> memref<1024x16xf32, #tpu.memory_space<vmem>>
      tpu.vector_store_idx %scatter3A_620[%add3A_434, %broadcast_in_dim3A_23], %get3A_532 : memref<1024x16xf32, #tpu.memory_space<vmem>>[vector<16xi32>, vector<16xi32>], vector<16xf32>,
      %scatter3A_621 = arith.constant 0 : i32
      %scatter3A_622 = arith.constant 0 : i32
      %scatter3A_623 = tpu.memref_slice %arg5[%scan3A_188, %scatter3A_621, %scatter3A_622] : memref<2x1024x16xf32, #tpu.memory_space<vmem>> -> memref<1x1024x16xf32, #tpu.memory_space<vmem>>
      %scatter3A_624 = tpu.memref_squeeze %scatter3A_623 : memref<1x1024x16xf32, #tpu.memory_space<vmem>> -> memref<1024x16xf32, #tpu.memory_space<vmem>>
      tpu.vector_store_idx %scatter3A_624[%add3A_434, %broadcast_in_dim3A_25], %get3A_541 : memref<1024x16xf32, #tpu.memory_space<vmem>>[vector<16xi32>, vector<16xi32>], vector<16xf32>,
      %scatter3A_625 = arith.constant 0 : i32
      %scatter3A_626 = arith.constant 0 : i32
      %scatter3A_627 = tpu.memref_slice %arg5[%scan3A_188, %scatter3A_625, %scatter3A_626] : memref<2x1024x16xf32, #tpu.memory_space<vmem>> -> memref<1x1024x16xf32, #tpu.memory_space<vmem>>
      %scatter3A_628 = tpu.memref_squeeze %scatter3A_627 : memref<1x1024x16xf32, #tpu.memory_space<vmem>> -> memref<1024x16xf32, #tpu.memory_space<vmem>>
      tpu.vector_store_idx %scatter3A_628[%add3A_434, %broadcast_in_dim3A_27], %get3A_550 : memref<1024x16xf32, #tpu.memory_space<vmem>>[vector<16xi32>, vector<16xi32>], vector<16xf32>,
      %scatter3A_629 = arith.constant 0 : i32
      %scatter3A_630 = arith.constant 0 : i32
      %scatter3A_631 = tpu.memref_slice %arg5[%scan3A_188, %scatter3A_629, %scatter3A_630] : memref<2x1024x16xf32, #tpu.memory_space<vmem>> -> memref<1x1024x16xf32, #tpu.memory_space<vmem>>
      %scatter3A_632 = tpu.memref_squeeze %scatter3A_631 : memref<1x1024x16xf32, #tpu.memory_space<vmem>> -> memref<1024x16xf32, #tpu.memory_space<vmem>>
      tpu.vector_store_idx %scatter3A_632[%add3A_434, %broadcast_in_dim3A_29], %get3A_559 : memref<1024x16xf32, #tpu.memory_space<vmem>>[vector<16xi32>, vector<16xi32>], vector<16xf32>,
      %scatter3A_633 = arith.constant 0 : i32
      %scatter3A_634 = arith.constant 0 : i32
      %scatter3A_635 = tpu.memref_slice %arg5[%scan3A_188, %scatter3A_633, %scatter3A_634] : memref<2x1024x16xf32, #tpu.memory_space<vmem>> -> memref<1x1024x16xf32, #tpu.memory_space<vmem>>
      %scatter3A_636 = tpu.memref_squeeze %scatter3A_635 : memref<1x1024x16xf32, #tpu.memory_space<vmem>> -> memref<1024x16xf32, #tpu.memory_space<vmem>>
      tpu.vector_store_idx %scatter3A_636[%add3A_434, %broadcast_in_dim3A_31], %get3A_568 : memref<1024x16xf32, #tpu.memory_space<vmem>>[vector<16xi32>, vector<16xi32>], vector<16xf32>,
      %scatter3A_637 = arith.constant 0 : i32
      %scatter3A_638 = arith.constant 0 : i32
      %scatter3A_639 = tpu.memref_slice %arg5[%scan3A_188, %scatter3A_637, %scatter3A_638] : memref<2x1024x16xf32, #tpu.memory_space<vmem>> -> memref<1x1024x16xf32, #tpu.memory_space<vmem>>
      %scatter3A_640 = tpu.memref_squeeze %scatter3A_639 : memref<1x1024x16xf32, #tpu.memory_space<vmem>> -> memref<1024x16xf32, #tpu.memory_space<vmem>>
      tpu.vector_store_idx %scatter3A_640[%add3A_434, %broadcast_in_dim3A_33], %get3A_577 : memref<1024x16xf32, #tpu.memory_space<vmem>>[vector<16xi32>, vector<16xi32>], vector<16xf32>,
    }
    %scan3A_193 = arith.constant 64 : i32
    %mul3A_194 = arith.constant 1024 : i32
    %mul3A_195 = arith.muli %sub3A_149, %mul3A_194 : i32
    %dma_start3A_196 = arith.constant 0 : i32
    %dma_start3A_197 = arith.constant 0 : i32
    %dma_start3A_198 = arith.constant 0 : i32
    %dma_start3A_199 = tpu.memref_slice %arg5[%dma_start3A_196, %dma_start3A_197, %dma_start3A_198] : memref<2x1024x16xf32, #tpu.memory_space<vmem>> -> memref<1x1024x16xf32, #tpu.memory_space<vmem>>
    %dma_start3A_200 = tpu.memref_squeeze %dma_start3A_199 : memref<1x1024x16xf32, #tpu.memory_space<vmem>> -> memref<1024x16xf32, #tpu.memory_space<vmem>>
    %dma_start3A_201 = arith.constant 0 : i32
    %dma_start3A_202 = tpu.memref_slice %arg3[%mul3A_195, %dma_start3A_201] : memref<851968x16xf32, #tpu.memory_space<hbm>> -> memref<1024x16xf32, #tpu.memory_space<hbm>>
    %dma_start3A_203 = arith.constant 0 : i32
    %dma_start3A_204 = tpu.memref_slice %arg3[%mul3A_195, %dma_start3A_203] : memref<851968x16xf32, #tpu.memory_space<hbm>> -> memref<1024x16xf32, #tpu.memory_space<hbm>>
    %dma_start3A_205 = arith.constant 0 : i32
    %dma_start3A_206 = arith.constant 0 : i32
    %dma_start3A_207 = tpu.memref_slice %arg5[%dma_start3A_196, %dma_start3A_205, %dma_start3A_206] : memref<2x1024x16xf32, #tpu.memory_space<vmem>> -> memref<1x1024x16xf32, #tpu.memory_space<vmem>>
    %dma_start3A_208 = tpu.memref_squeeze %dma_start3A_207 : memref<1x1024x16xf32, #tpu.memory_space<vmem>> -> memref<1024x16xf32, #tpu.memory_space<vmem>>
    tpu.enqueue_dma source(%dma_start3A_208 : memref<1024x16xf32, #tpu.memory_space<vmem>>) target(%dma_start3A_204 : memref<1024x16xf32, #tpu.memory_space<hbm>>) target_semaphore(%arg9 : memref<!tpu.dma_semaphore, #tpu.memory_space<semaphore_mem>>)
    %add3A_209 = arith.constant 3 : i32
    %add3A_210 = arith.addi %sub3A_149, %add3A_209 : i32
    %min3A = arith.constant 831 : i32
    %min3A_211 = arith.minsi %add3A_210, %min3A : i32
    %mul3A_212 = arith.constant 8 : i32
    %mul3A_213 = arith.muli %min3A_211, %mul3A_212 : i32
    %dma_start3A_214 = arith.constant 0 : i32
    %dma_start3A_215 = arith.constant 0 : i32
    %dma_start3A_216 = arith.constant 0 : i32
    %dma_start3A_217 = arith.constant 0 : i32
    %dma_start3A_218 = arith.constant 0 : i32
    %dma_start3A_219 = tpu.memref_slice %arg4[%dma_start3A_214, %dma_start3A_215, %dma_start3A_216, %dma_start3A_217, %dma_start3A_218] : memref<3x2x8x8x128xf32, #tpu.memory_space<vmem>> -> memref<1x2x8x8x128xf32, #tpu.memory_space<vmem>>
    %dma_start3A_220 = tpu.memref_squeeze %dma_start3A_219 : memref<1x2x8x8x128xf32, #tpu.memory_space<vmem>> -> memref<2x8x8x128xf32, #tpu.memory_space<vmem>>
    %dma_start3A_221 = arith.constant 0 : i32
    %dma_start3A_222 = arith.constant 0 : i32
    %dma_start3A_223 = arith.constant 0 : i32
    %dma_start3A_224 = tpu.memref_slice %arg2[%dma_start3A_221, %mul3A_213, %dma_start3A_222, %dma_start3A_223] : memref<2x6656x8x128xf32, #tpu.memory_space<hbm>> -> memref<2x8x8x128xf32, #tpu.memory_space<hbm>>
    %dma_start3A_225 = arith.constant 0 : i32
    %dma_start3A_226 = arith.constant 0 : i32
    %dma_start3A_227 = arith.constant 0 : i32
    %dma_start3A_228 = arith.constant 0 : i32
    %dma_start3A_229 = tpu.memref_slice %arg4[%dma_start3A_214, %dma_start3A_225, %dma_start3A_226, %dma_start3A_227, %dma_start3A_228] : memref<3x2x8x8x128xf32, #tpu.memory_space<vmem>> -> memref<1x2x8x8x128xf32, #tpu.memory_space<vmem>>
    %dma_start3A_230 = tpu.memref_squeeze %dma_start3A_229 : memref<1x2x8x8x128xf32, #tpu.memory_space<vmem>> -> memref<2x8x8x128xf32, #tpu.memory_space<vmem>>
    %dma_start3A_231 = arith.constant 0 : i32
    %dma_start3A_232 = arith.constant 0 : i32
    %dma_start3A_233 = arith.constant 0 : i32
    %dma_start3A_234 = tpu.memref_slice %arg2[%dma_start3A_231, %mul3A_213, %dma_start3A_232, %dma_start3A_233] : memref<2x6656x8x128xf32, #tpu.memory_space<hbm>> -> memref<2x8x8x128xf32, #tpu.memory_space<hbm>>
    tpu.enqueue_dma source(%dma_start3A_234 : memref<2x8x8x128xf32, #tpu.memory_space<hbm>>) target(%dma_start3A_230 : memref<2x8x8x128xf32, #tpu.memory_space<vmem>>) target_semaphore(%arg6 : memref<!tpu.dma_semaphore, #tpu.memory_space<semaphore_mem>>)
    %add3A_235 = arith.constant 26 : i32
    %add3A_236 = arith.addi %mul3A_2, %add3A_235 : i32
    %sub3A_237 = arith.constant 1 : i32
    %sub3A_238 = arith.subi %add3A_236, %sub3A_237 : i32
    %dma_wait3A_239 = arith.constant 1 : i32
    %dma_wait3A_240 = arith.constant 0 : i32
    %dma_wait3A_241 = arith.constant 0 : i32
    %dma_wait3A_242 = arith.constant 0 : i32
    %dma_wait3A_243 = arith.constant 0 : i32
    %dma_wait3A_244 = tpu.memref_slice %arg4[%dma_wait3A_239, %dma_wait3A_240, %dma_wait3A_241, %dma_wait3A_242, %dma_wait3A_243] : memref<3x2x8x8x128xf32, #tpu.memory_space<vmem>> -> memref<1x2x8x8x128xf32, #tpu.memory_space<vmem>>
    %dma_wait3A_245 = tpu.memref_squeeze %dma_wait3A_244 : memref<1x2x8x8x128xf32, #tpu.memory_space<vmem>> -> memref<2x8x8x128xf32, #tpu.memory_space<vmem>>
    %dma_wait3A_246 = arith.constant 0 : i32
    %dma_wait3A_247 = arith.constant 0 : i32
    %dma_wait3A_248 = arith.constant 0 : i32
    %dma_wait3A_249 = arith.constant 0 : i32
    %dma_wait3A_250 = tpu.memref_slice %arg2[%dma_wait3A_246, %dma_wait3A_247, %dma_wait3A_248, %dma_wait3A_249] : memref<2x6656x8x128xf32, #tpu.memory_space<hbm>> -> memref<2x8x8x128xf32, #tpu.memory_space<hbm>>
    %dma_wait3A_251 = arith.constant 0 : i32
    %dma_wait3A_252 = arith.constant 0 : i32
    %dma_wait3A_253 = arith.constant 0 : i32
    %dma_wait3A_254 = arith.constant 0 : i32
    %dma_wait3A_255 = tpu.memref_slice %arg4[%dma_wait3A_239, %dma_wait3A_251, %dma_wait3A_252, %dma_wait3A_253, %dma_wait3A_254] : memref<3x2x8x8x128xf32, #tpu.memory_space<vmem>> -> memref<1x2x8x8x128xf32, #tpu.memory_space<vmem>>
    %dma_wait3A_256 = tpu.memref_squeeze %dma_wait3A_255 : memref<1x2x8x8x128xf32, #tpu.memory_space<vmem>> -> memref<2x8x8x128xf32, #tpu.memory_space<vmem>>
    %dma_wait3A_257 = arith.constant 0 : i32
    %dma_wait3A_258 = arith.constant 0 : i32
    %dma_wait3A_259 = arith.constant 0 : i32
    %dma_wait3A_260 = arith.constant 0 : i32
    %dma_wait3A_261 = tpu.memref_slice %arg2[%dma_wait3A_257, %dma_wait3A_258, %dma_wait3A_259, %dma_wait3A_260] : memref<2x6656x8x128xf32, #tpu.memory_space<hbm>> -> memref<2x8x8x128xf32, #tpu.memory_space<hbm>>
    tpu.wait_dma2 semaphore(%arg7 : memref<!tpu.dma_semaphore, #tpu.memory_space<semaphore_mem>>) src(%dma_wait3A_261 : memref<2x8x8x128xf32, #tpu.memory_space<hbm>>) dst(%dma_wait3A_256 : memref<2x8x8x128xf32, #tpu.memory_space<vmem>>)
    %dma_wait3A_262 = arith.constant 1 : i32
    %dma_wait3A_263 = arith.constant 0 : i32
    %dma_wait3A_264 = arith.constant 0 : i32
    %dma_wait3A_265 = tpu.memref_slice %arg5[%dma_wait3A_262, %dma_wait3A_263, %dma_wait3A_264] : memref<2x1024x16xf32, #tpu.memory_space<vmem>> -> memref<1x1024x16xf32, #tpu.memory_space<vmem>>
    %dma_wait3A_266 = tpu.memref_squeeze %dma_wait3A_265 : memref<1x1024x16xf32, #tpu.memory_space<vmem>> -> memref<1024x16xf32, #tpu.memory_space<vmem>>
    %dma_wait3A_267 = arith.constant 0 : i32
    %dma_wait3A_268 = arith.constant 0 : i32
    %dma_wait3A_269 = tpu.memref_slice %arg3[%dma_wait3A_267, %dma_wait3A_268] : memref<851968x16xf32, #tpu.memory_space<hbm>> -> memref<1024x16xf32, #tpu.memory_space<hbm>>
    %dma_wait3A_270 = arith.constant 0 : i32
    %dma_wait3A_271 = arith.constant 0 : i32
    %dma_wait3A_272 = tpu.memref_slice %arg3[%dma_wait3A_270, %dma_wait3A_271] : memref<851968x16xf32, #tpu.memory_space<hbm>> -> memref<1024x16xf32, #tpu.memory_space<hbm>>
    %dma_wait3A_273 = arith.constant 0 : i32
    %dma_wait3A_274 = arith.constant 0 : i32
    %dma_wait3A_275 = tpu.memref_slice %arg5[%dma_wait3A_262, %dma_wait3A_273, %dma_wait3A_274] : memref<2x1024x16xf32, #tpu.memory_space<vmem>> -> memref<1x1024x16xf32, #tpu.memory_space<vmem>>
    %dma_wait3A_276 = tpu.memref_squeeze %dma_wait3A_275 : memref<1x1024x16xf32, #tpu.memory_space<vmem>> -> memref<1024x16xf32, #tpu.memory_space<vmem>>
    tpu.wait_dma2 semaphore(%arg10 : memref<!tpu.dma_semaphore, #tpu.memory_space<semaphore_mem>>) src(%dma_wait3A_276 : memref<1024x16xf32, #tpu.memory_space<vmem>>) dst(%dma_wait3A_272 : memref<1024x16xf32, #tpu.memory_space<hbm>>)
    %scan3A_277 = arith.constant 0 : i32
    %scan3A_278 = arith.constant 1 : i32
    %scan3A_279 = arith.constant 0 : i32
    %scan3A_280 = arith.constant 64 : i32
    %scan3A_281 = arith.addi %scan3A_279, %scan3A_280 : i32
    %scan3A_282 = arith.constant 1 : i32
    scf.for %scan3A_425 = %scan3A_279 to %scan3A_281 step %scan3A_282  : i32 {
      %shift_right_arithmetic3A = arith.constant 3 : i32
      %shift_right_arithmetic3A_426 = arith.shrsi %scan3A_425, %shift_right_arithmetic3A : i32
      %and3A = arith.constant 7 : i32
      %and3A_427 = arith.andi %scan3A_425, %and3A : i32
      %mul3A_428 = arith.constant 16 : i32
      %mul3A_429 = arith.muli %and3A_427, %mul3A_428 : i32
      %mul3A_430 = arith.constant 128 : i32
      %mul3A_431 = arith.muli %shift_right_arithmetic3A_426, %mul3A_430 : i32
      %add3A_432 = arith.addi %mul3A_431, %mul3A_429 : i32
      %add3A_433 = vector.broadcast %add3A_432 : i32 to vector<16xi32>
      %add3A_434 = arith.addi %add3A_433, %iota3A : vector<16xi32>
      %get3A = arith.constant 1 : i32
      %get3A_435 = arith.constant 0 : i32
      %get3A_436 = arith.constant 0 : i32
      %get3A_437 = arith.index_cast %get3A : i32 to index
      %get3A_438 = arith.index_cast %get3A_435 : i32 to index
      %get3A_439 = arith.index_cast %shift_right_arithmetic3A_426 : i32 to index
      %get3A_440 = arith.index_cast %get3A_436 : i32 to index
      %get3A_441 = arith.index_cast %mul3A_429 : i32 to index
      %get3A_442 = tpu.vector_load %arg4[%get3A_437, %get3A_438, %get3A_439, %get3A_440, %get3A_441] {strides = array<i32>} : memref<3x2x8x8x128xf32, #tpu.memory_space<vmem>>, vector<16xf32>,
      %get3A_443 = arith.constant 1 : i32
      %get3A_444 = arith.constant 0 : i32
      %get3A_445 = arith.constant 1 : i32
      %get3A_446 = arith.index_cast %get3A_443 : i32 to index
      %get3A_447 = arith.index_cast %get3A_444 : i32 to index
      %get3A_448 = arith.index_cast %shift_right_arithmetic3A_426 : i32 to index
      %get3A_449 = arith.index_cast %get3A_445 : i32 to index
      %get3A_450 = arith.index_cast %mul3A_429 : i32 to index
      %get3A_451 = tpu.vector_load %arg4[%get3A_446, %get3A_447, %get3A_448, %get3A_449, %get3A_450] {strides = array<i32>} : memref<3x2x8x8x128xf32, #tpu.memory_space<vmem>>, vector<16xf32>,
      %get3A_452 = arith.constant 1 : i32
      %get3A_453 = arith.constant 0 : i32
      %get3A_454 = arith.constant 2 : i32
      %get3A_455 = arith.index_cast %get3A_452 : i32 to index
      %get3A_456 = arith.index_cast %get3A_453 : i32 to index
      %get3A_457 = arith.index_cast %shift_right_arithmetic3A_426 : i32 to index
      %get3A_458 = arith.index_cast %get3A_454 : i32 to index
      %get3A_459 = arith.index_cast %mul3A_429 : i32 to index
      %get3A_460 = tpu.vector_load %arg4[%get3A_455, %get3A_456, %get3A_457, %get3A_458, %get3A_459] {strides = array<i32>} : memref<3x2x8x8x128xf32, #tpu.memory_space<vmem>>, vector<16xf32>,
      %get3A_461 = arith.constant 1 : i32
      %get3A_462 = arith.constant 0 : i32
      %get3A_463 = arith.constant 3 : i32
      %get3A_464 = arith.index_cast %get3A_461 : i32 to index
      %get3A_465 = arith.index_cast %get3A_462 : i32 to index
      %get3A_466 = arith.index_cast %shift_right_arithmetic3A_426 : i32 to index
      %get3A_467 = arith.index_cast %get3A_463 : i32 to index
      %get3A_468 = arith.index_cast %mul3A_429 : i32 to index
      %get3A_469 = tpu.vector_load %arg4[%get3A_464, %get3A_465, %get3A_466, %get3A_467, %get3A_468] {strides = array<i32>} : memref<3x2x8x8x128xf32, #tpu.memory_space<vmem>>, vector<16xf32>,
      %get3A_470 = arith.constant 1 : i32
      %get3A_471 = arith.constant 0 : i32
      %get3A_472 = arith.constant 4 : i32
      %get3A_473 = arith.index_cast %get3A_470 : i32 to index
      %get3A_474 = arith.index_cast %get3A_471 : i32 to index
      %get3A_475 = arith.index_cast %shift_right_arithmetic3A_426 : i32 to index
      %get3A_476 = arith.index_cast %get3A_472 : i32 to index
      %get3A_477 = arith.index_cast %mul3A_429 : i32 to index
      %get3A_478 = tpu.vector_load %arg4[%get3A_473, %get3A_474, %get3A_475, %get3A_476, %get3A_477] {strides = array<i32>} : memref<3x2x8x8x128xf32, #tpu.memory_space<vmem>>, vector<16xf32>,
      %get3A_479 = arith.constant 1 : i32
      %get3A_480 = arith.constant 0 : i32
      %get3A_481 = arith.constant 5 : i32
      %get3A_482 = arith.index_cast %get3A_479 : i32 to index
      %get3A_483 = arith.index_cast %get3A_480 : i32 to index
      %get3A_484 = arith.index_cast %shift_right_arithmetic3A_426 : i32 to index
      %get3A_485 = arith.index_cast %get3A_481 : i32 to index
      %get3A_486 = arith.index_cast %mul3A_429 : i32 to index
      %get3A_487 = tpu.vector_load %arg4[%get3A_482, %get3A_483, %get3A_484, %get3A_485, %get3A_486] {strides = array<i32>} : memref<3x2x8x8x128xf32, #tpu.memory_space<vmem>>, vector<16xf32>,
      %get3A_488 = arith.constant 1 : i32
      %get3A_489 = arith.constant 0 : i32
      %get3A_490 = arith.constant 6 : i32
      %get3A_491 = arith.index_cast %get3A_488 : i32 to index
      %get3A_492 = arith.index_cast %get3A_489 : i32 to index
      %get3A_493 = arith.index_cast %shift_right_arithmetic3A_426 : i32 to index
      %get3A_494 = arith.index_cast %get3A_490 : i32 to index
      %get3A_495 = arith.index_cast %mul3A_429 : i32 to index
      %get3A_496 = tpu.vector_load %arg4[%get3A_491, %get3A_492, %get3A_493, %get3A_494, %get3A_495] {strides = array<i32>} : memref<3x2x8x8x128xf32, #tpu.memory_space<vmem>>, vector<16xf32>,
      %get3A_497 = arith.constant 1 : i32
      %get3A_498 = arith.constant 0 : i32
      %get3A_499 = arith.constant 7 : i32
      %get3A_500 = arith.index_cast %get3A_497 : i32 to index
      %get3A_501 = arith.index_cast %get3A_498 : i32 to index
      %get3A_502 = arith.index_cast %shift_right_arithmetic3A_426 : i32 to index
      %get3A_503 = arith.index_cast %get3A_499 : i32 to index
      %get3A_504 = arith.index_cast %mul3A_429 : i32 to index
      %get3A_505 = tpu.vector_load %arg4[%get3A_500, %get3A_501, %get3A_502, %get3A_503, %get3A_504] {strides = array<i32>} : memref<3x2x8x8x128xf32, #tpu.memory_space<vmem>>, vector<16xf32>,
      %get3A_506 = arith.constant 1 : i32
      %get3A_507 = arith.constant 1 : i32
      %get3A_508 = arith.constant 0 : i32
      %get3A_509 = arith.index_cast %get3A_506 : i32 to index
      %get3A_510 = arith.index_cast %get3A_507 : i32 to index
      %get3A_511 = arith.index_cast %shift_right_arithmetic3A_426 : i32 to index
      %get3A_512 = arith.index_cast %get3A_508 : i32 to index
      %get3A_513 = arith.index_cast %mul3A_429 : i32 to index
      %get3A_514 = tpu.vector_load %arg4[%get3A_509, %get3A_510, %get3A_511, %get3A_512, %get3A_513] {strides = array<i32>} : memref<3x2x8x8x128xf32, #tpu.memory_space<vmem>>, vector<16xf32>,
      %get3A_515 = arith.constant 1 : i32
      %get3A_516 = arith.constant 1 : i32
      %get3A_517 = arith.constant 1 : i32
      %get3A_518 = arith.index_cast %get3A_515 : i32 to index
      %get3A_519 = arith.index_cast %get3A_516 : i32 to index
      %get3A_520 = arith.index_cast %shift_right_arithmetic3A_426 : i32 to index
      %get3A_521 = arith.index_cast %get3A_517 : i32 to index
      %get3A_522 = arith.index_cast %mul3A_429 : i32 to index
      %get3A_523 = tpu.vector_load %arg4[%get3A_518, %get3A_519, %get3A_520, %get3A_521, %get3A_522] {strides = array<i32>} : memref<3x2x8x8x128xf32, #tpu.memory_space<vmem>>, vector<16xf32>,
      %get3A_524 = arith.constant 1 : i32
      %get3A_525 = arith.constant 1 : i32
      %get3A_526 = arith.constant 2 : i32
      %get3A_527 = arith.index_cast %get3A_524 : i32 to index
      %get3A_528 = arith.index_cast %get3A_525 : i32 to index
      %get3A_529 = arith.index_cast %shift_right_arithmetic3A_426 : i32 to index
      %get3A_530 = arith.index_cast %get3A_526 : i32 to index
      %get3A_531 = arith.index_cast %mul3A_429 : i32 to index
      %get3A_532 = tpu.vector_load %arg4[%get3A_527, %get3A_528, %get3A_529, %get3A_530, %get3A_531] {strides = array<i32>} : memref<3x2x8x8x128xf32, #tpu.memory_space<vmem>>, vector<16xf32>,
      %get3A_533 = arith.constant 1 : i32
      %get3A_534 = arith.constant 1 : i32
      %get3A_535 = arith.constant 3 : i32
      %get3A_536 = arith.index_cast %get3A_533 : i32 to index
      %get3A_537 = arith.index_cast %get3A_534 : i32 to index
      %get3A_538 = arith.index_cast %shift_right_arithmetic3A_426 : i32 to index
      %get3A_539 = arith.index_cast %get3A_535 : i32 to index
      %get3A_540 = arith.index_cast %mul3A_429 : i32 to index
      %get3A_541 = tpu.vector_load %arg4[%get3A_536, %get3A_537, %get3A_538, %get3A_539, %get3A_540] {strides = array<i32>} : memref<3x2x8x8x128xf32, #tpu.memory_space<vmem>>, vector<16xf32>,
      %get3A_542 = arith.constant 1 : i32
      %get3A_543 = arith.constant 1 : i32
      %get3A_544 = arith.constant 4 : i32
      %get3A_545 = arith.index_cast %get3A_542 : i32 to index
      %get3A_546 = arith.index_cast %get3A_543 : i32 to index
      %get3A_547 = arith.index_cast %shift_right_arithmetic3A_426 : i32 to index
      %get3A_548 = arith.index_cast %get3A_544 : i32 to index
      %get3A_549 = arith.index_cast %mul3A_429 : i32 to index
      %get3A_550 = tpu.vector_load %arg4[%get3A_545, %get3A_546, %get3A_547, %get3A_548, %get3A_549] {strides = array<i32>} : memref<3x2x8x8x128xf32, #tpu.memory_space<vmem>>, vector<16xf32>,
      %get3A_551 = arith.constant 1 : i32
      %get3A_552 = arith.constant 1 : i32
      %get3A_553 = arith.constant 5 : i32
      %get3A_554 = arith.index_cast %get3A_551 : i32 to index
      %get3A_555 = arith.index_cast %get3A_552 : i32 to index
      %get3A_556 = arith.index_cast %shift_right_arithmetic3A_426 : i32 to index
      %get3A_557 = arith.index_cast %get3A_553 : i32 to index
      %get3A_558 = arith.index_cast %mul3A_429 : i32 to index
      %get3A_559 = tpu.vector_load %arg4[%get3A_554, %get3A_555, %get3A_556, %get3A_557, %get3A_558] {strides = array<i32>} : memref<3x2x8x8x128xf32, #tpu.memory_space<vmem>>, vector<16xf32>,
      %get3A_560 = arith.constant 1 : i32
      %get3A_561 = arith.constant 1 : i32
      %get3A_562 = arith.constant 6 : i32
      %get3A_563 = arith.index_cast %get3A_560 : i32 to index
      %get3A_564 = arith.index_cast %get3A_561 : i32 to index
      %get3A_565 = arith.index_cast %shift_right_arithmetic3A_426 : i32 to index
      %get3A_566 = arith.index_cast %get3A_562 : i32 to index
      %get3A_567 = arith.index_cast %mul3A_429 : i32 to index
      %get3A_568 = tpu.vector_load %arg4[%get3A_563, %get3A_564, %get3A_565, %get3A_566, %get3A_567] {strides = array<i32>} : memref<3x2x8x8x128xf32, #tpu.memory_space<vmem>>, vector<16xf32>,
      %get3A_569 = arith.constant 1 : i32
      %get3A_570 = arith.constant 1 : i32
      %get3A_571 = arith.constant 7 : i32
      %get3A_572 = arith.index_cast %get3A_569 : i32 to index
      %get3A_573 = arith.index_cast %get3A_570 : i32 to index
      %get3A_574 = arith.index_cast %shift_right_arithmetic3A_426 : i32 to index
      %get3A_575 = arith.index_cast %get3A_571 : i32 to index
      %get3A_576 = arith.index_cast %mul3A_429 : i32 to index
      %get3A_577 = tpu.vector_load %arg4[%get3A_572, %get3A_573, %get3A_574, %get3A_575, %get3A_576] {strides = array<i32>} : memref<3x2x8x8x128xf32, #tpu.memory_space<vmem>>, vector<16xf32>,
      %scatter3A = arith.constant 0 : i32
      %scatter3A_578 = arith.constant 0 : i32
      %scatter3A_579 = tpu.memref_slice %arg5[%scan3A_278, %scatter3A, %scatter3A_578] : memref<2x1024x16xf32, #tpu.memory_space<vmem>> -> memref<1x1024x16xf32, #tpu.memory_space<vmem>>
      %scatter3A_580 = tpu.memref_squeeze %scatter3A_579 : memref<1x1024x16xf32, #tpu.memory_space<vmem>> -> memref<1024x16xf32, #tpu.memory_space<vmem>>
      tpu.vector_store_idx %scatter3A_580[%add3A_434, %broadcast_in_dim3A_3], %get3A_442 : memref<1024x16xf32, #tpu.memory_space<vmem>>[vector<16xi32>, vector<16xi32>], vector<16xf32>,
      %scatter3A_581 = arith.constant 0 : i32
      %scatter3A_582 = arith.constant 0 : i32
      %scatter3A_583 = tpu.memref_slice %arg5[%scan3A_278, %scatter3A_581, %scatter3A_582] : memref<2x1024x16xf32, #tpu.memory_space<vmem>> -> memref<1x1024x16xf32, #tpu.memory_space<vmem>>
      %scatter3A_584 = tpu.memref_squeeze %scatter3A_583 : memref<1x1024x16xf32, #tpu.memory_space<vmem>> -> memref<1024x16xf32, #tpu.memory_space<vmem>>
      tpu.vector_store_idx %scatter3A_584[%add3A_434, %broadcast_in_dim3A_5], %get3A_451 : memref<1024x16xf32, #tpu.memory_space<vmem>>[vector<16xi32>, vector<16xi32>], vector<16xf32>,
      %scatter3A_585 = arith.constant 0 : i32
      %scatter3A_586 = arith.constant 0 : i32
      %scatter3A_587 = tpu.memref_slice %arg5[%scan3A_278, %scatter3A_585, %scatter3A_586] : memref<2x1024x16xf32, #tpu.memory_space<vmem>> -> memref<1x1024x16xf32, #tpu.memory_space<vmem>>
      %scatter3A_588 = tpu.memref_squeeze %scatter3A_587 : memref<1x1024x16xf32, #tpu.memory_space<vmem>> -> memref<1024x16xf32, #tpu.memory_space<vmem>>
      tpu.vector_store_idx %scatter3A_588[%add3A_434, %broadcast_in_dim3A_7], %get3A_460 : memref<1024x16xf32, #tpu.memory_space<vmem>>[vector<16xi32>, vector<16xi32>], vector<16xf32>,
      %scatter3A_589 = arith.constant 0 : i32
      %scatter3A_590 = arith.constant 0 : i32
      %scatter3A_591 = tpu.memref_slice %arg5[%scan3A_278, %scatter3A_589, %scatter3A_590] : memref<2x1024x16xf32, #tpu.memory_space<vmem>> -> memref<1x1024x16xf32, #tpu.memory_space<vmem>>
      %scatter3A_592 = tpu.memref_squeeze %scatter3A_591 : memref<1x1024x16xf32, #tpu.memory_space<vmem>> -> memref<1024x16xf32, #tpu.memory_space<vmem>>
      tpu.vector_store_idx %scatter3A_592[%add3A_434, %broadcast_in_dim3A_9], %get3A_469 : memref<1024x16xf32, #tpu.memory_space<vmem>>[vector<16xi32>, vector<16xi32>], vector<16xf32>,
      %scatter3A_593 = arith.constant 0 : i32
      %scatter3A_594 = arith.constant 0 : i32
      %scatter3A_595 = tpu.memref_slice %arg5[%scan3A_278, %scatter3A_593, %scatter3A_594] : memref<2x1024x16xf32, #tpu.memory_space<vmem>> -> memref<1x1024x16xf32, #tpu.memory_space<vmem>>
      %scatter3A_596 = tpu.memref_squeeze %scatter3A_595 : memref<1x1024x16xf32, #tpu.memory_space<vmem>> -> memref<1024x16xf32, #tpu.memory_space<vmem>>
      tpu.vector_store_idx %scatter3A_596[%add3A_434, %broadcast_in_dim3A_11], %get3A_478 : memref<1024x16xf32, #tpu.memory_space<vmem>>[vector<16xi32>, vector<16xi32>], vector<16xf32>,
      %scatter3A_597 = arith.constant 0 : i32
      %scatter3A_598 = arith.constant 0 : i32
      %scatter3A_599 = tpu.memref_slice %arg5[%scan3A_278, %scatter3A_597, %scatter3A_598] : memref<2x1024x16xf32, #tpu.memory_space<vmem>> -> memref<1x1024x16xf32, #tpu.memory_space<vmem>>
      %scatter3A_600 = tpu.memref_squeeze %scatter3A_599 : memref<1x1024x16xf32, #tpu.memory_space<vmem>> -> memref<1024x16xf32, #tpu.memory_space<vmem>>
      tpu.vector_store_idx %scatter3A_600[%add3A_434, %broadcast_in_dim3A_13], %get3A_487 : memref<1024x16xf32, #tpu.memory_space<vmem>>[vector<16xi32>, vector<16xi32>], vector<16xf32>,
      %scatter3A_601 = arith.constant 0 : i32
      %scatter3A_602 = arith.constant 0 : i32
      %scatter3A_603 = tpu.memref_slice %arg5[%scan3A_278, %scatter3A_601, %scatter3A_602] : memref<2x1024x16xf32, #tpu.memory_space<vmem>> -> memref<1x1024x16xf32, #tpu.memory_space<vmem>>
      %scatter3A_604 = tpu.memref_squeeze %scatter3A_603 : memref<1x1024x16xf32, #tpu.memory_space<vmem>> -> memref<1024x16xf32, #tpu.memory_space<vmem>>
      tpu.vector_store_idx %scatter3A_604[%add3A_434, %broadcast_in_dim3A_15], %get3A_496 : memref<1024x16xf32, #tpu.memory_space<vmem>>[vector<16xi32>, vector<16xi32>], vector<16xf32>,
      %scatter3A_605 = arith.constant 0 : i32
      %scatter3A_606 = arith.constant 0 : i32
      %scatter3A_607 = tpu.memref_slice %arg5[%scan3A_278, %scatter3A_605, %scatter3A_606] : memref<2x1024x16xf32, #tpu.memory_space<vmem>> -> memref<1x1024x16xf32, #tpu.memory_space<vmem>>
      %scatter3A_608 = tpu.memref_squeeze %scatter3A_607 : memref<1x1024x16xf32, #tpu.memory_space<vmem>> -> memref<1024x16xf32, #tpu.memory_space<vmem>>
      tpu.vector_store_idx %scatter3A_608[%add3A_434, %broadcast_in_dim3A_17], %get3A_505 : memref<1024x16xf32, #tpu.memory_space<vmem>>[vector<16xi32>, vector<16xi32>], vector<16xf32>,
      %scatter3A_609 = arith.constant 0 : i32
      %scatter3A_610 = arith.constant 0 : i32
      %scatter3A_611 = tpu.memref_slice %arg5[%scan3A_278, %scatter3A_609, %scatter3A_610] : memref<2x1024x16xf32, #tpu.memory_space<vmem>> -> memref<1x1024x16xf32, #tpu.memory_space<vmem>>
      %scatter3A_612 = tpu.memref_squeeze %scatter3A_611 : memref<1x1024x16xf32, #tpu.memory_space<vmem>> -> memref<1024x16xf32, #tpu.memory_space<vmem>>
      tpu.vector_store_idx %scatter3A_612[%add3A_434, %broadcast_in_dim3A_19], %get3A_514 : memref<1024x16xf32, #tpu.memory_space<vmem>>[vector<16xi32>, vector<16xi32>], vector<16xf32>,
      %scatter3A_613 = arith.constant 0 : i32
      %scatter3A_614 = arith.constant 0 : i32
      %scatter3A_615 = tpu.memref_slice %arg5[%scan3A_278, %scatter3A_613, %scatter3A_614] : memref<2x1024x16xf32, #tpu.memory_space<vmem>> -> memref<1x1024x16xf32, #tpu.memory_space<vmem>>
      %scatter3A_616 = tpu.memref_squeeze %scatter3A_615 : memref<1x1024x16xf32, #tpu.memory_space<vmem>> -> memref<1024x16xf32, #tpu.memory_space<vmem>>
      tpu.vector_store_idx %scatter3A_616[%add3A_434, %broadcast_in_dim3A_21], %get3A_523 : memref<1024x16xf32, #tpu.memory_space<vmem>>[vector<16xi32>, vector<16xi32>], vector<16xf32>,
      %scatter3A_617 = arith.constant 0 : i32
      %scatter3A_618 = arith.constant 0 : i32
      %scatter3A_619 = tpu.memref_slice %arg5[%scan3A_278, %scatter3A_617, %scatter3A_618] : memref<2x1024x16xf32, #tpu.memory_space<vmem>> -> memref<1x1024x16xf32, #tpu.memory_space<vmem>>
      %scatter3A_620 = tpu.memref_squeeze %scatter3A_619 : memref<1x1024x16xf32, #tpu.memory_space<vmem>> -> memref<1024x16xf32, #tpu.memory_space<vmem>>
      tpu.vector_store_idx %scatter3A_620[%add3A_434, %broadcast_in_dim3A_23], %get3A_532 : memref<1024x16xf32, #tpu.memory_space<vmem>>[vector<16xi32>, vector<16xi32>], vector<16xf32>,
      %scatter3A_621 = arith.constant 0 : i32
      %scatter3A_622 = arith.constant 0 : i32
      %scatter3A_623 = tpu.memref_slice %arg5[%scan3A_278, %scatter3A_621, %scatter3A_622] : memref<2x1024x16xf32, #tpu.memory_space<vmem>> -> memref<1x1024x16xf32, #tpu.memory_space<vmem>>
      %scatter3A_624 = tpu.memref_squeeze %scatter3A_623 : memref<1x1024x16xf32, #tpu.memory_space<vmem>> -> memref<1024x16xf32, #tpu.memory_space<vmem>>
      tpu.vector_store_idx %scatter3A_624[%add3A_434, %broadcast_in_dim3A_25], %get3A_541 : memref<1024x16xf32, #tpu.memory_space<vmem>>[vector<16xi32>, vector<16xi32>], vector<16xf32>,
      %scatter3A_625 = arith.constant 0 : i32
      %scatter3A_626 = arith.constant 0 : i32
      %scatter3A_627 = tpu.memref_slice %arg5[%scan3A_278, %scatter3A_625, %scatter3A_626] : memref<2x1024x16xf32, #tpu.memory_space<vmem>> -> memref<1x1024x16xf32, #tpu.memory_space<vmem>>
      %scatter3A_628 = tpu.memref_squeeze %scatter3A_627 : memref<1x1024x16xf32, #tpu.memory_space<vmem>> -> memref<1024x16xf32, #tpu.memory_space<vmem>>
      tpu.vector_store_idx %scatter3A_628[%add3A_434, %broadcast_in_dim3A_27], %get3A_550 : memref<1024x16xf32, #tpu.memory_space<vmem>>[vector<16xi32>, vector<16xi32>], vector<16xf32>,
      %scatter3A_629 = arith.constant 0 : i32
      %scatter3A_630 = arith.constant 0 : i32
      %scatter3A_631 = tpu.memref_slice %arg5[%scan3A_278, %scatter3A_629, %scatter3A_630] : memref<2x1024x16xf32, #tpu.memory_space<vmem>> -> memref<1x1024x16xf32, #tpu.memory_space<vmem>>
      %scatter3A_632 = tpu.memref_squeeze %scatter3A_631 : memref<1x1024x16xf32, #tpu.memory_space<vmem>> -> memref<1024x16xf32, #tpu.memory_space<vmem>>
      tpu.vector_store_idx %scatter3A_632[%add3A_434, %broadcast_in_dim3A_29], %get3A_559 : memref<1024x16xf32, #tpu.memory_space<vmem>>[vector<16xi32>, vector<16xi32>], vector<16xf32>,
      %scatter3A_633 = arith.constant 0 : i32
      %scatter3A_634 = arith.constant 0 : i32
      %scatter3A_635 = tpu.memref_slice %arg5[%scan3A_278, %scatter3A_633, %scatter3A_634] : memref<2x1024x16xf32, #tpu.memory_space<vmem>> -> memref<1x1024x16xf32, #tpu.memory_space<vmem>>
      %scatter3A_636 = tpu.memref_squeeze %scatter3A_635 : memref<1x1024x16xf32, #tpu.memory_space<vmem>> -> memref<1024x16xf32, #tpu.memory_space<vmem>>
      tpu.vector_store_idx %scatter3A_636[%add3A_434, %broadcast_in_dim3A_31], %get3A_568 : memref<1024x16xf32, #tpu.memory_space<vmem>>[vector<16xi32>, vector<16xi32>], vector<16xf32>,
      %scatter3A_637 = arith.constant 0 : i32
      %scatter3A_638 = arith.constant 0 : i32
      %scatter3A_639 = tpu.memref_slice %arg5[%scan3A_278, %scatter3A_637, %scatter3A_638] : memref<2x1024x16xf32, #tpu.memory_space<vmem>> -> memref<1x1024x16xf32, #tpu.memory_space<vmem>>
      %scatter3A_640 = tpu.memref_squeeze %scatter3A_639 : memref<1x1024x16xf32, #tpu.memory_space<vmem>> -> memref<1024x16xf32, #tpu.memory_space<vmem>>
      tpu.vector_store_idx %scatter3A_640[%add3A_434, %broadcast_in_dim3A_33], %get3A_577 : memref<1024x16xf32, #tpu.memory_space<vmem>>[vector<16xi32>, vector<16xi32>], vector<16xf32>,
    }
    %scan3A_283 = arith.constant 64 : i32
    %mul3A_284 = arith.constant 1024 : i32
    %mul3A_285 = arith.muli %sub3A_238, %mul3A_284 : i32
    %dma_start3A_286 = arith.constant 1 : i32
    %dma_start3A_287 = arith.constant 0 : i32
    %dma_start3A_288 = arith.constant 0 : i32
    %dma_start3A_289 = tpu.memref_slice %arg5[%dma_start3A_286, %dma_start3A_287, %dma_start3A_288] : memref<2x1024x16xf32, #tpu.memory_space<vmem>> -> memref<1x1024x16xf32, #tpu.memory_space<vmem>>
    %dma_start3A_290 = tpu.memref_squeeze %dma_start3A_289 : memref<1x1024x16xf32, #tpu.memory_space<vmem>> -> memref<1024x16xf32, #tpu.memory_space<vmem>>
    %dma_start3A_291 = arith.constant 0 : i32
    %dma_start3A_292 = tpu.memref_slice %arg3[%mul3A_285, %dma_start3A_291] : memref<851968x16xf32, #tpu.memory_space<hbm>> -> memref<1024x16xf32, #tpu.memory_space<hbm>>
    %dma_start3A_293 = arith.constant 0 : i32
    %dma_start3A_294 = tpu.memref_slice %arg3[%mul3A_285, %dma_start3A_293] : memref<851968x16xf32, #tpu.memory_space<hbm>> -> memref<1024x16xf32, #tpu.memory_space<hbm>>
    %dma_start3A_295 = arith.constant 0 : i32
    %dma_start3A_296 = arith.constant 0 : i32
    %dma_start3A_297 = tpu.memref_slice %arg5[%dma_start3A_286, %dma_start3A_295, %dma_start3A_296] : memref<2x1024x16xf32, #tpu.memory_space<vmem>> -> memref<1x1024x16xf32, #tpu.memory_space<vmem>>
    %dma_start3A_298 = tpu.memref_squeeze %dma_start3A_297 : memref<1x1024x16xf32, #tpu.memory_space<vmem>> -> memref<1024x16xf32, #tpu.memory_space<vmem>>
    tpu.enqueue_dma source(%dma_start3A_298 : memref<1024x16xf32, #tpu.memory_space<vmem>>) target(%dma_start3A_294 : memref<1024x16xf32, #tpu.memory_space<hbm>>) target_semaphore(%arg10 : memref<!tpu.dma_semaphore, #tpu.memory_space<semaphore_mem>>)
    %add3A_299 = arith.constant 3 : i32
    %add3A_300 = arith.addi %sub3A_238, %add3A_299 : i32
    %min3A_301 = arith.constant 831 : i32
    %min3A_302 = arith.minsi %add3A_300, %min3A_301 : i32
    %mul3A_303 = arith.constant 8 : i32
    %mul3A_304 = arith.muli %min3A_302, %mul3A_303 : i32
    %dma_start3A_305 = arith.constant 1 : i32
    %dma_start3A_306 = arith.constant 0 : i32
    %dma_start3A_307 = arith.constant 0 : i32
    %dma_start3A_308 = arith.constant 0 : i32
    %dma_start3A_309 = arith.constant 0 : i32
    %dma_start3A_310 = tpu.memref_slice %arg4[%dma_start3A_305, %dma_start3A_306, %dma_start3A_307, %dma_start3A_308, %dma_start3A_309] : memref<3x2x8x8x128xf32, #tpu.memory_space<vmem>> -> memref<1x2x8x8x128xf32, #tpu.memory_space<vmem>>
    %dma_start3A_311 = tpu.memref_squeeze %dma_start3A_310 : memref<1x2x8x8x128xf32, #tpu.memory_space<vmem>> -> memref<2x8x8x128xf32, #tpu.memory_space<vmem>>
    %dma_start3A_312 = arith.constant 0 : i32
    %dma_start3A_313 = arith.constant 0 : i32
    %dma_start3A_314 = arith.constant 0 : i32
    %dma_start3A_315 = tpu.memref_slice %arg2[%dma_start3A_312, %mul3A_304, %dma_start3A_313, %dma_start3A_314] : memref<2x6656x8x128xf32, #tpu.memory_space<hbm>> -> memref<2x8x8x128xf32, #tpu.memory_space<hbm>>
    %dma_start3A_316 = arith.constant 0 : i32
    %dma_start3A_317 = arith.constant 0 : i32
    %dma_start3A_318 = arith.constant 0 : i32
    %dma_start3A_319 = arith.constant 0 : i32
    %dma_start3A_320 = tpu.memref_slice %arg4[%dma_start3A_305, %dma_start3A_316, %dma_start3A_317, %dma_start3A_318, %dma_start3A_319] : memref<3x2x8x8x128xf32, #tpu.memory_space<vmem>> -> memref<1x2x8x8x128xf32, #tpu.memory_space<vmem>>
    %dma_start3A_321 = tpu.memref_squeeze %dma_start3A_320 : memref<1x2x8x8x128xf32, #tpu.memory_space<vmem>> -> memref<2x8x8x128xf32, #tpu.memory_space<vmem>>
    %dma_start3A_322 = arith.constant 0 : i32
    %dma_start3A_323 = arith.constant 0 : i32
    %dma_start3A_324 = arith.constant 0 : i32
    %dma_start3A_325 = tpu.memref_slice %arg2[%dma_start3A_322, %mul3A_304, %dma_start3A_323, %dma_start3A_324] : memref<2x6656x8x128xf32, #tpu.memory_space<hbm>> -> memref<2x8x8x128xf32, #tpu.memory_space<hbm>>
    tpu.enqueue_dma source(%dma_start3A_325 : memref<2x8x8x128xf32, #tpu.memory_space<hbm>>) target(%dma_start3A_321 : memref<2x8x8x128xf32, #tpu.memory_space<vmem>>) target_semaphore(%arg7 : memref<!tpu.dma_semaphore, #tpu.memory_space<semaphore_mem>>)
    %dma_wait3A_326 = arith.constant 2 : i32
    %dma_wait3A_327 = arith.constant 0 : i32
    %dma_wait3A_328 = arith.constant 0 : i32
    %dma_wait3A_329 = arith.constant 0 : i32
    %dma_wait3A_330 = arith.constant 0 : i32
    %dma_wait3A_331 = tpu.memref_slice %arg4[%dma_wait3A_326, %dma_wait3A_327, %dma_wait3A_328, %dma_wait3A_329, %dma_wait3A_330] : memref<3x2x8x8x128xf32, #tpu.memory_space<vmem>> -> memref<1x2x8x8x128xf32, #tpu.memory_space<vmem>>
    %dma_wait3A_332 = tpu.memref_squeeze %dma_wait3A_331 : memref<1x2x8x8x128xf32, #tpu.memory_space<vmem>> -> memref<2x8x8x128xf32, #tpu.memory_space<vmem>>
    %dma_wait3A_333 = arith.constant 0 : i32
    %dma_wait3A_334 = arith.constant 0 : i32
    %dma_wait3A_335 = arith.constant 0 : i32
    %dma_wait3A_336 = arith.constant 0 : i32
    %dma_wait3A_337 = tpu.memref_slice %arg2[%dma_wait3A_333, %dma_wait3A_334, %dma_wait3A_335, %dma_wait3A_336] : memref<2x6656x8x128xf32, #tpu.memory_space<hbm>> -> memref<2x8x8x128xf32, #tpu.memory_space<hbm>>
    %dma_wait3A_338 = arith.constant 0 : i32
    %dma_wait3A_339 = arith.constant 0 : i32
    %dma_wait3A_340 = arith.constant 0 : i32
    %dma_wait3A_341 = arith.constant 0 : i32
    %dma_wait3A_342 = tpu.memref_slice %arg4[%dma_wait3A_326, %dma_wait3A_338, %dma_wait3A_339, %dma_wait3A_340, %dma_wait3A_341] : memref<3x2x8x8x128xf32, #tpu.memory_space<vmem>> -> memref<1x2x8x8x128xf32, #tpu.memory_space<vmem>>
    %dma_wait3A_343 = tpu.memref_squeeze %dma_wait3A_342 : memref<1x2x8x8x128xf32, #tpu.memory_space<vmem>> -> memref<2x8x8x128xf32, #tpu.memory_space<vmem>>
    %dma_wait3A_344 = arith.constant 0 : i32
    %dma_wait3A_345 = arith.constant 0 : i32
    %dma_wait3A_346 = arith.constant 0 : i32
    %dma_wait3A_347 = arith.constant 0 : i32
    %dma_wait3A_348 = tpu.memref_slice %arg2[%dma_wait3A_344, %dma_wait3A_345, %dma_wait3A_346, %dma_wait3A_347] : memref<2x6656x8x128xf32, #tpu.memory_space<hbm>> -> memref<2x8x8x128xf32, #tpu.memory_space<hbm>>
    tpu.wait_dma2 semaphore(%arg8 : memref<!tpu.dma_semaphore, #tpu.memory_space<semaphore_mem>>) src(%dma_wait3A_348 : memref<2x8x8x128xf32, #tpu.memory_space<hbm>>) dst(%dma_wait3A_343 : memref<2x8x8x128xf32, #tpu.memory_space<vmem>>)
    %dma_wait3A_349 = arith.constant 0 : i32
    %dma_wait3A_350 = arith.constant 0 : i32
    %dma_wait3A_351 = arith.constant 0 : i32
    %dma_wait3A_352 = arith.constant 0 : i32
    %dma_wait3A_353 = arith.constant 0 : i32
    %dma_wait3A_354 = tpu.memref_slice %arg4[%dma_wait3A_349, %dma_wait3A_350, %dma_wait3A_351, %dma_wait3A_352, %dma_wait3A_353] : memref<3x2x8x8x128xf32, #tpu.memory_space<vmem>> -> memref<1x2x8x8x128xf32, #tpu.memory_space<vmem>>
    %dma_wait3A_355 = tpu.memref_squeeze %dma_wait3A_354 : memref<1x2x8x8x128xf32, #tpu.memory_space<vmem>> -> memref<2x8x8x128xf32, #tpu.memory_space<vmem>>
    %dma_wait3A_356 = arith.constant 0 : i32
    %dma_wait3A_357 = arith.constant 0 : i32
    %dma_wait3A_358 = arith.constant 0 : i32
    %dma_wait3A_359 = arith.constant 0 : i32
    %dma_wait3A_360 = tpu.memref_slice %arg2[%dma_wait3A_356, %dma_wait3A_357, %dma_wait3A_358, %dma_wait3A_359] : memref<2x6656x8x128xf32, #tpu.memory_space<hbm>> -> memref<2x8x8x128xf32, #tpu.memory_space<hbm>>
    %dma_wait3A_361 = arith.constant 0 : i32
    %dma_wait3A_362 = arith.constant 0 : i32
    %dma_wait3A_363 = arith.constant 0 : i32
    %dma_wait3A_364 = arith.constant 0 : i32
    %dma_wait3A_365 = tpu.memref_slice %arg4[%dma_wait3A_349, %dma_wait3A_361, %dma_wait3A_362, %dma_wait3A_363, %dma_wait3A_364] : memref<3x2x8x8x128xf32, #tpu.memory_space<vmem>> -> memref<1x2x8x8x128xf32, #tpu.memory_space<vmem>>
    %dma_wait3A_366 = tpu.memref_squeeze %dma_wait3A_365 : memref<1x2x8x8x128xf32, #tpu.memory_space<vmem>> -> memref<2x8x8x128xf32, #tpu.memory_space<vmem>>
    %dma_wait3A_367 = arith.constant 0 : i32
    %dma_wait3A_368 = arith.constant 0 : i32
    %dma_wait3A_369 = arith.constant 0 : i32
    %dma_wait3A_370 = arith.constant 0 : i32
    %dma_wait3A_371 = tpu.memref_slice %arg2[%dma_wait3A_367, %dma_wait3A_368, %dma_wait3A_369, %dma_wait3A_370] : memref<2x6656x8x128xf32, #tpu.memory_space<hbm>> -> memref<2x8x8x128xf32, #tpu.memory_space<hbm>>
    tpu.wait_dma2 semaphore(%arg6 : memref<!tpu.dma_semaphore, #tpu.memory_space<semaphore_mem>>) src(%dma_wait3A_371 : memref<2x8x8x128xf32, #tpu.memory_space<hbm>>) dst(%dma_wait3A_366 : memref<2x8x8x128xf32, #tpu.memory_space<vmem>>)
    %dma_wait3A_372 = arith.constant 1 : i32
    %dma_wait3A_373 = arith.constant 0 : i32
    %dma_wait3A_374 = arith.constant 0 : i32
    %dma_wait3A_375 = arith.constant 0 : i32
    %dma_wait3A_376 = arith.constant 0 : i32
    %dma_wait3A_377 = tpu.memref_slice %arg4[%dma_wait3A_372, %dma_wait3A_373, %dma_wait3A_374, %dma_wait3A_375, %dma_wait3A_376] : memref<3x2x8x8x128xf32, #tpu.memory_space<vmem>> -> memref<1x2x8x8x128xf32, #tpu.memory_space<vmem>>
    %dma_wait3A_378 = tpu.memref_squeeze %dma_wait3A_377 : memref<1x2x8x8x128xf32, #tpu.memory_space<vmem>> -> memref<2x8x8x128xf32, #tpu.memory_space<vmem>>
    %dma_wait3A_379 = arith.constant 0 : i32
    %dma_wait3A_380 = arith.constant 0 : i32
    %dma_wait3A_381 = arith.constant 0 : i32
    %dma_wait3A_382 = arith.constant 0 : i32
    %dma_wait3A_383 = tpu.memref_slice %arg2[%dma_wait3A_379, %dma_wait3A_380, %dma_wait3A_381, %dma_wait3A_382] : memref<2x6656x8x128xf32, #tpu.memory_space<hbm>> -> memref<2x8x8x128xf32, #tpu.memory_space<hbm>>
    %dma_wait3A_384 = arith.constant 0 : i32
    %dma_wait3A_385 = arith.constant 0 : i32
    %dma_wait3A_386 = arith.constant 0 : i32
    %dma_wait3A_387 = arith.constant 0 : i32
    %dma_wait3A_388 = tpu.memref_slice %arg4[%dma_wait3A_372, %dma_wait3A_384, %dma_wait3A_385, %dma_wait3A_386, %dma_wait3A_387] : memref<3x2x8x8x128xf32, #tpu.memory_space<vmem>> -> memref<1x2x8x8x128xf32, #tpu.memory_space<vmem>>
    %dma_wait3A_389 = tpu.memref_squeeze %dma_wait3A_388 : memref<1x2x8x8x128xf32, #tpu.memory_space<vmem>> -> memref<2x8x8x128xf32, #tpu.memory_space<vmem>>
    %dma_wait3A_390 = arith.constant 0 : i32
    %dma_wait3A_391 = arith.constant 0 : i32
    %dma_wait3A_392 = arith.constant 0 : i32
    %dma_wait3A_393 = arith.constant 0 : i32
    %dma_wait3A_394 = tpu.memref_slice %arg2[%dma_wait3A_390, %dma_wait3A_391, %dma_wait3A_392, %dma_wait3A_393] : memref<2x6656x8x128xf32, #tpu.memory_space<hbm>> -> memref<2x8x8x128xf32, #tpu.memory_space<hbm>>
    tpu.wait_dma2 semaphore(%arg7 : memref<!tpu.dma_semaphore, #tpu.memory_space<semaphore_mem>>) src(%dma_wait3A_394 : memref<2x8x8x128xf32, #tpu.memory_space<hbm>>) dst(%dma_wait3A_389 : memref<2x8x8x128xf32, #tpu.memory_space<vmem>>)
    %dma_wait3A_395 = arith.constant 0 : i32
    %dma_wait3A_396 = arith.constant 0 : i32
    %dma_wait3A_397 = arith.constant 0 : i32
    %dma_wait3A_398 = tpu.memref_slice %arg5[%dma_wait3A_395, %dma_wait3A_396, %dma_wait3A_397] : memref<2x1024x16xf32, #tpu.memory_space<vmem>> -> memref<1x1024x16xf32, #tpu.memory_space<vmem>>
    %dma_wait3A_399 = tpu.memref_squeeze %dma_wait3A_398 : memref<1x1024x16xf32, #tpu.memory_space<vmem>> -> memref<1024x16xf32, #tpu.memory_space<vmem>>
    %dma_wait3A_400 = arith.constant 0 : i32
    %dma_wait3A_401 = arith.constant 0 : i32
    %dma_wait3A_402 = tpu.memref_slice %arg3[%dma_wait3A_400, %dma_wait3A_401] : memref<851968x16xf32, #tpu.memory_space<hbm>> -> memref<1024x16xf32, #tpu.memory_space<hbm>>
    %dma_wait3A_403 = arith.constant 0 : i32
    %dma_wait3A_404 = arith.constant 0 : i32
    %dma_wait3A_405 = tpu.memref_slice %arg3[%dma_wait3A_403, %dma_wait3A_404] : memref<851968x16xf32, #tpu.memory_space<hbm>> -> memref<1024x16xf32, #tpu.memory_space<hbm>>
    %dma_wait3A_406 = arith.constant 0 : i32
    %dma_wait3A_407 = arith.constant 0 : i32
    %dma_wait3A_408 = tpu.memref_slice %arg5[%dma_wait3A_395, %dma_wait3A_406, %dma_wait3A_407] : memref<2x1024x16xf32, #tpu.memory_space<vmem>> -> memref<1x1024x16xf32, #tpu.memory_space<vmem>>
    %dma_wait3A_409 = tpu.memref_squeeze %dma_wait3A_408 : memref<1x1024x16xf32, #tpu.memory_space<vmem>> -> memref<1024x16xf32, #tpu.memory_space<vmem>>
    tpu.wait_dma2 semaphore(%arg9 : memref<!tpu.dma_semaphore, #tpu.memory_space<semaphore_mem>>) src(%dma_wait3A_409 : memref<1024x16xf32, #tpu.memory_space<vmem>>) dst(%dma_wait3A_405 : memref<1024x16xf32, #tpu.memory_space<hbm>>)
    %dma_wait3A_410 = arith.constant 1 : i32
    %dma_wait3A_411 = arith.constant 0 : i32
    %dma_wait3A_412 = arith.constant 0 : i32
    %dma_wait3A_413 = tpu.memref_slice %arg5[%dma_wait3A_410, %dma_wait3A_411, %dma_wait3A_412] : memref<2x1024x16xf32, #tpu.memory_space<vmem>> -> memref<1x1024x16xf32, #tpu.memory_space<vmem>>
    %dma_wait3A_414 = tpu.memref_squeeze %dma_wait3A_413 : memref<1x1024x16xf32, #tpu.memory_space<vmem>> -> memref<1024x16xf32, #tpu.memory_space<vmem>>
    %dma_wait3A_415 = arith.constant 0 : i32
    %dma_wait3A_416 = arith.constant 0 : i32
    %dma_wait3A_417 = tpu.memref_slice %arg3[%dma_wait3A_415, %dma_wait3A_416] : memref<851968x16xf32, #tpu.memory_space<hbm>> -> memref<1024x16xf32, #tpu.memory_space<hbm>>
    %dma_wait3A_418 = arith.constant 0 : i32
    %dma_wait3A_419 = arith.constant 0 : i32
    %dma_wait3A_420 = tpu.memref_slice %arg3[%dma_wait3A_418, %dma_wait3A_419] : memref<851968x16xf32, #tpu.memory_space<hbm>> -> memref<1024x16xf32, #tpu.memory_space<hbm>>
    %dma_wait3A_421 = arith.constant 0 : i32
    %dma_wait3A_422 = arith.constant 0 : i32
    %dma_wait3A_423 = tpu.memref_slice %arg5[%dma_wait3A_410, %dma_wait3A_421, %dma_wait3A_422] : memref<2x1024x16xf32, #tpu.memory_space<vmem>> -> memref<1x1024x16xf32, #tpu.memory_space<vmem>>
    %dma_wait3A_424 = tpu.memref_squeeze %dma_wait3A_423 : memref<1x1024x16xf32, #tpu.memory_space<vmem>> -> memref<1024x16xf32, #tpu.memory_space<vmem>>
    tpu.wait_dma2 semaphore(%arg10 : memref<!tpu.dma_semaphore, #tpu.memory_space<semaphore_mem>>) src(%dma_wait3A_424 : memref<1024x16xf32, #tpu.memory_space<vmem>>) dst(%dma_wait3A_420 : memref<1024x16xf32, #tpu.memory_space<hbm>>)
    return
  }
}

</mosaic_0001>

<sc_bundles>
// kernel: _sc_table_rowmajor.3.cloned.1.call-start
scs
__scs_entry_jumppad:
0x0: {  	(pc) =	sbr.rel $0x88, $3  }
0x1: {  	(tag) =	ssettag $0x0;
	lr =	simm.s32 $0x1  }
0x2: {  	[smem:$0x3FA0] =	sst lr;
	_ =	strace $0xD0000000  }
0x3: {  	_ = 	snop  }
0x4: {  	_ = 	snop  }
0x5: {  	_ = 	snop  }
0x6: {  	_ = 	snop  }
0x7: {  	_ = 	snop  }
__scs_overlays_trampoline_lowered:
0x8: {  	[smem:$0x3FAF] =	sst s0  }
0x9: {  	[smem:$0x3FB0] =	sst s1  }
0xa: {  	[smem:$0x3FB1] =	sst s2  }
0xb: {  	[smem:$0x3FB2] =	sst s3  }
0xc: {  	[smem:$0x3FB3] =	sst s4  }
0xd: {  	[smem:$0x3FB4] =	sst s5  }
0xe: {  	[smem:$0x3FB5] =	sst s6  }
0xf: {  	[smem:$0x3FB6] =	sst s7  }
0x10: {  	[smem:$0x3FB7] =	sst s8  }
0x11: {  	[smem:$0x3FB8] =	sst s9;
	s0 =	simm.s32 @!p0 $0x0  }
0x12: {  	s1 =	sld [smem:$0x3F9E];
	s0 =	simm.s32 @p0 $0x1  }
0x13: {  	[smem:$0x3FB9] =	sst s0;
	s0 =	simm.s32 @!p1 $0x0  }
0x14: {  	s2 =	sld [smem:$0x3F9D];
	s0 =	simm.s32 @p1 $0x1  }
0x15: {  	[smem:$0x3FBA] =	sst s0;
	s0 =	simm.s32 @!p2 $0x0  }
0x16: {  	s3 =	sld [smem:$0x3FDB];
	s0 =	simm.s32 @p2 $0x1  }
0x17: {  	s4 =	simm.s32 $0x1BF5;
	[smem:$0x3FBC] =	sst s0  }
0x18: {  	s0 =	sld [smem:$0x3F9F];
	_ =	swait.ge [sflag:s4], $0x0  }
0x19: {  	s7 =	sld [smem:$0x3FA0]  }
0x1a: {  	s8 =	sadd.s32 $0xFFFFE003, lr  }
0x1b: {  	s9 =	sadd.s32 $0xFFFFFEF7, lr;
	s5 =	simm.s32 $0xFFFFFFFF;
	p2 =	slt.u32 s8, $0xFFFFF086  }
0x1c: {  	p1 =	slt.u32 s9, $0xF7A;
	s5 =	simm.s32 @!p2 $0x0  }
0x1d: {  	s5 =	simm.s32 @p1 $0x1;
	p0 =	seq.s32 s7, s2  }
0x1e: {  	s7 =	smul.u32 @!p0 $0xF7A, s2;
	p2 =	seq.s32 @!p0 s5, $0x0  }
0x1f: {  	s9 =	smul.u32 $0xF7A, s1;
	s8 =	simm.s32 @!p0 $0x1BF5;
	p2 =	por !p2, p0  }
0x20: {  	[sflag:s8] =	ssyncset.s32 @!p0 $0xFFFFF086;
	s6 =	sadd.s32 @!p0 s3, s7;
	s7 =	simm.s32 @!p0 $0x108  }
0x21: {  	s3 =	sadd.s32 s3, s9;
	s6 =	sadd.s32 @!p0 $0x88, s6;
	s7 =	simm.s32 @p2 $0x1082  }
0x22: {  	[simem:s7], [sflag:s8] =	dma.local @!p0 [hbm:s6], $0xF7A  }
0x23: {  	s9 =	sor.u32 $0xD0000000, s2;
	s6 =	simm.s32 $0x108;
	_ =	swait.ge @!p0 [sflag:s8], $0x0  }
0x24: {  	s3 =	sadd.s32 $0x88, s3;
	s6 =	simm.s32 @!p1 $0x1082;
	[sflag:s4] =	ssyncset.s32 $0xFFFFF086  }
0x25: {  	[simem:s6], [sflag:s4] =	dma.local [hbm:s3], $0xF7A  }
0x26: {  	[smem:$0x3FA0] =	sst s1;
	(tag) =	ssettag s2;
	_ =	strace s9  }
0x27: {  	s1 =	sld [smem:$0x3FB0]  }
0x28: {  	s2 =	sld [smem:$0x3FB1]  }
0x29: {  	s4 =	sld [smem:$0x3FB3]  }
0x2a: {  	p0 =	seq.s32 s5, $0x0;
	s5 =	sld [smem:$0x3FB4]  }
0x2b: {  	s6 =	sld [smem:$0x3FB5]  }
0x2c: {  	s7 =	sld [smem:$0x3FB6]  }
0x2d: {  	s3 =	simm.s32 $0x108;
	s8 =	sld [smem:$0x3FB7]  }
0x2e: {  	s3 =	simm.s32 @!p0 $0x1082;
	s9 =	sld [smem:$0x3FB8]  }
0x2f: {  	lr =	sadd.s32 s0, s3;
	s0 =	sld [smem:$0x3FAF]  }
0x30: {  	s3 =	sld [smem:$0x3FB2]  }
0x31: {  	[smem:$0x3FBB] =	sst s10  }
0x32: {  	s10 =	sld [smem:$0x3FB9];
	_ =	sdelay $0x3  }
0x33: {  	p0 =	seq.s32 s10, $0x1;
	s10 =	sld [smem:$0x3FBB];
	_ =	sdelay $0x3  }
0x34: {  	[smem:$0x3FBB] =	sst s10  }
0x35: {  	s10 =	sld [smem:$0x3FBA];
	_ =	sdelay $0x3  }
0x36: {  	p1 =	seq.s32 s10, $0x1;
	s10 =	sld [smem:$0x3FBB];
	_ =	sdelay $0x3  }
0x37: {  	[smem:$0x3FBB] =	sst s10  }
0x38: {  	s10 =	sld [smem:$0x3FBC]  }
0x39: {  	_ = 	snop;
	(pc) =	sbr.ind lr, $3  }
0x3a: {  	_ = 	snop  }
0x3b: {  	_ = 	snop  }
0x3c: {  	p2 =	seq.s32 s10, $0x1;
	s10 =	sld [smem:$0x3FBB]  }
0x3d: {  	_ =	shalt  }
0x3e: {  	_ =	shalt  }
0x3f: {  	_ =	shalt  }
0x40: {  	_ =	shalt  }
0x41: {  	_ =	shalt  }
0x42: {  	_ =	shalt  }
0x43: {  	_ =	shalt  }
0x44: {  	_ =	shalt  }
0x45: {  	_ =	shalt  }
0x46: {  	_ =	shalt  }
0x47: {  	_ =	shalt  }
0x48: {  	_ =	shalt  }
0x49: {  	_ =	shalt  }
0x4a: {  	_ =	shalt  }
0x4b: {  	_ =	shalt  }
0x4c: {  	_ =	shalt  }
0x4d: {  	_ =	shalt  }
0x4e: {  	_ =	shalt  }
0x4f: {  	_ =	shalt  }
0x50: {  	_ =	shalt  }
0x51: {  	_ =	shalt  }
0x52: {  	_ =	shalt  }
0x53: {  	_ =	shalt  }
0x54: {  	_ =	shalt  }
0x55: {  	_ =	shalt  }
0x56: {  	_ =	shalt  }
0x57: {  	_ =	shalt  }
0x58: {  	_ =	shalt  }
0x59: {  	_ =	shalt  }
0x5a: {  	_ =	shalt  }
0x5b: {  	_ =	shalt  }
0x5c: {  	_ =	shalt  }
0x5d: {  	_ =	shalt  }
0x5e: {  	_ =	shalt  }
0x5f: {  	_ =	shalt  }
0x60: {  	_ =	shalt  }
0x61: {  	_ =	shalt  }
0x62: {  	_ =	shalt  }
0x63: {  	_ =	shalt  }
0x64: {  	_ =	shalt  }
0x65: {  	_ =	shalt  }
0x66: {  	_ =	shalt  }
0x67: {  	_ =	shalt  }
0x68: {  	_ =	shalt  }
0x69: {  	_ =	shalt  }
0x6a: {  	_ =	shalt  }
0x6b: {  	_ =	shalt  }
0x6c: {  	_ =	shalt  }
0x6d: {  	_ =	shalt  }
0x6e: {  	_ =	shalt  }
0x6f: {  	_ =	shalt  }
0x70: {  	_ =	shalt  }
0x71: {  	_ =	shalt  }
0x72: {  	_ =	shalt  }
0x73: {  	_ =	shalt  }
0x74: {  	_ =	shalt  }
0x75: {  	_ =	shalt  }
0x76: {  	_ =	shalt  }
0x77: {  	_ =	shalt  }
0x78: {  	_ =	shalt  }
0x79: {  	_ =	shalt  }
0x7a: {  	_ =	shalt  }
0x7b: {  	_ =	shalt  }
0x7c: {  	_ =	shalt  }
0x7d: {  	_ =	shalt  }
0x7e: {  	_ =	shalt  }
0x7f: {  	_ =	shalt  }
0x80: {  	_ =	shalt  }
0x81: {  	_ =	shalt  }
0x82: {  	_ =	shalt  }
0x83: {  	_ =	shalt  }
0x84: {  	_ =	shalt  }
0x85: {  	_ =	shalt  }
0x86: {  	_ =	shalt  }
0x87: {  	_ =	shalt  }
.Lfunc_end0:
.L_simem_size_0:
called_computation.1_lowered:
.L_overlay_start_0:
0x88: {  	s2 =	sld [smem:$0x3FD9]  }
0x89: {  	s3 =	sld [smem:$0x3FFE];
	_ =	sdelay $0x1  }
0x8a: {  	s1 =	srdreg.scid  }
0x8b: {  	s0 =	sand.u32 $0x1, s1  }
0x8c: {  	s18 =	sshll.u32 s0, $0xA;
	s2 =	sadd.s32 s3, s2  }
0x8d: {  	s2 =	sadd.s32 s2, s18  }
0x8e: {  	[smem:$0x3FC7] =	sst s2  }
0x8f: {  	_ = 	snop  }
0x90: {  	s2 =	sld [smem:$0x3FC9]  }
0x91: {  	s19 =	sld [smem:$0x3FD0];
	(tm) =	ssettm $0x1  }
0x92: {  	s4 =	sld [smem:$0x3FFB];
	_ =	sdelay $0x3  }
0x93: {  	_ =	strace s4  }
0x94: {  	s4 =	sld [smem:$0x3FFC];
	_ =	sdelay $0x3  }
0x95: {  	_ =	strace s4  }
0x96: {  	s4 =	sld [smem:$0x3FFD];
	_ =	sdelay $0x3  }
0x97: {  	_ =	strace s4  }
0x98: {  	_ =	strace $0x8FFFFFFF  }
0x99: {  	s20 =	sld [smem:$0x3FDB];
	_ =	sdelay $0x1  }
0x9a: {  	s5 =	simm.s32 $_scs_section_size  }
0x9b: {  	s6 =	simm.s32 $_size__tile_overlayer_lowered;
	s7 =	simm.s32 $_tile_overlayer_lowered  }
0x9c: {  	s23 =	simm.s32 $0x1BFF;
	s22 =	sshll.u32 s7, $0x1;
	s4 =	sadd.s32 s5, s20  }
0x9d: {  	s8 =	simm.s32 $0x0;
	s21 =	sshll.u32 s6, $0x1;
	s6 =	sadd.s32 s22, s4  }
0x9e: {  	[timem:s8], [sflag:s23] =	dma.local [hbm:s6], s21  }
0x9f: {  	_ =	swait.ge [sflag:s23], s21  }
0xa0: {  	s5 =	ssub.s32 $0x0, s21;
	[sflag:s23] =	ssyncset.done $0x0  }
0xa1: {  	[sflag:s23] =	ssyncadd.s32 s5;
	_ =	sdelay $0x1  }
0xa2: {  	s24 =	simm.s32 $0x1B8B  }
0xa3: {  	_ =	swait.ge [sflag:s24], $0x1  }
0xa4: {  	[sflag:s24] =	ssyncset.done $0x0  }
0xa5: {  	s25 =	simm.s32 $0x1B8E;
	[sflag:s24] =	ssyncadd.s32 $0xFFFFFFFF  }
0xa6: {  	s26 =	simm.s32 $execute0_lowered;
	[smem:$0x3FD2] =	sst s25  }
0xa7: {  	s5 =	sshll.u32 s26, $0x1;
	_ =	strace $0x80000046;
	[dreg:$0x1] =	wrdreg $0xFFFFFFFF  }
0xa8: {  	s28 =	simm.s32 $_size_execute0_lowered;
	s4 =	sadd.s32 s4, s5;
	[dreg:$0x0] =	wrdreg $0x0  }
0xa9: {  	s5 =	sshll.u32 s28, $0x1;
	[dreg:$0x2] =	wrdreg s4  }
0xaa: {  	[dreg:$0x3] =	wrdreg s5  }
0xab: {  	[dreg:$0x4] =	wrdreg $0xC0  }
0xac: {  	_ =	task [dreg:s8], $0x5FFFF  }
0xad: {  	[dreg:$0x1] =	wrdreg $0xFFFFFFFF  }
0xae: {  	[dreg:$0x0] =	wrdreg $0x60  }
0xaf: {  	[dreg:$0x2] =	wrdreg s2  }
0xb0: {  	[dreg:$0x3] =	wrdreg s19  }
0xb1: {  	[dreg:$0x4] =	wrdreg $0x9  }
0xb2: {  	_ =	task.clear_ibuf [dreg:s8], $0x5FFFF;
	_ =	strace $0x90000046  }
0xb3: {  	s29 =	simm.s32 $0x9;
	_ =	strace $0x80000048  }
0xb4: {  	_ =	swait.ge [sflag:s29], $0x1  }
0xb5: {  	[sflag:s29] =	ssyncadd.s32 $0xFFFFFFFF  }
0xb6: {  	_ =	strace $0x90000048  }
0xb7: {  	_ =	sfence  }
0xb8: {  	s30 =	sld [smem:$0x0];
	_ =	sdelay $0x2  }
0xb9: {  	s31 =	sshll.u32 s1, $0xD;
	s1 =	sshrl.u32 s1, $0x2  }
0xba: {  	s3 =	sand.u32 $0x4000, s31;
	s1 =	sadd.s32 s1, s30  }
0xbb: {  	s0 =	sor.u32 s3, s0;
	s1 =	sshll.u32 s1, $0x11  }
0xbc: {  	s0 =	sor.u32 s1, s0  }
0xbd: {  	s0 =	sadd.s32 $0x8F2B, s0  }
0xbe: {  	[sflag:s0] =	ssyncadd.remote.s32 $0x1  }
0xbf: {  	_ =	sfence.sel $0xFFFF  }
0xc0: {  	[dreg:$0x0] =	wrdreg $0xFFFFFFFF;
	(pc) =	sbr.abs _section_cstart, $3  }
0xc1: {  	[dreg:$0x1] =	wrdreg $0xFFFFFFFF  }
0xc2: {  	_ =	task.clear_ibuf [dreg:s8], $0x2FFFF;
	_ =	strace $0x9FFFFFFF  }
0xc3: {  	(tm) =	ssettm $0x7FFFFFFF  }
tec
execute0_lowered:
.L_overlay_start_1:
0x0: {  	(tag) =	ssettag $0x1  }
0x1: {  	s0 =	srdreg.scid;
	s2 =	rddreg [dreg:$0x0]  }
0x2: {  	s1 =	stileid.u32;
	s3 =	rddreg [dreg:$0x1];
	s5 =	simm.s32 $0x0  }
0x3: {  	s28 =	simm.s32 $0x1;
	s0 =	sand.u32 $0x1, s0;
	s1 =	sshll.u32 s1, $0x1  }
0x4: {  	s29 =	simm.s32 $0x4;
	s30 =	simm.s32 $0x2;
	s1 =	sor.u32 s0, s1  }
0x5: {  	s31 =	simm.s32 $0x5;
	[smem:$0x7FF] =	sst s5;
	s4 =	smul.u32 $0x1A, s1  }
0x6: {  	s11 =	sadd.s32 $0x800, s3;
	s12 =	sadd.s32 $0x1000, s3;
	s6 =	smul.u32 $0x6800, s1  }
0x7: {  	s13 =	sadd.s32 $0x1800, s2;
	s14 =	sadd.s32 $0x1C00, s2;
	s8 =	smul.u32 $0x34000, s1  }
0x8: {  	s15 =	sadd.s32 $0x2000, s2;
	s0 =	ssub.s32 $0x2, s0;
	s9 =	smul.u32 $0xD000, s1  }
0x9: {  	_ =	strace $0x80000047;
	s7 =	sshrl.u32 s0, $0x1;
	s1 =	smul.u32 $0x68000, s1  }
0xa: {  	s0 =	ssub.s32 s0, s7;
	s6 =	sadd.s32 s2, s6;
	s18 =	sor.u32 $0x1, s4  }
0xb: {  	s19 =	sshrl.u32 s8, $0x3;
	s21 =	sadd.s32 s3, s9;
	s22 =	smin.u32 s4, $0x324  }
0xc: {  	s1 =	sshrl.u32 s1, $0x3;
	s23 =	smin.u32 s4, $0x323;
	[dreg:$0x3] =	wrdreg s6  }
0xd: {  	s0 =	smax.u32 s0, $0x1;
	s20 =	sshll.u32 s18, $0xA;
	[dreg:$0x6] =	wrdreg s21  }
0xe: {  	s7 =	sadd.s32 s2, s19;
	[dreg:$0xc] =	wrdreg s0;
	s8 =	sadd.s32 s2, s20  }
0xf: {  	s6 =	sshll.u32 s18, $0xB;
	s7 =	sadd.s32 $0x800, s7;
	[dreg:$0x4] =	wrdreg s8  }
0x10: {  	s1 =	sadd.s32 s3, s1;
	s6 =	sadd.s32 s3, s6;
	[dreg:$0x5] =	wrdreg s7  }
0x11: {  	s21 =	simm.s32 $0x2000;
	s24 =	sadd.s32 $0xC000, s1;
	[dreg:$0x7] =	wrdreg s6  }
0x12: {  	s0 =	simm.s32 $0x0;
	s1 =	sadd.s32 $0xC800, s1;
	[dreg:$0x8] =	wrdreg s24  }
0x13: {  	s6 =	sshll.u32 s22, $0xA;
	s7 =	sshll.u32 s23, $0xA;
	[dreg:$0xa] =	wrdreg s1  }
0x14: {  	s22 =	simm.s32 $0x680000;
	s23 =	simm.s32 $0x4000;
	s6 =	sadd.s32 s6, s2  }
0x15: {  	s24 =	simm.s32 $0x8000;
	s25 =	sadd.s32 s7, s2;
	s6 =	sadd.s32 $0x6C00, s6  }
0x16: {  	v0 =	vlaneseq.u32;
	s1 =	simm.s32 $0x3;
	s26 =	sadd.s32 $0x7000, s25;
	[dreg:$0x9] =	wrdreg s6  }
0x17: {  	v0 =	vmul.u32 $0x10, v0;
	s25 =	simm.s32 $0xC000;
	[dreg:$0xb] =	wrdreg s26;
	s26 =	simm.s32 $0x10000  }
.LBB2_1:
0x18: {  	s6 =	rddreg [dreg:$0x3]  }
0x19: {  	[tilespmem:s5], [sflag:$0x1] =	stream.strided.gather [hbm4b:s6+s21], $0x4000, s22, s21, $0x38;
	[tilespmem:$0x14000] =	vst v63  }
0x1a: {  	s17 =	rddreg [dreg:$0x4]  }
0x1b: {  	[tilespmem:s23], [sflag:$0x2] =	stream.strided.gather [hbm4b:s17+s21], $0x4000, s22, s21, $0x38;
	[tilespmem:$0x14000] =	vst v63  }
0x1c: {  	s18 =	rddreg [dreg:$0x5]  }
0x1d: {  	[tilespmem:s24], [sflag:$0x3] =	stream.strided.gather [hbm4b:s18+s21], $0x4000, s22, s21, $0x38;
	[tilespmem:$0x14000] =	vst v63  }
0x1e: {  	s19 =	rddreg [dreg:$0x6]  }
0x1f: {  	[hbm4b:s19+s5] =	stream.linear.scatter [tilespmem:s25], [sflag:$0x4], $0x4000, $0x38;
	[tilespmem:$0x14000] =	vst v63  }
0x20: {  	s20 =	rddreg [dreg:$0x7];
	s6 =	simm.s32 $0x0  }
0x21: {  	[hbm4b:s20+s5] =	stream.linear.scatter [tilespmem:s26], [sflag:$0x5], $0x4000, $0x38;
	[tilespmem:$0x14000] =	vst v63  }
.LBB2_2:
0x22: {  	_ =	swait.ge [sflag:s28], $0x4000  }
0x23: {  	[sflag:s28] =	ssyncset.done $0x0  }
0x24: {  	[sflag:s28] =	ssyncadd.s32 $0xFFFFC000  }
0x25: {  	s7 =	simm.s32 $0x0;
	s8 =	simm.s32 $0x0;
	_ =	swait.ge [sflag:s29], $0x4000  }
0x26: {  	s9 =	sand.u32 $0x70, s7;
	s8 =	sand.u32 $0x3FFFFC00, s8;
	[sflag:s29] =	ssyncset.done $0x0  }
0x27: {  	s8 =	sor.u32 s9, s8;
	[sflag:s29] =	ssyncadd.s32 $0xFFFFC000  }
0x28: {  	v7 =	vld [tilespmem:s8+$0x280]  }
0x29: {  	v9 =	vld [tilespmem:s8+$0x200]  }
0x2a: {  	v6 =	vld [tilespmem:s8+$0x380]  }
0x2b: {  	v1 =	vld [tilespmem:s8+$0x2300]  }
0x2c: {  	v2 =	vld [tilespmem:s8+$0x2280]  }
0x2d: {  	s10 =	simm.s32 $0x0;
	v3 =	vld [tilespmem:s8+$0x2200]  }
0x2e: {  	s10 =	sand.u32 $0xFFFFFF80, s10;
	v5 =	vld [tilespmem:s8+$0x2180]  }
0x2f: {  	s9 =	sor.u32 s9, s10;
	v10 =	vld [tilespmem:s8+$0x2080]  }
0x30: {  	v4 =	vmov s9;
	v21 =	vld [tilespmem:s8+$0x180]  }
0x31: {  	v4 =	vshll.u32 v4, $0x4;
	v13 =	vld [tilespmem:s8+$0x100]  }
0x32: {  	v4 =	vor.u32 v0, v4;
	v8 =	vld [tilespmem:s8+$0x0]  }
0x33: {  	v14 =	vld [tilespmem:s8+$0x80];
	v15 =	vor.u32 $0x1, v4  }
0x34: {  	v20 =	vld [tilespmem:s8+$0x300];
	v17 =	vor.u32 $0x2, v4  }
0x35: {  	v12 =	vld [tilespmem:s8+$0x2100];
	v22 =	vor.u32 $0x3, v4  }
0x36: {  	v18 =	vld [tilespmem:s8+$0x2000]  }
0x37: {  	v11 =	vld [tilespmem:s8+$0x2380];
	v19 =	vor.u32 $0x4, v4;
	[tilespmem:v4+s25+$0x0] =	vst.idx.msk $0xffff, v8  }
0x38: {  	v16 =	vor.u32 $0x5, v4;
	[tilespmem:v15+s25+$0x0] =	vst.idx.msk $0xffff, v14  }
0x39: {  	v8 =	vor.u32 $0xA, v4;
	v14 =	vor.u32 $0x6, v4;
	[tilespmem:v17+s25+$0x0] =	vst.idx.msk $0xffff, v13  }
0x3a: {  	s8 =	simm.s32 $0x1;
	v15 =	vor.u32 $0x8, v4;
	v17 =	vor.u32 $0x7, v4;
	v13 =	vor.u32 $0x9, v4;
	[tilespmem:v22+s25+$0x0] =	vst.idx.msk $0xffff, v21  }
.LBB2_3:
0x3b: {  	p0 =	sne.s32 s8, $0x3F  }
0x3c: {  	[tilespmem:v19+s25+$0x0] =	vst.idx.msk $0xffff, v9;
	s7 =	sadd.s32 $0x10, s7;
	s9 =	smov.u32 s8;
	s8 =	sadd.s32 $0x1, s8  }
0x3d: {  	[tilespmem:v16+s25+$0x0] =	vst.idx.msk $0xffff, v7;
	v7 =	vor.u32 $0xB, v4  }
0x3e: {  	v9 =	vor.u32 $0xC, v4;
	[tilespmem:v14+s25+$0x0] =	vst.idx.msk $0xffff, v20  }
0x3f: {  	[tilespmem:v17+s25+$0x0] =	vst.idx.msk $0xffff, v6;
	v6 =	vor.u32 $0xD, v4  }
0x40: {  	v14 =	vor.u32 $0xE, v4;
	[tilespmem:v15+s25+$0x0] =	vst.idx.msk $0xffff, v18  }
0x41: {  	v4 =	vor.u32 $0xF, v4;
	[tilespmem:v13+s25+$0x0] =	vst.idx.msk $0xffff, v10  }
0x42: {  	[tilespmem:v8+s25+$0x0] =	vst.idx.msk $0xffff, v12  }
0x43: {  	s10 =	sshll.u32 s9, $0x4;
	[tilespmem:v7+s25+$0x0] =	vst.idx.msk $0xffff, v5  }
0x44: {  	s16 =	sand.u32 $0x70, s7;
	s10 =	sand.u32 $0xFFFFFF80, s10;
	[tilespmem:v9+s25+$0x0] =	vst.idx.msk $0xffff, v3  }
0x45: {  	s9 =	sshll.u32 s9, $0x7;
	s10 =	sor.u32 s16, s10;
	[tilespmem:v6+s25+$0x0] =	vst.idx.msk $0xffff, v2  }
0x46: {  	s9 =	sand.u32 $0x3FFFFC00, s9;
	v2 =	vmov s10;
	[tilespmem:v14+s25+$0x0] =	vst.idx.msk $0xffff, v1  }
0x47: {  	s9 =	sor.u32 s16, s9;
	v1 =	vshll.u32 v2, $0x4;
	[tilespmem:v4+s25+$0x0] =	vst.idx.msk $0xffff, v11  }
0x48: {  	v4 =	vor.u32 v0, v1;
	v7 =	vld [tilespmem:s9+$0x280]  }
0x49: {  	v21 =	vor.u32 $0x1, v4;
	v8 =	vor.u32 $0xA, v4;
	v9 =	vld [tilespmem:s9+$0x200]  }
0x4a: {  	v22 =	vor.u32 $0x2, v4;
	v6 =	vld [tilespmem:s9+$0x380]  }
0x4b: {  	v1 =	vld [tilespmem:s9+$0x2300]  }
0x4c: {  	v23 =	vor.u32 $0x3, v4;
	v19 =	vor.u32 $0x4, v4;
	v2 =	vld [tilespmem:s9+$0x2280]  }
0x4d: {  	v16 =	vor.u32 $0x5, v4;
	v3 =	vld [tilespmem:s9+$0x2200]  }
0x4e: {  	v14 =	vor.u32 $0x6, v4;
	v5 =	vld [tilespmem:s9+$0x2180]  }
0x4f: {  	v17 =	vor.u32 $0x7, v4;
	v10 =	vld [tilespmem:s9+$0x2080]  }
0x50: {  	v15 =	vor.u32 $0x8, v4;
	v24 =	vld [tilespmem:s9+$0x180]  }
0x51: {  	v13 =	vor.u32 $0x9, v4;
	v25 =	vld [tilespmem:s9+$0x100]  }
0x52: {  	v26 =	vld [tilespmem:s9+$0x80]  }
0x53: {  	v27 =	vld [tilespmem:s9+$0x0]  }
0x54: {  	v20 =	vld [tilespmem:s9+$0x300]  }
0x55: {  	v12 =	vld [tilespmem:s9+$0x2100]  }
0x56: {  	v18 =	vld [tilespmem:s9+$0x2000]  }
.Ltmp0:
0x57: {  	v11 =	vld [tilespmem:s9+$0x2380];
	(pc) =	sbr.rel @p0 .LBB2_3-.Ltmp0, $4  }
0x58: {  	[tilespmem:v4+s25+$0x0] =	vst.idx.msk $0xffff, v27  }
0x59: {  	[tilespmem:v21+s25+$0x0] =	vst.idx.msk $0xffff, v26  }
0x5a: {  	[tilespmem:v22+s25+$0x0] =	vst.idx.msk $0xffff, v25  }
0x5b: {  	[tilespmem:v23+s25+$0x0] =	vst.idx.msk $0xffff, v24  }
0x5c: {  	_ =	sdelay $0x3  }
0x5d: {  	[tilespmem:v19+s25+$0x0] =	vst.idx.msk $0xffff, v9  }
0x5e: {  	[tilespmem:v16+s25+$0x0] =	vst.idx.msk $0xffff, v7  }
0x5f: {  	v7 =	vor.u32 $0xB, v4;
	[tilespmem:v14+s25+$0x0] =	vst.idx.msk $0xffff, v20  }
0x60: {  	v9 =	vor.u32 $0xC, v4;
	[tilespmem:v17+s25+$0x0] =	vst.idx.msk $0xffff, v6  }
0x61: {  	v6 =	vor.u32 $0xD, v4;
	[tilespmem:v15+s25+$0x0] =	vst.idx.msk $0xffff, v18  }
0x62: {  	v14 =	vor.u32 $0xE, v4;
	[tilespmem:v13+s25+$0x0] =	vst.idx.msk $0xffff, v10  }
0x63: {  	v4 =	vor.u32 $0xF, v4;
	[tilespmem:v8+s25+$0x0] =	vst.idx.msk $0xffff, v12  }
0x64: {  	s7 =	smul.u32 $0x6, s6;
	[tilespmem:v7+s25+$0x0] =	vst.idx.msk $0xffff, v5  }
0x65: {  	[tilespmem:v9+s25+$0x0] =	vst.idx.msk $0xffff, v3  }
0x66: {  	s7 =	sadd.s32 s4, s7;
	[tilespmem:v6+s25+$0x0] =	vst.idx.msk $0xffff, v2  }
0x67: {  	s9 =	sshll.u32 s7, $0xB;
	[tilespmem:v14+s25+$0x0] =	vst.idx.msk $0xffff, v1  }
0x68: {  	s8 =	simm.s32 $0x0;
	s10 =	sadd.s32 s3, s9;
	[tilespmem:v4+s25+$0x0] =	vst.idx.msk $0xffff, v11  }
0x69: {  	[hbm4b:s10+s8] =	stream.linear.scatter [tilespmem:s25], [sflag:$0x4], $0x4000, $0x38;
	[tilespmem:$0x14000] =	vst v63  }
0x6a: {  	s10 =	sadd.s32 $0x3, s7  }
0x6b: {  	s16 =	sshll.u32 s10, $0xA  }
0x6c: {  	s16 =	sadd.s32 s2, s16  }
0x6d: {  	[tilespmem:s8], [sflag:$0x1] =	stream.strided.gather [hbm4b:s16+s21], $0x4000, s22, s21, $0x38;
	[tilespmem:$0x14000] =	vst v63  }
0x6e: {  	_ =	swait.ge [sflag:s30], $0x4000  }
0x6f: {  	[sflag:s30] =	ssyncset.done $0x0  }
0x70: {  	[sflag:s30] =	ssyncadd.s32 $0xFFFFC000  }
0x71: {  	s20 =	simm.s32 $0x0;
	_ =	swait.ge [sflag:s31], $0x4000  }
0x72: {  	s17 =	sand.u32 $0x70, s8;
	s16 =	sand.u32 $0x3FFFFC00, s20;
	[sflag:s31] =	ssyncset.done $0x0  }
0x73: {  	s16 =	sor.u32 s17, s16;
	[sflag:s31] =	ssyncadd.s32 $0xFFFFC000  }
0x74: {  	v7 =	vld [tilespmem:s16+$0x4280]  }
0x75: {  	v9 =	vld [tilespmem:s16+$0x4200]  }
0x76: {  	v6 =	vld [tilespmem:s16+$0x4380]  }
0x77: {  	v1 =	vld [tilespmem:s16+$0x6300]  }
0x78: {  	v2 =	vld [tilespmem:s16+$0x6280]  }
0x79: {  	s18 =	simm.s32 $0x0;
	v3 =	vld [tilespmem:s16+$0x6200]  }
0x7a: {  	s18 =	sand.u32 $0xFFFFFF80, s18;
	v5 =	vld [tilespmem:s16+$0x6180]  }
0x7b: {  	s17 =	sor.u32 s17, s18;
	v10 =	vld [tilespmem:s16+$0x6080]  }
0x7c: {  	v4 =	vmov s17;
	v21 =	vld [tilespmem:s16+$0x4180]  }
0x7d: {  	v4 =	vshll.u32 v4, $0x4;
	v13 =	vld [tilespmem:s16+$0x4100]  }
0x7e: {  	v4 =	vor.u32 v0, v4;
	v8 =	vld [tilespmem:s16+$0x4000]  }
0x7f: {  	v15 =	vor.u32 $0x1, v4;
	v14 =	vld [tilespmem:s16+$0x4080]  }
0x80: {  	v17 =	vor.u32 $0x2, v4;
	v20 =	vld [tilespmem:s16+$0x4300]  }
0x81: {  	v22 =	vor.u32 $0x3, v4;
	v12 =	vld [tilespmem:s16+$0x6100]  }
0x82: {  	v18 =	vld [tilespmem:s16+$0x6000]  }
0x83: {  	v19 =	vor.u32 $0x4, v4;
	v11 =	vld [tilespmem:s16+$0x6380];
	[tilespmem:v4+s26+$0x0] =	vst.idx.msk $0xffff, v8  }
0x84: {  	v16 =	vor.u32 $0x5, v4;
	[tilespmem:v15+s26+$0x0] =	vst.idx.msk $0xffff, v14  }
0x85: {  	v8 =	vor.u32 $0xA, v4;
	v14 =	vor.u32 $0x6, v4;
	[tilespmem:v17+s26+$0x0] =	vst.idx.msk $0xffff, v13  }
0x86: {  	s16 =	simm.s32 $0x1;
	v15 =	vor.u32 $0x8, v4;
	v17 =	vor.u32 $0x7, v4;
	v13 =	vor.u32 $0x9, v4;
	[tilespmem:v22+s26+$0x0] =	vst.idx.msk $0xffff, v21  }
.LBB2_5:
0x87: {  	p0 =	sne.s32 s16, $0x3F  }
0x88: {  	[tilespmem:v19+s26+$0x0] =	vst.idx.msk $0xffff, v9;
	s8 =	sadd.s32 $0x10, s8;
	s17 =	smov.u32 s16;
	s16 =	sadd.s32 $0x1, s16  }
0x89: {  	[tilespmem:v16+s26+$0x0] =	vst.idx.msk $0xffff, v7;
	v7 =	vor.u32 $0xB, v4  }
0x8a: {  	v9 =	vor.u32 $0xC, v4;
	[tilespmem:v14+s26+$0x0] =	vst.idx.msk $0xffff, v20  }
0x8b: {  	[tilespmem:v17+s26+$0x0] =	vst.idx.msk $0xffff, v6;
	v6 =	vor.u32 $0xD, v4  }
0x8c: {  	v14 =	vor.u32 $0xE, v4;
	[tilespmem:v15+s26+$0x0] =	vst.idx.msk $0xffff, v18  }
0x8d: {  	v4 =	vor.u32 $0xF, v4;
	[tilespmem:v13+s26+$0x0] =	vst.idx.msk $0xffff, v10  }
0x8e: {  	[tilespmem:v8+s26+$0x0] =	vst.idx.msk $0xffff, v12  }
0x8f: {  	s18 =	sshll.u32 s17, $0x4;
	[tilespmem:v7+s26+$0x0] =	vst.idx.msk $0xffff, v5  }
0x90: {  	s19 =	sand.u32 $0x70, s8;
	s18 =	sand.u32 $0xFFFFFF80, s18;
	[tilespmem:v9+s26+$0x0] =	vst.idx.msk $0xffff, v3  }
0x91: {  	s17 =	sshll.u32 s17, $0x7;
	s18 =	sor.u32 s19, s18;
	[tilespmem:v6+s26+$0x0] =	vst.idx.msk $0xffff, v2  }
0x92: {  	s17 =	sand.u32 $0x3FFFFC00, s17;
	v2 =	vmov s18;
	[tilespmem:v14+s26+$0x0] =	vst.idx.msk $0xffff, v1  }
0x93: {  	s17 =	sor.u32 s19, s17;
	v1 =	vshll.u32 v2, $0x4;
	[tilespmem:v4+s26+$0x0] =	vst.idx.msk $0xffff, v11  }
0x94: {  	v4 =	vor.u32 v0, v1;
	v7 =	vld [tilespmem:s17+$0x4280]  }
0x95: {  	v21 =	vor.u32 $0x1, v4;
	v8 =	vor.u32 $0xA, v4;
	v9 =	vld [tilespmem:s17+$0x4200]  }
0x96: {  	v22 =	vor.u32 $0x2, v4;
	v6 =	vld [tilespmem:s17+$0x4380]  }
0x97: {  	v1 =	vld [tilespmem:s17+$0x6300]  }
0x98: {  	v23 =	vor.u32 $0x3, v4;
	v19 =	vor.u32 $0x4, v4;
	v2 =	vld [tilespmem:s17+$0x6280]  }
0x99: {  	v16 =	vor.u32 $0x5, v4;
	v3 =	vld [tilespmem:s17+$0x6200]  }
0x9a: {  	v14 =	vor.u32 $0x6, v4;
	v5 =	vld [tilespmem:s17+$0x6180]  }
0x9b: {  	v17 =	vor.u32 $0x7, v4;
	v10 =	vld [tilespmem:s17+$0x6080]  }
0x9c: {  	v15 =	vor.u32 $0x8, v4;
	v24 =	vld [tilespmem:s17+$0x4180]  }
0x9d: {  	v13 =	vor.u32 $0x9, v4;
	v25 =	vld [tilespmem:s17+$0x4100]  }
0x9e: {  	v26 =	vld [tilespmem:s17+$0x4080]  }
0x9f: {  	v27 =	vld [tilespmem:s17+$0x4000]  }
0xa0: {  	v20 =	vld [tilespmem:s17+$0x4300]  }
0xa1: {  	v12 =	vld [tilespmem:s17+$0x6100]  }
0xa2: {  	v18 =	vld [tilespmem:s17+$0x6000]  }
.Ltmp1:
0xa3: {  	v11 =	vld [tilespmem:s17+$0x6380];
	(pc) =	sbr.rel @p0 .LBB2_5-.Ltmp1, $4  }
0xa4: {  	[tilespmem:v4+s26+$0x0] =	vst.idx.msk $0xffff, v27  }
0xa5: {  	[tilespmem:v21+s26+$0x0] =	vst.idx.msk $0xffff, v26  }
0xa6: {  	[tilespmem:v22+s26+$0x0] =	vst.idx.msk $0xffff, v25  }
0xa7: {  	[tilespmem:v23+s26+$0x0] =	vst.idx.msk $0xffff, v24  }
0xa8: {  	_ =	sdelay $0x3  }
0xa9: {  	[tilespmem:v19+s26+$0x0] =	vst.idx.msk $0xffff, v9  }
0xaa: {  	[tilespmem:v16+s26+$0x0] =	vst.idx.msk $0xffff, v7  }
0xab: {  	v7 =	vor.u32 $0xB, v4;
	[tilespmem:v14+s26+$0x0] =	vst.idx.msk $0xffff, v20  }
0xac: {  	v9 =	vor.u32 $0xC, v4;
	[tilespmem:v17+s26+$0x0] =	vst.idx.msk $0xffff, v6  }
0xad: {  	v6 =	vor.u32 $0xD, v4;
	[tilespmem:v15+s26+$0x0] =	vst.idx.msk $0xffff, v18  }
0xae: {  	v14 =	vor.u32 $0xE, v4;
	[tilespmem:v13+s26+$0x0] =	vst.idx.msk $0xffff, v10  }
0xaf: {  	v4 =	vor.u32 $0xF, v4;
	[tilespmem:v8+s26+$0x0] =	vst.idx.msk $0xffff, v12  }
0xb0: {  	[tilespmem:v7+s26+$0x0] =	vst.idx.msk $0xffff, v5  }
0xb1: {  	[tilespmem:v9+s26+$0x0] =	vst.idx.msk $0xffff, v3  }
0xb2: {  	[tilespmem:v6+s26+$0x0] =	vst.idx.msk $0xffff, v2  }
0xb3: {  	[tilespmem:v14+s26+$0x0] =	vst.idx.msk $0xffff, v1  }
0xb4: {  	s8 =	sadd.s32 s9, s11;
	s16 =	simm.s32 $0x0;
	[tilespmem:v4+s26+$0x0] =	vst.idx.msk $0xffff, v11  }
0xb5: {  	[hbm4b:s8+s16] =	stream.linear.scatter [tilespmem:s26], [sflag:$0x5], $0x4000, $0x38;
	[tilespmem:$0x14000] =	vst v63  }
0xb6: {  	s8 =	sadd.s32 $0x4, s7  }
0xb7: {  	s17 =	sshll.u32 s8, $0xA  }
0xb8: {  	s17 =	sadd.s32 s2, s17  }
0xb9: {  	[tilespmem:s23], [sflag:$0x2] =	stream.strided.gather [hbm4b:s17+s21], $0x4000, s22, s21, $0x38;
	[tilespmem:$0x14000] =	vst v63  }
0xba: {  	_ =	swait.ge [sflag:s1], $0x4000  }
0xbb: {  	[sflag:s1] =	ssyncset.done $0x0  }
0xbc: {  	[sflag:s1] =	ssyncadd.s32 $0xFFFFC000  }
0xbd: {  	s20 =	simm.s32 $0x0;
	_ =	swait.ge [sflag:s29], $0x4000  }
0xbe: {  	s18 =	sand.u32 $0x70, s16;
	s17 =	sand.u32 $0x3FFFFC00, s20;
	[sflag:s29] =	ssyncset.done $0x0  }
0xbf: {  	s17 =	sor.u32 s18, s17;
	[sflag:s29] =	ssyncadd.s32 $0xFFFFC000  }
0xc0: {  	v7 =	vld [tilespmem:s17+$0x8280]  }
0xc1: {  	v9 =	vld [tilespmem:s17+$0x8200]  }
0xc2: {  	v6 =	vld [tilespmem:s17+$0x8380]  }
0xc3: {  	v1 =	vld [tilespmem:s17+$0xA300]  }
0xc4: {  	v2 =	vld [tilespmem:s17+$0xA280]  }
0xc5: {  	s19 =	simm.s32 $0x0;
	v3 =	vld [tilespmem:s17+$0xA200]  }
0xc6: {  	s19 =	sand.u32 $0xFFFFFF80, s19;
	v5 =	vld [tilespmem:s17+$0xA180]  }
0xc7: {  	s18 =	sor.u32 s18, s19;
	v10 =	vld [tilespmem:s17+$0xA080]  }
0xc8: {  	v4 =	vmov s18;
	v21 =	vld [tilespmem:s17+$0x8180]  }
0xc9: {  	v4 =	vshll.u32 v4, $0x4;
	v13 =	vld [tilespmem:s17+$0x8100]  }
0xca: {  	v4 =	vor.u32 v0, v4;
	v8 =	vld [tilespmem:s17+$0x8000]  }
0xcb: {  	v15 =	vor.u32 $0x1, v4;
	v14 =	vld [tilespmem:s17+$0x8080]  }
0xcc: {  	v17 =	vor.u32 $0x2, v4;
	v20 =	vld [tilespmem:s17+$0x8300]  }
0xcd: {  	v22 =	vor.u32 $0x3, v4;
	v12 =	vld [tilespmem:s17+$0xA100]  }
0xce: {  	v18 =	vld [tilespmem:s17+$0xA000]  }
0xcf: {  	v19 =	vor.u32 $0x4, v4;
	v11 =	vld [tilespmem:s17+$0xA380];
	[tilespmem:v4+s25+$0x0] =	vst.idx.msk $0xffff, v8  }
0xd0: {  	v16 =	vor.u32 $0x5, v4;
	[tilespmem:v15+s25+$0x0] =	vst.idx.msk $0xffff, v14  }
0xd1: {  	v8 =	vor.u32 $0xA, v4;
	v14 =	vor.u32 $0x6, v4;
	[tilespmem:v17+s25+$0x0] =	vst.idx.msk $0xffff, v13  }
0xd2: {  	s17 =	simm.s32 $0x1;
	v15 =	vor.u32 $0x8, v4;
	v17 =	vor.u32 $0x7, v4;
	v13 =	vor.u32 $0x9, v4;
	[tilespmem:v22+s25+$0x0] =	vst.idx.msk $0xffff, v21  }
.LBB2_7:
0xd3: {  	p0 =	sne.s32 s17, $0x3F  }
0xd4: {  	[tilespmem:v19+s25+$0x0] =	vst.idx.msk $0xffff, v9;
	s16 =	sadd.s32 $0x10, s16;
	s18 =	smov.u32 s17;
	s17 =	sadd.s32 $0x1, s17  }
0xd5: {  	[tilespmem:v16+s25+$0x0] =	vst.idx.msk $0xffff, v7;
	v7 =	vor.u32 $0xB, v4  }
0xd6: {  	v9 =	vor.u32 $0xC, v4;
	[tilespmem:v14+s25+$0x0] =	vst.idx.msk $0xffff, v20  }
0xd7: {  	[tilespmem:v17+s25+$0x0] =	vst.idx.msk $0xffff, v6;
	v6 =	vor.u32 $0xD, v4  }
0xd8: {  	v14 =	vor.u32 $0xE, v4;
	[tilespmem:v15+s25+$0x0] =	vst.idx.msk $0xffff, v18  }
0xd9: {  	v4 =	vor.u32 $0xF, v4;
	[tilespmem:v13+s25+$0x0] =	vst.idx.msk $0xffff, v10  }
0xda: {  	[tilespmem:v8+s25+$0x0] =	vst.idx.msk $0xffff, v12  }
0xdb: {  	s19 =	sshll.u32 s18, $0x4;
	[tilespmem:v7+s25+$0x0] =	vst.idx.msk $0xffff, v5  }
0xdc: {  	s20 =	sand.u32 $0x70, s16;
	s19 =	sand.u32 $0xFFFFFF80, s19;
	[tilespmem:v9+s25+$0x0] =	vst.idx.msk $0xffff, v3  }
0xdd: {  	s18 =	sshll.u32 s18, $0x7;
	s19 =	sor.u32 s20, s19;
	[tilespmem:v6+s25+$0x0] =	vst.idx.msk $0xffff, v2  }
0xde: {  	s18 =	sand.u32 $0x3FFFFC00, s18;
	v2 =	vmov s19;
	[tilespmem:v14+s25+$0x0] =	vst.idx.msk $0xffff, v1  }
0xdf: {  	s18 =	sor.u32 s20, s18;
	v1 =	vshll.u32 v2, $0x4;
	[tilespmem:v4+s25+$0x0] =	vst.idx.msk $0xffff, v11  }
0xe0: {  	v4 =	vor.u32 v0, v1;
	v7 =	vld [tilespmem:s18+$0x8280]  }
0xe1: {  	v21 =	vor.u32 $0x1, v4;
	v8 =	vor.u32 $0xA, v4;
	v9 =	vld [tilespmem:s18+$0x8200]  }
0xe2: {  	v22 =	vor.u32 $0x2, v4;
	v6 =	vld [tilespmem:s18+$0x8380]  }
0xe3: {  	v1 =	vld [tilespmem:s18+$0xA300]  }
0xe4: {  	v23 =	vor.u32 $0x3, v4;
	v19 =	vor.u32 $0x4, v4;
	v2 =	vld [tilespmem:s18+$0xA280]  }
0xe5: {  	v16 =	vor.u32 $0x5, v4;
	v3 =	vld [tilespmem:s18+$0xA200]  }
0xe6: {  	v14 =	vor.u32 $0x6, v4;
	v5 =	vld [tilespmem:s18+$0xA180]  }
0xe7: {  	v17 =	vor.u32 $0x7, v4;
	v10 =	vld [tilespmem:s18+$0xA080]  }
0xe8: {  	v15 =	vor.u32 $0x8, v4;
	v24 =	vld [tilespmem:s18+$0x8180]  }
0xe9: {  	v13 =	vor.u32 $0x9, v4;
	v25 =	vld [tilespmem:s18+$0x8100]  }
0xea: {  	v26 =	vld [tilespmem:s18+$0x8080]  }
0xeb: {  	v27 =	vld [tilespmem:s18+$0x8000]  }
0xec: {  	v20 =	vld [tilespmem:s18+$0x8300]  }
0xed: {  	v12 =	vld [tilespmem:s18+$0xA100]  }
0xee: {  	v18 =	vld [tilespmem:s18+$0xA000]  }
.Ltmp2:
0xef: {  	v11 =	vld [tilespmem:s18+$0xA380];
	(pc) =	sbr.rel @p0 .LBB2_7-.Ltmp2, $4  }
0xf0: {  	[tilespmem:v4+s25+$0x0] =	vst.idx.msk $0xffff, v27  }
0xf1: {  	[tilespmem:v21+s25+$0x0] =	vst.idx.msk $0xffff, v26  }
0xf2: {  	[tilespmem:v22+s25+$0x0] =	vst.idx.msk $0xffff, v25  }
0xf3: {  	[tilespmem:v23+s25+$0x0] =	vst.idx.msk $0xffff, v24  }
0xf4: {  	_ =	sdelay $0x3  }
0xf5: {  	[tilespmem:v19+s25+$0x0] =	vst.idx.msk $0xffff, v9  }
0xf6: {  	[tilespmem:v16+s25+$0x0] =	vst.idx.msk $0xffff, v7  }
0xf7: {  	v7 =	vor.u32 $0xB, v4;
	[tilespmem:v14+s25+$0x0] =	vst.idx.msk $0xffff, v20  }
0xf8: {  	v9 =	vor.u32 $0xC, v4;
	[tilespmem:v17+s25+$0x0] =	vst.idx.msk $0xffff, v6  }
0xf9: {  	v6 =	vor.u32 $0xD, v4;
	[tilespmem:v15+s25+$0x0] =	vst.idx.msk $0xffff, v18  }
0xfa: {  	v14 =	vor.u32 $0xE, v4;
	[tilespmem:v13+s25+$0x0] =	vst.idx.msk $0xffff, v10  }
0xfb: {  	v4 =	vor.u32 $0xF, v4;
	[tilespmem:v8+s25+$0x0] =	vst.idx.msk $0xffff, v12  }
0xfc: {  	[tilespmem:v7+s25+$0x0] =	vst.idx.msk $0xffff, v5  }
0xfd: {  	[tilespmem:v9+s25+$0x0] =	vst.idx.msk $0xffff, v3  }
0xfe: {  	[tilespmem:v6+s25+$0x0] =	vst.idx.msk $0xffff, v2  }
0xff: {  	[tilespmem:v14+s25+$0x0] =	vst.idx.msk $0xffff, v1  }
0x100: {  	s9 =	sadd.s32 s9, s12;
	s16 =	simm.s32 $0x0;
	[tilespmem:v4+s25+$0x0] =	vst.idx.msk $0xffff, v11  }
0x101: {  	[hbm4b:s9+s16] =	stream.linear.scatter [tilespmem:s25], [sflag:$0x4], $0x4000, $0x38;
	[tilespmem:$0x14000] =	vst v63  }
0x102: {  	s9 =	sadd.s32 $0x5, s7  }
0x103: {  	s17 =	sshll.u32 s9, $0xA  }
0x104: {  	s17 =	sadd.s32 s2, s17  }
0x105: {  	[tilespmem:s24], [sflag:$0x3] =	stream.strided.gather [hbm4b:s17+s21], $0x4000, s22, s21, $0x38;
	[tilespmem:$0x14000] =	vst v63  }
0x106: {  	_ =	swait.ge [sflag:s28], $0x4000  }
0x107: {  	[sflag:s28] =	ssyncset.done $0x0  }
0x108: {  	[sflag:s28] =	ssyncadd.s32 $0xFFFFC000  }
0x109: {  	s20 =	simm.s32 $0x0;
	_ =	swait.ge [sflag:s31], $0x4000  }
0x10a: {  	s18 =	sand.u32 $0x70, s16;
	s17 =	sand.u32 $0x3FFFFC00, s20;
	[sflag:s31] =	ssyncset.done $0x0  }
0x10b: {  	s17 =	sor.u32 s18, s17;
	[sflag:s31] =	ssyncadd.s32 $0xFFFFC000  }
0x10c: {  	v7 =	vld [tilespmem:s17+$0x280]  }
0x10d: {  	v9 =	vld [tilespmem:s17+$0x200]  }
0x10e: {  	v6 =	vld [tilespmem:s17+$0x380]  }
0x10f: {  	v1 =	vld [tilespmem:s17+$0x2300]  }
0x110: {  	v2 =	vld [tilespmem:s17+$0x2280]  }
0x111: {  	s19 =	simm.s32 $0x0;
	v3 =	vld [tilespmem:s17+$0x2200]  }
0x112: {  	s19 =	sand.u32 $0xFFFFFF80, s19;
	v5 =	vld [tilespmem:s17+$0x2180]  }
0x113: {  	s18 =	sor.u32 s18, s19;
	v10 =	vld [tilespmem:s17+$0x2080]  }
0x114: {  	v4 =	vmov s18;
	v21 =	vld [tilespmem:s17+$0x180]  }
0x115: {  	v4 =	vshll.u32 v4, $0x4;
	v13 =	vld [tilespmem:s17+$0x100]  }
0x116: {  	v4 =	vor.u32 v0, v4;
	v8 =	vld [tilespmem:s17+$0x0]  }
0x117: {  	v15 =	vor.u32 $0x1, v4;
	v14 =	vld [tilespmem:s17+$0x80]  }
0x118: {  	v17 =	vor.u32 $0x2, v4;
	v20 =	vld [tilespmem:s17+$0x300]  }
0x119: {  	v22 =	vor.u32 $0x3, v4;
	v12 =	vld [tilespmem:s17+$0x2100]  }
0x11a: {  	v18 =	vld [tilespmem:s17+$0x2000]  }
0x11b: {  	v19 =	vor.u32 $0x4, v4;
	v11 =	vld [tilespmem:s17+$0x2380];
	[tilespmem:v4+s26+$0x0] =	vst.idx.msk $0xffff, v8  }
0x11c: {  	v16 =	vor.u32 $0x5, v4;
	[tilespmem:v15+s26+$0x0] =	vst.idx.msk $0xffff, v14  }
0x11d: {  	v8 =	vor.u32 $0xA, v4;
	v14 =	vor.u32 $0x6, v4;
	[tilespmem:v17+s26+$0x0] =	vst.idx.msk $0xffff, v13  }
0x11e: {  	s17 =	simm.s32 $0x1;
	v15 =	vor.u32 $0x8, v4;
	v17 =	vor.u32 $0x7, v4;
	v13 =	vor.u32 $0x9, v4;
	[tilespmem:v22+s26+$0x0] =	vst.idx.msk $0xffff, v21  }
.LBB2_9:
0x11f: {  	p0 =	sne.s32 s17, $0x3F  }
0x120: {  	[tilespmem:v19+s26+$0x0] =	vst.idx.msk $0xffff, v9;
	s16 =	sadd.s32 $0x10, s16;
	s18 =	smov.u32 s17;
	s17 =	sadd.s32 $0x1, s17  }
0x121: {  	[tilespmem:v16+s26+$0x0] =	vst.idx.msk $0xffff, v7;
	v7 =	vor.u32 $0xB, v4  }
0x122: {  	v9 =	vor.u32 $0xC, v4;
	[tilespmem:v14+s26+$0x0] =	vst.idx.msk $0xffff, v20  }
0x123: {  	[tilespmem:v17+s26+$0x0] =	vst.idx.msk $0xffff, v6;
	v6 =	vor.u32 $0xD, v4  }
0x124: {  	v14 =	vor.u32 $0xE, v4;
	[tilespmem:v15+s26+$0x0] =	vst.idx.msk $0xffff, v18  }
0x125: {  	v4 =	vor.u32 $0xF, v4;
	[tilespmem:v13+s26+$0x0] =	vst.idx.msk $0xffff, v10  }
0x126: {  	[tilespmem:v8+s26+$0x0] =	vst.idx.msk $0xffff, v12  }
0x127: {  	s19 =	sshll.u32 s18, $0x4;
	[tilespmem:v7+s26+$0x0] =	vst.idx.msk $0xffff, v5  }
0x128: {  	s20 =	sand.u32 $0x70, s16;
	s19 =	sand.u32 $0xFFFFFF80, s19;
	[tilespmem:v9+s26+$0x0] =	vst.idx.msk $0xffff, v3  }
0x129: {  	s18 =	sshll.u32 s18, $0x7;
	s19 =	sor.u32 s20, s19;
	[tilespmem:v6+s26+$0x0] =	vst.idx.msk $0xffff, v2  }
0x12a: {  	s18 =	sand.u32 $0x3FFFFC00, s18;
	v2 =	vmov s19;
	[tilespmem:v14+s26+$0x0] =	vst.idx.msk $0xffff, v1  }
0x12b: {  	s18 =	sor.u32 s20, s18;
	v1 =	vshll.u32 v2, $0x4;
	[tilespmem:v4+s26+$0x0] =	vst.idx.msk $0xffff, v11  }
0x12c: {  	v4 =	vor.u32 v0, v1;
	v7 =	vld [tilespmem:s18+$0x280]  }
0x12d: {  	v21 =	vor.u32 $0x1, v4;
	v8 =	vor.u32 $0xA, v4;
	v9 =	vld [tilespmem:s18+$0x200]  }
0x12e: {  	v22 =	vor.u32 $0x2, v4;
	v6 =	vld [tilespmem:s18+$0x380]  }
0x12f: {  	v1 =	vld [tilespmem:s18+$0x2300]  }
0x130: {  	v23 =	vor.u32 $0x3, v4;
	v19 =	vor.u32 $0x4, v4;
	v2 =	vld [tilespmem:s18+$0x2280]  }
0x131: {  	v16 =	vor.u32 $0x5, v4;
	v3 =	vld [tilespmem:s18+$0x2200]  }
0x132: {  	v14 =	vor.u32 $0x6, v4;
	v5 =	vld [tilespmem:s18+$0x2180]  }
0x133: {  	v17 =	vor.u32 $0x7, v4;
	v10 =	vld [tilespmem:s18+$0x2080]  }
0x134: {  	v15 =	vor.u32 $0x8, v4;
	v24 =	vld [tilespmem:s18+$0x180]  }
0x135: {  	v13 =	vor.u32 $0x9, v4;
	v25 =	vld [tilespmem:s18+$0x100]  }
0x136: {  	v26 =	vld [tilespmem:s18+$0x80]  }
0x137: {  	v27 =	vld [tilespmem:s18+$0x0]  }
0x138: {  	v20 =	vld [tilespmem:s18+$0x300]  }
0x139: {  	v12 =	vld [tilespmem:s18+$0x2100]  }
0x13a: {  	v18 =	vld [tilespmem:s18+$0x2000]  }
.Ltmp3:
0x13b: {  	v11 =	vld [tilespmem:s18+$0x2380];
	(pc) =	sbr.rel @p0 .LBB2_9-.Ltmp3, $4  }
0x13c: {  	[tilespmem:v4+s26+$0x0] =	vst.idx.msk $0xffff, v27  }
0x13d: {  	[tilespmem:v21+s26+$0x0] =	vst.idx.msk $0xffff, v26  }
0x13e: {  	[tilespmem:v22+s26+$0x0] =	vst.idx.msk $0xffff, v25  }
0x13f: {  	[tilespmem:v23+s26+$0x0] =	vst.idx.msk $0xffff, v24  }
0x140: {  	_ =	sdelay $0x3  }
0x141: {  	[tilespmem:v19+s26+$0x0] =	vst.idx.msk $0xffff, v9  }
0x142: {  	[tilespmem:v16+s26+$0x0] =	vst.idx.msk $0xffff, v7  }
0x143: {  	v7 =	vor.u32 $0xB, v4;
	[tilespmem:v14+s26+$0x0] =	vst.idx.msk $0xffff, v20  }
0x144: {  	v9 =	vor.u32 $0xC, v4;
	[tilespmem:v17+s26+$0x0] =	vst.idx.msk $0xffff, v6  }
0x145: {  	v6 =	vor.u32 $0xD, v4;
	[tilespmem:v15+s26+$0x0] =	vst.idx.msk $0xffff, v18  }
0x146: {  	v14 =	vor.u32 $0xE, v4;
	[tilespmem:v13+s26+$0x0] =	vst.idx.msk $0xffff, v10  }
0x147: {  	v4 =	vor.u32 $0xF, v4;
	[tilespmem:v8+s26+$0x0] =	vst.idx.msk $0xffff, v12  }
0x148: {  	[tilespmem:v7+s26+$0x0] =	vst.idx.msk $0xffff, v5  }
0x149: {  	[tilespmem:v9+s26+$0x0] =	vst.idx.msk $0xffff, v3  }
0x14a: {  	s10 =	sshll.u32 s10, $0xB;
	[tilespmem:v6+s26+$0x0] =	vst.idx.msk $0xffff, v2  }
0x14b: {  	s10 =	sand.u32 $0x1FFFF800, s10;
	[tilespmem:v14+s26+$0x0] =	vst.idx.msk $0xffff, v1  }
0x14c: {  	s16 =	simm.s32 $0x0;
	s10 =	sadd.s32 s3, s10;
	[tilespmem:v4+s26+$0x0] =	vst.idx.msk $0xffff, v11  }
0x14d: {  	[hbm4b:s10+s16] =	stream.linear.scatter [tilespmem:s26], [sflag:$0x5], $0x4000, $0x38;
	[tilespmem:$0x14000] =	vst v63  }
0x14e: {  	s10 =	sshll.u32 s7, $0xA  }
0x14f: {  	s17 =	sadd.s32 s10, s13  }
0x150: {  	[tilespmem:s16], [sflag:$0x1] =	stream.strided.gather [hbm4b:s17+s21], $0x4000, s22, s21, $0x38;
	[tilespmem:$0x14000] =	vst v63  }
0x151: {  	_ =	swait.ge [sflag:s30], $0x4000  }
0x152: {  	[sflag:s30] =	ssyncset.done $0x0  }
0x153: {  	[sflag:s30] =	ssyncadd.s32 $0xFFFFC000  }
0x154: {  	s20 =	simm.s32 $0x0;
	_ =	swait.ge [sflag:s29], $0x4000  }
0x155: {  	s18 =	sand.u32 $0x70, s16;
	s17 =	sand.u32 $0x3FFFFC00, s20;
	[sflag:s29] =	ssyncset.done $0x0  }
0x156: {  	s17 =	sor.u32 s18, s17;
	[sflag:s29] =	ssyncadd.s32 $0xFFFFC000  }
0x157: {  	v7 =	vld [tilespmem:s17+$0x4280]  }
0x158: {  	v9 =	vld [tilespmem:s17+$0x4200]  }
0x159: {  	v6 =	vld [tilespmem:s17+$0x4380]  }
0x15a: {  	v1 =	vld [tilespmem:s17+$0x6300]  }
0x15b: {  	v2 =	vld [tilespmem:s17+$0x6280]  }
0x15c: {  	s19 =	simm.s32 $0x0;
	v3 =	vld [tilespmem:s17+$0x6200]  }
0x15d: {  	s19 =	sand.u32 $0xFFFFFF80, s19;
	v5 =	vld [tilespmem:s17+$0x6180]  }
0x15e: {  	s18 =	sor.u32 s18, s19;
	v10 =	vld [tilespmem:s17+$0x6080]  }
0x15f: {  	v4 =	vmov s18;
	v21 =	vld [tilespmem:s17+$0x4180]  }
0x160: {  	v4 =	vshll.u32 v4, $0x4;
	v13 =	vld [tilespmem:s17+$0x4100]  }
0x161: {  	v4 =	vor.u32 v0, v4;
	v8 =	vld [tilespmem:s17+$0x4000]  }
0x162: {  	v15 =	vor.u32 $0x1, v4;
	v14 =	vld [tilespmem:s17+$0x4080]  }
0x163: {  	v17 =	vor.u32 $0x2, v4;
	v20 =	vld [tilespmem:s17+$0x4300]  }
0x164: {  	v22 =	vor.u32 $0x3, v4;
	v12 =	vld [tilespmem:s17+$0x6100]  }
0x165: {  	v18 =	vld [tilespmem:s17+$0x6000]  }
0x166: {  	v19 =	vor.u32 $0x4, v4;
	v11 =	vld [tilespmem:s17+$0x6380];
	[tilespmem:v4+s25+$0x0] =	vst.idx.msk $0xffff, v8  }
0x167: {  	v16 =	vor.u32 $0x5, v4;
	[tilespmem:v15+s25+$0x0] =	vst.idx.msk $0xffff, v14  }
0x168: {  	v8 =	vor.u32 $0xA, v4;
	v14 =	vor.u32 $0x6, v4;
	[tilespmem:v17+s25+$0x0] =	vst.idx.msk $0xffff, v13  }
0x169: {  	s17 =	simm.s32 $0x1;
	v15 =	vor.u32 $0x8, v4;
	v17 =	vor.u32 $0x7, v4;
	v13 =	vor.u32 $0x9, v4;
	[tilespmem:v22+s25+$0x0] =	vst.idx.msk $0xffff, v21  }
.LBB2_11:
0x16a: {  	p0 =	sne.s32 s17, $0x3F  }
0x16b: {  	[tilespmem:v19+s25+$0x0] =	vst.idx.msk $0xffff, v9;
	s16 =	sadd.s32 $0x10, s16;
	s18 =	smov.u32 s17;
	s17 =	sadd.s32 $0x1, s17  }
0x16c: {  	[tilespmem:v16+s25+$0x0] =	vst.idx.msk $0xffff, v7;
	v7 =	vor.u32 $0xB, v4  }
0x16d: {  	v9 =	vor.u32 $0xC, v4;
	[tilespmem:v14+s25+$0x0] =	vst.idx.msk $0xffff, v20  }
0x16e: {  	[tilespmem:v17+s25+$0x0] =	vst.idx.msk $0xffff, v6;
	v6 =	vor.u32 $0xD, v4  }
0x16f: {  	v14 =	vor.u32 $0xE, v4;
	[tilespmem:v15+s25+$0x0] =	vst.idx.msk $0xffff, v18  }
0x170: {  	v4 =	vor.u32 $0xF, v4;
	[tilespmem:v13+s25+$0x0] =	vst.idx.msk $0xffff, v10  }
0x171: {  	[tilespmem:v8+s25+$0x0] =	vst.idx.msk $0xffff, v12  }
0x172: {  	s19 =	sshll.u32 s18, $0x4;
	[tilespmem:v7+s25+$0x0] =	vst.idx.msk $0xffff, v5  }
0x173: {  	s20 =	sand.u32 $0x70, s16;
	s19 =	sand.u32 $0xFFFFFF80, s19;
	[tilespmem:v9+s25+$0x0] =	vst.idx.msk $0xffff, v3  }
0x174: {  	s18 =	sshll.u32 s18, $0x7;
	s19 =	sor.u32 s20, s19;
	[tilespmem:v6+s25+$0x0] =	vst.idx.msk $0xffff, v2  }
0x175: {  	s18 =	sand.u32 $0x3FFFFC00, s18;
	v2 =	vmov s19;
	[tilespmem:v14+s25+$0x0] =	vst.idx.msk $0xffff, v1  }
0x176: {  	s18 =	sor.u32 s20, s18;
	v1 =	vshll.u32 v2, $0x4;
	[tilespmem:v4+s25+$0x0] =	vst.idx.msk $0xffff, v11  }
0x177: {  	v4 =	vor.u32 v0, v1;
	v7 =	vld [tilespmem:s18+$0x4280]  }
0x178: {  	v21 =	vor.u32 $0x1, v4;
	v8 =	vor.u32 $0xA, v4;
	v9 =	vld [tilespmem:s18+$0x4200]  }
0x179: {  	v22 =	vor.u32 $0x2, v4;
	v6 =	vld [tilespmem:s18+$0x4380]  }
0x17a: {  	v1 =	vld [tilespmem:s18+$0x6300]  }
0x17b: {  	v23 =	vor.u32 $0x3, v4;
	v19 =	vor.u32 $0x4, v4;
	v2 =	vld [tilespmem:s18+$0x6280]  }
0x17c: {  	v16 =	vor.u32 $0x5, v4;
	v3 =	vld [tilespmem:s18+$0x6200]  }
0x17d: {  	v14 =	vor.u32 $0x6, v4;
	v5 =	vld [tilespmem:s18+$0x6180]  }
0x17e: {  	v17 =	vor.u32 $0x7, v4;
	v10 =	vld [tilespmem:s18+$0x6080]  }
0x17f: {  	v15 =	vor.u32 $0x8, v4;
	v24 =	vld [tilespmem:s18+$0x4180]  }
0x180: {  	v13 =	vor.u32 $0x9, v4;
	v25 =	vld [tilespmem:s18+$0x4100]  }
0x181: {  	v26 =	vld [tilespmem:s18+$0x4080]  }
0x182: {  	v27 =	vld [tilespmem:s18+$0x4000]  }
0x183: {  	v20 =	vld [tilespmem:s18+$0x4300]  }
0x184: {  	v12 =	vld [tilespmem:s18+$0x6100]  }
0x185: {  	v18 =	vld [tilespmem:s18+$0x6000]  }
.Ltmp4:
0x186: {  	v11 =	vld [tilespmem:s18+$0x6380];
	(pc) =	sbr.rel @p0 .LBB2_11-.Ltmp4, $4  }
0x187: {  	[tilespmem:v4+s25+$0x0] =	vst.idx.msk $0xffff, v27  }
0x188: {  	[tilespmem:v21+s25+$0x0] =	vst.idx.msk $0xffff, v26  }
0x189: {  	[tilespmem:v22+s25+$0x0] =	vst.idx.msk $0xffff, v25  }
0x18a: {  	[tilespmem:v23+s25+$0x0] =	vst.idx.msk $0xffff, v24  }
0x18b: {  	_ =	sdelay $0x3  }
0x18c: {  	[tilespmem:v19+s25+$0x0] =	vst.idx.msk $0xffff, v9  }
0x18d: {  	[tilespmem:v16+s25+$0x0] =	vst.idx.msk $0xffff, v7  }
0x18e: {  	v7 =	vor.u32 $0xB, v4;
	[tilespmem:v14+s25+$0x0] =	vst.idx.msk $0xffff, v20  }
0x18f: {  	v9 =	vor.u32 $0xC, v4;
	[tilespmem:v17+s25+$0x0] =	vst.idx.msk $0xffff, v6  }
0x190: {  	v6 =	vor.u32 $0xD, v4;
	[tilespmem:v15+s25+$0x0] =	vst.idx.msk $0xffff, v18  }
0x191: {  	v14 =	vor.u32 $0xE, v4;
	[tilespmem:v13+s25+$0x0] =	vst.idx.msk $0xffff, v10  }
0x192: {  	v4 =	vor.u32 $0xF, v4;
	[tilespmem:v8+s25+$0x0] =	vst.idx.msk $0xffff, v12  }
0x193: {  	[tilespmem:v7+s25+$0x0] =	vst.idx.msk $0xffff, v5  }
0x194: {  	[tilespmem:v9+s25+$0x0] =	vst.idx.msk $0xffff, v3  }
0x195: {  	s8 =	sshll.u32 s8, $0xB;
	[tilespmem:v6+s25+$0x0] =	vst.idx.msk $0xffff, v2  }
0x196: {  	s8 =	sand.u32 $0x1FFFF000, s8;
	[tilespmem:v14+s25+$0x0] =	vst.idx.msk $0xffff, v1  }
0x197: {  	s16 =	sadd.s32 s3, s8;
	s8 =	simm.s32 $0x0;
	[tilespmem:v4+s25+$0x0] =	vst.idx.msk $0xffff, v11  }
0x198: {  	[hbm4b:s16+s8] =	stream.linear.scatter [tilespmem:s25], [sflag:$0x4], $0x4000, $0x38;
	[tilespmem:$0x14000] =	vst v63  }
0x199: {  	s10 =	sadd.s32 s10, s14  }
0x19a: {  	[tilespmem:s23], [sflag:$0x2] =	stream.strided.gather [hbm4b:s10+s21], $0x4000, s22, s21, $0x38;
	[tilespmem:$0x14000] =	vst v63  }
0x19b: {  	_ =	swait.ge [sflag:s1], $0x4000  }
0x19c: {  	[sflag:s1] =	ssyncset.done $0x0  }
0x19d: {  	[sflag:s1] =	ssyncadd.s32 $0xFFFFC000  }
0x19e: {  	s19 =	simm.s32 $0x0;
	_ =	swait.ge [sflag:s31], $0x4000  }
0x19f: {  	s20 =	sand.u32 $0x70, s8;
	s10 =	sand.u32 $0x3FFFFC00, s19;
	[sflag:s31] =	ssyncset.done $0x0  }
0x1a0: {  	s10 =	sor.u32 s20, s10;
	[sflag:s31] =	ssyncadd.s32 $0xFFFFC000  }
0x1a1: {  	v7 =	vld [tilespmem:s10+$0x8280]  }
0x1a2: {  	v9 =	vld [tilespmem:s10+$0x8200]  }
0x1a3: {  	v6 =	vld [tilespmem:s10+$0x8380]  }
0x1a4: {  	v1 =	vld [tilespmem:s10+$0xA300]  }
0x1a5: {  	v2 =	vld [tilespmem:s10+$0xA280]  }
0x1a6: {  	s17 =	simm.s32 $0x0;
	v3 =	vld [tilespmem:s10+$0xA200]  }
0x1a7: {  	s17 =	sand.u32 $0xFFFFFF80, s17;
	v5 =	vld [tilespmem:s10+$0xA180]  }
0x1a8: {  	s16 =	sor.u32 s20, s17;
	v10 =	vld [tilespmem:s10+$0xA080]  }
0x1a9: {  	v4 =	vmov s16;
	v21 =	vld [tilespmem:s10+$0x8180]  }
0x1aa: {  	v4 =	vshll.u32 v4, $0x4;
	v13 =	vld [tilespmem:s10+$0x8100]  }
0x1ab: {  	v4 =	vor.u32 v0, v4;
	v8 =	vld [tilespmem:s10+$0x8000]  }
0x1ac: {  	v15 =	vor.u32 $0x1, v4;
	v14 =	vld [tilespmem:s10+$0x8080]  }
0x1ad: {  	v17 =	vor.u32 $0x2, v4;
	v20 =	vld [tilespmem:s10+$0x8300]  }
0x1ae: {  	v22 =	vor.u32 $0x3, v4;
	v12 =	vld [tilespmem:s10+$0xA100]  }
0x1af: {  	v18 =	vld [tilespmem:s10+$0xA000]  }
0x1b0: {  	v19 =	vor.u32 $0x4, v4;
	v11 =	vld [tilespmem:s10+$0xA380];
	[tilespmem:v4+s26+$0x0] =	vst.idx.msk $0xffff, v8  }
0x1b1: {  	v16 =	vor.u32 $0x5, v4;
	[tilespmem:v15+s26+$0x0] =	vst.idx.msk $0xffff, v14  }
0x1b2: {  	v8 =	vor.u32 $0xA, v4;
	v14 =	vor.u32 $0x6, v4;
	[tilespmem:v17+s26+$0x0] =	vst.idx.msk $0xffff, v13  }
0x1b3: {  	s10 =	simm.s32 $0x1;
	v15 =	vor.u32 $0x8, v4;
	v17 =	vor.u32 $0x7, v4;
	v13 =	vor.u32 $0x9, v4;
	[tilespmem:v22+s26+$0x0] =	vst.idx.msk $0xffff, v21  }
.LBB2_13:
0x1b4: {  	p0 =	sne.s32 s10, $0x3F  }
0x1b5: {  	[tilespmem:v19+s26+$0x0] =	vst.idx.msk $0xffff, v9;
	s8 =	sadd.s32 $0x10, s8;
	s16 =	smov.u32 s10;
	s10 =	sadd.s32 $0x1, s10  }
0x1b6: {  	[tilespmem:v16+s26+$0x0] =	vst.idx.msk $0xffff, v7;
	v7 =	vor.u32 $0xB, v4  }
0x1b7: {  	v9 =	vor.u32 $0xC, v4;
	[tilespmem:v14+s26+$0x0] =	vst.idx.msk $0xffff, v20  }
0x1b8: {  	[tilespmem:v17+s26+$0x0] =	vst.idx.msk $0xffff, v6;
	v6 =	vor.u32 $0xD, v4  }
0x1b9: {  	v14 =	vor.u32 $0xE, v4;
	[tilespmem:v15+s26+$0x0] =	vst.idx.msk $0xffff, v18  }
0x1ba: {  	v4 =	vor.u32 $0xF, v4;
	[tilespmem:v13+s26+$0x0] =	vst.idx.msk $0xffff, v10  }
0x1bb: {  	[tilespmem:v8+s26+$0x0] =	vst.idx.msk $0xffff, v12  }
0x1bc: {  	s17 =	sshll.u32 s16, $0x4;
	[tilespmem:v7+s26+$0x0] =	vst.idx.msk $0xffff, v5  }
0x1bd: {  	s18 =	sand.u32 $0x70, s8;
	s17 =	sand.u32 $0xFFFFFF80, s17;
	[tilespmem:v9+s26+$0x0] =	vst.idx.msk $0xffff, v3  }
0x1be: {  	s16 =	sshll.u32 s16, $0x7;
	s17 =	sor.u32 s18, s17;
	[tilespmem:v6+s26+$0x0] =	vst.idx.msk $0xffff, v2  }
0x1bf: {  	s16 =	sand.u32 $0x3FFFFC00, s16;
	v2 =	vmov s17;
	[tilespmem:v14+s26+$0x0] =	vst.idx.msk $0xffff, v1  }
0x1c0: {  	s16 =	sor.u32 s18, s16;
	v1 =	vshll.u32 v2, $0x4;
	[tilespmem:v4+s26+$0x0] =	vst.idx.msk $0xffff, v11  }
0x1c1: {  	v4 =	vor.u32 v0, v1;
	v7 =	vld [tilespmem:s16+$0x8280]  }
0x1c2: {  	v21 =	vor.u32 $0x1, v4;
	v8 =	vor.u32 $0xA, v4;
	v9 =	vld [tilespmem:s16+$0x8200]  }
0x1c3: {  	v22 =	vor.u32 $0x2, v4;
	v6 =	vld [tilespmem:s16+$0x8380]  }
0x1c4: {  	v1 =	vld [tilespmem:s16+$0xA300]  }
0x1c5: {  	v23 =	vor.u32 $0x3, v4;
	v19 =	vor.u32 $0x4, v4;
	v2 =	vld [tilespmem:s16+$0xA280]  }
0x1c6: {  	v16 =	vor.u32 $0x5, v4;
	v3 =	vld [tilespmem:s16+$0xA200]  }
0x1c7: {  	v14 =	vor.u32 $0x6, v4;
	v5 =	vld [tilespmem:s16+$0xA180]  }
0x1c8: {  	v17 =	vor.u32 $0x7, v4;
	v10 =	vld [tilespmem:s16+$0xA080]  }
0x1c9: {  	v15 =	vor.u32 $0x8, v4;
	v24 =	vld [tilespmem:s16+$0x8180]  }
0x1ca: {  	v13 =	vor.u32 $0x9, v4;
	v25 =	vld [tilespmem:s16+$0x8100]  }
0x1cb: {  	v26 =	vld [tilespmem:s16+$0x8080]  }
0x1cc: {  	v27 =	vld [tilespmem:s16+$0x8000]  }
0x1cd: {  	v20 =	vld [tilespmem:s16+$0x8300]  }
0x1ce: {  	v12 =	vld [tilespmem:s16+$0xA100]  }
0x1cf: {  	v18 =	vld [tilespmem:s16+$0xA000]  }
.Ltmp5:
0x1d0: {  	v11 =	vld [tilespmem:s16+$0xA380];
	(pc) =	sbr.rel @p0 .LBB2_13-.Ltmp5, $4  }
0x1d1: {  	[tilespmem:v4+s26+$0x0] =	vst.idx.msk $0xffff, v27  }
0x1d2: {  	[tilespmem:v21+s26+$0x0] =	vst.idx.msk $0xffff, v26  }
0x1d3: {  	[tilespmem:v22+s26+$0x0] =	vst.idx.msk $0xffff, v25  }
0x1d4: {  	[tilespmem:v23+s26+$0x0] =	vst.idx.msk $0xffff, v24  }
0x1d5: {  	_ =	sdelay $0x3  }
0x1d6: {  	[tilespmem:v19+s26+$0x0] =	vst.idx.msk $0xffff, v9  }
0x1d7: {  	[tilespmem:v16+s26+$0x0] =	vst.idx.msk $0xffff, v7  }
0x1d8: {  	v59 =	vor.u32 $0xB, v4;
	[tilespmem:v14+s26+$0x0] =	vst.idx.msk $0xffff, v20  }
0x1d9: {  	v60 =	vor.u32 $0xC, v4;
	[tilespmem:v17+s26+$0x0] =	vst.idx.msk $0xffff, v6  }
0x1da: {  	v61 =	vor.u32 $0xD, v4;
	[tilespmem:v15+s26+$0x0] =	vst.idx.msk $0xffff, v18  }
0x1db: {  	v62 =	vor.u32 $0xE, v4;
	[tilespmem:v13+s26+$0x0] =	vst.idx.msk $0xffff, v10  }
0x1dc: {  	v63 =	vor.u32 $0xF, v4;
	[tilespmem:v8+s26+$0x0] =	vst.idx.msk $0xffff, v12  }
0x1dd: {  	[tilespmem:v59+s26+$0x0] =	vst.idx.msk $0xffff, v5  }
0x1de: {  	p0 =	slt.s32 s7, $0x337;
	s6 =	sadd.s32 $0x1, s6;
	[tilespmem:v60+s26+$0x0] =	vst.idx.msk $0xffff, v3  }
0x1df: {  	s8 =	sshll.u32 s9, $0xB;
	s7 =	simm.s32 @!p0 $0x337;
	p0 =	sne.s32 s6, $0x4;
	[tilespmem:v61+s26+$0x0] =	vst.idx.msk $0xffff, v2  }
.Ltmp6:
0x1e0: {  	s8 =	sand.u32 $0x1FFFF800, s8;
	[tilespmem:v62+s26+$0x0] =	vst.idx.msk $0xffff, v1;
	(pc) =	sbr.rel @p0 .LBB2_2-.Ltmp6, $4  }
0x1e1: {  	s8 =	sadd.s32 s3, s8;
	s7 =	sshll.u32 s7, $0xA;
	[tilespmem:v63+s26+$0x0] =	vst.idx.msk $0xffff, v11  }
0x1e2: {  	[hbm4b:s8+s5] =	stream.linear.scatter [tilespmem:s26], [sflag:$0x5], $0x4000, $0x38;
	[tilespmem:$0x14000] =	vst v63  }
0x1e3: {  	s7 =	sadd.s32 s7, s15  }
0x1e4: {  	[tilespmem:s24], [sflag:$0x3] =	stream.strided.gather [hbm4b:s7+s21], $0x4000, s22, s21, $0x38;
	[tilespmem:$0x14000] =	vst v63  }
0x1e5: {  	_ =	swait.ge [sflag:s28], $0x4000  }
0x1e6: {  	[sflag:s28] =	ssyncset.done $0x0  }
0x1e7: {  	[sflag:s28] =	ssyncadd.s32 $0xFFFFC000  }
0x1e8: {  	s6 =	simm.s32 $0x0;
	s7 =	simm.s32 $0x0;
	_ =	swait.ge [sflag:s29], $0x4000  }
0x1e9: {  	s8 =	sand.u32 $0x70, s6;
	s7 =	sand.u32 $0x3FFFFC00, s7;
	[sflag:s29] =	ssyncset.done $0x0  }
0x1ea: {  	s7 =	sor.u32 s8, s7;
	[sflag:s29] =	ssyncadd.s32 $0xFFFFC000  }
0x1eb: {  	v7 =	vld [tilespmem:s7+$0x280]  }
0x1ec: {  	v9 =	vld [tilespmem:s7+$0x200]  }
0x1ed: {  	v6 =	vld [tilespmem:s7+$0x380]  }
0x1ee: {  	v1 =	vld [tilespmem:s7+$0x2300]  }
0x1ef: {  	v2 =	vld [tilespmem:s7+$0x2280]  }
0x1f0: {  	s9 =	simm.s32 $0x0;
	v3 =	vld [tilespmem:s7+$0x2200]  }
0x1f1: {  	s9 =	sand.u32 $0xFFFFFF80, s9;
	v5 =	vld [tilespmem:s7+$0x2180]  }
0x1f2: {  	s8 =	sor.u32 s8, s9;
	v10 =	vld [tilespmem:s7+$0x2080]  }
0x1f3: {  	v4 =	vmov s8;
	v21 =	vld [tilespmem:s7+$0x180]  }
0x1f4: {  	v4 =	vshll.u32 v4, $0x4;
	v13 =	vld [tilespmem:s7+$0x100]  }
0x1f5: {  	v4 =	vor.u32 v0, v4;
	v8 =	vld [tilespmem:s7+$0x0]  }
0x1f6: {  	v14 =	vld [tilespmem:s7+$0x80];
	v15 =	vor.u32 $0x1, v4  }
0x1f7: {  	v20 =	vld [tilespmem:s7+$0x300];
	v17 =	vor.u32 $0x2, v4  }
0x1f8: {  	v12 =	vld [tilespmem:s7+$0x2100];
	v22 =	vor.u32 $0x3, v4  }
0x1f9: {  	v18 =	vld [tilespmem:s7+$0x2000]  }
0x1fa: {  	v11 =	vld [tilespmem:s7+$0x2380];
	v19 =	vor.u32 $0x4, v4;
	[tilespmem:v4+s25+$0x0] =	vst.idx.msk $0xffff, v8  }
0x1fb: {  	v16 =	vor.u32 $0x5, v4;
	[tilespmem:v15+s25+$0x0] =	vst.idx.msk $0xffff, v14  }
0x1fc: {  	v8 =	vor.u32 $0xA, v4;
	v14 =	vor.u32 $0x6, v4;
	[tilespmem:v17+s25+$0x0] =	vst.idx.msk $0xffff, v13  }
0x1fd: {  	s7 =	simm.s32 $0x1;
	v15 =	vor.u32 $0x8, v4;
	v17 =	vor.u32 $0x7, v4;
	v13 =	vor.u32 $0x9, v4;
	[tilespmem:v22+s25+$0x0] =	vst.idx.msk $0xffff, v21  }
.LBB2_16:
0x1fe: {  	p0 =	sne.s32 s7, $0x3F  }
0x1ff: {  	[tilespmem:v19+s25+$0x0] =	vst.idx.msk $0xffff, v9;
	s6 =	sadd.s32 $0x10, s6;
	s8 =	smov.u32 s7;
	s7 =	sadd.s32 $0x1, s7  }
0x200: {  	[tilespmem:v16+s25+$0x0] =	vst.idx.msk $0xffff, v7;
	v7 =	vor.u32 $0xB, v4  }
0x201: {  	v9 =	vor.u32 $0xC, v4;
	[tilespmem:v14+s25+$0x0] =	vst.idx.msk $0xffff, v20  }
0x202: {  	[tilespmem:v17+s25+$0x0] =	vst.idx.msk $0xffff, v6;
	v6 =	vor.u32 $0xD, v4  }
0x203: {  	v14 =	vor.u32 $0xE, v4;
	[tilespmem:v15+s25+$0x0] =	vst.idx.msk $0xffff, v18  }
0x204: {  	v4 =	vor.u32 $0xF, v4;
	[tilespmem:v13+s25+$0x0] =	vst.idx.msk $0xffff, v10  }
0x205: {  	[tilespmem:v8+s25+$0x0] =	vst.idx.msk $0xffff, v12  }
0x206: {  	s9 =	sshll.u32 s8, $0x4;
	[tilespmem:v7+s25+$0x0] =	vst.idx.msk $0xffff, v5  }
0x207: {  	s10 =	sand.u32 $0x70, s6;
	s9 =	sand.u32 $0xFFFFFF80, s9;
	[tilespmem:v9+s25+$0x0] =	vst.idx.msk $0xffff, v3  }
0x208: {  	s8 =	sshll.u32 s8, $0x7;
	s9 =	sor.u32 s10, s9;
	[tilespmem:v6+s25+$0x0] =	vst.idx.msk $0xffff, v2  }
0x209: {  	s8 =	sand.u32 $0x3FFFFC00, s8;
	v2 =	vmov s9;
	[tilespmem:v14+s25+$0x0] =	vst.idx.msk $0xffff, v1  }
0x20a: {  	s8 =	sor.u32 s10, s8;
	v1 =	vshll.u32 v2, $0x4;
	[tilespmem:v4+s25+$0x0] =	vst.idx.msk $0xffff, v11  }
0x20b: {  	v4 =	vor.u32 v0, v1;
	v7 =	vld [tilespmem:s8+$0x280]  }
0x20c: {  	v21 =	vor.u32 $0x1, v4;
	v8 =	vor.u32 $0xA, v4;
	v9 =	vld [tilespmem:s8+$0x200]  }
0x20d: {  	v22 =	vor.u32 $0x2, v4;
	v6 =	vld [tilespmem:s8+$0x380]  }
0x20e: {  	v1 =	vld [tilespmem:s8+$0x2300]  }
0x20f: {  	v23 =	vor.u32 $0x3, v4;
	v19 =	vor.u32 $0x4, v4;
	v2 =	vld [tilespmem:s8+$0x2280]  }
0x210: {  	v16 =	vor.u32 $0x5, v4;
	v3 =	vld [tilespmem:s8+$0x2200]  }
0x211: {  	v14 =	vor.u32 $0x6, v4;
	v5 =	vld [tilespmem:s8+$0x2180]  }
0x212: {  	v17 =	vor.u32 $0x7, v4;
	v10 =	vld [tilespmem:s8+$0x2080]  }
0x213: {  	v15 =	vor.u32 $0x8, v4;
	v24 =	vld [tilespmem:s8+$0x180]  }
0x214: {  	v13 =	vor.u32 $0x9, v4;
	v25 =	vld [tilespmem:s8+$0x100]  }
0x215: {  	v26 =	vld [tilespmem:s8+$0x80]  }
0x216: {  	v27 =	vld [tilespmem:s8+$0x0]  }
0x217: {  	v20 =	vld [tilespmem:s8+$0x300]  }
0x218: {  	v12 =	vld [tilespmem:s8+$0x2100]  }
0x219: {  	v18 =	vld [tilespmem:s8+$0x2000]  }
.Ltmp7:
0x21a: {  	v11 =	vld [tilespmem:s8+$0x2380];
	(pc) =	sbr.rel @p0 .LBB2_16-.Ltmp7, $4  }
0x21b: {  	[tilespmem:v4+s25+$0x0] =	vst.idx.msk $0xffff, v27  }
0x21c: {  	[tilespmem:v21+s25+$0x0] =	vst.idx.msk $0xffff, v26  }
0x21d: {  	[tilespmem:v22+s25+$0x0] =	vst.idx.msk $0xffff, v25  }
0x21e: {  	[tilespmem:v23+s25+$0x0] =	vst.idx.msk $0xffff, v24  }
0x21f: {  	_ =	sdelay $0x3  }
0x220: {  	[tilespmem:v19+s25+$0x0] =	vst.idx.msk $0xffff, v9  }
0x221: {  	[tilespmem:v16+s25+$0x0] =	vst.idx.msk $0xffff, v7  }
0x222: {  	v7 =	vor.u32 $0xB, v4;
	[tilespmem:v14+s25+$0x0] =	vst.idx.msk $0xffff, v20  }
0x223: {  	v9 =	vor.u32 $0xC, v4;
	[tilespmem:v17+s25+$0x0] =	vst.idx.msk $0xffff, v6  }
0x224: {  	v6 =	vor.u32 $0xD, v4;
	[tilespmem:v15+s25+$0x0] =	vst.idx.msk $0xffff, v18  }
0x225: {  	v14 =	vor.u32 $0xE, v4;
	[tilespmem:v13+s25+$0x0] =	vst.idx.msk $0xffff, v10  }
0x226: {  	v4 =	vor.u32 $0xF, v4;
	[tilespmem:v8+s25+$0x0] =	vst.idx.msk $0xffff, v12  }
0x227: {  	[tilespmem:v7+s25+$0x0] =	vst.idx.msk $0xffff, v5  }
0x228: {  	[tilespmem:v9+s25+$0x0] =	vst.idx.msk $0xffff, v3  }
0x229: {  	[tilespmem:v6+s25+$0x0] =	vst.idx.msk $0xffff, v2  }
0x22a: {  	[tilespmem:v14+s25+$0x0] =	vst.idx.msk $0xffff, v1  }
0x22b: {  	s6 =	simm.s32 $0x0;
	s7 =	rddreg [dreg:$0x8];
	[tilespmem:v4+s25+$0x0] =	vst.idx.msk $0xffff, v11  }
0x22c: {  	[hbm4b:s7+s6] =	stream.linear.scatter [tilespmem:s25], [sflag:$0x4], $0x4000, $0x38;
	[tilespmem:$0x14000] =	vst v63  }
0x22d: {  	s19 =	rddreg [dreg:$0x9]  }
0x22e: {  	[tilespmem:s6], [sflag:$0x1] =	stream.strided.gather [hbm4b:s19+s21], $0x4000, s22, s21, $0x38;
	[tilespmem:$0x14000] =	vst v63  }
0x22f: {  	_ =	swait.ge [sflag:s30], $0x4000  }
0x230: {  	[sflag:s30] =	ssyncset.done $0x0  }
0x231: {  	[sflag:s30] =	ssyncadd.s32 $0xFFFFC000  }
0x232: {  	s20 =	simm.s32 $0x0;
	_ =	swait.ge [sflag:s31], $0x4000  }
0x233: {  	s8 =	sand.u32 $0x70, s6;
	s7 =	sand.u32 $0x3FFFFC00, s20;
	[sflag:s31] =	ssyncset.done $0x0  }
0x234: {  	s7 =	sor.u32 s8, s7;
	[sflag:s31] =	ssyncadd.s32 $0xFFFFC000  }
0x235: {  	v7 =	vld [tilespmem:s7+$0x4280]  }
0x236: {  	v9 =	vld [tilespmem:s7+$0x4200]  }
0x237: {  	v6 =	vld [tilespmem:s7+$0x4380]  }
0x238: {  	v1 =	vld [tilespmem:s7+$0x6300]  }
0x239: {  	v2 =	vld [tilespmem:s7+$0x6280]  }
0x23a: {  	s9 =	simm.s32 $0x0;
	v3 =	vld [tilespmem:s7+$0x6200]  }
0x23b: {  	s9 =	sand.u32 $0xFFFFFF80, s9;
	v5 =	vld [tilespmem:s7+$0x6180]  }
0x23c: {  	s8 =	sor.u32 s8, s9;
	v10 =	vld [tilespmem:s7+$0x6080]  }
0x23d: {  	v4 =	vmov s8;
	v21 =	vld [tilespmem:s7+$0x4180]  }
0x23e: {  	v4 =	vshll.u32 v4, $0x4;
	v13 =	vld [tilespmem:s7+$0x4100]  }
0x23f: {  	v4 =	vor.u32 v0, v4;
	v8 =	vld [tilespmem:s7+$0x4000]  }
0x240: {  	v15 =	vor.u32 $0x1, v4;
	v14 =	vld [tilespmem:s7+$0x4080]  }
0x241: {  	v17 =	vor.u32 $0x2, v4;
	v20 =	vld [tilespmem:s7+$0x4300]  }
0x242: {  	v22 =	vor.u32 $0x3, v4;
	v12 =	vld [tilespmem:s7+$0x6100]  }
0x243: {  	v18 =	vld [tilespmem:s7+$0x6000]  }
0x244: {  	v19 =	vor.u32 $0x4, v4;
	v11 =	vld [tilespmem:s7+$0x6380];
	[tilespmem:v4+s26+$0x0] =	vst.idx.msk $0xffff, v8  }
0x245: {  	v16 =	vor.u32 $0x5, v4;
	[tilespmem:v15+s26+$0x0] =	vst.idx.msk $0xffff, v14  }
0x246: {  	v8 =	vor.u32 $0xA, v4;
	v14 =	vor.u32 $0x6, v4;
	[tilespmem:v17+s26+$0x0] =	vst.idx.msk $0xffff, v13  }
0x247: {  	s7 =	simm.s32 $0x1;
	v15 =	vor.u32 $0x8, v4;
	v17 =	vor.u32 $0x7, v4;
	v13 =	vor.u32 $0x9, v4;
	[tilespmem:v22+s26+$0x0] =	vst.idx.msk $0xffff, v21  }
.LBB2_18:
0x248: {  	p0 =	sne.s32 s7, $0x3F  }
0x249: {  	[tilespmem:v19+s26+$0x0] =	vst.idx.msk $0xffff, v9;
	s6 =	sadd.s32 $0x10, s6;
	s8 =	smov.u32 s7;
	s7 =	sadd.s32 $0x1, s7  }
0x24a: {  	[tilespmem:v16+s26+$0x0] =	vst.idx.msk $0xffff, v7;
	v7 =	vor.u32 $0xB, v4  }
0x24b: {  	v9 =	vor.u32 $0xC, v4;
	[tilespmem:v14+s26+$0x0] =	vst.idx.msk $0xffff, v20  }
0x24c: {  	[tilespmem:v17+s26+$0x0] =	vst.idx.msk $0xffff, v6;
	v6 =	vor.u32 $0xD, v4  }
0x24d: {  	v14 =	vor.u32 $0xE, v4;
	[tilespmem:v15+s26+$0x0] =	vst.idx.msk $0xffff, v18  }
0x24e: {  	v4 =	vor.u32 $0xF, v4;
	[tilespmem:v13+s26+$0x0] =	vst.idx.msk $0xffff, v10  }
0x24f: {  	[tilespmem:v8+s26+$0x0] =	vst.idx.msk $0xffff, v12  }
0x250: {  	s9 =	sshll.u32 s8, $0x4;
	[tilespmem:v7+s26+$0x0] =	vst.idx.msk $0xffff, v5  }
0x251: {  	s10 =	sand.u32 $0x70, s6;
	s9 =	sand.u32 $0xFFFFFF80, s9;
	[tilespmem:v9+s26+$0x0] =	vst.idx.msk $0xffff, v3  }
0x252: {  	s8 =	sshll.u32 s8, $0x7;
	s9 =	sor.u32 s10, s9;
	[tilespmem:v6+s26+$0x0] =	vst.idx.msk $0xffff, v2  }
0x253: {  	s8 =	sand.u32 $0x3FFFFC00, s8;
	v2 =	vmov s9;
	[tilespmem:v14+s26+$0x0] =	vst.idx.msk $0xffff, v1  }
0x254: {  	s8 =	sor.u32 s10, s8;
	v1 =	vshll.u32 v2, $0x4;
	[tilespmem:v4+s26+$0x0] =	vst.idx.msk $0xffff, v11  }
0x255: {  	v4 =	vor.u32 v0, v1;
	v7 =	vld [tilespmem:s8+$0x4280]  }
0x256: {  	v21 =	vor.u32 $0x1, v4;
	v8 =	vor.u32 $0xA, v4;
	v9 =	vld [tilespmem:s8+$0x4200]  }
0x257: {  	v22 =	vor.u32 $0x2, v4;
	v6 =	vld [tilespmem:s8+$0x4380]  }
0x258: {  	v1 =	vld [tilespmem:s8+$0x6300]  }
0x259: {  	v23 =	vor.u32 $0x3, v4;
	v19 =	vor.u32 $0x4, v4;
	v2 =	vld [tilespmem:s8+$0x6280]  }
0x25a: {  	v16 =	vor.u32 $0x5, v4;
	v3 =	vld [tilespmem:s8+$0x6200]  }
0x25b: {  	v14 =	vor.u32 $0x6, v4;
	v5 =	vld [tilespmem:s8+$0x6180]  }
0x25c: {  	v17 =	vor.u32 $0x7, v4;
	v10 =	vld [tilespmem:s8+$0x6080]  }
0x25d: {  	v15 =	vor.u32 $0x8, v4;
	v24 =	vld [tilespmem:s8+$0x4180]  }
0x25e: {  	v13 =	vor.u32 $0x9, v4;
	v25 =	vld [tilespmem:s8+$0x4100]  }
0x25f: {  	v26 =	vld [tilespmem:s8+$0x4080]  }
0x260: {  	v27 =	vld [tilespmem:s8+$0x4000]  }
0x261: {  	v20 =	vld [tilespmem:s8+$0x4300]  }
0x262: {  	v12 =	vld [tilespmem:s8+$0x6100]  }
0x263: {  	v18 =	vld [tilespmem:s8+$0x6000]  }
.Ltmp8:
0x264: {  	v11 =	vld [tilespmem:s8+$0x6380];
	(pc) =	sbr.rel @p0 .LBB2_18-.Ltmp8, $4  }
0x265: {  	[tilespmem:v4+s26+$0x0] =	vst.idx.msk $0xffff, v27  }
0x266: {  	[tilespmem:v21+s26+$0x0] =	vst.idx.msk $0xffff, v26  }
0x267: {  	[tilespmem:v22+s26+$0x0] =	vst.idx.msk $0xffff, v25  }
0x268: {  	[tilespmem:v23+s26+$0x0] =	vst.idx.msk $0xffff, v24  }
0x269: {  	_ =	sdelay $0x3  }
0x26a: {  	[tilespmem:v19+s26+$0x0] =	vst.idx.msk $0xffff, v9  }
0x26b: {  	[tilespmem:v16+s26+$0x0] =	vst.idx.msk $0xffff, v7  }
0x26c: {  	v59 =	vor.u32 $0xB, v4;
	[tilespmem:v14+s26+$0x0] =	vst.idx.msk $0xffff, v20  }
0x26d: {  	v60 =	vor.u32 $0xC, v4;
	[tilespmem:v17+s26+$0x0] =	vst.idx.msk $0xffff, v6  }
0x26e: {  	v61 =	vor.u32 $0xD, v4;
	[tilespmem:v15+s26+$0x0] =	vst.idx.msk $0xffff, v18  }
0x26f: {  	v62 =	vor.u32 $0xE, v4;
	[tilespmem:v13+s26+$0x0] =	vst.idx.msk $0xffff, v10  }
0x270: {  	v63 =	vor.u32 $0xF, v4;
	[tilespmem:v8+s26+$0x0] =	vst.idx.msk $0xffff, v12  }
0x271: {  	[tilespmem:v59+s26+$0x0] =	vst.idx.msk $0xffff, v5  }
0x272: {  	[tilespmem:v60+s26+$0x0] =	vst.idx.msk $0xffff, v3  }
0x273: {  	[tilespmem:v61+s26+$0x0] =	vst.idx.msk $0xffff, v2  }
0x274: {  	[tilespmem:v62+s26+$0x0] =	vst.idx.msk $0xffff, v1  }
0x275: {  	s6 =	rddreg [dreg:$0xa];
	[tilespmem:v63+s26+$0x0] =	vst.idx.msk $0xffff, v11  }
0x276: {  	[hbm4b:s6+s5] =	stream.linear.scatter [tilespmem:s26], [sflag:$0x5], $0x4000, $0x38;
	[tilespmem:$0x14000] =	vst v63  }
0x277: {  	s19 =	rddreg [dreg:$0xb]  }
0x278: {  	[tilespmem:s23], [sflag:$0x2] =	stream.strided.gather [hbm4b:s19+s21], $0x4000, s22, s21, $0x38;
	[tilespmem:$0x14000] =	vst v63  }
0x279: {  	_ =	swait.ge [sflag:s1], $0x4000  }
0x27a: {  	[sflag:s1] =	ssyncset.done $0x0  }
0x27b: {  	[sflag:s1] =	ssyncadd.s32 $0xFFFFC000  }
0x27c: {  	_ =	swait.ge [sflag:s28], $0x4000  }
0x27d: {  	[sflag:s28] =	ssyncset.done $0x0  }
0x27e: {  	[sflag:s28] =	ssyncadd.s32 $0xFFFFC000  }
0x27f: {  	_ =	swait.ge [sflag:s30], $0x4000  }
0x280: {  	[sflag:s30] =	ssyncset.done $0x0  }
0x281: {  	[sflag:s30] =	ssyncadd.s32 $0xFFFFC000  }
0x282: {  	_ =	swait.ge [sflag:s29], $0x4000  }
0x283: {  	[sflag:s29] =	ssyncset.done $0x0  }
0x284: {  	[sflag:s29] =	ssyncadd.s32 $0xFFFFC000  }
0x285: {  	_ =	swait.ge [sflag:s31], $0x4000  }
0x286: {  	s0 =	sadd.s32 $0x1, s0;
	s20 =	rddreg [dreg:$0xc]  }
0x287: {  	p0 =	sne.s32 s0, s20  }
.Ltmp9:
0x288: {  	_ = 	snop;
	(pc) =	sbr.rel @p0 .LBB2_1-.Ltmp9, $3  }
0x289: {  	_ =	sdelay $0x1  }
0x28a: {  	[sflag:s31] =	ssyncset.done $0x0  }
0x28b: {  	[sflag:s31] =	ssyncadd.s32 $0xFFFFC000  }
0x28c: {  	_ =	sfence.sel $0x180000  }
0x28d: {  	[bflag:$0x0] =	sbarrier.arrive $0xFFFF  }
0x28e: {  	_ =	strace $0x90000047  }
0x28f: {  	s0 =	stileid.u32;
	[bflag:$0x2] =	sbarrier.arrive $0xFFFF  }
0x290: {  	p0 =	sne.s32 s0, $0x0;
	s0 =	rddreg [dreg:$0x2]  }
0x291: {  	s0 =	sadd.s32 @!p0 $0x100000, s0  }
0x292: {  	[sflag:s0] =	ssyncadd.tile.s32 @!p0 $0x1;
	_ =	shalt  }
.Lfunc_end2:
_tile_overlayer_lowered:
.L_overlay_start_2:
0x293: {  	(tag) =	ssettag $0x2  }
0x294: {  	s0 =	rddreg [dreg:$0x0];
	s2 =	stileid.u32  }
0x295: {  	s1 =	rddreg [dreg:$0x1];
	p0 =	sne.s32 s2, $0x0  }
0x296: {  	s3 =	rddreg [dreg:$0x2];
	[bflag:$0x3] =	sbarrier.arrive $0xFFFF;
	s2 =	simm.s32 @!p0 $0x1C06  }
0x297: {  	[timem:s3], [sflag:s2] =	dma.local @!p0 [hbm:s0], s1  }
0x298: {  	s0 =	simm.s32 @!p0 $0x6  }
0x299: {  	_ =	swait.ge @!p0 [sflag:s0], s1  }
0x29a: {  	s1 =	ssub.s32 @!p0 $0x0, s1;
	[sflag:s0] =	ssyncset.done @!p0 $0x0  }
0x29b: {  	[sflag:s0] =	ssyncadd.s32 @!p0 s1  }
0x29c: {  	[bflag:$0x3] =	sbarrier.arrive $0xFFFF  }
0x29d: {  	_ =	shalt  }

// kernel: sparse-core-data-format-call.cloned.1.call-start
scs
called_computation_lowered:
.L_overlay_start_0:
0x0: {  	s2 =	sld [smem:$0x3FD9]  }
0x1: {  	s3 =	sld [smem:$0x3FFE];
	_ =	sdelay $0x1  }
0x2: {  	s1 =	srdreg.scid  }
0x3: {  	s0 =	sand.u32 $0x1, s1  }
0x4: {  	s18 =	sshll.u32 s0, $0xA;
	s2 =	sadd.s32 s3, s2  }
0x5: {  	s2 =	sadd.s32 s2, s18  }
0x6: {  	[smem:$0x3FC7] =	sst s2  }
0x7: {  	_ = 	snop  }
0x8: {  	s2 =	sld [smem:$0x3FD0];
	(tm) =	ssettm $0x1  }
0x9: {  	s19 =	sld [smem:$0x3FFB];
	_ =	sdelay $0x3  }
0xa: {  	_ =	strace s19  }
0xb: {  	s3 =	sld [smem:$0x3FFC];
	_ =	sdelay $0x3  }
0xc: {  	_ =	strace s3  }
0xd: {  	s3 =	sld [smem:$0x3FFD];
	_ =	sdelay $0x3  }
0xe: {  	_ =	strace s3  }
0xf: {  	_ =	strace $0x8FFFFFFF  }
0x10: {  	s20 =	sld [smem:$0x3FDB];
	_ =	sdelay $0x1  }
0x11: {  	s4 =	simm.s32 $_scs_section_size  }
0x12: {  	s5 =	simm.s32 $_size__tile_overlayer_lowered;
	s6 =	simm.s32 $_tile_overlayer_lowered  }
0x13: {  	s23 =	simm.s32 $0x1BFF;
	s22 =	sshll.u32 s6, $0x1;
	s3 =	sadd.s32 s4, s20  }
0x14: {  	s7 =	simm.s32 $0x0;
	s21 =	sshll.u32 s5, $0x1;
	s5 =	sadd.s32 s22, s3  }
0x15: {  	[timem:s7], [sflag:s23] =	dma.local [hbm:s5], s21  }
0x16: {  	_ =	swait.ge [sflag:s23], s21  }
0x17: {  	s4 =	ssub.s32 $0x0, s21;
	[sflag:s23] =	ssyncset.done $0x0  }
0x18: {  	[sflag:s23] =	ssyncadd.s32 s4;
	_ =	sdelay $0x1  }
0x19: {  	s24 =	simm.s32 $0x1B8B  }
0x1a: {  	_ =	swait.ge [sflag:s24], $0x1  }
0x1b: {  	[sflag:s24] =	ssyncset.done $0x0  }
0x1c: {  	s26 =	simm.s32 $0x1B8E;
	s25 =	sld [smem:$0x3FFE];
	[sflag:s24] =	ssyncadd.s32 $0xFFFFFFFF  }
0x1d: {  	s27 =	simm.s32 $execute0_lowered;
	[smem:$0x3FD2] =	sst s26  }
0x1e: {  	s5 =	sshll.u32 s27, $0x1;
	_ =	strace $0x80000049;
	[dreg:$0x1] =	wrdreg $0xFFFFFFFF  }
0x1f: {  	s28 =	simm.s32 $_size_execute0_lowered;
	s3 =	sadd.s32 s3, s5;
	[dreg:$0x0] =	wrdreg $0x0  }
0x20: {  	s5 =	sshll.u32 s28, $0x1;
	[dreg:$0x2] =	wrdreg s3  }
0x21: {  	[dreg:$0x3] =	wrdreg s5  }
0x22: {  	[dreg:$0x4] =	wrdreg $0xC0  }
0x23: {  	_ =	task [dreg:s7], $0x5FFFF  }
0x24: {  	[dreg:$0x1] =	wrdreg $0xFFFFFFFF  }
0x25: {  	[dreg:$0x0] =	wrdreg $0x60  }
0x26: {  	[dreg:$0x2] =	wrdreg s25  }
0x27: {  	[dreg:$0x3] =	wrdreg s2  }
0x28: {  	[dreg:$0x4] =	wrdreg $0x9  }
0x29: {  	_ =	task.clear_ibuf [dreg:s7], $0x5FFFF;
	_ =	strace $0x90000049  }
0x2a: {  	s29 =	simm.s32 $0x9;
	_ =	strace $0x8000004B  }
0x2b: {  	_ =	swait.ge [sflag:s29], $0x1  }
0x2c: {  	[sflag:s29] =	ssyncadd.s32 $0xFFFFFFFF  }
0x2d: {  	_ =	strace $0x9000004B  }
0x2e: {  	_ =	sfence  }
0x2f: {  	s30 =	sld [smem:$0x0];
	_ =	sdelay $0x2  }
0x30: {  	s31 =	sshll.u32 s1, $0xD;
	s1 =	sshrl.u32 s1, $0x2  }
0x31: {  	s3 =	sand.u32 $0x4000, s31;
	s1 =	sadd.s32 s1, s30  }
0x32: {  	s0 =	sor.u32 s3, s0;
	s1 =	sshll.u32 s1, $0x11  }
0x33: {  	s0 =	sor.u32 s1, s0  }
0x34: {  	s0 =	sadd.s32 $0x8F2B, s0  }
0x35: {  	[sflag:s0] =	ssyncadd.remote.s32 $0x1  }
0x36: {  	_ =	sfence.sel $0xFFFF  }
0x37: {  	[dreg:$0x0] =	wrdreg $0xFFFFFFFF;
	(pc) =	sbr.abs _section_cstart, $3  }
0x38: {  	[dreg:$0x1] =	wrdreg $0xFFFFFFFF  }
0x39: {  	_ =	task.clear_ibuf [dreg:s7], $0x2FFFF;
	_ =	strace $0x9FFFFFFF  }
0x3a: {  	(tm) =	ssettm $0x7FFFFFFF  }
0x3b: {  	_ =	shalt  }
tec
execute0_lowered:
.L_overlay_start_1:
0x0: {  	(tag) =	ssettag $0x1  }
0x1: {  	s0 =	srdreg.scid  }
0x2: {  	s1 =	sshll.u32 s0, $0x4  }
0x3: {  	s4 =	rddreg [dreg:$0x0];
	s0 =	stileid.u32;
	s1 =	sand.u32 $0x10, s1  }
0x4: {  	s2 =	rddreg [dreg:$0x1];
	s7 =	simm.s32 $0x1;
	s1 =	sor.u32 s0, s1  }
0x5: {  	s8 =	simm.s32 $0x2;
	s11 =	simm.s32 $0x0;
	s3 =	sshll.u32 s1, $0x7  }
0x6: {  	s10 =	simm.s32 $0x0;
	s4 =	sadd.s32 $0x800, s4;
	s6 =	ssub.s32 $0xD0000, s3  }
.Ltmp0:
0x7: {  	s1 =	rddreg [dreg:$0x2];
	s5 =	sand.u32 $0xF80, s6;
	(pc) =	sbr.rel .LBB1_1-.Ltmp0, $4  }
0x8: {  	_ =	strace $0x8000004A;
	s9 =	smov.u32 s3;
	p0 =	sne.s32 s5, $0x0  }
0x9: {  	s6 =	sshrl.u32 s6, $0xC;
	s5 =	simm.s32 $0x1;
	s7 =	simm.s32 @!p0 $0x0  }
0xa: {  	[sflag:s5] =	ssyncpa.u1 $0x0;
	p0 =	por $0x0, $0x0;
	s6 =	sadd.s32 s7, s6  }
0xb: {  	[sflag:s8] =	ssyncpa.u1 $0x0;
	s8 =	simm.s32 $0x680000;
	s7 =	sadd.s32 $0x1, s6  }
.LBB1_4:
0xc: {  	s14 =	sshll.u32 s11, $0x3  }
0xd: {  	s30 =	sand.u32 $0x7F, s11;
	s15 =	sand.u32 $0xFFFFFC00, s14  }
0xe: {  	s11 =	sor.u32 s30, s15  }
0xf: {  	s15 =	smulhi.u32 $0x4EC4EC4F, s11  }
0x10: {  	s14 =	smulhi.u32 $0x4EC4EC4F, s14  }
0x11: {  	s15 =	sshrl.u32 s15, $0x12  }
0x12: {  	s14 =	sshrl.u32 s14, $0x12;
	s15 =	smul.u32 $0xD0000, s15  }
0x13: {  	[tilespmem:s12+$0xFFFFFFFC ss:$0x81] =	vst.msk $0xffff, v1;
	s14 =	sand.u32 $0xF, s14  }
0x14: {  	[tilespmem:s12+$0xFFFFFFFD ss:$0x81] =	vst.msk $0xffff, v2;
	s14 =	smul.u32 $0x1A000, s14;
	s11 =	ssub.s32 s11, s15  }
0x15: {  	[tilespmem:s12+$0xFFFFFFFE ss:$0x81] =	vst.msk $0xffff, v0;
	s15 =	sand.u32 $0x7, s11  }
0x16: {  	[tilespmem:s12+$0xFFFFFFFF ss:$0x81] =	vst.msk $0xffff, v4;
	s14 =	sadd.s32 s2, s14;
	s11 =	sshrl.u32 s11, $0x3;
	s15 =	sshll.u32 s15, $0x12  }
0x17: {  	[tilespmem:s12+$0xFFFFFFF9 ss:$0x81] =	vst.msk $0xffff, v3;
	s11 =	sadd.s32 s11, s14;
	s31 =	sor.u32 $0x400, s15  }
0x18: {  	[hbm4b:s11+s31] =	stream.strided.scatter [tilespmem:s13], [sflag:$0x2], $0x800, s8, s31, $0x20;
	[tilespmem:$0x2020] =	vst v63  }
.LBB1_5:
0x19: {  	s13 =	sadd.s32 $0x1000, s9  }
0x1a: {  	p2 =	sgt.s32 s13, $0xCFFFF  }
0x1b: {  	s13 =	smov.u32 @p2 s3;
	p2 =	sne.s32 s10, s7  }
.Ltmp1:
0x1c: {  	p1 =	slt.u32 s10, $0x2;
	(pc) =	sbr.rel @!p2 .LBB1_6-.Ltmp1, $4  }
0x1d: {  	s12 =	simm.s32 @!p1 $0x2  }
0x1e: {  	s14 =	sadd.s32 $0x1, s10;
	_ =	swait.ge @!p1 [sflag:s12], $0x800  }
0x1f: {  	s11 =	smov.u32 s9;
	p0 =	por !p0, !p0;
	[sflag:s12] =	ssyncset.done @!p1 $0x0  }
0x20: {  	s10 =	smov.u32 s14;
	s9 =	smov.u32 s13;
	[sflag:s12] =	ssyncadd.s32 @!p1 $0xFFFFF800  }
.LBB1_1:
0x21: {  	p1 =	sge.u32 s10, s6  }
0x22: {  	s12 =	sand.u32 @!p1 $0x1FFFFFF, s9  }
0x23: {  	s13 =	smulhi.u32 @!p1 $0x2762763, s12;
	_ =	sdelay $0x1  }
0x24: {  	s13 =	sshrl.u32 @!p1 s13, $0xD  }
0x25: {  	s13 =	smul.u32 @!p1 $0xD0000, s13;
	_ =	sdelay $0x1  }
0x26: {  	s31 =	sadd.s32 $0xFFFFFFFF, s10;
	s14 =	sxor.u32 @!p1 $0xFFFFFFFF, s10;
	s12 =	ssub.s32 @!p1 s12, s13  }
0x27: {  	s15 =	simm.s32 @!p1 $0x80;
	s14 =	sshll.u32 @!p1 s14, $0xB;
	s12 =	sshll.u32 @!p1 s12, $0x4  }
0x28: {  	s13 =	sand.u32 @!p1 $0x800, s14;
	s14 =	simm.s32 @!p1 $0x10;
	s12 =	sadd.s32 @!p1 s4, s12  }
0x29: {  	[tilespmem:s13], [sflag:$0x1] =	stream.strided.gather @!p1 [hbm4b:s12+s14], $0x800, s15, s14, $0x38;
	[tilespmem:$0x2020] =	vst v63  }
0x2a: {  	p1 =	sge.u32 s31, s6  }
.Ltmp2:
0x2b: {  	_ = 	snop;
	(pc) =	sbr.rel @p1 .LBB1_5-.Ltmp2, $1  }
0x2c: {  	_ =	sdelay $0x3  }
0x2d: {  	s12 =	simm.s32 $0x1  }
0x2e: {  	_ =	swait.ge [sflag:s5], $0x800;
	s12 =	simm.s32 @!p0 $0x0  }
0x2f: {  	[sflag:s5] =	ssyncset.done $0x0;
	s13 =	sshll.u32 s12, $0xB  }
0x30: {  	[sflag:s5] =	ssyncadd.s32 $0xFFFFF800;
	s15 =	sor.u32 $0x40, s13  }
0x31: {  	v3 =	vld [tilespmem:s15+$0x30]  }
0x32: {  	s12 =	smul.u32 $0x2040, s12;
	v4 =	vld [tilespmem:s15+$0xFFFFFFD0]  }
0x33: {  	v5 =	vld [tilespmem:s15+$0xFFFFFFE0]  }
0x34: {  	s31 =	sand.u32 $0x1, s10;
	s12 =	sshrl.u32 s12, $0x2;
	v1 =	vld [tilespmem:s15+$0xFFFFFFF0]  }
0x35: {  	s13 =	smul.u32 $0x2040, s31;
	v2 =	vld [tilespmem:s15+$0x0];
	s12 =	sor.u32 $0x1007, s12  }
0x36: {  	v0 =	vld [tilespmem:s15+$0x10];
	[tilespmem:s12+$0x0 ss:$0x81] =	vst.msk $0xffff, v3  }
0x37: {  	s13 =	sshrl.u32 s13, $0x2;
	[tilespmem:s12+$0xFFFFFFFA ss:$0x81] =	vst.msk $0xffff, v4;
	v4 =	vld [tilespmem:s15+$0x20]  }
0x38: {  	s14 =	simm.s32 $0x0;
	s13 =	sor.u32 $0x1000, s13;
	v3 =	vld [tilespmem:s15+$0xFFFFFFC0];
	[tilespmem:s12+$0xFFFFFFFB ss:$0x81] =	vst.msk $0xffff, v5;
	s15 =	sadd.s32 $0x80, s15  }
.LBB1_3:
0x39: {  	v5 =	vld [tilespmem:s15+$0x30];
	s14 =	sadd.s32 $0x8, s14;
	[tilespmem:s12+$0xFFFFFFFC ss:$0x81] =	vst.msk $0xffff, v1  }
0x3a: {  	v6 =	vld [tilespmem:s15+$0xFFFFFFD0];
	p1 =	slt.u32 s14, $0x78;
	[tilespmem:s12+$0xFFFFFFFD ss:$0x81] =	vst.msk $0xffff, v2  }
0x3b: {  	v7 =	vld [tilespmem:s15+$0xFFFFFFE0];
	[tilespmem:s12+$0xFFFFFFFE ss:$0x81] =	vst.msk $0xffff, v0  }
.Ltmp3:
0x3c: {  	v1 =	vld [tilespmem:s15+$0xFFFFFFF0];
	[tilespmem:s12+$0xFFFFFFFF ss:$0x81] =	vst.msk $0xffff, v4;
	(pc) =	sbr.rel @p1 .LBB1_3-.Ltmp3, $4  }
0x3d: {  	v2 =	vld [tilespmem:s15+$0x0];
	[tilespmem:s12+$0xFFFFFFF9 ss:$0x81] =	vst.msk $0xffff, v3;
	s12 =	sadd.s32 $0x8, s12  }
0x3e: {  	v0 =	vld [tilespmem:s15+$0x10];
	[tilespmem:s12+$0x0 ss:$0x81] =	vst.msk $0xffff, v5  }
0x3f: {  	[tilespmem:s12+$0xFFFFFFFA ss:$0x81] =	vst.msk $0xffff, v6;
	v4 =	vld [tilespmem:s15+$0x20]  }
0x40: {  	v3 =	vld [tilespmem:s15+$0xFFFFFFC0];
	[tilespmem:s12+$0xFFFFFFFB ss:$0x81] =	vst.msk $0xffff, v7;
	s15 =	sadd.s32 $0x80, s15  }
.Ltmp4:
0x41: {  	_ = 	snop;
	(pc) =	sbr.rel .LBB1_4-.Ltmp4, $1  }
0x42: {  	_ =	sdelay $0x3  }
.LBB1_6:
0x43: {  	_ =	sfence.sel $0x180000  }
0x44: {  	s2 =	simm.s32 $0x1;
	[bflag:$0x0] =	sbarrier.arrive $0xFFFF  }
0x45: {  	s31 =	simm.s32 $0x2;
	[sflag:s2] =	ssyncpa.u1 $0x1  }
0x46: {  	[sflag:s31] =	ssyncpa.u1 $0x1  }
0x47: {  	p0 =	sne.s32 s0, $0x0;
	_ =	strace $0x9000004A  }
0x48: {  	s0 =	sadd.s32 @!p0 $0x100000, s1;
	[bflag:$0x2] =	sbarrier.arrive $0xFFFF  }
0x49: {  	[sflag:s0] =	ssyncadd.tile.s32 @!p0 $0x1;
	_ =	shalt  }
.Lfunc_end1:
_tile_overlayer_lowered:
.L_overlay_start_2:
0x4a: {  	(tag) =	ssettag $0x2  }
0x4b: {  	s0 =	rddreg [dreg:$0x0];
	s2 =	stileid.u32  }
0x4c: {  	s1 =	rddreg [dreg:$0x1];
	p0 =	sne.s32 s2, $0x0  }
0x4d: {  	s3 =	rddreg [dreg:$0x2];
	[bflag:$0x3] =	sbarrier.arrive $0xFFFF;
	s2 =	simm.s32 @!p0 $0x1C01  }
0x4e: {  	[timem:s3], [sflag:s2] =	dma.local @!p0 [hbm:s0], s1  }
0x4f: {  	s0 =	simm.s32 @!p0 $0x1  }
0x50: {  	_ =	swait.ge @!p0 [sflag:s0], s1  }
0x51: {  	s1 =	ssub.s32 @!p0 $0x0, s1;
	[sflag:s0] =	ssyncset.done @!p0 $0x0  }
0x52: {  	[sflag:s0] =	ssyncadd.s32 @!p0 s1  }
0x53: {  	[bflag:$0x3] =	sbarrier.arrive $0xFFFF  }
0x54: {  	_ =	shalt  }

</sc_bundles>
